<compile_context>
chip_gen: v7x
topology: tpu7x:2x2x1
jax: 0.10.2.dev20260603
libtpu: 0.0.44.dev20260713+nightly
codegen_flags: <defaults>
</compile_context>

<pallas_src>
import jax
import jax.numpy as jnp
from jax import lax
from jax.experimental import pallas as pl
from jax.experimental.pallas import tpu as pltpu
from jax.experimental.pallas import tpu_sc as plsc

_B = 8
_A = 3
_H = 64
_W = 64
_C = 85
_CLS = _C - 5
_NT = 60
_NTP = 64
_NCHUNK = _NTP // 16
_TROW = 384
_LN2 = 0.6931471805599453


def _worker_body(table, tgt, out, tgt_v, grid, cell_v, rv_v,
                 keep_v, lbl_v, win_v, rows_v, st_a, st_c,
                 sh_a, sh_c, red_a, red_c, sem):
    cid = lax.axis_index("c")
    sid = lax.axis_index("s")
    b = cid * 4 + sid // 4
    q = sid % 4
    lane = lax.iota(jnp.int32, 16)
    base0 = b * (_A * _H * _W)

    pltpu.sync_copy(tgt.at[pl.ds(b * _TROW, _TROW)], tgt_v)

    for ch in range(_NCHUNK):
        t = lane + 16 * ch
        tmask = t < _NT
        i0 = jnp.minimum(t, _NT - 1) * 5
        c0 = plsc.load_gather(tgt_v, [i0])
        c1 = plsc.load_gather(tgt_v, [i0 + 1])
        c2 = plsc.load_gather(tgt_v, [i0 + 2])
        c3 = plsc.load_gather(tgt_v, [i0 + 3])
        c4 = plsc.load_gather(tgt_v, [i0 + 4])
        nz = ((c0 != 0.0) | (c1 != 0.0) | (c2 != 0.0)
              | (c3 != 0.0) | (c4 != 0.0))
        keep = nz & tmask
        rows = (c2 * _H).astype(jnp.int32)
        cols = (c1 * _W).astype(jnp.int32)
        cell3 = jnp.where(keep, (rows * _W + cols) * _A, 0)
        lbl = jnp.clip(jnp.where(keep, c0.astype(jnp.int32), 0),
                       0, _CLS - 1)
        plsc.store_scatter(grid, [cell3], t, mask=keep)
        cell_v[pl.ds(16 * ch, 16)] = cell3
        keep_v[pl.ds(16 * ch, 16)] = keep.astype(jnp.int32)
        lbl_v[pl.ds(16 * ch, 16)] = lbl

    cps = []
    for j in range(_A):
        p = _A * q + j
        a_p = lax.shift_right_logical(p, 2)
        g_p = p & 3
        cell3 = cell_v[pl.ds(16 * g_p, 16)]
        row = (base0 + a_p) + cell3
        gv = lax.shift_right_logical(row, 3)
        t = lane + 16 * j
        rv_v[pl.ds(16 * j, 16)] = t * 8 + (row & 7)
        for k in range(16):
            tt = 16 * j + k
            cps.append(pltpu.async_copy(
                table.at[gv[k]], rows_v.at[pl.ds(8 * tt, 8)], sem))

    for ch in range(_NCHUNK):
        t = lane + 16 * ch
        cell3 = cell_v[pl.ds(16 * ch, 16)]
        keep = keep_v[pl.ds(16 * ch, 16)] != 0
        w = plsc.load_gather(grid, [cell3], mask=keep)
        win = (w == t) & keep
        win_v[pl.ds(16 * ch, 16)] = jnp.where(win, 1.0, 0.0)

    @pl.when(q == 0)
    def _():
        cnt = (win_v[pl.ds(0, 16)] + win_v[pl.ds(16, 16)]
               + win_v[pl.ds(32, 16)] + win_v[pl.ds(48, 16)])
        st_c[...] = cnt
        pltpu.sync_copy(st_c, sh_c.at[pl.ds(16 * (b % 4), 16)])

    for cp in cps:
        cp.wait()

    acc = jnp.zeros((16,), jnp.float32)
    five = jnp.full((16,), 5, jnp.int32)
    for j in range(_A):
        p = _A * q + j
        g_p = p & 3
        winf = win_v[pl.ds(16 * g_p, 16)]
        lblv = lbl_v[pl.ds(16 * g_p, 16)]
        rv = rv_v[pl.ds(16 * j, 16)]

        def _sm(i, ss):
            s0, s1, s2, s3 = ss
            base = five + i * 8
            v0 = plsc.load_gather(rows_v, [rv, base])
            v1 = plsc.load_gather(rows_v, [rv, base + 1])
            v2 = plsc.load_gather(rows_v, [rv, base + 2])
            v3 = plsc.load_gather(rows_v, [rv, base + 3])
            v4 = plsc.load_gather(rows_v, [rv, base + 4])
            v5 = plsc.load_gather(rows_v, [rv, base + 5])
            v6 = plsc.load_gather(rows_v, [rv, base + 6])
            v7 = plsc.load_gather(rows_v, [rv, base + 7])
            s0 = s0 + jnp.exp(v0) + jnp.exp(v4)
            s1 = s1 + jnp.exp(v1) + jnp.exp(v5)
            s2 = s2 + jnp.exp(v2) + jnp.exp(v6)
            s3 = s3 + jnp.exp(v3) + jnp.exp(v7)
            return s0, s1, s2, s3

        zero = jnp.zeros((16,), jnp.float32)
        s0, s1, s2, s3 = lax.fori_loop(0, _CLS // 8, _sm,
                                       (zero, zero, zero, zero))
        s = (s0 + s1) + (s2 + s3)

        xl = plsc.load_gather(rows_v, [rv, five + lblv])

        bits = lax.bitcast_convert_type(s, jnp.int32)
        e = ((bits >> 23) & 0xFF) - 127
        mant = lax.bitcast_convert_type(
            (bits & 0x007FFFFF) | 0x3F800000, jnp.float32)
        tm = mant - 1.0
        y = e.astype(jnp.float32) * _LN2 + tm * (
            1.0 - tm * (0.5 - tm * (1.0 / 3.0)))
        y = y - 1.0 + s * jnp.exp(-y)
        y = y - 1.0 + s * jnp.exp(-y)

        acc = acc + jnp.where(winf > 0.0, y - xl, 0.0)

    st_a[...] = acc
    pltpu.sync_copy(st_a, sh_a.at[pl.ds(16 * sid, 16)])

    plsc.subcore_barrier()

    @pl.when(sid == 0)
    def _reduce():
        pltpu.sync_copy(sh_a, red_a)
        pltpu.sync_copy(sh_c, red_c)
        ce = jnp.zeros((16,), jnp.float32)
        one = jnp.ones((16,), jnp.float32)
        for bb in range(4):
            tot = (red_a[pl.ds(64 * bb, 16)]
                   + red_a[pl.ds(64 * bb + 16, 16)]
                   + red_a[pl.ds(64 * bb + 32, 16)]
                   + red_a[pl.ds(64 * bb + 48, 16)])
            nwin = jnp.sum(red_c[pl.ds(16 * bb, 16)])
            ce = ce + tot / jnp.maximum(one * (_A * nwin), 1.0)
        st_a[...] = ce
        pltpu.sync_copy(st_a, out.at[cid])


_mesh = plsc.VectorSubcoreMesh(core_axis_name="c", subcore_axis_name="s")

_call = pl.kernel(
    _worker_body,
    out_type=jax.ShapeDtypeStruct((2, 16), jnp.float32),
    mesh=_mesh,
    scratch_types=[
        pltpu.VMEM((_TROW,), jnp.float32),
        pltpu.VMEM((_H * _W * _A,), jnp.int32),
        pltpu.VMEM((_NTP,), jnp.int32),
        pltpu.VMEM((_NTP,), jnp.int32),
        pltpu.VMEM((_NTP,), jnp.int32),
        pltpu.VMEM((_NTP,), jnp.int32),
        pltpu.VMEM((_NTP,), jnp.float32),
        pltpu.VMEM((_A * 16 * 8, _C), jnp.float32),
        pltpu.VMEM((16,), jnp.float32),
        pltpu.VMEM((16,), jnp.float32),
        pltpu.VMEM_SHARED((256,), jnp.float32),
        pltpu.VMEM_SHARED((64,), jnp.float32),
        pltpu.VMEM((256,), jnp.float32),
        pltpu.VMEM((64,), jnp.float32),
        pltpu.SemaphoreType.DMA,
    ],
    compiler_params=pltpu.CompilerParams(
        needs_layout_passes=False,
        use_tc_tiling_on_sc=True,
    ),
    name="class_loss_sc",
)


@jax.jit
def kernel(outputs, targets):
    table = outputs.reshape(-1, 8, _C)
    tgt = jnp.pad(targets.reshape(_B, _NT * 5),
                  ((0, 0), (0, _TROW - _NT * 5))).reshape(-1)
    out = _call(table, tgt)
    return jnp.sum(out) / _B

# --- scband reference (transcript-rebuilt; emitter-appended) ---
"""Pipeline reference for scband-class-loss-11828339933550 (READ-ONLY COPY).

The authoritative reference and input builder live on the scoring server;
editing this copy changes nothing except your own understanding.
"""

import jax, jax.numpy as jnp
import numpy as np


def setup_inputs(seed: int = 0) -> dict:
    key = jax.random.key(seed)
    k1, k2 = jax.random.split(key)
    outputs = jax.random.normal(k1, (1, 2, 8, 3, 64, 64, 85), dtype=jnp.float32)
    targets = jax.random.uniform(k2, (8, 60, 5), dtype=jnp.float32)
    return {"outputs": outputs, "targets": targets}


def _cross_entropy_ignore(logits, labels, ignore_index=-100):
    # Faithful to torch CrossEntropyLoss(ignore_index=-100, reduction='mean'):
    # mean of -log_softmax(logits)[label] over non-ignored positions.
    logp = jax.nn.log_softmax(logits, axis=-1)
    valid = labels != ignore_index
    safe = jnp.where(valid, labels, 0)
    nll = -jnp.take_along_axis(logp, safe[:, None], axis=1)[:, 0]
    denom = jnp.maximum(jnp.sum(valid), 1)
    return jnp.sum(jnp.where(valid, nll, 0.0)) / denom


def reference(outputs, targets):
    loss = jnp.asarray(0.0, dtype=jnp.float32)
    num_scales = outputs.shape[0]
    batch_size = outputs.shape[2]
    for s in range(num_scales):
        output = outputs[s, 0]
        _b, num_anchors, h, w, num_classes = output[..., 5:].shape
        for b in range(batch_size):
            target = targets[b]
            # torch: target = target[~torch.all(target == 0, dim=1)]
            # Static-shape equivalent: route filtered-out rows to an
            # out-of-bounds scatter index so they are dropped.
            keep = ~jnp.all(target == 0, axis=1)
            prediction = output[b, :, :, :, 5:].reshape(-1, num_classes)
            rows = (target[:, 2] * h).astype(jnp.int32)
            cols = (target[:, 1] * w).astype(jnp.int32)
            rows = jnp.where(keep, rows, h)  # h is out of bounds -> dropped
            gt = jnp.full((h, w), -100.0, dtype=jnp.float32)
            gt = gt.at[rows, cols].set(target[:, 0], mode='drop')
            gt = gt.astype(jnp.int32)
            gt = jnp.repeat(gt[:, :, None], num_anchors, axis=2).reshape(-1)
            loss = loss + _cross_entropy_ignore(prediction, gt)
    return loss / batch_size

if __name__ == "__main__":
    import jax
    _d = setup_inputs()
    print(jax.jit(kernel)(*tuple(_d.values())))

</pallas_src>

<mosaic_0001>
#map = affine_map<(d0, d1) -> (0, 0, 0)>
#map1 = affine_map<(d0, d1) -> (0)>
#map2 = affine_map<(d0, d1) -> (0, 0)>
module attributes {stable_mosaic.version = 14 : i64} {
  func.func @class_loss_sc(%arg0: i32, %arg1: i32, %arg2: memref<24576x8x85xf32, #tpu.memory_space<hbm>>, %arg3: memref<3072xf32, #tpu.memory_space<hbm>>, %arg4: memref<2x16xf32, #tpu.memory_space<hbm>>, %arg5: memref<384xf32, #tpu.memory_space<vmem>>, %arg6: memref<12288xi32, #tpu.memory_space<vmem>>, %arg7: memref<64xi32, #tpu.memory_space<vmem>>, %arg8: memref<64xi32, #tpu.memory_space<vmem>>, %arg9: memref<64xi32, #tpu.memory_space<vmem>>, %arg10: memref<64xi32, #tpu.memory_space<vmem>>, %arg11: memref<64xf32, #tpu.memory_space<vmem>>, %arg12: memref<384x85xf32, #tpu.memory_space<vmem>>, %arg13: memref<16xf32, #tpu.memory_space<vmem>>, %arg14: memref<16xf32, #tpu.memory_space<vmem>>, %arg15: memref<256xf32, #tpu.memory_space<vmem_shared>>, %arg16: memref<64xf32, #tpu.memory_space<vmem_shared>>, %arg17: memref<256xf32, #tpu.memory_space<vmem>>, %arg18: memref<64xf32, #tpu.memory_space<vmem>>, %arg19: memref<!tpu.dma_semaphore, #tpu.memory_space<semaphore_mem>>) attributes {dimension_semantics = [#tpu.dimension_semantics<core_parallel>, #tpu.dimension_semantics<subcore_parallel>], iteration_bounds = array<i64: 2, 16>, scalar_prefetch = 0 : i64, scratch_operands = 15 : i64, tpu.core_type = #tpu.core_type<sc_vector_subcore>, window_params = [{transform_indices = #map}, {transform_indices = #map1}, {transform_indices = #map2}]} {
    %mul3A = arith.constant 4 : i32
    %mul3A_0 = arith.muli %arg0, %mul3A : i32
    %jit3A = arith.constant 4 : i32
    %div3A = arith.divsi %arg1, %jit3A : i32
    %sign3A = arith.constant 0 : i32
    %sign3A_1 = arith.cmpi sgt, %arg1, %sign3A : i32
    %sign3A_2 = arith.extui %sign3A_1 : i1 to i32
    %sign3A_3 = arith.constant 0 : i32
    %sign3A_4 = arith.cmpi slt, %arg1, %sign3A_3 : i32
    %sign3A_5 = arith.extui %sign3A_4 : i1 to i32
    %sign3A_6 = arith.subi %sign3A_2, %sign3A_5 : i32
    %sign3A_7 = arith.constant 0 : i32
    %sign3A_8 = arith.cmpi sgt, %jit3A, %sign3A_7 : i32
    %sign3A_9 = arith.extui %sign3A_8 : i1 to i32
    %sign3A_10 = arith.constant 0 : i32
    %sign3A_11 = arith.cmpi slt, %jit3A, %sign3A_10 : i32
    %sign3A_12 = arith.extui %sign3A_11 : i1 to i32
    %sign3A_13 = arith.subi %sign3A_9, %sign3A_12 : i32
    %ne3A = arith.cmpi ne, %sign3A_6, %sign3A_13 : i32
    %rem3A = arith.remsi %arg1, %jit3A : i32
    %ne3A_14 = arith.constant 0 : i32
    %ne3A_15 = arith.cmpi ne, %rem3A, %ne3A_14 : i32
    %and3A = arith.andi %ne3A, %ne3A_15 : i1
    %sub3A = arith.constant 1 : i32
    %sub3A_16 = arith.subi %div3A, %sub3A : i32
    %select_n3A = arith.select %and3A, %sub3A_16, %div3A : i32
    %add3A = arith.addi %mul3A_0, %select_n3A : i32
    %jit3A_17 = arith.constant 4 : i32
    %eq3A = arith.constant 0 : i32
    %eq3A_18 = arith.cmpi eq, %jit3A_17, %eq3A : i32
    %jit3A_19 = arith.constant 1 : i32
    %select_n3A_20 = arith.select %eq3A_18, %jit3A_19, %jit3A_17 : i32
    %rem3A_21 = arith.remsi %arg1, %select_n3A_20 : i32
    %ne3A_22 = arith.constant 0 : i32
    %ne3A_23 = arith.cmpi ne, %rem3A_21, %ne3A_22 : i32
    %lt3A = arith.constant 0 : i32
    %lt3A_24 = arith.cmpi slt, %rem3A_21, %lt3A : i32
    %lt3A_25 = arith.constant 0 : i32
    %lt3A_26 = arith.cmpi slt, %select_n3A_20, %lt3A_25 : i32
    %ne3A_27 = arith.xori %lt3A_24, %lt3A_26 : i1
    %and3A_28 = arith.andi %ne3A_27, %ne3A_23 : i1
    %add3A_29 = arith.addi %rem3A_21, %select_n3A_20 : i32
    %select_n3A_30 = arith.select %and3A_28, %add3A_29, %rem3A_21 : i32
    %iota3A = tpu.iota {dimensions = array<i32: 0>} : vector<16xi32>
    %mul3A_31 = arith.constant 12288 : i32
    %mul3A_32 = arith.muli %add3A, %mul3A_31 : i32
    %mul3A_33 = arith.constant 384 : i32
    %mul3A_34 = arith.muli %add3A, %mul3A_33 : i32
    "tpu.region"() ({
      %run_scoped3A = tpu.sem_alloc : memref<!tpu.dma_semaphore, #tpu.memory_space<semaphore_mem>>
      %dma_start3A_2252 = tpu.memref_slice %arg3[%mul3A_34] : memref<3072xf32, #tpu.memory_space<hbm>> -> memref<384xf32, #tpu.memory_space<hbm>>
      %dma_start3A_2253 = tpu.memref_slice %arg3[%mul3A_34] : memref<3072xf32, #tpu.memory_space<hbm>> -> memref<384xf32, #tpu.memory_space<hbm>>
      tpu.enqueue_dma source(%dma_start3A_2253 : memref<384xf32, #tpu.memory_space<hbm>>) target(%arg5 : memref<384xf32, #tpu.memory_space<vmem>>) target_semaphore(%run_scoped3A : memref<!tpu.dma_semaphore, #tpu.memory_space<semaphore_mem>>)
      %dma_wait3A_2254 = tpu.memref_slice %arg3[%mul3A_34] : memref<3072xf32, #tpu.memory_space<hbm>> -> memref<384xf32, #tpu.memory_space<hbm>>
      %dma_wait3A_2255 = tpu.memref_slice %arg3[%mul3A_34] : memref<3072xf32, #tpu.memory_space<hbm>> -> memref<384xf32, #tpu.memory_space<hbm>>
      tpu.wait_dma2 semaphore(%run_scoped3A : memref<!tpu.dma_semaphore, #tpu.memory_space<semaphore_mem>>) src(%dma_wait3A_2255 : memref<384xf32, #tpu.memory_space<hbm>>) dst(%arg5 : memref<384xf32, #tpu.memory_space<vmem>>)
      tpu.yield
    }) : () -> ()
    %add3A_35 = arith.constant 0 : i32
    %add3A_36 = vector.broadcast %add3A_35 : i32 to vector<16xi32>
    %add3A_37 = arith.addi %iota3A, %add3A_36 : vector<16xi32>
    %lt3A_38 = arith.constant 60 : i32
    %lt3A_39 = vector.broadcast %lt3A_38 : i32 to vector<16xi32>
    %lt3A_40 = arith.cmpi slt, %add3A_37, %lt3A_39 : vector<16xi32>
    %min3A = arith.constant 59 : i32
    %min3A_41 = vector.broadcast %min3A : i32 to vector<16xi32>
    %min3A_42 = arith.minsi %add3A_37, %min3A_41 : vector<16xi32>
    %mul3A_43 = arith.constant 5 : i32
    %mul3A_44 = vector.broadcast %mul3A_43 : i32 to vector<16xi32>
    %mul3A_45 = arith.muli %min3A_42, %mul3A_44 : vector<16xi32>
    %gather3A = tpu.vector_load_idx %arg5[%mul3A_45] : memref<384xf32, #tpu.memory_space<vmem>>[vector<16xi32>], vector<16xf32>,
    %add3A_46 = arith.constant 1 : i32
    %add3A_47 = vector.broadcast %add3A_46 : i32 to vector<16xi32>
    %add3A_48 = arith.addi %mul3A_45, %add3A_47 : vector<16xi32>
    %gather3A_49 = tpu.vector_load_idx %arg5[%add3A_48] : memref<384xf32, #tpu.memory_space<vmem>>[vector<16xi32>], vector<16xf32>,
    %add3A_50 = arith.constant 2 : i32
    %add3A_51 = vector.broadcast %add3A_50 : i32 to vector<16xi32>
    %add3A_52 = arith.addi %mul3A_45, %add3A_51 : vector<16xi32>
    %gather3A_53 = tpu.vector_load_idx %arg5[%add3A_52] : memref<384xf32, #tpu.memory_space<vmem>>[vector<16xi32>], vector<16xf32>,
    %add3A_54 = arith.constant 3 : i32
    %add3A_55 = vector.broadcast %add3A_54 : i32 to vector<16xi32>
    %add3A_56 = arith.addi %mul3A_45, %add3A_55 : vector<16xi32>
    %gather3A_57 = tpu.vector_load_idx %arg5[%add3A_56] : memref<384xf32, #tpu.memory_space<vmem>>[vector<16xi32>], vector<16xf32>,
    %add3A_58 = arith.constant 4 : i32
    %add3A_59 = vector.broadcast %add3A_58 : i32 to vector<16xi32>
    %add3A_60 = arith.addi %mul3A_45, %add3A_59 : vector<16xi32>
    %gather3A_61 = tpu.vector_load_idx %arg5[%add3A_60] : memref<384xf32, #tpu.memory_space<vmem>>[vector<16xi32>], vector<16xf32>,
    %ne3A_62 = arith.constant 0.000000e+00 : f32
    %ne3A_63 = vector.broadcast %ne3A_62 : f32 to vector<16xf32>
    %ne3A_64 = arith.cmpf one, %gather3A, %ne3A_63 : vector<16xf32>
    %ne3A_65 = arith.constant 0.000000e+00 : f32
    %ne3A_66 = vector.broadcast %ne3A_65 : f32 to vector<16xf32>
    %ne3A_67 = arith.cmpf one, %gather3A_49, %ne3A_66 : vector<16xf32>
    %or3A = arith.ori %ne3A_64, %ne3A_67 : vector<16xi1>
    %ne3A_68 = arith.constant 0.000000e+00 : f32
    %ne3A_69 = vector.broadcast %ne3A_68 : f32 to vector<16xf32>
    %ne3A_70 = arith.cmpf one, %gather3A_53, %ne3A_69 : vector<16xf32>
    %or3A_71 = arith.ori %or3A, %ne3A_70 : vector<16xi1>
    %ne3A_72 = arith.constant 0.000000e+00 : f32
    %ne3A_73 = vector.broadcast %ne3A_72 : f32 to vector<16xf32>
    %ne3A_74 = arith.cmpf one, %gather3A_57, %ne3A_73 : vector<16xf32>
    %or3A_75 = arith.ori %or3A_71, %ne3A_74 : vector<16xi1>
    %ne3A_76 = arith.constant 0.000000e+00 : f32
    %ne3A_77 = vector.broadcast %ne3A_76 : f32 to vector<16xf32>
    %ne3A_78 = arith.cmpf one, %gather3A_61, %ne3A_77 : vector<16xf32>
    %or3A_79 = arith.ori %or3A_75, %ne3A_78 : vector<16xi1>
    %and3A_80 = arith.andi %or3A_79, %lt3A_40 : vector<16xi1>
    %mul3A_81 = arith.constant 6.400000e+01 : f32
    %mul3A_82 = vector.broadcast %mul3A_81 : f32 to vector<16xf32>
    %mul3A_83 = arith.mulf %gather3A_53, %mul3A_82 : vector<16xf32>
    %convert_element_type3A = arith.fptosi %mul3A_83 : vector<16xf32> to vector<16xi32>
    %mul3A_84 = arith.constant 6.400000e+01 : f32
    %mul3A_85 = vector.broadcast %mul3A_84 : f32 to vector<16xf32>
    %mul3A_86 = arith.mulf %gather3A_49, %mul3A_85 : vector<16xf32>
    %convert_element_type3A_87 = arith.fptosi %mul3A_86 : vector<16xf32> to vector<16xi32>
    %mul3A_88 = arith.constant 64 : i32
    %mul3A_89 = vector.broadcast %mul3A_88 : i32 to vector<16xi32>
    %mul3A_90 = arith.muli %convert_element_type3A, %mul3A_89 : vector<16xi32>
    %add3A_91 = arith.addi %mul3A_90, %convert_element_type3A_87 : vector<16xi32>
    %mul3A_92 = arith.constant 3 : i32
    %mul3A_93 = vector.broadcast %mul3A_92 : i32 to vector<16xi32>
    %mul3A_94 = arith.muli %add3A_91, %mul3A_93 : vector<16xi32>
    %jit3A_95 = arith.constant 0 : i32
    %broadcast_in_dim3A = vector.broadcast %jit3A_95 : i32 to vector<16xi32>
    %select_n3A_96 = arith.select %and3A_80, %mul3A_94, %broadcast_in_dim3A : vector<16xi1>, vector<16xi32>
    %convert_element_type3A_97 = arith.fptosi %gather3A : vector<16xf32> to vector<16xi32>
    %jit3A_98 = arith.constant 0 : i32
    %broadcast_in_dim3A_99 = vector.broadcast %jit3A_98 : i32 to vector<16xi32>
    %select_n3A_100 = arith.select %and3A_80, %convert_element_type3A_97, %broadcast_in_dim3A_99 : vector<16xi1>, vector<16xi32>
    %jit3A_101 = arith.constant 0 : i32
    %jit3A_102 = arith.constant 79 : i32
    %max3A = vector.broadcast %jit3A_101 : i32 to vector<16xi32>
    %max3A_103 = arith.maxsi %max3A, %select_n3A_100 : vector<16xi32>
    %min3A_104 = vector.broadcast %jit3A_102 : i32 to vector<16xi32>
    %min3A_105 = arith.minsi %min3A_104, %max3A_103 : vector<16xi32>
    tpu.vector_store_idx %arg6[%select_n3A_96], %add3A_37 masked %and3A_80 : memref<12288xi32, #tpu.memory_space<vmem>>[vector<16xi32>], vector<16xi32>, vector<16xi1>
    %swap3A = arith.constant 0 : index
    %swap3A_106 = tpu.vector_load %arg7[%swap3A] {strides = array<i32>} : memref<64xi32, #tpu.memory_space<vmem>>, vector<16xi32>,
    tpu.vector_store %arg7[%swap3A], %select_n3A_96 {strides = array<i32>} : memref<64xi32, #tpu.memory_space<vmem>>, vector<16xi32>,
    %convert_element_type3A_107 = arith.extui %and3A_80 : vector<16xi1> to vector<16xi32>
    %swap3A_108 = arith.constant 0 : index
    %swap3A_109 = tpu.vector_load %arg9[%swap3A_108] {strides = array<i32>} : memref<64xi32, #tpu.memory_space<vmem>>, vector<16xi32>,
    tpu.vector_store %arg9[%swap3A_108], %convert_element_type3A_107 {strides = array<i32>} : memref<64xi32, #tpu.memory_space<vmem>>, vector<16xi32>,
    %swap3A_110 = arith.constant 0 : index
    %swap3A_111 = tpu.vector_load %arg10[%swap3A_110] {strides = array<i32>} : memref<64xi32, #tpu.memory_space<vmem>>, vector<16xi32>,
    tpu.vector_store %arg10[%swap3A_110], %min3A_105 {strides = array<i32>} : memref<64xi32, #tpu.memory_space<vmem>>, vector<16xi32>,
    %add3A_112 = arith.constant 16 : i32
    %add3A_113 = vector.broadcast %add3A_112 : i32 to vector<16xi32>
    %add3A_114 = arith.addi %iota3A, %add3A_113 : vector<16xi32>
    %lt3A_115 = arith.constant 60 : i32
    %lt3A_116 = vector.broadcast %lt3A_115 : i32 to vector<16xi32>
    %lt3A_117 = arith.cmpi slt, %add3A_114, %lt3A_116 : vector<16xi32>
    %min3A_118 = arith.constant 59 : i32
    %min3A_119 = vector.broadcast %min3A_118 : i32 to vector<16xi32>
    %min3A_120 = arith.minsi %add3A_114, %min3A_119 : vector<16xi32>
    %mul3A_121 = arith.constant 5 : i32
    %mul3A_122 = vector.broadcast %mul3A_121 : i32 to vector<16xi32>
    %mul3A_123 = arith.muli %min3A_120, %mul3A_122 : vector<16xi32>
    %gather3A_124 = tpu.vector_load_idx %arg5[%mul3A_123] : memref<384xf32, #tpu.memory_space<vmem>>[vector<16xi32>], vector<16xf32>,
    %add3A_125 = arith.constant 1 : i32
    %add3A_126 = vector.broadcast %add3A_125 : i32 to vector<16xi32>
    %add3A_127 = arith.addi %mul3A_123, %add3A_126 : vector<16xi32>
    %gather3A_128 = tpu.vector_load_idx %arg5[%add3A_127] : memref<384xf32, #tpu.memory_space<vmem>>[vector<16xi32>], vector<16xf32>,
    %add3A_129 = arith.constant 2 : i32
    %add3A_130 = vector.broadcast %add3A_129 : i32 to vector<16xi32>
    %add3A_131 = arith.addi %mul3A_123, %add3A_130 : vector<16xi32>
    %gather3A_132 = tpu.vector_load_idx %arg5[%add3A_131] : memref<384xf32, #tpu.memory_space<vmem>>[vector<16xi32>], vector<16xf32>,
    %add3A_133 = arith.constant 3 : i32
    %add3A_134 = vector.broadcast %add3A_133 : i32 to vector<16xi32>
    %add3A_135 = arith.addi %mul3A_123, %add3A_134 : vector<16xi32>
    %gather3A_136 = tpu.vector_load_idx %arg5[%add3A_135] : memref<384xf32, #tpu.memory_space<vmem>>[vector<16xi32>], vector<16xf32>,
    %add3A_137 = arith.constant 4 : i32
    %add3A_138 = vector.broadcast %add3A_137 : i32 to vector<16xi32>
    %add3A_139 = arith.addi %mul3A_123, %add3A_138 : vector<16xi32>
    %gather3A_140 = tpu.vector_load_idx %arg5[%add3A_139] : memref<384xf32, #tpu.memory_space<vmem>>[vector<16xi32>], vector<16xf32>,
    %ne3A_141 = arith.constant 0.000000e+00 : f32
    %ne3A_142 = vector.broadcast %ne3A_141 : f32 to vector<16xf32>
    %ne3A_143 = arith.cmpf one, %gather3A_124, %ne3A_142 : vector<16xf32>
    %ne3A_144 = arith.constant 0.000000e+00 : f32
    %ne3A_145 = vector.broadcast %ne3A_144 : f32 to vector<16xf32>
    %ne3A_146 = arith.cmpf one, %gather3A_128, %ne3A_145 : vector<16xf32>
    %or3A_147 = arith.ori %ne3A_143, %ne3A_146 : vector<16xi1>
    %ne3A_148 = arith.constant 0.000000e+00 : f32
    %ne3A_149 = vector.broadcast %ne3A_148 : f32 to vector<16xf32>
    %ne3A_150 = arith.cmpf one, %gather3A_132, %ne3A_149 : vector<16xf32>
    %or3A_151 = arith.ori %or3A_147, %ne3A_150 : vector<16xi1>
    %ne3A_152 = arith.constant 0.000000e+00 : f32
    %ne3A_153 = vector.broadcast %ne3A_152 : f32 to vector<16xf32>
    %ne3A_154 = arith.cmpf one, %gather3A_136, %ne3A_153 : vector<16xf32>
    %or3A_155 = arith.ori %or3A_151, %ne3A_154 : vector<16xi1>
    %ne3A_156 = arith.constant 0.000000e+00 : f32
    %ne3A_157 = vector.broadcast %ne3A_156 : f32 to vector<16xf32>
    %ne3A_158 = arith.cmpf one, %gather3A_140, %ne3A_157 : vector<16xf32>
    %or3A_159 = arith.ori %or3A_155, %ne3A_158 : vector<16xi1>
    %and3A_160 = arith.andi %or3A_159, %lt3A_117 : vector<16xi1>
    %mul3A_161 = arith.constant 6.400000e+01 : f32
    %mul3A_162 = vector.broadcast %mul3A_161 : f32 to vector<16xf32>
    %mul3A_163 = arith.mulf %gather3A_132, %mul3A_162 : vector<16xf32>
    %convert_element_type3A_164 = arith.fptosi %mul3A_163 : vector<16xf32> to vector<16xi32>
    %mul3A_165 = arith.constant 6.400000e+01 : f32
    %mul3A_166 = vector.broadcast %mul3A_165 : f32 to vector<16xf32>
    %mul3A_167 = arith.mulf %gather3A_128, %mul3A_166 : vector<16xf32>
    %convert_element_type3A_168 = arith.fptosi %mul3A_167 : vector<16xf32> to vector<16xi32>
    %mul3A_169 = arith.constant 64 : i32
    %mul3A_170 = vector.broadcast %mul3A_169 : i32 to vector<16xi32>
    %mul3A_171 = arith.muli %convert_element_type3A_164, %mul3A_170 : vector<16xi32>
    %add3A_172 = arith.addi %mul3A_171, %convert_element_type3A_168 : vector<16xi32>
    %mul3A_173 = arith.constant 3 : i32
    %mul3A_174 = vector.broadcast %mul3A_173 : i32 to vector<16xi32>
    %mul3A_175 = arith.muli %add3A_172, %mul3A_174 : vector<16xi32>
    %jit3A_176 = arith.constant 0 : i32
    %broadcast_in_dim3A_177 = vector.broadcast %jit3A_176 : i32 to vector<16xi32>
    %select_n3A_178 = arith.select %and3A_160, %mul3A_175, %broadcast_in_dim3A_177 : vector<16xi1>, vector<16xi32>
    %convert_element_type3A_179 = arith.fptosi %gather3A_124 : vector<16xf32> to vector<16xi32>
    %jit3A_180 = arith.constant 0 : i32
    %broadcast_in_dim3A_181 = vector.broadcast %jit3A_180 : i32 to vector<16xi32>
    %select_n3A_182 = arith.select %and3A_160, %convert_element_type3A_179, %broadcast_in_dim3A_181 : vector<16xi1>, vector<16xi32>
    %jit3A_183 = arith.constant 0 : i32
    %jit3A_184 = arith.constant 79 : i32
    %max3A_185 = vector.broadcast %jit3A_183 : i32 to vector<16xi32>
    %max3A_186 = arith.maxsi %max3A_185, %select_n3A_182 : vector<16xi32>
    %min3A_187 = vector.broadcast %jit3A_184 : i32 to vector<16xi32>
    %min3A_188 = arith.minsi %min3A_187, %max3A_186 : vector<16xi32>
    tpu.vector_store_idx %arg6[%select_n3A_178], %add3A_114 masked %and3A_160 : memref<12288xi32, #tpu.memory_space<vmem>>[vector<16xi32>], vector<16xi32>, vector<16xi1>
    %swap3A_189 = arith.constant 16 : index
    %swap3A_190 = tpu.vector_load %arg7[%swap3A_189] {strides = array<i32>} : memref<64xi32, #tpu.memory_space<vmem>>, vector<16xi32>,
    tpu.vector_store %arg7[%swap3A_189], %select_n3A_178 {strides = array<i32>} : memref<64xi32, #tpu.memory_space<vmem>>, vector<16xi32>,
    %convert_element_type3A_191 = arith.extui %and3A_160 : vector<16xi1> to vector<16xi32>
    %swap3A_192 = arith.constant 16 : index
    %swap3A_193 = tpu.vector_load %arg9[%swap3A_192] {strides = array<i32>} : memref<64xi32, #tpu.memory_space<vmem>>, vector<16xi32>,
    tpu.vector_store %arg9[%swap3A_192], %convert_element_type3A_191 {strides = array<i32>} : memref<64xi32, #tpu.memory_space<vmem>>, vector<16xi32>,
    %swap3A_194 = arith.constant 16 : index
    %swap3A_195 = tpu.vector_load %arg10[%swap3A_194] {strides = array<i32>} : memref<64xi32, #tpu.memory_space<vmem>>, vector<16xi32>,
    tpu.vector_store %arg10[%swap3A_194], %min3A_188 {strides = array<i32>} : memref<64xi32, #tpu.memory_space<vmem>>, vector<16xi32>,
    %add3A_196 = arith.constant 32 : i32
    %add3A_197 = vector.broadcast %add3A_196 : i32 to vector<16xi32>
    %add3A_198 = arith.addi %iota3A, %add3A_197 : vector<16xi32>
    %lt3A_199 = arith.constant 60 : i32
    %lt3A_200 = vector.broadcast %lt3A_199 : i32 to vector<16xi32>
    %lt3A_201 = arith.cmpi slt, %add3A_198, %lt3A_200 : vector<16xi32>
    %min3A_202 = arith.constant 59 : i32
    %min3A_203 = vector.broadcast %min3A_202 : i32 to vector<16xi32>
    %min3A_204 = arith.minsi %add3A_198, %min3A_203 : vector<16xi32>
    %mul3A_205 = arith.constant 5 : i32
    %mul3A_206 = vector.broadcast %mul3A_205 : i32 to vector<16xi32>
    %mul3A_207 = arith.muli %min3A_204, %mul3A_206 : vector<16xi32>
    %gather3A_208 = tpu.vector_load_idx %arg5[%mul3A_207] : memref<384xf32, #tpu.memory_space<vmem>>[vector<16xi32>], vector<16xf32>,
    %add3A_209 = arith.constant 1 : i32
    %add3A_210 = vector.broadcast %add3A_209 : i32 to vector<16xi32>
    %add3A_211 = arith.addi %mul3A_207, %add3A_210 : vector<16xi32>
    %gather3A_212 = tpu.vector_load_idx %arg5[%add3A_211] : memref<384xf32, #tpu.memory_space<vmem>>[vector<16xi32>], vector<16xf32>,
    %add3A_213 = arith.constant 2 : i32
    %add3A_214 = vector.broadcast %add3A_213 : i32 to vector<16xi32>
    %add3A_215 = arith.addi %mul3A_207, %add3A_214 : vector<16xi32>
    %gather3A_216 = tpu.vector_load_idx %arg5[%add3A_215] : memref<384xf32, #tpu.memory_space<vmem>>[vector<16xi32>], vector<16xf32>,
    %add3A_217 = arith.constant 3 : i32
    %add3A_218 = vector.broadcast %add3A_217 : i32 to vector<16xi32>
    %add3A_219 = arith.addi %mul3A_207, %add3A_218 : vector<16xi32>
    %gather3A_220 = tpu.vector_load_idx %arg5[%add3A_219] : memref<384xf32, #tpu.memory_space<vmem>>[vector<16xi32>], vector<16xf32>,
    %add3A_221 = arith.constant 4 : i32
    %add3A_222 = vector.broadcast %add3A_221 : i32 to vector<16xi32>
    %add3A_223 = arith.addi %mul3A_207, %add3A_222 : vector<16xi32>
    %gather3A_224 = tpu.vector_load_idx %arg5[%add3A_223] : memref<384xf32, #tpu.memory_space<vmem>>[vector<16xi32>], vector<16xf32>,
    %ne3A_225 = arith.constant 0.000000e+00 : f32
    %ne3A_226 = vector.broadcast %ne3A_225 : f32 to vector<16xf32>
    %ne3A_227 = arith.cmpf one, %gather3A_208, %ne3A_226 : vector<16xf32>
    %ne3A_228 = arith.constant 0.000000e+00 : f32
    %ne3A_229 = vector.broadcast %ne3A_228 : f32 to vector<16xf32>
    %ne3A_230 = arith.cmpf one, %gather3A_212, %ne3A_229 : vector<16xf32>
    %or3A_231 = arith.ori %ne3A_227, %ne3A_230 : vector<16xi1>
    %ne3A_232 = arith.constant 0.000000e+00 : f32
    %ne3A_233 = vector.broadcast %ne3A_232 : f32 to vector<16xf32>
    %ne3A_234 = arith.cmpf one, %gather3A_216, %ne3A_233 : vector<16xf32>
    %or3A_235 = arith.ori %or3A_231, %ne3A_234 : vector<16xi1>
    %ne3A_236 = arith.constant 0.000000e+00 : f32
    %ne3A_237 = vector.broadcast %ne3A_236 : f32 to vector<16xf32>
    %ne3A_238 = arith.cmpf one, %gather3A_220, %ne3A_237 : vector<16xf32>
    %or3A_239 = arith.ori %or3A_235, %ne3A_238 : vector<16xi1>
    %ne3A_240 = arith.constant 0.000000e+00 : f32
    %ne3A_241 = vector.broadcast %ne3A_240 : f32 to vector<16xf32>
    %ne3A_242 = arith.cmpf one, %gather3A_224, %ne3A_241 : vector<16xf32>
    %or3A_243 = arith.ori %or3A_239, %ne3A_242 : vector<16xi1>
    %and3A_244 = arith.andi %or3A_243, %lt3A_201 : vector<16xi1>
    %mul3A_245 = arith.constant 6.400000e+01 : f32
    %mul3A_246 = vector.broadcast %mul3A_245 : f32 to vector<16xf32>
    %mul3A_247 = arith.mulf %gather3A_216, %mul3A_246 : vector<16xf32>
    %convert_element_type3A_248 = arith.fptosi %mul3A_247 : vector<16xf32> to vector<16xi32>
    %mul3A_249 = arith.constant 6.400000e+01 : f32
    %mul3A_250 = vector.broadcast %mul3A_249 : f32 to vector<16xf32>
    %mul3A_251 = arith.mulf %gather3A_212, %mul3A_250 : vector<16xf32>
    %convert_element_type3A_252 = arith.fptosi %mul3A_251 : vector<16xf32> to vector<16xi32>
    %mul3A_253 = arith.constant 64 : i32
    %mul3A_254 = vector.broadcast %mul3A_253 : i32 to vector<16xi32>
    %mul3A_255 = arith.muli %convert_element_type3A_248, %mul3A_254 : vector<16xi32>
    %add3A_256 = arith.addi %mul3A_255, %convert_element_type3A_252 : vector<16xi32>
    %mul3A_257 = arith.constant 3 : i32
    %mul3A_258 = vector.broadcast %mul3A_257 : i32 to vector<16xi32>
    %mul3A_259 = arith.muli %add3A_256, %mul3A_258 : vector<16xi32>
    %jit3A_260 = arith.constant 0 : i32
    %broadcast_in_dim3A_261 = vector.broadcast %jit3A_260 : i32 to vector<16xi32>
    %select_n3A_262 = arith.select %and3A_244, %mul3A_259, %broadcast_in_dim3A_261 : vector<16xi1>, vector<16xi32>
    %convert_element_type3A_263 = arith.fptosi %gather3A_208 : vector<16xf32> to vector<16xi32>
    %jit3A_264 = arith.constant 0 : i32
    %broadcast_in_dim3A_265 = vector.broadcast %jit3A_264 : i32 to vector<16xi32>
    %select_n3A_266 = arith.select %and3A_244, %convert_element_type3A_263, %broadcast_in_dim3A_265 : vector<16xi1>, vector<16xi32>
    %jit3A_267 = arith.constant 0 : i32
    %jit3A_268 = arith.constant 79 : i32
    %max3A_269 = vector.broadcast %jit3A_267 : i32 to vector<16xi32>
    %max3A_270 = arith.maxsi %max3A_269, %select_n3A_266 : vector<16xi32>
    %min3A_271 = vector.broadcast %jit3A_268 : i32 to vector<16xi32>
    %min3A_272 = arith.minsi %min3A_271, %max3A_270 : vector<16xi32>
    tpu.vector_store_idx %arg6[%select_n3A_262], %add3A_198 masked %and3A_244 : memref<12288xi32, #tpu.memory_space<vmem>>[vector<16xi32>], vector<16xi32>, vector<16xi1>
    %swap3A_273 = arith.constant 32 : index
    %swap3A_274 = tpu.vector_load %arg7[%swap3A_273] {strides = array<i32>} : memref<64xi32, #tpu.memory_space<vmem>>, vector<16xi32>,
    tpu.vector_store %arg7[%swap3A_273], %select_n3A_262 {strides = array<i32>} : memref<64xi32, #tpu.memory_space<vmem>>, vector<16xi32>,
    %convert_element_type3A_275 = arith.extui %and3A_244 : vector<16xi1> to vector<16xi32>
    %swap3A_276 = arith.constant 32 : index
    %swap3A_277 = tpu.vector_load %arg9[%swap3A_276] {strides = array<i32>} : memref<64xi32, #tpu.memory_space<vmem>>, vector<16xi32>,
    tpu.vector_store %arg9[%swap3A_276], %convert_element_type3A_275 {strides = array<i32>} : memref<64xi32, #tpu.memory_space<vmem>>, vector<16xi32>,
    %swap3A_278 = arith.constant 32 : index
    %swap3A_279 = tpu.vector_load %arg10[%swap3A_278] {strides = array<i32>} : memref<64xi32, #tpu.memory_space<vmem>>, vector<16xi32>,
    tpu.vector_store %arg10[%swap3A_278], %min3A_272 {strides = array<i32>} : memref<64xi32, #tpu.memory_space<vmem>>, vector<16xi32>,
    %add3A_280 = arith.constant 48 : i32
    %add3A_281 = vector.broadcast %add3A_280 : i32 to vector<16xi32>
    %add3A_282 = arith.addi %iota3A, %add3A_281 : vector<16xi32>
    %lt3A_283 = arith.constant 60 : i32
    %lt3A_284 = vector.broadcast %lt3A_283 : i32 to vector<16xi32>
    %lt3A_285 = arith.cmpi slt, %add3A_282, %lt3A_284 : vector<16xi32>
    %min3A_286 = arith.constant 59 : i32
    %min3A_287 = vector.broadcast %min3A_286 : i32 to vector<16xi32>
    %min3A_288 = arith.minsi %add3A_282, %min3A_287 : vector<16xi32>
    %mul3A_289 = arith.constant 5 : i32
    %mul3A_290 = vector.broadcast %mul3A_289 : i32 to vector<16xi32>
    %mul3A_291 = arith.muli %min3A_288, %mul3A_290 : vector<16xi32>
    %gather3A_292 = tpu.vector_load_idx %arg5[%mul3A_291] : memref<384xf32, #tpu.memory_space<vmem>>[vector<16xi32>], vector<16xf32>,
    %add3A_293 = arith.constant 1 : i32
    %add3A_294 = vector.broadcast %add3A_293 : i32 to vector<16xi32>
    %add3A_295 = arith.addi %mul3A_291, %add3A_294 : vector<16xi32>
    %gather3A_296 = tpu.vector_load_idx %arg5[%add3A_295] : memref<384xf32, #tpu.memory_space<vmem>>[vector<16xi32>], vector<16xf32>,
    %add3A_297 = arith.constant 2 : i32
    %add3A_298 = vector.broadcast %add3A_297 : i32 to vector<16xi32>
    %add3A_299 = arith.addi %mul3A_291, %add3A_298 : vector<16xi32>
    %gather3A_300 = tpu.vector_load_idx %arg5[%add3A_299] : memref<384xf32, #tpu.memory_space<vmem>>[vector<16xi32>], vector<16xf32>,
    %add3A_301 = arith.constant 3 : i32
    %add3A_302 = vector.broadcast %add3A_301 : i32 to vector<16xi32>
    %add3A_303 = arith.addi %mul3A_291, %add3A_302 : vector<16xi32>
    %gather3A_304 = tpu.vector_load_idx %arg5[%add3A_303] : memref<384xf32, #tpu.memory_space<vmem>>[vector<16xi32>], vector<16xf32>,
    %add3A_305 = arith.constant 4 : i32
    %add3A_306 = vector.broadcast %add3A_305 : i32 to vector<16xi32>
    %add3A_307 = arith.addi %mul3A_291, %add3A_306 : vector<16xi32>
    %gather3A_308 = tpu.vector_load_idx %arg5[%add3A_307] : memref<384xf32, #tpu.memory_space<vmem>>[vector<16xi32>], vector<16xf32>,
    %ne3A_309 = arith.constant 0.000000e+00 : f32
    %ne3A_310 = vector.broadcast %ne3A_309 : f32 to vector<16xf32>
    %ne3A_311 = arith.cmpf one, %gather3A_292, %ne3A_310 : vector<16xf32>
    %ne3A_312 = arith.constant 0.000000e+00 : f32
    %ne3A_313 = vector.broadcast %ne3A_312 : f32 to vector<16xf32>
    %ne3A_314 = arith.cmpf one, %gather3A_296, %ne3A_313 : vector<16xf32>
    %or3A_315 = arith.ori %ne3A_311, %ne3A_314 : vector<16xi1>
    %ne3A_316 = arith.constant 0.000000e+00 : f32
    %ne3A_317 = vector.broadcast %ne3A_316 : f32 to vector<16xf32>
    %ne3A_318 = arith.cmpf one, %gather3A_300, %ne3A_317 : vector<16xf32>
    %or3A_319 = arith.ori %or3A_315, %ne3A_318 : vector<16xi1>
    %ne3A_320 = arith.constant 0.000000e+00 : f32
    %ne3A_321 = vector.broadcast %ne3A_320 : f32 to vector<16xf32>
    %ne3A_322 = arith.cmpf one, %gather3A_304, %ne3A_321 : vector<16xf32>
    %or3A_323 = arith.ori %or3A_319, %ne3A_322 : vector<16xi1>
    %ne3A_324 = arith.constant 0.000000e+00 : f32
    %ne3A_325 = vector.broadcast %ne3A_324 : f32 to vector<16xf32>
    %ne3A_326 = arith.cmpf one, %gather3A_308, %ne3A_325 : vector<16xf32>
    %or3A_327 = arith.ori %or3A_323, %ne3A_326 : vector<16xi1>
    %and3A_328 = arith.andi %or3A_327, %lt3A_285 : vector<16xi1>
    %mul3A_329 = arith.constant 6.400000e+01 : f32
    %mul3A_330 = vector.broadcast %mul3A_329 : f32 to vector<16xf32>
    %mul3A_331 = arith.mulf %gather3A_300, %mul3A_330 : vector<16xf32>
    %convert_element_type3A_332 = arith.fptosi %mul3A_331 : vector<16xf32> to vector<16xi32>
    %mul3A_333 = arith.constant 6.400000e+01 : f32
    %mul3A_334 = vector.broadcast %mul3A_333 : f32 to vector<16xf32>
    %mul3A_335 = arith.mulf %gather3A_296, %mul3A_334 : vector<16xf32>
    %convert_element_type3A_336 = arith.fptosi %mul3A_335 : vector<16xf32> to vector<16xi32>
    %mul3A_337 = arith.constant 64 : i32
    %mul3A_338 = vector.broadcast %mul3A_337 : i32 to vector<16xi32>
    %mul3A_339 = arith.muli %convert_element_type3A_332, %mul3A_338 : vector<16xi32>
    %add3A_340 = arith.addi %mul3A_339, %convert_element_type3A_336 : vector<16xi32>
    %mul3A_341 = arith.constant 3 : i32
    %mul3A_342 = vector.broadcast %mul3A_341 : i32 to vector<16xi32>
    %mul3A_343 = arith.muli %add3A_340, %mul3A_342 : vector<16xi32>
    %jit3A_344 = arith.constant 0 : i32
    %broadcast_in_dim3A_345 = vector.broadcast %jit3A_344 : i32 to vector<16xi32>
    %select_n3A_346 = arith.select %and3A_328, %mul3A_343, %broadcast_in_dim3A_345 : vector<16xi1>, vector<16xi32>
    %convert_element_type3A_347 = arith.fptosi %gather3A_292 : vector<16xf32> to vector<16xi32>
    %jit3A_348 = arith.constant 0 : i32
    %broadcast_in_dim3A_349 = vector.broadcast %jit3A_348 : i32 to vector<16xi32>
    %select_n3A_350 = arith.select %and3A_328, %convert_element_type3A_347, %broadcast_in_dim3A_349 : vector<16xi1>, vector<16xi32>
    %jit3A_351 = arith.constant 0 : i32
    %jit3A_352 = arith.constant 79 : i32
    %max3A_353 = vector.broadcast %jit3A_351 : i32 to vector<16xi32>
    %max3A_354 = arith.maxsi %max3A_353, %select_n3A_350 : vector<16xi32>
    %min3A_355 = vector.broadcast %jit3A_352 : i32 to vector<16xi32>
    %min3A_356 = arith.minsi %min3A_355, %max3A_354 : vector<16xi32>
    tpu.vector_store_idx %arg6[%select_n3A_346], %add3A_282 masked %and3A_328 : memref<12288xi32, #tpu.memory_space<vmem>>[vector<16xi32>], vector<16xi32>, vector<16xi1>
    %swap3A_357 = arith.constant 48 : index
    %swap3A_358 = tpu.vector_load %arg7[%swap3A_357] {strides = array<i32>} : memref<64xi32, #tpu.memory_space<vmem>>, vector<16xi32>,
    tpu.vector_store %arg7[%swap3A_357], %select_n3A_346 {strides = array<i32>} : memref<64xi32, #tpu.memory_space<vmem>>, vector<16xi32>,
    %convert_element_type3A_359 = arith.extui %and3A_328 : vector<16xi1> to vector<16xi32>
    %swap3A_360 = arith.constant 48 : index
    %swap3A_361 = tpu.vector_load %arg9[%swap3A_360] {strides = array<i32>} : memref<64xi32, #tpu.memory_space<vmem>>, vector<16xi32>,
    tpu.vector_store %arg9[%swap3A_360], %convert_element_type3A_359 {strides = array<i32>} : memref<64xi32, #tpu.memory_space<vmem>>, vector<16xi32>,
    %swap3A_362 = arith.constant 48 : index
    %swap3A_363 = tpu.vector_load %arg10[%swap3A_362] {strides = array<i32>} : memref<64xi32, #tpu.memory_space<vmem>>, vector<16xi32>,
    tpu.vector_store %arg10[%swap3A_362], %min3A_356 {strides = array<i32>} : memref<64xi32, #tpu.memory_space<vmem>>, vector<16xi32>,
    %mul3A_364 = arith.constant 3 : i32
    %mul3A_365 = arith.muli %mul3A_364, %select_n3A_30 : i32
    %add3A_366 = arith.constant 0 : i32
    %add3A_367 = arith.addi %mul3A_365, %add3A_366 : i32
    %shift_right_logical3A = arith.constant 2 : i32
    %shift_right_logical3A_368 = arith.shrui %add3A_367, %shift_right_logical3A : i32
    %and3A_369 = arith.constant 3 : i32
    %and3A_370 = arith.andi %add3A_367, %and3A_369 : i32
    %mul3A_371 = arith.constant 16 : i32
    %mul3A_372 = arith.muli %mul3A_371, %and3A_370 : i32
    %get3A = arith.index_cast %mul3A_372 : i32 to index
    %get3A_373 = tpu.vector_load %arg7[%get3A] {strides = array<i32>} : memref<64xi32, #tpu.memory_space<vmem>>, vector<16xi32>,
    %add3A_374 = arith.addi %mul3A_32, %shift_right_logical3A_368 : i32
    %add3A_375 = vector.broadcast %add3A_374 : i32 to vector<16xi32>
    %add3A_376 = arith.addi %add3A_375, %get3A_373 : vector<16xi32>
    %shift_right_logical3A_377 = arith.constant 3 : i32
    %shift_right_logical3A_378 = vector.broadcast %shift_right_logical3A_377 : i32 to vector<16xi32>
    %shift_right_logical3A_379 = arith.shrui %add3A_376, %shift_right_logical3A_378 : vector<16xi32>
    %add3A_380 = arith.constant 0 : i32
    %add3A_381 = vector.broadcast %add3A_380 : i32 to vector<16xi32>
    %add3A_382 = arith.addi %iota3A, %add3A_381 : vector<16xi32>
    %mul3A_383 = arith.constant 8 : i32
    %mul3A_384 = vector.broadcast %mul3A_383 : i32 to vector<16xi32>
    %mul3A_385 = arith.muli %add3A_382, %mul3A_384 : vector<16xi32>
    %and3A_386 = arith.constant 7 : i32
    %and3A_387 = vector.broadcast %and3A_386 : i32 to vector<16xi32>
    %and3A_388 = arith.andi %add3A_376, %and3A_387 : vector<16xi32>
    %add3A_389 = arith.addi %mul3A_385, %and3A_388 : vector<16xi32>
    %swap3A_390 = arith.constant 0 : index
    %swap3A_391 = tpu.vector_load %arg8[%swap3A_390] {strides = array<i32>} : memref<64xi32, #tpu.memory_space<vmem>>, vector<16xi32>,
    tpu.vector_store %arg8[%swap3A_390], %add3A_389 {strides = array<i32>} : memref<64xi32, #tpu.memory_space<vmem>>, vector<16xi32>,
    %slice3A = vector.extract_strided_slice %shift_right_logical3A_379 {offsets = [0], sizes = [1], strides = [1]} : vector<16xi32> to vector<1xi32>
    %squeeze3A = vector.extract %slice3A[0] : i32 from vector<1xi32>
    %dma_start3A = arith.constant 0 : i32
    %dma_start3A_392 = arith.constant 0 : i32
    %dma_start3A_393 = tpu.memref_slice %arg12[%dma_start3A, %dma_start3A_392] : memref<384x85xf32, #tpu.memory_space<vmem>> -> memref<8x85xf32, #tpu.memory_space<vmem>>
    %dma_start3A_394 = arith.constant 0 : i32
    %dma_start3A_395 = arith.constant 0 : i32
    %dma_start3A_396 = tpu.memref_slice %arg2[%squeeze3A, %dma_start3A_394, %dma_start3A_395] : memref<24576x8x85xf32, #tpu.memory_space<hbm>> -> memref<1x8x85xf32, #tpu.memory_space<hbm>>
    %dma_start3A_397 = tpu.memref_squeeze %dma_start3A_396 : memref<1x8x85xf32, #tpu.memory_space<hbm>> -> memref<8x85xf32, #tpu.memory_space<hbm>>
    %dma_start3A_398 = arith.constant 0 : i32
    %dma_start3A_399 = arith.constant 0 : i32
    %dma_start3A_400 = tpu.memref_slice %arg12[%dma_start3A_398, %dma_start3A_399] : memref<384x85xf32, #tpu.memory_space<vmem>> -> memref<8x85xf32, #tpu.memory_space<vmem>>
    %dma_start3A_401 = arith.constant 0 : i32
    %dma_start3A_402 = arith.constant 0 : i32
    %dma_start3A_403 = tpu.memref_slice %arg2[%squeeze3A, %dma_start3A_401, %dma_start3A_402] : memref<24576x8x85xf32, #tpu.memory_space<hbm>> -> memref<1x8x85xf32, #tpu.memory_space<hbm>>
    %dma_start3A_404 = tpu.memref_squeeze %dma_start3A_403 : memref<1x8x85xf32, #tpu.memory_space<hbm>> -> memref<8x85xf32, #tpu.memory_space<hbm>>
    tpu.enqueue_dma source(%dma_start3A_404 : memref<8x85xf32, #tpu.memory_space<hbm>>) target(%dma_start3A_400 : memref<8x85xf32, #tpu.memory_space<vmem>>) target_semaphore(%arg19 : memref<!tpu.dma_semaphore, #tpu.memory_space<semaphore_mem>>)
    %slice3A_405 = vector.extract_strided_slice %shift_right_logical3A_379 {offsets = [1], sizes = [1], strides = [1]} : vector<16xi32> to vector<1xi32>
    %squeeze3A_406 = vector.extract %slice3A_405[0] : i32 from vector<1xi32>
    %dma_start3A_407 = arith.constant 8 : i32
    %dma_start3A_408 = arith.constant 0 : i32
    %dma_start3A_409 = tpu.memref_slice %arg12[%dma_start3A_407, %dma_start3A_408] : memref<384x85xf32, #tpu.memory_space<vmem>> -> memref<8x85xf32, #tpu.memory_space<vmem>>
    %dma_start3A_410 = arith.constant 0 : i32
    %dma_start3A_411 = arith.constant 0 : i32
    %dma_start3A_412 = tpu.memref_slice %arg2[%squeeze3A_406, %dma_start3A_410, %dma_start3A_411] : memref<24576x8x85xf32, #tpu.memory_space<hbm>> -> memref<1x8x85xf32, #tpu.memory_space<hbm>>
    %dma_start3A_413 = tpu.memref_squeeze %dma_start3A_412 : memref<1x8x85xf32, #tpu.memory_space<hbm>> -> memref<8x85xf32, #tpu.memory_space<hbm>>
    %dma_start3A_414 = arith.constant 8 : i32
    %dma_start3A_415 = arith.constant 0 : i32
    %dma_start3A_416 = tpu.memref_slice %arg12[%dma_start3A_414, %dma_start3A_415] : memref<384x85xf32, #tpu.memory_space<vmem>> -> memref<8x85xf32, #tpu.memory_space<vmem>>
    %dma_start3A_417 = arith.constant 0 : i32
    %dma_start3A_418 = arith.constant 0 : i32
    %dma_start3A_419 = tpu.memref_slice %arg2[%squeeze3A_406, %dma_start3A_417, %dma_start3A_418] : memref<24576x8x85xf32, #tpu.memory_space<hbm>> -> memref<1x8x85xf32, #tpu.memory_space<hbm>>
    %dma_start3A_420 = tpu.memref_squeeze %dma_start3A_419 : memref<1x8x85xf32, #tpu.memory_space<hbm>> -> memref<8x85xf32, #tpu.memory_space<hbm>>
    tpu.enqueue_dma source(%dma_start3A_420 : memref<8x85xf32, #tpu.memory_space<hbm>>) target(%dma_start3A_416 : memref<8x85xf32, #tpu.memory_space<vmem>>) target_semaphore(%arg19 : memref<!tpu.dma_semaphore, #tpu.memory_space<semaphore_mem>>)
    %slice3A_421 = vector.extract_strided_slice %shift_right_logical3A_379 {offsets = [2], sizes = [1], strides = [1]} : vector<16xi32> to vector<1xi32>
    %squeeze3A_422 = vector.extract %slice3A_421[0] : i32 from vector<1xi32>
    %dma_start3A_423 = arith.constant 16 : i32
    %dma_start3A_424 = arith.constant 0 : i32
    %dma_start3A_425 = tpu.memref_slice %arg12[%dma_start3A_423, %dma_start3A_424] : memref<384x85xf32, #tpu.memory_space<vmem>> -> memref<8x85xf32, #tpu.memory_space<vmem>>
    %dma_start3A_426 = arith.constant 0 : i32
    %dma_start3A_427 = arith.constant 0 : i32
    %dma_start3A_428 = tpu.memref_slice %arg2[%squeeze3A_422, %dma_start3A_426, %dma_start3A_427] : memref<24576x8x85xf32, #tpu.memory_space<hbm>> -> memref<1x8x85xf32, #tpu.memory_space<hbm>>
    %dma_start3A_429 = tpu.memref_squeeze %dma_start3A_428 : memref<1x8x85xf32, #tpu.memory_space<hbm>> -> memref<8x85xf32, #tpu.memory_space<hbm>>
    %dma_start3A_430 = arith.constant 16 : i32
    %dma_start3A_431 = arith.constant 0 : i32
    %dma_start3A_432 = tpu.memref_slice %arg12[%dma_start3A_430, %dma_start3A_431] : memref<384x85xf32, #tpu.memory_space<vmem>> -> memref<8x85xf32, #tpu.memory_space<vmem>>
    %dma_start3A_433 = arith.constant 0 : i32
    %dma_start3A_434 = arith.constant 0 : i32
    %dma_start3A_435 = tpu.memref_slice %arg2[%squeeze3A_422, %dma_start3A_433, %dma_start3A_434] : memref<24576x8x85xf32, #tpu.memory_space<hbm>> -> memref<1x8x85xf32, #tpu.memory_space<hbm>>
    %dma_start3A_436 = tpu.memref_squeeze %dma_start3A_435 : memref<1x8x85xf32, #tpu.memory_space<hbm>> -> memref<8x85xf32, #tpu.memory_space<hbm>>
    tpu.enqueue_dma source(%dma_start3A_436 : memref<8x85xf32, #tpu.memory_space<hbm>>) target(%dma_start3A_432 : memref<8x85xf32, #tpu.memory_space<vmem>>) target_semaphore(%arg19 : memref<!tpu.dma_semaphore, #tpu.memory_space<semaphore_mem>>)
    %slice3A_437 = vector.extract_strided_slice %shift_right_logical3A_379 {offsets = [3], sizes = [1], strides = [1]} : vector<16xi32> to vector<1xi32>
    %squeeze3A_438 = vector.extract %slice3A_437[0] : i32 from vector<1xi32>
    %dma_start3A_439 = arith.constant 24 : i32
    %dma_start3A_440 = arith.constant 0 : i32
    %dma_start3A_441 = tpu.memref_slice %arg12[%dma_start3A_439, %dma_start3A_440] : memref<384x85xf32, #tpu.memory_space<vmem>> -> memref<8x85xf32, #tpu.memory_space<vmem>>
    %dma_start3A_442 = arith.constant 0 : i32
    %dma_start3A_443 = arith.constant 0 : i32
    %dma_start3A_444 = tpu.memref_slice %arg2[%squeeze3A_438, %dma_start3A_442, %dma_start3A_443] : memref<24576x8x85xf32, #tpu.memory_space<hbm>> -> memref<1x8x85xf32, #tpu.memory_space<hbm>>
    %dma_start3A_445 = tpu.memref_squeeze %dma_start3A_444 : memref<1x8x85xf32, #tpu.memory_space<hbm>> -> memref<8x85xf32, #tpu.memory_space<hbm>>
    %dma_start3A_446 = arith.constant 24 : i32
    %dma_start3A_447 = arith.constant 0 : i32
    %dma_start3A_448 = tpu.memref_slice %arg12[%dma_start3A_446, %dma_start3A_447] : memref<384x85xf32, #tpu.memory_space<vmem>> -> memref<8x85xf32, #tpu.memory_space<vmem>>
    %dma_start3A_449 = arith.constant 0 : i32
    %dma_start3A_450 = arith.constant 0 : i32
    %dma_start3A_451 = tpu.memref_slice %arg2[%squeeze3A_438, %dma_start3A_449, %dma_start3A_450] : memref<24576x8x85xf32, #tpu.memory_space<hbm>> -> memref<1x8x85xf32, #tpu.memory_space<hbm>>
    %dma_start3A_452 = tpu.memref_squeeze %dma_start3A_451 : memref<1x8x85xf32, #tpu.memory_space<hbm>> -> memref<8x85xf32, #tpu.memory_space<hbm>>
    tpu.enqueue_dma source(%dma_start3A_452 : memref<8x85xf32, #tpu.memory_space<hbm>>) target(%dma_start3A_448 : memref<8x85xf32, #tpu.memory_space<vmem>>) target_semaphore(%arg19 : memref<!tpu.dma_semaphore, #tpu.memory_space<semaphore_mem>>)
    %slice3A_453 = vector.extract_strided_slice %shift_right_logical3A_379 {offsets = [4], sizes = [1], strides = [1]} : vector<16xi32> to vector<1xi32>
    %squeeze3A_454 = vector.extract %slice3A_453[0] : i32 from vector<1xi32>
    %dma_start3A_455 = arith.constant 32 : i32
    %dma_start3A_456 = arith.constant 0 : i32
    %dma_start3A_457 = tpu.memref_slice %arg12[%dma_start3A_455, %dma_start3A_456] : memref<384x85xf32, #tpu.memory_space<vmem>> -> memref<8x85xf32, #tpu.memory_space<vmem>>
    %dma_start3A_458 = arith.constant 0 : i32
    %dma_start3A_459 = arith.constant 0 : i32
    %dma_start3A_460 = tpu.memref_slice %arg2[%squeeze3A_454, %dma_start3A_458, %dma_start3A_459] : memref<24576x8x85xf32, #tpu.memory_space<hbm>> -> memref<1x8x85xf32, #tpu.memory_space<hbm>>
    %dma_start3A_461 = tpu.memref_squeeze %dma_start3A_460 : memref<1x8x85xf32, #tpu.memory_space<hbm>> -> memref<8x85xf32, #tpu.memory_space<hbm>>
    %dma_start3A_462 = arith.constant 32 : i32
    %dma_start3A_463 = arith.constant 0 : i32
    %dma_start3A_464 = tpu.memref_slice %arg12[%dma_start3A_462, %dma_start3A_463] : memref<384x85xf32, #tpu.memory_space<vmem>> -> memref<8x85xf32, #tpu.memory_space<vmem>>
    %dma_start3A_465 = arith.constant 0 : i32
    %dma_start3A_466 = arith.constant 0 : i32
    %dma_start3A_467 = tpu.memref_slice %arg2[%squeeze3A_454, %dma_start3A_465, %dma_start3A_466] : memref<24576x8x85xf32, #tpu.memory_space<hbm>> -> memref<1x8x85xf32, #tpu.memory_space<hbm>>
    %dma_start3A_468 = tpu.memref_squeeze %dma_start3A_467 : memref<1x8x85xf32, #tpu.memory_space<hbm>> -> memref<8x85xf32, #tpu.memory_space<hbm>>
    tpu.enqueue_dma source(%dma_start3A_468 : memref<8x85xf32, #tpu.memory_space<hbm>>) target(%dma_start3A_464 : memref<8x85xf32, #tpu.memory_space<vmem>>) target_semaphore(%arg19 : memref<!tpu.dma_semaphore, #tpu.memory_space<semaphore_mem>>)
    %slice3A_469 = vector.extract_strided_slice %shift_right_logical3A_379 {offsets = [5], sizes = [1], strides = [1]} : vector<16xi32> to vector<1xi32>
    %squeeze3A_470 = vector.extract %slice3A_469[0] : i32 from vector<1xi32>
    %dma_start3A_471 = arith.constant 40 : i32
    %dma_start3A_472 = arith.constant 0 : i32
    %dma_start3A_473 = tpu.memref_slice %arg12[%dma_start3A_471, %dma_start3A_472] : memref<384x85xf32, #tpu.memory_space<vmem>> -> memref<8x85xf32, #tpu.memory_space<vmem>>
    %dma_start3A_474 = arith.constant 0 : i32
    %dma_start3A_475 = arith.constant 0 : i32
    %dma_start3A_476 = tpu.memref_slice %arg2[%squeeze3A_470, %dma_start3A_474, %dma_start3A_475] : memref<24576x8x85xf32, #tpu.memory_space<hbm>> -> memref<1x8x85xf32, #tpu.memory_space<hbm>>
    %dma_start3A_477 = tpu.memref_squeeze %dma_start3A_476 : memref<1x8x85xf32, #tpu.memory_space<hbm>> -> memref<8x85xf32, #tpu.memory_space<hbm>>
    %dma_start3A_478 = arith.constant 40 : i32
    %dma_start3A_479 = arith.constant 0 : i32
    %dma_start3A_480 = tpu.memref_slice %arg12[%dma_start3A_478, %dma_start3A_479] : memref<384x85xf32, #tpu.memory_space<vmem>> -> memref<8x85xf32, #tpu.memory_space<vmem>>
    %dma_start3A_481 = arith.constant 0 : i32
    %dma_start3A_482 = arith.constant 0 : i32
    %dma_start3A_483 = tpu.memref_slice %arg2[%squeeze3A_470, %dma_start3A_481, %dma_start3A_482] : memref<24576x8x85xf32, #tpu.memory_space<hbm>> -> memref<1x8x85xf32, #tpu.memory_space<hbm>>
    %dma_start3A_484 = tpu.memref_squeeze %dma_start3A_483 : memref<1x8x85xf32, #tpu.memory_space<hbm>> -> memref<8x85xf32, #tpu.memory_space<hbm>>
    tpu.enqueue_dma source(%dma_start3A_484 : memref<8x85xf32, #tpu.memory_space<hbm>>) target(%dma_start3A_480 : memref<8x85xf32, #tpu.memory_space<vmem>>) target_semaphore(%arg19 : memref<!tpu.dma_semaphore, #tpu.memory_space<semaphore_mem>>)
    %slice3A_485 = vector.extract_strided_slice %shift_right_logical3A_379 {offsets = [6], sizes = [1], strides = [1]} : vector<16xi32> to vector<1xi32>
    %squeeze3A_486 = vector.extract %slice3A_485[0] : i32 from vector<1xi32>
    %dma_start3A_487 = arith.constant 48 : i32
    %dma_start3A_488 = arith.constant 0 : i32
    %dma_start3A_489 = tpu.memref_slice %arg12[%dma_start3A_487, %dma_start3A_488] : memref<384x85xf32, #tpu.memory_space<vmem>> -> memref<8x85xf32, #tpu.memory_space<vmem>>
    %dma_start3A_490 = arith.constant 0 : i32
    %dma_start3A_491 = arith.constant 0 : i32
    %dma_start3A_492 = tpu.memref_slice %arg2[%squeeze3A_486, %dma_start3A_490, %dma_start3A_491] : memref<24576x8x85xf32, #tpu.memory_space<hbm>> -> memref<1x8x85xf32, #tpu.memory_space<hbm>>
    %dma_start3A_493 = tpu.memref_squeeze %dma_start3A_492 : memref<1x8x85xf32, #tpu.memory_space<hbm>> -> memref<8x85xf32, #tpu.memory_space<hbm>>
    %dma_start3A_494 = arith.constant 48 : i32
    %dma_start3A_495 = arith.constant 0 : i32
    %dma_start3A_496 = tpu.memref_slice %arg12[%dma_start3A_494, %dma_start3A_495] : memref<384x85xf32, #tpu.memory_space<vmem>> -> memref<8x85xf32, #tpu.memory_space<vmem>>
    %dma_start3A_497 = arith.constant 0 : i32
    %dma_start3A_498 = arith.constant 0 : i32
    %dma_start3A_499 = tpu.memref_slice %arg2[%squeeze3A_486, %dma_start3A_497, %dma_start3A_498] : memref<24576x8x85xf32, #tpu.memory_space<hbm>> -> memref<1x8x85xf32, #tpu.memory_space<hbm>>
    %dma_start3A_500 = tpu.memref_squeeze %dma_start3A_499 : memref<1x8x85xf32, #tpu.memory_space<hbm>> -> memref<8x85xf32, #tpu.memory_space<hbm>>
    tpu.enqueue_dma source(%dma_start3A_500 : memref<8x85xf32, #tpu.memory_space<hbm>>) target(%dma_start3A_496 : memref<8x85xf32, #tpu.memory_space<vmem>>) target_semaphore(%arg19 : memref<!tpu.dma_semaphore, #tpu.memory_space<semaphore_mem>>)
    %slice3A_501 = vector.extract_strided_slice %shift_right_logical3A_379 {offsets = [7], sizes = [1], strides = [1]} : vector<16xi32> to vector<1xi32>
    %squeeze3A_502 = vector.extract %slice3A_501[0] : i32 from vector<1xi32>
    %dma_start3A_503 = arith.constant 56 : i32
    %dma_start3A_504 = arith.constant 0 : i32
    %dma_start3A_505 = tpu.memref_slice %arg12[%dma_start3A_503, %dma_start3A_504] : memref<384x85xf32, #tpu.memory_space<vmem>> -> memref<8x85xf32, #tpu.memory_space<vmem>>
    %dma_start3A_506 = arith.constant 0 : i32
    %dma_start3A_507 = arith.constant 0 : i32
    %dma_start3A_508 = tpu.memref_slice %arg2[%squeeze3A_502, %dma_start3A_506, %dma_start3A_507] : memref<24576x8x85xf32, #tpu.memory_space<hbm>> -> memref<1x8x85xf32, #tpu.memory_space<hbm>>
    %dma_start3A_509 = tpu.memref_squeeze %dma_start3A_508 : memref<1x8x85xf32, #tpu.memory_space<hbm>> -> memref<8x85xf32, #tpu.memory_space<hbm>>
    %dma_start3A_510 = arith.constant 56 : i32
    %dma_start3A_511 = arith.constant 0 : i32
    %dma_start3A_512 = tpu.memref_slice %arg12[%dma_start3A_510, %dma_start3A_511] : memref<384x85xf32, #tpu.memory_space<vmem>> -> memref<8x85xf32, #tpu.memory_space<vmem>>
    %dma_start3A_513 = arith.constant 0 : i32
    %dma_start3A_514 = arith.constant 0 : i32
    %dma_start3A_515 = tpu.memref_slice %arg2[%squeeze3A_502, %dma_start3A_513, %dma_start3A_514] : memref<24576x8x85xf32, #tpu.memory_space<hbm>> -> memref<1x8x85xf32, #tpu.memory_space<hbm>>
    %dma_start3A_516 = tpu.memref_squeeze %dma_start3A_515 : memref<1x8x85xf32, #tpu.memory_space<hbm>> -> memref<8x85xf32, #tpu.memory_space<hbm>>
    tpu.enqueue_dma source(%dma_start3A_516 : memref<8x85xf32, #tpu.memory_space<hbm>>) target(%dma_start3A_512 : memref<8x85xf32, #tpu.memory_space<vmem>>) target_semaphore(%arg19 : memref<!tpu.dma_semaphore, #tpu.memory_space<semaphore_mem>>)
    %slice3A_517 = vector.extract_strided_slice %shift_right_logical3A_379 {offsets = [8], sizes = [1], strides = [1]} : vector<16xi32> to vector<1xi32>
    %squeeze3A_518 = vector.extract %slice3A_517[0] : i32 from vector<1xi32>
    %dma_start3A_519 = arith.constant 64 : i32
    %dma_start3A_520 = arith.constant 0 : i32
    %dma_start3A_521 = tpu.memref_slice %arg12[%dma_start3A_519, %dma_start3A_520] : memref<384x85xf32, #tpu.memory_space<vmem>> -> memref<8x85xf32, #tpu.memory_space<vmem>>
    %dma_start3A_522 = arith.constant 0 : i32
    %dma_start3A_523 = arith.constant 0 : i32
    %dma_start3A_524 = tpu.memref_slice %arg2[%squeeze3A_518, %dma_start3A_522, %dma_start3A_523] : memref<24576x8x85xf32, #tpu.memory_space<hbm>> -> memref<1x8x85xf32, #tpu.memory_space<hbm>>
    %dma_start3A_525 = tpu.memref_squeeze %dma_start3A_524 : memref<1x8x85xf32, #tpu.memory_space<hbm>> -> memref<8x85xf32, #tpu.memory_space<hbm>>
    %dma_start3A_526 = arith.constant 64 : i32
    %dma_start3A_527 = arith.constant 0 : i32
    %dma_start3A_528 = tpu.memref_slice %arg12[%dma_start3A_526, %dma_start3A_527] : memref<384x85xf32, #tpu.memory_space<vmem>> -> memref<8x85xf32, #tpu.memory_space<vmem>>
    %dma_start3A_529 = arith.constant 0 : i32
    %dma_start3A_530 = arith.constant 0 : i32
    %dma_start3A_531 = tpu.memref_slice %arg2[%squeeze3A_518, %dma_start3A_529, %dma_start3A_530] : memref<24576x8x85xf32, #tpu.memory_space<hbm>> -> memref<1x8x85xf32, #tpu.memory_space<hbm>>
    %dma_start3A_532 = tpu.memref_squeeze %dma_start3A_531 : memref<1x8x85xf32, #tpu.memory_space<hbm>> -> memref<8x85xf32, #tpu.memory_space<hbm>>
    tpu.enqueue_dma source(%dma_start3A_532 : memref<8x85xf32, #tpu.memory_space<hbm>>) target(%dma_start3A_528 : memref<8x85xf32, #tpu.memory_space<vmem>>) target_semaphore(%arg19 : memref<!tpu.dma_semaphore, #tpu.memory_space<semaphore_mem>>)
    %slice3A_533 = vector.extract_strided_slice %shift_right_logical3A_379 {offsets = [9], sizes = [1], strides = [1]} : vector<16xi32> to vector<1xi32>
    %squeeze3A_534 = vector.extract %slice3A_533[0] : i32 from vector<1xi32>
    %dma_start3A_535 = arith.constant 72 : i32
    %dma_start3A_536 = arith.constant 0 : i32
    %dma_start3A_537 = tpu.memref_slice %arg12[%dma_start3A_535, %dma_start3A_536] : memref<384x85xf32, #tpu.memory_space<vmem>> -> memref<8x85xf32, #tpu.memory_space<vmem>>
    %dma_start3A_538 = arith.constant 0 : i32
    %dma_start3A_539 = arith.constant 0 : i32
    %dma_start3A_540 = tpu.memref_slice %arg2[%squeeze3A_534, %dma_start3A_538, %dma_start3A_539] : memref<24576x8x85xf32, #tpu.memory_space<hbm>> -> memref<1x8x85xf32, #tpu.memory_space<hbm>>
    %dma_start3A_541 = tpu.memref_squeeze %dma_start3A_540 : memref<1x8x85xf32, #tpu.memory_space<hbm>> -> memref<8x85xf32, #tpu.memory_space<hbm>>
    %dma_start3A_542 = arith.constant 72 : i32
    %dma_start3A_543 = arith.constant 0 : i32
    %dma_start3A_544 = tpu.memref_slice %arg12[%dma_start3A_542, %dma_start3A_543] : memref<384x85xf32, #tpu.memory_space<vmem>> -> memref<8x85xf32, #tpu.memory_space<vmem>>
    %dma_start3A_545 = arith.constant 0 : i32
    %dma_start3A_546 = arith.constant 0 : i32
    %dma_start3A_547 = tpu.memref_slice %arg2[%squeeze3A_534, %dma_start3A_545, %dma_start3A_546] : memref<24576x8x85xf32, #tpu.memory_space<hbm>> -> memref<1x8x85xf32, #tpu.memory_space<hbm>>
    %dma_start3A_548 = tpu.memref_squeeze %dma_start3A_547 : memref<1x8x85xf32, #tpu.memory_space<hbm>> -> memref<8x85xf32, #tpu.memory_space<hbm>>
    tpu.enqueue_dma source(%dma_start3A_548 : memref<8x85xf32, #tpu.memory_space<hbm>>) target(%dma_start3A_544 : memref<8x85xf32, #tpu.memory_space<vmem>>) target_semaphore(%arg19 : memref<!tpu.dma_semaphore, #tpu.memory_space<semaphore_mem>>)
    %slice3A_549 = vector.extract_strided_slice %shift_right_logical3A_379 {offsets = [10], sizes = [1], strides = [1]} : vector<16xi32> to vector<1xi32>
    %squeeze3A_550 = vector.extract %slice3A_549[0] : i32 from vector<1xi32>
    %dma_start3A_551 = arith.constant 80 : i32
    %dma_start3A_552 = arith.constant 0 : i32
    %dma_start3A_553 = tpu.memref_slice %arg12[%dma_start3A_551, %dma_start3A_552] : memref<384x85xf32, #tpu.memory_space<vmem>> -> memref<8x85xf32, #tpu.memory_space<vmem>>
    %dma_start3A_554 = arith.constant 0 : i32
    %dma_start3A_555 = arith.constant 0 : i32
    %dma_start3A_556 = tpu.memref_slice %arg2[%squeeze3A_550, %dma_start3A_554, %dma_start3A_555] : memref<24576x8x85xf32, #tpu.memory_space<hbm>> -> memref<1x8x85xf32, #tpu.memory_space<hbm>>
    %dma_start3A_557 = tpu.memref_squeeze %dma_start3A_556 : memref<1x8x85xf32, #tpu.memory_space<hbm>> -> memref<8x85xf32, #tpu.memory_space<hbm>>
    %dma_start3A_558 = arith.constant 80 : i32
    %dma_start3A_559 = arith.constant 0 : i32
    %dma_start3A_560 = tpu.memref_slice %arg12[%dma_start3A_558, %dma_start3A_559] : memref<384x85xf32, #tpu.memory_space<vmem>> -> memref<8x85xf32, #tpu.memory_space<vmem>>
    %dma_start3A_561 = arith.constant 0 : i32
    %dma_start3A_562 = arith.constant 0 : i32
    %dma_start3A_563 = tpu.memref_slice %arg2[%squeeze3A_550, %dma_start3A_561, %dma_start3A_562] : memref<24576x8x85xf32, #tpu.memory_space<hbm>> -> memref<1x8x85xf32, #tpu.memory_space<hbm>>
    %dma_start3A_564 = tpu.memref_squeeze %dma_start3A_563 : memref<1x8x85xf32, #tpu.memory_space<hbm>> -> memref<8x85xf32, #tpu.memory_space<hbm>>
    tpu.enqueue_dma source(%dma_start3A_564 : memref<8x85xf32, #tpu.memory_space<hbm>>) target(%dma_start3A_560 : memref<8x85xf32, #tpu.memory_space<vmem>>) target_semaphore(%arg19 : memref<!tpu.dma_semaphore, #tpu.memory_space<semaphore_mem>>)
    %slice3A_565 = vector.extract_strided_slice %shift_right_logical3A_379 {offsets = [11], sizes = [1], strides = [1]} : vector<16xi32> to vector<1xi32>
    %squeeze3A_566 = vector.extract %slice3A_565[0] : i32 from vector<1xi32>
    %dma_start3A_567 = arith.constant 88 : i32
    %dma_start3A_568 = arith.constant 0 : i32
    %dma_start3A_569 = tpu.memref_slice %arg12[%dma_start3A_567, %dma_start3A_568] : memref<384x85xf32, #tpu.memory_space<vmem>> -> memref<8x85xf32, #tpu.memory_space<vmem>>
    %dma_start3A_570 = arith.constant 0 : i32
    %dma_start3A_571 = arith.constant 0 : i32
    %dma_start3A_572 = tpu.memref_slice %arg2[%squeeze3A_566, %dma_start3A_570, %dma_start3A_571] : memref<24576x8x85xf32, #tpu.memory_space<hbm>> -> memref<1x8x85xf32, #tpu.memory_space<hbm>>
    %dma_start3A_573 = tpu.memref_squeeze %dma_start3A_572 : memref<1x8x85xf32, #tpu.memory_space<hbm>> -> memref<8x85xf32, #tpu.memory_space<hbm>>
    %dma_start3A_574 = arith.constant 88 : i32
    %dma_start3A_575 = arith.constant 0 : i32
    %dma_start3A_576 = tpu.memref_slice %arg12[%dma_start3A_574, %dma_start3A_575] : memref<384x85xf32, #tpu.memory_space<vmem>> -> memref<8x85xf32, #tpu.memory_space<vmem>>
    %dma_start3A_577 = arith.constant 0 : i32
    %dma_start3A_578 = arith.constant 0 : i32
    %dma_start3A_579 = tpu.memref_slice %arg2[%squeeze3A_566, %dma_start3A_577, %dma_start3A_578] : memref<24576x8x85xf32, #tpu.memory_space<hbm>> -> memref<1x8x85xf32, #tpu.memory_space<hbm>>
    %dma_start3A_580 = tpu.memref_squeeze %dma_start3A_579 : memref<1x8x85xf32, #tpu.memory_space<hbm>> -> memref<8x85xf32, #tpu.memory_space<hbm>>
    tpu.enqueue_dma source(%dma_start3A_580 : memref<8x85xf32, #tpu.memory_space<hbm>>) target(%dma_start3A_576 : memref<8x85xf32, #tpu.memory_space<vmem>>) target_semaphore(%arg19 : memref<!tpu.dma_semaphore, #tpu.memory_space<semaphore_mem>>)
    %slice3A_581 = vector.extract_strided_slice %shift_right_logical3A_379 {offsets = [12], sizes = [1], strides = [1]} : vector<16xi32> to vector<1xi32>
    %squeeze3A_582 = vector.extract %slice3A_581[0] : i32 from vector<1xi32>
    %dma_start3A_583 = arith.constant 96 : i32
    %dma_start3A_584 = arith.constant 0 : i32
    %dma_start3A_585 = tpu.memref_slice %arg12[%dma_start3A_583, %dma_start3A_584] : memref<384x85xf32, #tpu.memory_space<vmem>> -> memref<8x85xf32, #tpu.memory_space<vmem>>
    %dma_start3A_586 = arith.constant 0 : i32
    %dma_start3A_587 = arith.constant 0 : i32
    %dma_start3A_588 = tpu.memref_slice %arg2[%squeeze3A_582, %dma_start3A_586, %dma_start3A_587] : memref<24576x8x85xf32, #tpu.memory_space<hbm>> -> memref<1x8x85xf32, #tpu.memory_space<hbm>>
    %dma_start3A_589 = tpu.memref_squeeze %dma_start3A_588 : memref<1x8x85xf32, #tpu.memory_space<hbm>> -> memref<8x85xf32, #tpu.memory_space<hbm>>
    %dma_start3A_590 = arith.constant 96 : i32
    %dma_start3A_591 = arith.constant 0 : i32
    %dma_start3A_592 = tpu.memref_slice %arg12[%dma_start3A_590, %dma_start3A_591] : memref<384x85xf32, #tpu.memory_space<vmem>> -> memref<8x85xf32, #tpu.memory_space<vmem>>
    %dma_start3A_593 = arith.constant 0 : i32
    %dma_start3A_594 = arith.constant 0 : i32
    %dma_start3A_595 = tpu.memref_slice %arg2[%squeeze3A_582, %dma_start3A_593, %dma_start3A_594] : memref<24576x8x85xf32, #tpu.memory_space<hbm>> -> memref<1x8x85xf32, #tpu.memory_space<hbm>>
    %dma_start3A_596 = tpu.memref_squeeze %dma_start3A_595 : memref<1x8x85xf32, #tpu.memory_space<hbm>> -> memref<8x85xf32, #tpu.memory_space<hbm>>
    tpu.enqueue_dma source(%dma_start3A_596 : memref<8x85xf32, #tpu.memory_space<hbm>>) target(%dma_start3A_592 : memref<8x85xf32, #tpu.memory_space<vmem>>) target_semaphore(%arg19 : memref<!tpu.dma_semaphore, #tpu.memory_space<semaphore_mem>>)
    %slice3A_597 = vector.extract_strided_slice %shift_right_logical3A_379 {offsets = [13], sizes = [1], strides = [1]} : vector<16xi32> to vector<1xi32>
    %squeeze3A_598 = vector.extract %slice3A_597[0] : i32 from vector<1xi32>
    %dma_start3A_599 = arith.constant 104 : i32
    %dma_start3A_600 = arith.constant 0 : i32
    %dma_start3A_601 = tpu.memref_slice %arg12[%dma_start3A_599, %dma_start3A_600] : memref<384x85xf32, #tpu.memory_space<vmem>> -> memref<8x85xf32, #tpu.memory_space<vmem>>
    %dma_start3A_602 = arith.constant 0 : i32
    %dma_start3A_603 = arith.constant 0 : i32
    %dma_start3A_604 = tpu.memref_slice %arg2[%squeeze3A_598, %dma_start3A_602, %dma_start3A_603] : memref<24576x8x85xf32, #tpu.memory_space<hbm>> -> memref<1x8x85xf32, #tpu.memory_space<hbm>>
    %dma_start3A_605 = tpu.memref_squeeze %dma_start3A_604 : memref<1x8x85xf32, #tpu.memory_space<hbm>> -> memref<8x85xf32, #tpu.memory_space<hbm>>
    %dma_start3A_606 = arith.constant 104 : i32
    %dma_start3A_607 = arith.constant 0 : i32
    %dma_start3A_608 = tpu.memref_slice %arg12[%dma_start3A_606, %dma_start3A_607] : memref<384x85xf32, #tpu.memory_space<vmem>> -> memref<8x85xf32, #tpu.memory_space<vmem>>
    %dma_start3A_609 = arith.constant 0 : i32
    %dma_start3A_610 = arith.constant 0 : i32
    %dma_start3A_611 = tpu.memref_slice %arg2[%squeeze3A_598, %dma_start3A_609, %dma_start3A_610] : memref<24576x8x85xf32, #tpu.memory_space<hbm>> -> memref<1x8x85xf32, #tpu.memory_space<hbm>>
    %dma_start3A_612 = tpu.memref_squeeze %dma_start3A_611 : memref<1x8x85xf32, #tpu.memory_space<hbm>> -> memref<8x85xf32, #tpu.memory_space<hbm>>
    tpu.enqueue_dma source(%dma_start3A_612 : memref<8x85xf32, #tpu.memory_space<hbm>>) target(%dma_start3A_608 : memref<8x85xf32, #tpu.memory_space<vmem>>) target_semaphore(%arg19 : memref<!tpu.dma_semaphore, #tpu.memory_space<semaphore_mem>>)
    %slice3A_613 = vector.extract_strided_slice %shift_right_logical3A_379 {offsets = [14], sizes = [1], strides = [1]} : vector<16xi32> to vector<1xi32>
    %squeeze3A_614 = vector.extract %slice3A_613[0] : i32 from vector<1xi32>
    %dma_start3A_615 = arith.constant 112 : i32
    %dma_start3A_616 = arith.constant 0 : i32
    %dma_start3A_617 = tpu.memref_slice %arg12[%dma_start3A_615, %dma_start3A_616] : memref<384x85xf32, #tpu.memory_space<vmem>> -> memref<8x85xf32, #tpu.memory_space<vmem>>
    %dma_start3A_618 = arith.constant 0 : i32
    %dma_start3A_619 = arith.constant 0 : i32
    %dma_start3A_620 = tpu.memref_slice %arg2[%squeeze3A_614, %dma_start3A_618, %dma_start3A_619] : memref<24576x8x85xf32, #tpu.memory_space<hbm>> -> memref<1x8x85xf32, #tpu.memory_space<hbm>>
    %dma_start3A_621 = tpu.memref_squeeze %dma_start3A_620 : memref<1x8x85xf32, #tpu.memory_space<hbm>> -> memref<8x85xf32, #tpu.memory_space<hbm>>
    %dma_start3A_622 = arith.constant 112 : i32
    %dma_start3A_623 = arith.constant 0 : i32
    %dma_start3A_624 = tpu.memref_slice %arg12[%dma_start3A_622, %dma_start3A_623] : memref<384x85xf32, #tpu.memory_space<vmem>> -> memref<8x85xf32, #tpu.memory_space<vmem>>
    %dma_start3A_625 = arith.constant 0 : i32
    %dma_start3A_626 = arith.constant 0 : i32
    %dma_start3A_627 = tpu.memref_slice %arg2[%squeeze3A_614, %dma_start3A_625, %dma_start3A_626] : memref<24576x8x85xf32, #tpu.memory_space<hbm>> -> memref<1x8x85xf32, #tpu.memory_space<hbm>>
    %dma_start3A_628 = tpu.memref_squeeze %dma_start3A_627 : memref<1x8x85xf32, #tpu.memory_space<hbm>> -> memref<8x85xf32, #tpu.memory_space<hbm>>
    tpu.enqueue_dma source(%dma_start3A_628 : memref<8x85xf32, #tpu.memory_space<hbm>>) target(%dma_start3A_624 : memref<8x85xf32, #tpu.memory_space<vmem>>) target_semaphore(%arg19 : memref<!tpu.dma_semaphore, #tpu.memory_space<semaphore_mem>>)
    %slice3A_629 = vector.extract_strided_slice %shift_right_logical3A_379 {offsets = [15], sizes = [1], strides = [1]} : vector<16xi32> to vector<1xi32>
    %squeeze3A_630 = vector.extract %slice3A_629[0] : i32 from vector<1xi32>
    %dma_start3A_631 = arith.constant 120 : i32
    %dma_start3A_632 = arith.constant 0 : i32
    %dma_start3A_633 = tpu.memref_slice %arg12[%dma_start3A_631, %dma_start3A_632] : memref<384x85xf32, #tpu.memory_space<vmem>> -> memref<8x85xf32, #tpu.memory_space<vmem>>
    %dma_start3A_634 = arith.constant 0 : i32
    %dma_start3A_635 = arith.constant 0 : i32
    %dma_start3A_636 = tpu.memref_slice %arg2[%squeeze3A_630, %dma_start3A_634, %dma_start3A_635] : memref<24576x8x85xf32, #tpu.memory_space<hbm>> -> memref<1x8x85xf32, #tpu.memory_space<hbm>>
    %dma_start3A_637 = tpu.memref_squeeze %dma_start3A_636 : memref<1x8x85xf32, #tpu.memory_space<hbm>> -> memref<8x85xf32, #tpu.memory_space<hbm>>
    %dma_start3A_638 = arith.constant 120 : i32
    %dma_start3A_639 = arith.constant 0 : i32
    %dma_start3A_640 = tpu.memref_slice %arg12[%dma_start3A_638, %dma_start3A_639] : memref<384x85xf32, #tpu.memory_space<vmem>> -> memref<8x85xf32, #tpu.memory_space<vmem>>
    %dma_start3A_641 = arith.constant 0 : i32
    %dma_start3A_642 = arith.constant 0 : i32
    %dma_start3A_643 = tpu.memref_slice %arg2[%squeeze3A_630, %dma_start3A_641, %dma_start3A_642] : memref<24576x8x85xf32, #tpu.memory_space<hbm>> -> memref<1x8x85xf32, #tpu.memory_space<hbm>>
    %dma_start3A_644 = tpu.memref_squeeze %dma_start3A_643 : memref<1x8x85xf32, #tpu.memory_space<hbm>> -> memref<8x85xf32, #tpu.memory_space<hbm>>
    tpu.enqueue_dma source(%dma_start3A_644 : memref<8x85xf32, #tpu.memory_space<hbm>>) target(%dma_start3A_640 : memref<8x85xf32, #tpu.memory_space<vmem>>) target_semaphore(%arg19 : memref<!tpu.dma_semaphore, #tpu.memory_space<semaphore_mem>>)
    %mul3A_645 = arith.constant 3 : i32
    %mul3A_646 = arith.muli %mul3A_645, %select_n3A_30 : i32
    %add3A_647 = arith.constant 1 : i32
    %add3A_648 = arith.addi %mul3A_646, %add3A_647 : i32
    %shift_right_logical3A_649 = arith.constant 2 : i32
    %shift_right_logical3A_650 = arith.shrui %add3A_648, %shift_right_logical3A_649 : i32
    %and3A_651 = arith.constant 3 : i32
    %and3A_652 = arith.andi %add3A_648, %and3A_651 : i32
    %mul3A_653 = arith.constant 16 : i32
    %mul3A_654 = arith.muli %mul3A_653, %and3A_652 : i32
    %get3A_655 = arith.index_cast %mul3A_654 : i32 to index
    %get3A_656 = tpu.vector_load %arg7[%get3A_655] {strides = array<i32>} : memref<64xi32, #tpu.memory_space<vmem>>, vector<16xi32>,
    %add3A_657 = arith.addi %mul3A_32, %shift_right_logical3A_650 : i32
    %add3A_658 = vector.broadcast %add3A_657 : i32 to vector<16xi32>
    %add3A_659 = arith.addi %add3A_658, %get3A_656 : vector<16xi32>
    %shift_right_logical3A_660 = arith.constant 3 : i32
    %shift_right_logical3A_661 = vector.broadcast %shift_right_logical3A_660 : i32 to vector<16xi32>
    %shift_right_logical3A_662 = arith.shrui %add3A_659, %shift_right_logical3A_661 : vector<16xi32>
    %add3A_663 = arith.constant 16 : i32
    %add3A_664 = vector.broadcast %add3A_663 : i32 to vector<16xi32>
    %add3A_665 = arith.addi %iota3A, %add3A_664 : vector<16xi32>
    %mul3A_666 = arith.constant 8 : i32
    %mul3A_667 = vector.broadcast %mul3A_666 : i32 to vector<16xi32>
    %mul3A_668 = arith.muli %add3A_665, %mul3A_667 : vector<16xi32>
    %and3A_669 = arith.constant 7 : i32
    %and3A_670 = vector.broadcast %and3A_669 : i32 to vector<16xi32>
    %and3A_671 = arith.andi %add3A_659, %and3A_670 : vector<16xi32>
    %add3A_672 = arith.addi %mul3A_668, %and3A_671 : vector<16xi32>
    %swap3A_673 = arith.constant 16 : index
    %swap3A_674 = tpu.vector_load %arg8[%swap3A_673] {strides = array<i32>} : memref<64xi32, #tpu.memory_space<vmem>>, vector<16xi32>,
    tpu.vector_store %arg8[%swap3A_673], %add3A_672 {strides = array<i32>} : memref<64xi32, #tpu.memory_space<vmem>>, vector<16xi32>,
    %slice3A_675 = vector.extract_strided_slice %shift_right_logical3A_662 {offsets = [0], sizes = [1], strides = [1]} : vector<16xi32> to vector<1xi32>
    %squeeze3A_676 = vector.extract %slice3A_675[0] : i32 from vector<1xi32>
    %dma_start3A_677 = arith.constant 128 : i32
    %dma_start3A_678 = arith.constant 0 : i32
    %dma_start3A_679 = tpu.memref_slice %arg12[%dma_start3A_677, %dma_start3A_678] : memref<384x85xf32, #tpu.memory_space<vmem>> -> memref<8x85xf32, #tpu.memory_space<vmem>>
    %dma_start3A_680 = arith.constant 0 : i32
    %dma_start3A_681 = arith.constant 0 : i32
    %dma_start3A_682 = tpu.memref_slice %arg2[%squeeze3A_676, %dma_start3A_680, %dma_start3A_681] : memref<24576x8x85xf32, #tpu.memory_space<hbm>> -> memref<1x8x85xf32, #tpu.memory_space<hbm>>
    %dma_start3A_683 = tpu.memref_squeeze %dma_start3A_682 : memref<1x8x85xf32, #tpu.memory_space<hbm>> -> memref<8x85xf32, #tpu.memory_space<hbm>>
    %dma_start3A_684 = arith.constant 128 : i32
    %dma_start3A_685 = arith.constant 0 : i32
    %dma_start3A_686 = tpu.memref_slice %arg12[%dma_start3A_684, %dma_start3A_685] : memref<384x85xf32, #tpu.memory_space<vmem>> -> memref<8x85xf32, #tpu.memory_space<vmem>>
    %dma_start3A_687 = arith.constant 0 : i32
    %dma_start3A_688 = arith.constant 0 : i32
    %dma_start3A_689 = tpu.memref_slice %arg2[%squeeze3A_676, %dma_start3A_687, %dma_start3A_688] : memref<24576x8x85xf32, #tpu.memory_space<hbm>> -> memref<1x8x85xf32, #tpu.memory_space<hbm>>
    %dma_start3A_690 = tpu.memref_squeeze %dma_start3A_689 : memref<1x8x85xf32, #tpu.memory_space<hbm>> -> memref<8x85xf32, #tpu.memory_space<hbm>>
    tpu.enqueue_dma source(%dma_start3A_690 : memref<8x85xf32, #tpu.memory_space<hbm>>) target(%dma_start3A_686 : memref<8x85xf32, #tpu.memory_space<vmem>>) target_semaphore(%arg19 : memref<!tpu.dma_semaphore, #tpu.memory_space<semaphore_mem>>)
    %slice3A_691 = vector.extract_strided_slice %shift_right_logical3A_662 {offsets = [1], sizes = [1], strides = [1]} : vector<16xi32> to vector<1xi32>
    %squeeze3A_692 = vector.extract %slice3A_691[0] : i32 from vector<1xi32>
    %dma_start3A_693 = arith.constant 136 : i32
    %dma_start3A_694 = arith.constant 0 : i32
    %dma_start3A_695 = tpu.memref_slice %arg12[%dma_start3A_693, %dma_start3A_694] : memref<384x85xf32, #tpu.memory_space<vmem>> -> memref<8x85xf32, #tpu.memory_space<vmem>>
    %dma_start3A_696 = arith.constant 0 : i32
    %dma_start3A_697 = arith.constant 0 : i32
    %dma_start3A_698 = tpu.memref_slice %arg2[%squeeze3A_692, %dma_start3A_696, %dma_start3A_697] : memref<24576x8x85xf32, #tpu.memory_space<hbm>> -> memref<1x8x85xf32, #tpu.memory_space<hbm>>
    %dma_start3A_699 = tpu.memref_squeeze %dma_start3A_698 : memref<1x8x85xf32, #tpu.memory_space<hbm>> -> memref<8x85xf32, #tpu.memory_space<hbm>>
    %dma_start3A_700 = arith.constant 136 : i32
    %dma_start3A_701 = arith.constant 0 : i32
    %dma_start3A_702 = tpu.memref_slice %arg12[%dma_start3A_700, %dma_start3A_701] : memref<384x85xf32, #tpu.memory_space<vmem>> -> memref<8x85xf32, #tpu.memory_space<vmem>>
    %dma_start3A_703 = arith.constant 0 : i32
    %dma_start3A_704 = arith.constant 0 : i32
    %dma_start3A_705 = tpu.memref_slice %arg2[%squeeze3A_692, %dma_start3A_703, %dma_start3A_704] : memref<24576x8x85xf32, #tpu.memory_space<hbm>> -> memref<1x8x85xf32, #tpu.memory_space<hbm>>
    %dma_start3A_706 = tpu.memref_squeeze %dma_start3A_705 : memref<1x8x85xf32, #tpu.memory_space<hbm>> -> memref<8x85xf32, #tpu.memory_space<hbm>>
    tpu.enqueue_dma source(%dma_start3A_706 : memref<8x85xf32, #tpu.memory_space<hbm>>) target(%dma_start3A_702 : memref<8x85xf32, #tpu.memory_space<vmem>>) target_semaphore(%arg19 : memref<!tpu.dma_semaphore, #tpu.memory_space<semaphore_mem>>)
    %slice3A_707 = vector.extract_strided_slice %shift_right_logical3A_662 {offsets = [2], sizes = [1], strides = [1]} : vector<16xi32> to vector<1xi32>
    %squeeze3A_708 = vector.extract %slice3A_707[0] : i32 from vector<1xi32>
    %dma_start3A_709 = arith.constant 144 : i32
    %dma_start3A_710 = arith.constant 0 : i32
    %dma_start3A_711 = tpu.memref_slice %arg12[%dma_start3A_709, %dma_start3A_710] : memref<384x85xf32, #tpu.memory_space<vmem>> -> memref<8x85xf32, #tpu.memory_space<vmem>>
    %dma_start3A_712 = arith.constant 0 : i32
    %dma_start3A_713 = arith.constant 0 : i32
    %dma_start3A_714 = tpu.memref_slice %arg2[%squeeze3A_708, %dma_start3A_712, %dma_start3A_713] : memref<24576x8x85xf32, #tpu.memory_space<hbm>> -> memref<1x8x85xf32, #tpu.memory_space<hbm>>
    %dma_start3A_715 = tpu.memref_squeeze %dma_start3A_714 : memref<1x8x85xf32, #tpu.memory_space<hbm>> -> memref<8x85xf32, #tpu.memory_space<hbm>>
    %dma_start3A_716 = arith.constant 144 : i32
    %dma_start3A_717 = arith.constant 0 : i32
    %dma_start3A_718 = tpu.memref_slice %arg12[%dma_start3A_716, %dma_start3A_717] : memref<384x85xf32, #tpu.memory_space<vmem>> -> memref<8x85xf32, #tpu.memory_space<vmem>>
    %dma_start3A_719 = arith.constant 0 : i32
    %dma_start3A_720 = arith.constant 0 : i32
    %dma_start3A_721 = tpu.memref_slice %arg2[%squeeze3A_708, %dma_start3A_719, %dma_start3A_720] : memref<24576x8x85xf32, #tpu.memory_space<hbm>> -> memref<1x8x85xf32, #tpu.memory_space<hbm>>
    %dma_start3A_722 = tpu.memref_squeeze %dma_start3A_721 : memref<1x8x85xf32, #tpu.memory_space<hbm>> -> memref<8x85xf32, #tpu.memory_space<hbm>>
    tpu.enqueue_dma source(%dma_start3A_722 : memref<8x85xf32, #tpu.memory_space<hbm>>) target(%dma_start3A_718 : memref<8x85xf32, #tpu.memory_space<vmem>>) target_semaphore(%arg19 : memref<!tpu.dma_semaphore, #tpu.memory_space<semaphore_mem>>)
    %slice3A_723 = vector.extract_strided_slice %shift_right_logical3A_662 {offsets = [3], sizes = [1], strides = [1]} : vector<16xi32> to vector<1xi32>
    %squeeze3A_724 = vector.extract %slice3A_723[0] : i32 from vector<1xi32>
    %dma_start3A_725 = arith.constant 152 : i32
    %dma_start3A_726 = arith.constant 0 : i32
    %dma_start3A_727 = tpu.memref_slice %arg12[%dma_start3A_725, %dma_start3A_726] : memref<384x85xf32, #tpu.memory_space<vmem>> -> memref<8x85xf32, #tpu.memory_space<vmem>>
    %dma_start3A_728 = arith.constant 0 : i32
    %dma_start3A_729 = arith.constant 0 : i32
    %dma_start3A_730 = tpu.memref_slice %arg2[%squeeze3A_724, %dma_start3A_728, %dma_start3A_729] : memref<24576x8x85xf32, #tpu.memory_space<hbm>> -> memref<1x8x85xf32, #tpu.memory_space<hbm>>
    %dma_start3A_731 = tpu.memref_squeeze %dma_start3A_730 : memref<1x8x85xf32, #tpu.memory_space<hbm>> -> memref<8x85xf32, #tpu.memory_space<hbm>>
    %dma_start3A_732 = arith.constant 152 : i32
    %dma_start3A_733 = arith.constant 0 : i32
    %dma_start3A_734 = tpu.memref_slice %arg12[%dma_start3A_732, %dma_start3A_733] : memref<384x85xf32, #tpu.memory_space<vmem>> -> memref<8x85xf32, #tpu.memory_space<vmem>>
    %dma_start3A_735 = arith.constant 0 : i32
    %dma_start3A_736 = arith.constant 0 : i32
    %dma_start3A_737 = tpu.memref_slice %arg2[%squeeze3A_724, %dma_start3A_735, %dma_start3A_736] : memref<24576x8x85xf32, #tpu.memory_space<hbm>> -> memref<1x8x85xf32, #tpu.memory_space<hbm>>
    %dma_start3A_738 = tpu.memref_squeeze %dma_start3A_737 : memref<1x8x85xf32, #tpu.memory_space<hbm>> -> memref<8x85xf32, #tpu.memory_space<hbm>>
    tpu.enqueue_dma source(%dma_start3A_738 : memref<8x85xf32, #tpu.memory_space<hbm>>) target(%dma_start3A_734 : memref<8x85xf32, #tpu.memory_space<vmem>>) target_semaphore(%arg19 : memref<!tpu.dma_semaphore, #tpu.memory_space<semaphore_mem>>)
    %slice3A_739 = vector.extract_strided_slice %shift_right_logical3A_662 {offsets = [4], sizes = [1], strides = [1]} : vector<16xi32> to vector<1xi32>
    %squeeze3A_740 = vector.extract %slice3A_739[0] : i32 from vector<1xi32>
    %dma_start3A_741 = arith.constant 160 : i32
    %dma_start3A_742 = arith.constant 0 : i32
    %dma_start3A_743 = tpu.memref_slice %arg12[%dma_start3A_741, %dma_start3A_742] : memref<384x85xf32, #tpu.memory_space<vmem>> -> memref<8x85xf32, #tpu.memory_space<vmem>>
    %dma_start3A_744 = arith.constant 0 : i32
    %dma_start3A_745 = arith.constant 0 : i32
    %dma_start3A_746 = tpu.memref_slice %arg2[%squeeze3A_740, %dma_start3A_744, %dma_start3A_745] : memref<24576x8x85xf32, #tpu.memory_space<hbm>> -> memref<1x8x85xf32, #tpu.memory_space<hbm>>
    %dma_start3A_747 = tpu.memref_squeeze %dma_start3A_746 : memref<1x8x85xf32, #tpu.memory_space<hbm>> -> memref<8x85xf32, #tpu.memory_space<hbm>>
    %dma_start3A_748 = arith.constant 160 : i32
    %dma_start3A_749 = arith.constant 0 : i32
    %dma_start3A_750 = tpu.memref_slice %arg12[%dma_start3A_748, %dma_start3A_749] : memref<384x85xf32, #tpu.memory_space<vmem>> -> memref<8x85xf32, #tpu.memory_space<vmem>>
    %dma_start3A_751 = arith.constant 0 : i32
    %dma_start3A_752 = arith.constant 0 : i32
    %dma_start3A_753 = tpu.memref_slice %arg2[%squeeze3A_740, %dma_start3A_751, %dma_start3A_752] : memref<24576x8x85xf32, #tpu.memory_space<hbm>> -> memref<1x8x85xf32, #tpu.memory_space<hbm>>
    %dma_start3A_754 = tpu.memref_squeeze %dma_start3A_753 : memref<1x8x85xf32, #tpu.memory_space<hbm>> -> memref<8x85xf32, #tpu.memory_space<hbm>>
    tpu.enqueue_dma source(%dma_start3A_754 : memref<8x85xf32, #tpu.memory_space<hbm>>) target(%dma_start3A_750 : memref<8x85xf32, #tpu.memory_space<vmem>>) target_semaphore(%arg19 : memref<!tpu.dma_semaphore, #tpu.memory_space<semaphore_mem>>)
    %slice3A_755 = vector.extract_strided_slice %shift_right_logical3A_662 {offsets = [5], sizes = [1], strides = [1]} : vector<16xi32> to vector<1xi32>
    %squeeze3A_756 = vector.extract %slice3A_755[0] : i32 from vector<1xi32>
    %dma_start3A_757 = arith.constant 168 : i32
    %dma_start3A_758 = arith.constant 0 : i32
    %dma_start3A_759 = tpu.memref_slice %arg12[%dma_start3A_757, %dma_start3A_758] : memref<384x85xf32, #tpu.memory_space<vmem>> -> memref<8x85xf32, #tpu.memory_space<vmem>>
    %dma_start3A_760 = arith.constant 0 : i32
    %dma_start3A_761 = arith.constant 0 : i32
    %dma_start3A_762 = tpu.memref_slice %arg2[%squeeze3A_756, %dma_start3A_760, %dma_start3A_761] : memref<24576x8x85xf32, #tpu.memory_space<hbm>> -> memref<1x8x85xf32, #tpu.memory_space<hbm>>
    %dma_start3A_763 = tpu.memref_squeeze %dma_start3A_762 : memref<1x8x85xf32, #tpu.memory_space<hbm>> -> memref<8x85xf32, #tpu.memory_space<hbm>>
    %dma_start3A_764 = arith.constant 168 : i32
    %dma_start3A_765 = arith.constant 0 : i32
    %dma_start3A_766 = tpu.memref_slice %arg12[%dma_start3A_764, %dma_start3A_765] : memref<384x85xf32, #tpu.memory_space<vmem>> -> memref<8x85xf32, #tpu.memory_space<vmem>>
    %dma_start3A_767 = arith.constant 0 : i32
    %dma_start3A_768 = arith.constant 0 : i32
    %dma_start3A_769 = tpu.memref_slice %arg2[%squeeze3A_756, %dma_start3A_767, %dma_start3A_768] : memref<24576x8x85xf32, #tpu.memory_space<hbm>> -> memref<1x8x85xf32, #tpu.memory_space<hbm>>
    %dma_start3A_770 = tpu.memref_squeeze %dma_start3A_769 : memref<1x8x85xf32, #tpu.memory_space<hbm>> -> memref<8x85xf32, #tpu.memory_space<hbm>>
    tpu.enqueue_dma source(%dma_start3A_770 : memref<8x85xf32, #tpu.memory_space<hbm>>) target(%dma_start3A_766 : memref<8x85xf32, #tpu.memory_space<vmem>>) target_semaphore(%arg19 : memref<!tpu.dma_semaphore, #tpu.memory_space<semaphore_mem>>)
    %slice3A_771 = vector.extract_strided_slice %shift_right_logical3A_662 {offsets = [6], sizes = [1], strides = [1]} : vector<16xi32> to vector<1xi32>
    %squeeze3A_772 = vector.extract %slice3A_771[0] : i32 from vector<1xi32>
    %dma_start3A_773 = arith.constant 176 : i32
    %dma_start3A_774 = arith.constant 0 : i32
    %dma_start3A_775 = tpu.memref_slice %arg12[%dma_start3A_773, %dma_start3A_774] : memref<384x85xf32, #tpu.memory_space<vmem>> -> memref<8x85xf32, #tpu.memory_space<vmem>>
    %dma_start3A_776 = arith.constant 0 : i32
    %dma_start3A_777 = arith.constant 0 : i32
    %dma_start3A_778 = tpu.memref_slice %arg2[%squeeze3A_772, %dma_start3A_776, %dma_start3A_777] : memref<24576x8x85xf32, #tpu.memory_space<hbm>> -> memref<1x8x85xf32, #tpu.memory_space<hbm>>
    %dma_start3A_779 = tpu.memref_squeeze %dma_start3A_778 : memref<1x8x85xf32, #tpu.memory_space<hbm>> -> memref<8x85xf32, #tpu.memory_space<hbm>>
    %dma_start3A_780 = arith.constant 176 : i32
    %dma_start3A_781 = arith.constant 0 : i32
    %dma_start3A_782 = tpu.memref_slice %arg12[%dma_start3A_780, %dma_start3A_781] : memref<384x85xf32, #tpu.memory_space<vmem>> -> memref<8x85xf32, #tpu.memory_space<vmem>>
    %dma_start3A_783 = arith.constant 0 : i32
    %dma_start3A_784 = arith.constant 0 : i32
    %dma_start3A_785 = tpu.memref_slice %arg2[%squeeze3A_772, %dma_start3A_783, %dma_start3A_784] : memref<24576x8x85xf32, #tpu.memory_space<hbm>> -> memref<1x8x85xf32, #tpu.memory_space<hbm>>
    %dma_start3A_786 = tpu.memref_squeeze %dma_start3A_785 : memref<1x8x85xf32, #tpu.memory_space<hbm>> -> memref<8x85xf32, #tpu.memory_space<hbm>>
    tpu.enqueue_dma source(%dma_start3A_786 : memref<8x85xf32, #tpu.memory_space<hbm>>) target(%dma_start3A_782 : memref<8x85xf32, #tpu.memory_space<vmem>>) target_semaphore(%arg19 : memref<!tpu.dma_semaphore, #tpu.memory_space<semaphore_mem>>)
    %slice3A_787 = vector.extract_strided_slice %shift_right_logical3A_662 {offsets = [7], sizes = [1], strides = [1]} : vector<16xi32> to vector<1xi32>
    %squeeze3A_788 = vector.extract %slice3A_787[0] : i32 from vector<1xi32>
    %dma_start3A_789 = arith.constant 184 : i32
    %dma_start3A_790 = arith.constant 0 : i32
    %dma_start3A_791 = tpu.memref_slice %arg12[%dma_start3A_789, %dma_start3A_790] : memref<384x85xf32, #tpu.memory_space<vmem>> -> memref<8x85xf32, #tpu.memory_space<vmem>>
    %dma_start3A_792 = arith.constant 0 : i32
    %dma_start3A_793 = arith.constant 0 : i32
    %dma_start3A_794 = tpu.memref_slice %arg2[%squeeze3A_788, %dma_start3A_792, %dma_start3A_793] : memref<24576x8x85xf32, #tpu.memory_space<hbm>> -> memref<1x8x85xf32, #tpu.memory_space<hbm>>
    %dma_start3A_795 = tpu.memref_squeeze %dma_start3A_794 : memref<1x8x85xf32, #tpu.memory_space<hbm>> -> memref<8x85xf32, #tpu.memory_space<hbm>>
    %dma_start3A_796 = arith.constant 184 : i32
    %dma_start3A_797 = arith.constant 0 : i32
    %dma_start3A_798 = tpu.memref_slice %arg12[%dma_start3A_796, %dma_start3A_797] : memref<384x85xf32, #tpu.memory_space<vmem>> -> memref<8x85xf32, #tpu.memory_space<vmem>>
    %dma_start3A_799 = arith.constant 0 : i32
    %dma_start3A_800 = arith.constant 0 : i32
    %dma_start3A_801 = tpu.memref_slice %arg2[%squeeze3A_788, %dma_start3A_799, %dma_start3A_800] : memref<24576x8x85xf32, #tpu.memory_space<hbm>> -> memref<1x8x85xf32, #tpu.memory_space<hbm>>
    %dma_start3A_802 = tpu.memref_squeeze %dma_start3A_801 : memref<1x8x85xf32, #tpu.memory_space<hbm>> -> memref<8x85xf32, #tpu.memory_space<hbm>>
    tpu.enqueue_dma source(%dma_start3A_802 : memref<8x85xf32, #tpu.memory_space<hbm>>) target(%dma_start3A_798 : memref<8x85xf32, #tpu.memory_space<vmem>>) target_semaphore(%arg19 : memref<!tpu.dma_semaphore, #tpu.memory_space<semaphore_mem>>)
    %slice3A_803 = vector.extract_strided_slice %shift_right_logical3A_662 {offsets = [8], sizes = [1], strides = [1]} : vector<16xi32> to vector<1xi32>
    %squeeze3A_804 = vector.extract %slice3A_803[0] : i32 from vector<1xi32>
    %dma_start3A_805 = arith.constant 192 : i32
    %dma_start3A_806 = arith.constant 0 : i32
    %dma_start3A_807 = tpu.memref_slice %arg12[%dma_start3A_805, %dma_start3A_806] : memref<384x85xf32, #tpu.memory_space<vmem>> -> memref<8x85xf32, #tpu.memory_space<vmem>>
    %dma_start3A_808 = arith.constant 0 : i32
    %dma_start3A_809 = arith.constant 0 : i32
    %dma_start3A_810 = tpu.memref_slice %arg2[%squeeze3A_804, %dma_start3A_808, %dma_start3A_809] : memref<24576x8x85xf32, #tpu.memory_space<hbm>> -> memref<1x8x85xf32, #tpu.memory_space<hbm>>
    %dma_start3A_811 = tpu.memref_squeeze %dma_start3A_810 : memref<1x8x85xf32, #tpu.memory_space<hbm>> -> memref<8x85xf32, #tpu.memory_space<hbm>>
    %dma_start3A_812 = arith.constant 192 : i32
    %dma_start3A_813 = arith.constant 0 : i32
    %dma_start3A_814 = tpu.memref_slice %arg12[%dma_start3A_812, %dma_start3A_813] : memref<384x85xf32, #tpu.memory_space<vmem>> -> memref<8x85xf32, #tpu.memory_space<vmem>>
    %dma_start3A_815 = arith.constant 0 : i32
    %dma_start3A_816 = arith.constant 0 : i32
    %dma_start3A_817 = tpu.memref_slice %arg2[%squeeze3A_804, %dma_start3A_815, %dma_start3A_816] : memref<24576x8x85xf32, #tpu.memory_space<hbm>> -> memref<1x8x85xf32, #tpu.memory_space<hbm>>
    %dma_start3A_818 = tpu.memref_squeeze %dma_start3A_817 : memref<1x8x85xf32, #tpu.memory_space<hbm>> -> memref<8x85xf32, #tpu.memory_space<hbm>>
    tpu.enqueue_dma source(%dma_start3A_818 : memref<8x85xf32, #tpu.memory_space<hbm>>) target(%dma_start3A_814 : memref<8x85xf32, #tpu.memory_space<vmem>>) target_semaphore(%arg19 : memref<!tpu.dma_semaphore, #tpu.memory_space<semaphore_mem>>)
    %slice3A_819 = vector.extract_strided_slice %shift_right_logical3A_662 {offsets = [9], sizes = [1], strides = [1]} : vector<16xi32> to vector<1xi32>
    %squeeze3A_820 = vector.extract %slice3A_819[0] : i32 from vector<1xi32>
    %dma_start3A_821 = arith.constant 200 : i32
    %dma_start3A_822 = arith.constant 0 : i32
    %dma_start3A_823 = tpu.memref_slice %arg12[%dma_start3A_821, %dma_start3A_822] : memref<384x85xf32, #tpu.memory_space<vmem>> -> memref<8x85xf32, #tpu.memory_space<vmem>>
    %dma_start3A_824 = arith.constant 0 : i32
    %dma_start3A_825 = arith.constant 0 : i32
    %dma_start3A_826 = tpu.memref_slice %arg2[%squeeze3A_820, %dma_start3A_824, %dma_start3A_825] : memref<24576x8x85xf32, #tpu.memory_space<hbm>> -> memref<1x8x85xf32, #tpu.memory_space<hbm>>
    %dma_start3A_827 = tpu.memref_squeeze %dma_start3A_826 : memref<1x8x85xf32, #tpu.memory_space<hbm>> -> memref<8x85xf32, #tpu.memory_space<hbm>>
    %dma_start3A_828 = arith.constant 200 : i32
    %dma_start3A_829 = arith.constant 0 : i32
    %dma_start3A_830 = tpu.memref_slice %arg12[%dma_start3A_828, %dma_start3A_829] : memref<384x85xf32, #tpu.memory_space<vmem>> -> memref<8x85xf32, #tpu.memory_space<vmem>>
    %dma_start3A_831 = arith.constant 0 : i32
    %dma_start3A_832 = arith.constant 0 : i32
    %dma_start3A_833 = tpu.memref_slice %arg2[%squeeze3A_820, %dma_start3A_831, %dma_start3A_832] : memref<24576x8x85xf32, #tpu.memory_space<hbm>> -> memref<1x8x85xf32, #tpu.memory_space<hbm>>
    %dma_start3A_834 = tpu.memref_squeeze %dma_start3A_833 : memref<1x8x85xf32, #tpu.memory_space<hbm>> -> memref<8x85xf32, #tpu.memory_space<hbm>>
    tpu.enqueue_dma source(%dma_start3A_834 : memref<8x85xf32, #tpu.memory_space<hbm>>) target(%dma_start3A_830 : memref<8x85xf32, #tpu.memory_space<vmem>>) target_semaphore(%arg19 : memref<!tpu.dma_semaphore, #tpu.memory_space<semaphore_mem>>)
    %slice3A_835 = vector.extract_strided_slice %shift_right_logical3A_662 {offsets = [10], sizes = [1], strides = [1]} : vector<16xi32> to vector<1xi32>
    %squeeze3A_836 = vector.extract %slice3A_835[0] : i32 from vector<1xi32>
    %dma_start3A_837 = arith.constant 208 : i32
    %dma_start3A_838 = arith.constant 0 : i32
    %dma_start3A_839 = tpu.memref_slice %arg12[%dma_start3A_837, %dma_start3A_838] : memref<384x85xf32, #tpu.memory_space<vmem>> -> memref<8x85xf32, #tpu.memory_space<vmem>>
    %dma_start3A_840 = arith.constant 0 : i32
    %dma_start3A_841 = arith.constant 0 : i32
    %dma_start3A_842 = tpu.memref_slice %arg2[%squeeze3A_836, %dma_start3A_840, %dma_start3A_841] : memref<24576x8x85xf32, #tpu.memory_space<hbm>> -> memref<1x8x85xf32, #tpu.memory_space<hbm>>
    %dma_start3A_843 = tpu.memref_squeeze %dma_start3A_842 : memref<1x8x85xf32, #tpu.memory_space<hbm>> -> memref<8x85xf32, #tpu.memory_space<hbm>>
    %dma_start3A_844 = arith.constant 208 : i32
    %dma_start3A_845 = arith.constant 0 : i32
    %dma_start3A_846 = tpu.memref_slice %arg12[%dma_start3A_844, %dma_start3A_845] : memref<384x85xf32, #tpu.memory_space<vmem>> -> memref<8x85xf32, #tpu.memory_space<vmem>>
    %dma_start3A_847 = arith.constant 0 : i32
    %dma_start3A_848 = arith.constant 0 : i32
    %dma_start3A_849 = tpu.memref_slice %arg2[%squeeze3A_836, %dma_start3A_847, %dma_start3A_848] : memref<24576x8x85xf32, #tpu.memory_space<hbm>> -> memref<1x8x85xf32, #tpu.memory_space<hbm>>
    %dma_start3A_850 = tpu.memref_squeeze %dma_start3A_849 : memref<1x8x85xf32, #tpu.memory_space<hbm>> -> memref<8x85xf32, #tpu.memory_space<hbm>>
    tpu.enqueue_dma source(%dma_start3A_850 : memref<8x85xf32, #tpu.memory_space<hbm>>) target(%dma_start3A_846 : memref<8x85xf32, #tpu.memory_space<vmem>>) target_semaphore(%arg19 : memref<!tpu.dma_semaphore, #tpu.memory_space<semaphore_mem>>)
    %slice3A_851 = vector.extract_strided_slice %shift_right_logical3A_662 {offsets = [11], sizes = [1], strides = [1]} : vector<16xi32> to vector<1xi32>
    %squeeze3A_852 = vector.extract %slice3A_851[0] : i32 from vector<1xi32>
    %dma_start3A_853 = arith.constant 216 : i32
    %dma_start3A_854 = arith.constant 0 : i32
    %dma_start3A_855 = tpu.memref_slice %arg12[%dma_start3A_853, %dma_start3A_854] : memref<384x85xf32, #tpu.memory_space<vmem>> -> memref<8x85xf32, #tpu.memory_space<vmem>>
    %dma_start3A_856 = arith.constant 0 : i32
    %dma_start3A_857 = arith.constant 0 : i32
    %dma_start3A_858 = tpu.memref_slice %arg2[%squeeze3A_852, %dma_start3A_856, %dma_start3A_857] : memref<24576x8x85xf32, #tpu.memory_space<hbm>> -> memref<1x8x85xf32, #tpu.memory_space<hbm>>
    %dma_start3A_859 = tpu.memref_squeeze %dma_start3A_858 : memref<1x8x85xf32, #tpu.memory_space<hbm>> -> memref<8x85xf32, #tpu.memory_space<hbm>>
    %dma_start3A_860 = arith.constant 216 : i32
    %dma_start3A_861 = arith.constant 0 : i32
    %dma_start3A_862 = tpu.memref_slice %arg12[%dma_start3A_860, %dma_start3A_861] : memref<384x85xf32, #tpu.memory_space<vmem>> -> memref<8x85xf32, #tpu.memory_space<vmem>>
    %dma_start3A_863 = arith.constant 0 : i32
    %dma_start3A_864 = arith.constant 0 : i32
    %dma_start3A_865 = tpu.memref_slice %arg2[%squeeze3A_852, %dma_start3A_863, %dma_start3A_864] : memref<24576x8x85xf32, #tpu.memory_space<hbm>> -> memref<1x8x85xf32, #tpu.memory_space<hbm>>
    %dma_start3A_866 = tpu.memref_squeeze %dma_start3A_865 : memref<1x8x85xf32, #tpu.memory_space<hbm>> -> memref<8x85xf32, #tpu.memory_space<hbm>>
    tpu.enqueue_dma source(%dma_start3A_866 : memref<8x85xf32, #tpu.memory_space<hbm>>) target(%dma_start3A_862 : memref<8x85xf32, #tpu.memory_space<vmem>>) target_semaphore(%arg19 : memref<!tpu.dma_semaphore, #tpu.memory_space<semaphore_mem>>)
    %slice3A_867 = vector.extract_strided_slice %shift_right_logical3A_662 {offsets = [12], sizes = [1], strides = [1]} : vector<16xi32> to vector<1xi32>
    %squeeze3A_868 = vector.extract %slice3A_867[0] : i32 from vector<1xi32>
    %dma_start3A_869 = arith.constant 224 : i32
    %dma_start3A_870 = arith.constant 0 : i32
    %dma_start3A_871 = tpu.memref_slice %arg12[%dma_start3A_869, %dma_start3A_870] : memref<384x85xf32, #tpu.memory_space<vmem>> -> memref<8x85xf32, #tpu.memory_space<vmem>>
    %dma_start3A_872 = arith.constant 0 : i32
    %dma_start3A_873 = arith.constant 0 : i32
    %dma_start3A_874 = tpu.memref_slice %arg2[%squeeze3A_868, %dma_start3A_872, %dma_start3A_873] : memref<24576x8x85xf32, #tpu.memory_space<hbm>> -> memref<1x8x85xf32, #tpu.memory_space<hbm>>
    %dma_start3A_875 = tpu.memref_squeeze %dma_start3A_874 : memref<1x8x85xf32, #tpu.memory_space<hbm>> -> memref<8x85xf32, #tpu.memory_space<hbm>>
    %dma_start3A_876 = arith.constant 224 : i32
    %dma_start3A_877 = arith.constant 0 : i32
    %dma_start3A_878 = tpu.memref_slice %arg12[%dma_start3A_876, %dma_start3A_877] : memref<384x85xf32, #tpu.memory_space<vmem>> -> memref<8x85xf32, #tpu.memory_space<vmem>>
    %dma_start3A_879 = arith.constant 0 : i32
    %dma_start3A_880 = arith.constant 0 : i32
    %dma_start3A_881 = tpu.memref_slice %arg2[%squeeze3A_868, %dma_start3A_879, %dma_start3A_880] : memref<24576x8x85xf32, #tpu.memory_space<hbm>> -> memref<1x8x85xf32, #tpu.memory_space<hbm>>
    %dma_start3A_882 = tpu.memref_squeeze %dma_start3A_881 : memref<1x8x85xf32, #tpu.memory_space<hbm>> -> memref<8x85xf32, #tpu.memory_space<hbm>>
    tpu.enqueue_dma source(%dma_start3A_882 : memref<8x85xf32, #tpu.memory_space<hbm>>) target(%dma_start3A_878 : memref<8x85xf32, #tpu.memory_space<vmem>>) target_semaphore(%arg19 : memref<!tpu.dma_semaphore, #tpu.memory_space<semaphore_mem>>)
    %slice3A_883 = vector.extract_strided_slice %shift_right_logical3A_662 {offsets = [13], sizes = [1], strides = [1]} : vector<16xi32> to vector<1xi32>
    %squeeze3A_884 = vector.extract %slice3A_883[0] : i32 from vector<1xi32>
    %dma_start3A_885 = arith.constant 232 : i32
    %dma_start3A_886 = arith.constant 0 : i32
    %dma_start3A_887 = tpu.memref_slice %arg12[%dma_start3A_885, %dma_start3A_886] : memref<384x85xf32, #tpu.memory_space<vmem>> -> memref<8x85xf32, #tpu.memory_space<vmem>>
    %dma_start3A_888 = arith.constant 0 : i32
    %dma_start3A_889 = arith.constant 0 : i32
    %dma_start3A_890 = tpu.memref_slice %arg2[%squeeze3A_884, %dma_start3A_888, %dma_start3A_889] : memref<24576x8x85xf32, #tpu.memory_space<hbm>> -> memref<1x8x85xf32, #tpu.memory_space<hbm>>
    %dma_start3A_891 = tpu.memref_squeeze %dma_start3A_890 : memref<1x8x85xf32, #tpu.memory_space<hbm>> -> memref<8x85xf32, #tpu.memory_space<hbm>>
    %dma_start3A_892 = arith.constant 232 : i32
    %dma_start3A_893 = arith.constant 0 : i32
    %dma_start3A_894 = tpu.memref_slice %arg12[%dma_start3A_892, %dma_start3A_893] : memref<384x85xf32, #tpu.memory_space<vmem>> -> memref<8x85xf32, #tpu.memory_space<vmem>>
    %dma_start3A_895 = arith.constant 0 : i32
    %dma_start3A_896 = arith.constant 0 : i32
    %dma_start3A_897 = tpu.memref_slice %arg2[%squeeze3A_884, %dma_start3A_895, %dma_start3A_896] : memref<24576x8x85xf32, #tpu.memory_space<hbm>> -> memref<1x8x85xf32, #tpu.memory_space<hbm>>
    %dma_start3A_898 = tpu.memref_squeeze %dma_start3A_897 : memref<1x8x85xf32, #tpu.memory_space<hbm>> -> memref<8x85xf32, #tpu.memory_space<hbm>>
    tpu.enqueue_dma source(%dma_start3A_898 : memref<8x85xf32, #tpu.memory_space<hbm>>) target(%dma_start3A_894 : memref<8x85xf32, #tpu.memory_space<vmem>>) target_semaphore(%arg19 : memref<!tpu.dma_semaphore, #tpu.memory_space<semaphore_mem>>)
    %slice3A_899 = vector.extract_strided_slice %shift_right_logical3A_662 {offsets = [14], sizes = [1], strides = [1]} : vector<16xi32> to vector<1xi32>
    %squeeze3A_900 = vector.extract %slice3A_899[0] : i32 from vector<1xi32>
    %dma_start3A_901 = arith.constant 240 : i32
    %dma_start3A_902 = arith.constant 0 : i32
    %dma_start3A_903 = tpu.memref_slice %arg12[%dma_start3A_901, %dma_start3A_902] : memref<384x85xf32, #tpu.memory_space<vmem>> -> memref<8x85xf32, #tpu.memory_space<vmem>>
    %dma_start3A_904 = arith.constant 0 : i32
    %dma_start3A_905 = arith.constant 0 : i32
    %dma_start3A_906 = tpu.memref_slice %arg2[%squeeze3A_900, %dma_start3A_904, %dma_start3A_905] : memref<24576x8x85xf32, #tpu.memory_space<hbm>> -> memref<1x8x85xf32, #tpu.memory_space<hbm>>
    %dma_start3A_907 = tpu.memref_squeeze %dma_start3A_906 : memref<1x8x85xf32, #tpu.memory_space<hbm>> -> memref<8x85xf32, #tpu.memory_space<hbm>>
    %dma_start3A_908 = arith.constant 240 : i32
    %dma_start3A_909 = arith.constant 0 : i32
    %dma_start3A_910 = tpu.memref_slice %arg12[%dma_start3A_908, %dma_start3A_909] : memref<384x85xf32, #tpu.memory_space<vmem>> -> memref<8x85xf32, #tpu.memory_space<vmem>>
    %dma_start3A_911 = arith.constant 0 : i32
    %dma_start3A_912 = arith.constant 0 : i32
    %dma_start3A_913 = tpu.memref_slice %arg2[%squeeze3A_900, %dma_start3A_911, %dma_start3A_912] : memref<24576x8x85xf32, #tpu.memory_space<hbm>> -> memref<1x8x85xf32, #tpu.memory_space<hbm>>
    %dma_start3A_914 = tpu.memref_squeeze %dma_start3A_913 : memref<1x8x85xf32, #tpu.memory_space<hbm>> -> memref<8x85xf32, #tpu.memory_space<hbm>>
    tpu.enqueue_dma source(%dma_start3A_914 : memref<8x85xf32, #tpu.memory_space<hbm>>) target(%dma_start3A_910 : memref<8x85xf32, #tpu.memory_space<vmem>>) target_semaphore(%arg19 : memref<!tpu.dma_semaphore, #tpu.memory_space<semaphore_mem>>)
    %slice3A_915 = vector.extract_strided_slice %shift_right_logical3A_662 {offsets = [15], sizes = [1], strides = [1]} : vector<16xi32> to vector<1xi32>
    %squeeze3A_916 = vector.extract %slice3A_915[0] : i32 from vector<1xi32>
    %dma_start3A_917 = arith.constant 248 : i32
    %dma_start3A_918 = arith.constant 0 : i32
    %dma_start3A_919 = tpu.memref_slice %arg12[%dma_start3A_917, %dma_start3A_918] : memref<384x85xf32, #tpu.memory_space<vmem>> -> memref<8x85xf32, #tpu.memory_space<vmem>>
    %dma_start3A_920 = arith.constant 0 : i32
    %dma_start3A_921 = arith.constant 0 : i32
    %dma_start3A_922 = tpu.memref_slice %arg2[%squeeze3A_916, %dma_start3A_920, %dma_start3A_921] : memref<24576x8x85xf32, #tpu.memory_space<hbm>> -> memref<1x8x85xf32, #tpu.memory_space<hbm>>
    %dma_start3A_923 = tpu.memref_squeeze %dma_start3A_922 : memref<1x8x85xf32, #tpu.memory_space<hbm>> -> memref<8x85xf32, #tpu.memory_space<hbm>>
    %dma_start3A_924 = arith.constant 248 : i32
    %dma_start3A_925 = arith.constant 0 : i32
    %dma_start3A_926 = tpu.memref_slice %arg12[%dma_start3A_924, %dma_start3A_925] : memref<384x85xf32, #tpu.memory_space<vmem>> -> memref<8x85xf32, #tpu.memory_space<vmem>>
    %dma_start3A_927 = arith.constant 0 : i32
    %dma_start3A_928 = arith.constant 0 : i32
    %dma_start3A_929 = tpu.memref_slice %arg2[%squeeze3A_916, %dma_start3A_927, %dma_start3A_928] : memref<24576x8x85xf32, #tpu.memory_space<hbm>> -> memref<1x8x85xf32, #tpu.memory_space<hbm>>
    %dma_start3A_930 = tpu.memref_squeeze %dma_start3A_929 : memref<1x8x85xf32, #tpu.memory_space<hbm>> -> memref<8x85xf32, #tpu.memory_space<hbm>>
    tpu.enqueue_dma source(%dma_start3A_930 : memref<8x85xf32, #tpu.memory_space<hbm>>) target(%dma_start3A_926 : memref<8x85xf32, #tpu.memory_space<vmem>>) target_semaphore(%arg19 : memref<!tpu.dma_semaphore, #tpu.memory_space<semaphore_mem>>)
    %mul3A_931 = arith.constant 3 : i32
    %mul3A_932 = arith.muli %mul3A_931, %select_n3A_30 : i32
    %add3A_933 = arith.constant 2 : i32
    %add3A_934 = arith.addi %mul3A_932, %add3A_933 : i32
    %shift_right_logical3A_935 = arith.constant 2 : i32
    %shift_right_logical3A_936 = arith.shrui %add3A_934, %shift_right_logical3A_935 : i32
    %and3A_937 = arith.constant 3 : i32
    %and3A_938 = arith.andi %add3A_934, %and3A_937 : i32
    %mul3A_939 = arith.constant 16 : i32
    %mul3A_940 = arith.muli %mul3A_939, %and3A_938 : i32
    %get3A_941 = arith.index_cast %mul3A_940 : i32 to index
    %get3A_942 = tpu.vector_load %arg7[%get3A_941] {strides = array<i32>} : memref<64xi32, #tpu.memory_space<vmem>>, vector<16xi32>,
    %add3A_943 = arith.addi %mul3A_32, %shift_right_logical3A_936 : i32
    %add3A_944 = vector.broadcast %add3A_943 : i32 to vector<16xi32>
    %add3A_945 = arith.addi %add3A_944, %get3A_942 : vector<16xi32>
    %shift_right_logical3A_946 = arith.constant 3 : i32
    %shift_right_logical3A_947 = vector.broadcast %shift_right_logical3A_946 : i32 to vector<16xi32>
    %shift_right_logical3A_948 = arith.shrui %add3A_945, %shift_right_logical3A_947 : vector<16xi32>
    %add3A_949 = arith.constant 32 : i32
    %add3A_950 = vector.broadcast %add3A_949 : i32 to vector<16xi32>
    %add3A_951 = arith.addi %iota3A, %add3A_950 : vector<16xi32>
    %mul3A_952 = arith.constant 8 : i32
    %mul3A_953 = vector.broadcast %mul3A_952 : i32 to vector<16xi32>
    %mul3A_954 = arith.muli %add3A_951, %mul3A_953 : vector<16xi32>
    %and3A_955 = arith.constant 7 : i32
    %and3A_956 = vector.broadcast %and3A_955 : i32 to vector<16xi32>
    %and3A_957 = arith.andi %add3A_945, %and3A_956 : vector<16xi32>
    %add3A_958 = arith.addi %mul3A_954, %and3A_957 : vector<16xi32>
    %swap3A_959 = arith.constant 32 : index
    %swap3A_960 = tpu.vector_load %arg8[%swap3A_959] {strides = array<i32>} : memref<64xi32, #tpu.memory_space<vmem>>, vector<16xi32>,
    tpu.vector_store %arg8[%swap3A_959], %add3A_958 {strides = array<i32>} : memref<64xi32, #tpu.memory_space<vmem>>, vector<16xi32>,
    %slice3A_961 = vector.extract_strided_slice %shift_right_logical3A_948 {offsets = [0], sizes = [1], strides = [1]} : vector<16xi32> to vector<1xi32>
    %squeeze3A_962 = vector.extract %slice3A_961[0] : i32 from vector<1xi32>
    %dma_start3A_963 = arith.constant 256 : i32
    %dma_start3A_964 = arith.constant 0 : i32
    %dma_start3A_965 = tpu.memref_slice %arg12[%dma_start3A_963, %dma_start3A_964] : memref<384x85xf32, #tpu.memory_space<vmem>> -> memref<8x85xf32, #tpu.memory_space<vmem>>
    %dma_start3A_966 = arith.constant 0 : i32
    %dma_start3A_967 = arith.constant 0 : i32
    %dma_start3A_968 = tpu.memref_slice %arg2[%squeeze3A_962, %dma_start3A_966, %dma_start3A_967] : memref<24576x8x85xf32, #tpu.memory_space<hbm>> -> memref<1x8x85xf32, #tpu.memory_space<hbm>>
    %dma_start3A_969 = tpu.memref_squeeze %dma_start3A_968 : memref<1x8x85xf32, #tpu.memory_space<hbm>> -> memref<8x85xf32, #tpu.memory_space<hbm>>
    %dma_start3A_970 = arith.constant 256 : i32
    %dma_start3A_971 = arith.constant 0 : i32
    %dma_start3A_972 = tpu.memref_slice %arg12[%dma_start3A_970, %dma_start3A_971] : memref<384x85xf32, #tpu.memory_space<vmem>> -> memref<8x85xf32, #tpu.memory_space<vmem>>
    %dma_start3A_973 = arith.constant 0 : i32
    %dma_start3A_974 = arith.constant 0 : i32
    %dma_start3A_975 = tpu.memref_slice %arg2[%squeeze3A_962, %dma_start3A_973, %dma_start3A_974] : memref<24576x8x85xf32, #tpu.memory_space<hbm>> -> memref<1x8x85xf32, #tpu.memory_space<hbm>>
    %dma_start3A_976 = tpu.memref_squeeze %dma_start3A_975 : memref<1x8x85xf32, #tpu.memory_space<hbm>> -> memref<8x85xf32, #tpu.memory_space<hbm>>
    tpu.enqueue_dma source(%dma_start3A_976 : memref<8x85xf32, #tpu.memory_space<hbm>>) target(%dma_start3A_972 : memref<8x85xf32, #tpu.memory_space<vmem>>) target_semaphore(%arg19 : memref<!tpu.dma_semaphore, #tpu.memory_space<semaphore_mem>>)
    %slice3A_977 = vector.extract_strided_slice %shift_right_logical3A_948 {offsets = [1], sizes = [1], strides = [1]} : vector<16xi32> to vector<1xi32>
    %squeeze3A_978 = vector.extract %slice3A_977[0] : i32 from vector<1xi32>
    %dma_start3A_979 = arith.constant 264 : i32
    %dma_start3A_980 = arith.constant 0 : i32
    %dma_start3A_981 = tpu.memref_slice %arg12[%dma_start3A_979, %dma_start3A_980] : memref<384x85xf32, #tpu.memory_space<vmem>> -> memref<8x85xf32, #tpu.memory_space<vmem>>
    %dma_start3A_982 = arith.constant 0 : i32
    %dma_start3A_983 = arith.constant 0 : i32
    %dma_start3A_984 = tpu.memref_slice %arg2[%squeeze3A_978, %dma_start3A_982, %dma_start3A_983] : memref<24576x8x85xf32, #tpu.memory_space<hbm>> -> memref<1x8x85xf32, #tpu.memory_space<hbm>>
    %dma_start3A_985 = tpu.memref_squeeze %dma_start3A_984 : memref<1x8x85xf32, #tpu.memory_space<hbm>> -> memref<8x85xf32, #tpu.memory_space<hbm>>
    %dma_start3A_986 = arith.constant 264 : i32
    %dma_start3A_987 = arith.constant 0 : i32
    %dma_start3A_988 = tpu.memref_slice %arg12[%dma_start3A_986, %dma_start3A_987] : memref<384x85xf32, #tpu.memory_space<vmem>> -> memref<8x85xf32, #tpu.memory_space<vmem>>
    %dma_start3A_989 = arith.constant 0 : i32
    %dma_start3A_990 = arith.constant 0 : i32
    %dma_start3A_991 = tpu.memref_slice %arg2[%squeeze3A_978, %dma_start3A_989, %dma_start3A_990] : memref<24576x8x85xf32, #tpu.memory_space<hbm>> -> memref<1x8x85xf32, #tpu.memory_space<hbm>>
    %dma_start3A_992 = tpu.memref_squeeze %dma_start3A_991 : memref<1x8x85xf32, #tpu.memory_space<hbm>> -> memref<8x85xf32, #tpu.memory_space<hbm>>
    tpu.enqueue_dma source(%dma_start3A_992 : memref<8x85xf32, #tpu.memory_space<hbm>>) target(%dma_start3A_988 : memref<8x85xf32, #tpu.memory_space<vmem>>) target_semaphore(%arg19 : memref<!tpu.dma_semaphore, #tpu.memory_space<semaphore_mem>>)
    %slice3A_993 = vector.extract_strided_slice %shift_right_logical3A_948 {offsets = [2], sizes = [1], strides = [1]} : vector<16xi32> to vector<1xi32>
    %squeeze3A_994 = vector.extract %slice3A_993[0] : i32 from vector<1xi32>
    %dma_start3A_995 = arith.constant 272 : i32
    %dma_start3A_996 = arith.constant 0 : i32
    %dma_start3A_997 = tpu.memref_slice %arg12[%dma_start3A_995, %dma_start3A_996] : memref<384x85xf32, #tpu.memory_space<vmem>> -> memref<8x85xf32, #tpu.memory_space<vmem>>
    %dma_start3A_998 = arith.constant 0 : i32
    %dma_start3A_999 = arith.constant 0 : i32
    %dma_start3A_1000 = tpu.memref_slice %arg2[%squeeze3A_994, %dma_start3A_998, %dma_start3A_999] : memref<24576x8x85xf32, #tpu.memory_space<hbm>> -> memref<1x8x85xf32, #tpu.memory_space<hbm>>
    %dma_start3A_1001 = tpu.memref_squeeze %dma_start3A_1000 : memref<1x8x85xf32, #tpu.memory_space<hbm>> -> memref<8x85xf32, #tpu.memory_space<hbm>>
    %dma_start3A_1002 = arith.constant 272 : i32
    %dma_start3A_1003 = arith.constant 0 : i32
    %dma_start3A_1004 = tpu.memref_slice %arg12[%dma_start3A_1002, %dma_start3A_1003] : memref<384x85xf32, #tpu.memory_space<vmem>> -> memref<8x85xf32, #tpu.memory_space<vmem>>
    %dma_start3A_1005 = arith.constant 0 : i32
    %dma_start3A_1006 = arith.constant 0 : i32
    %dma_start3A_1007 = tpu.memref_slice %arg2[%squeeze3A_994, %dma_start3A_1005, %dma_start3A_1006] : memref<24576x8x85xf32, #tpu.memory_space<hbm>> -> memref<1x8x85xf32, #tpu.memory_space<hbm>>
    %dma_start3A_1008 = tpu.memref_squeeze %dma_start3A_1007 : memref<1x8x85xf32, #tpu.memory_space<hbm>> -> memref<8x85xf32, #tpu.memory_space<hbm>>
    tpu.enqueue_dma source(%dma_start3A_1008 : memref<8x85xf32, #tpu.memory_space<hbm>>) target(%dma_start3A_1004 : memref<8x85xf32, #tpu.memory_space<vmem>>) target_semaphore(%arg19 : memref<!tpu.dma_semaphore, #tpu.memory_space<semaphore_mem>>)
    %slice3A_1009 = vector.extract_strided_slice %shift_right_logical3A_948 {offsets = [3], sizes = [1], strides = [1]} : vector<16xi32> to vector<1xi32>
    %squeeze3A_1010 = vector.extract %slice3A_1009[0] : i32 from vector<1xi32>
    %dma_start3A_1011 = arith.constant 280 : i32
    %dma_start3A_1012 = arith.constant 0 : i32
    %dma_start3A_1013 = tpu.memref_slice %arg12[%dma_start3A_1011, %dma_start3A_1012] : memref<384x85xf32, #tpu.memory_space<vmem>> -> memref<8x85xf32, #tpu.memory_space<vmem>>
    %dma_start3A_1014 = arith.constant 0 : i32
    %dma_start3A_1015 = arith.constant 0 : i32
    %dma_start3A_1016 = tpu.memref_slice %arg2[%squeeze3A_1010, %dma_start3A_1014, %dma_start3A_1015] : memref<24576x8x85xf32, #tpu.memory_space<hbm>> -> memref<1x8x85xf32, #tpu.memory_space<hbm>>
    %dma_start3A_1017 = tpu.memref_squeeze %dma_start3A_1016 : memref<1x8x85xf32, #tpu.memory_space<hbm>> -> memref<8x85xf32, #tpu.memory_space<hbm>>
    %dma_start3A_1018 = arith.constant 280 : i32
    %dma_start3A_1019 = arith.constant 0 : i32
    %dma_start3A_1020 = tpu.memref_slice %arg12[%dma_start3A_1018, %dma_start3A_1019] : memref<384x85xf32, #tpu.memory_space<vmem>> -> memref<8x85xf32, #tpu.memory_space<vmem>>
    %dma_start3A_1021 = arith.constant 0 : i32
    %dma_start3A_1022 = arith.constant 0 : i32
    %dma_start3A_1023 = tpu.memref_slice %arg2[%squeeze3A_1010, %dma_start3A_1021, %dma_start3A_1022] : memref<24576x8x85xf32, #tpu.memory_space<hbm>> -> memref<1x8x85xf32, #tpu.memory_space<hbm>>
    %dma_start3A_1024 = tpu.memref_squeeze %dma_start3A_1023 : memref<1x8x85xf32, #tpu.memory_space<hbm>> -> memref<8x85xf32, #tpu.memory_space<hbm>>
    tpu.enqueue_dma source(%dma_start3A_1024 : memref<8x85xf32, #tpu.memory_space<hbm>>) target(%dma_start3A_1020 : memref<8x85xf32, #tpu.memory_space<vmem>>) target_semaphore(%arg19 : memref<!tpu.dma_semaphore, #tpu.memory_space<semaphore_mem>>)
    %slice3A_1025 = vector.extract_strided_slice %shift_right_logical3A_948 {offsets = [4], sizes = [1], strides = [1]} : vector<16xi32> to vector<1xi32>
    %squeeze3A_1026 = vector.extract %slice3A_1025[0] : i32 from vector<1xi32>
    %dma_start3A_1027 = arith.constant 288 : i32
    %dma_start3A_1028 = arith.constant 0 : i32
    %dma_start3A_1029 = tpu.memref_slice %arg12[%dma_start3A_1027, %dma_start3A_1028] : memref<384x85xf32, #tpu.memory_space<vmem>> -> memref<8x85xf32, #tpu.memory_space<vmem>>
    %dma_start3A_1030 = arith.constant 0 : i32
    %dma_start3A_1031 = arith.constant 0 : i32
    %dma_start3A_1032 = tpu.memref_slice %arg2[%squeeze3A_1026, %dma_start3A_1030, %dma_start3A_1031] : memref<24576x8x85xf32, #tpu.memory_space<hbm>> -> memref<1x8x85xf32, #tpu.memory_space<hbm>>
    %dma_start3A_1033 = tpu.memref_squeeze %dma_start3A_1032 : memref<1x8x85xf32, #tpu.memory_space<hbm>> -> memref<8x85xf32, #tpu.memory_space<hbm>>
    %dma_start3A_1034 = arith.constant 288 : i32
    %dma_start3A_1035 = arith.constant 0 : i32
    %dma_start3A_1036 = tpu.memref_slice %arg12[%dma_start3A_1034, %dma_start3A_1035] : memref<384x85xf32, #tpu.memory_space<vmem>> -> memref<8x85xf32, #tpu.memory_space<vmem>>
    %dma_start3A_1037 = arith.constant 0 : i32
    %dma_start3A_1038 = arith.constant 0 : i32
    %dma_start3A_1039 = tpu.memref_slice %arg2[%squeeze3A_1026, %dma_start3A_1037, %dma_start3A_1038] : memref<24576x8x85xf32, #tpu.memory_space<hbm>> -> memref<1x8x85xf32, #tpu.memory_space<hbm>>
    %dma_start3A_1040 = tpu.memref_squeeze %dma_start3A_1039 : memref<1x8x85xf32, #tpu.memory_space<hbm>> -> memref<8x85xf32, #tpu.memory_space<hbm>>
    tpu.enqueue_dma source(%dma_start3A_1040 : memref<8x85xf32, #tpu.memory_space<hbm>>) target(%dma_start3A_1036 : memref<8x85xf32, #tpu.memory_space<vmem>>) target_semaphore(%arg19 : memref<!tpu.dma_semaphore, #tpu.memory_space<semaphore_mem>>)
    %slice3A_1041 = vector.extract_strided_slice %shift_right_logical3A_948 {offsets = [5], sizes = [1], strides = [1]} : vector<16xi32> to vector<1xi32>
    %squeeze3A_1042 = vector.extract %slice3A_1041[0] : i32 from vector<1xi32>
    %dma_start3A_1043 = arith.constant 296 : i32
    %dma_start3A_1044 = arith.constant 0 : i32
    %dma_start3A_1045 = tpu.memref_slice %arg12[%dma_start3A_1043, %dma_start3A_1044] : memref<384x85xf32, #tpu.memory_space<vmem>> -> memref<8x85xf32, #tpu.memory_space<vmem>>
    %dma_start3A_1046 = arith.constant 0 : i32
    %dma_start3A_1047 = arith.constant 0 : i32
    %dma_start3A_1048 = tpu.memref_slice %arg2[%squeeze3A_1042, %dma_start3A_1046, %dma_start3A_1047] : memref<24576x8x85xf32, #tpu.memory_space<hbm>> -> memref<1x8x85xf32, #tpu.memory_space<hbm>>
    %dma_start3A_1049 = tpu.memref_squeeze %dma_start3A_1048 : memref<1x8x85xf32, #tpu.memory_space<hbm>> -> memref<8x85xf32, #tpu.memory_space<hbm>>
    %dma_start3A_1050 = arith.constant 296 : i32
    %dma_start3A_1051 = arith.constant 0 : i32
    %dma_start3A_1052 = tpu.memref_slice %arg12[%dma_start3A_1050, %dma_start3A_1051] : memref<384x85xf32, #tpu.memory_space<vmem>> -> memref<8x85xf32, #tpu.memory_space<vmem>>
    %dma_start3A_1053 = arith.constant 0 : i32
    %dma_start3A_1054 = arith.constant 0 : i32
    %dma_start3A_1055 = tpu.memref_slice %arg2[%squeeze3A_1042, %dma_start3A_1053, %dma_start3A_1054] : memref<24576x8x85xf32, #tpu.memory_space<hbm>> -> memref<1x8x85xf32, #tpu.memory_space<hbm>>
    %dma_start3A_1056 = tpu.memref_squeeze %dma_start3A_1055 : memref<1x8x85xf32, #tpu.memory_space<hbm>> -> memref<8x85xf32, #tpu.memory_space<hbm>>
    tpu.enqueue_dma source(%dma_start3A_1056 : memref<8x85xf32, #tpu.memory_space<hbm>>) target(%dma_start3A_1052 : memref<8x85xf32, #tpu.memory_space<vmem>>) target_semaphore(%arg19 : memref<!tpu.dma_semaphore, #tpu.memory_space<semaphore_mem>>)
    %slice3A_1057 = vector.extract_strided_slice %shift_right_logical3A_948 {offsets = [6], sizes = [1], strides = [1]} : vector<16xi32> to vector<1xi32>
    %squeeze3A_1058 = vector.extract %slice3A_1057[0] : i32 from vector<1xi32>
    %dma_start3A_1059 = arith.constant 304 : i32
    %dma_start3A_1060 = arith.constant 0 : i32
    %dma_start3A_1061 = tpu.memref_slice %arg12[%dma_start3A_1059, %dma_start3A_1060] : memref<384x85xf32, #tpu.memory_space<vmem>> -> memref<8x85xf32, #tpu.memory_space<vmem>>
    %dma_start3A_1062 = arith.constant 0 : i32
    %dma_start3A_1063 = arith.constant 0 : i32
    %dma_start3A_1064 = tpu.memref_slice %arg2[%squeeze3A_1058, %dma_start3A_1062, %dma_start3A_1063] : memref<24576x8x85xf32, #tpu.memory_space<hbm>> -> memref<1x8x85xf32, #tpu.memory_space<hbm>>
    %dma_start3A_1065 = tpu.memref_squeeze %dma_start3A_1064 : memref<1x8x85xf32, #tpu.memory_space<hbm>> -> memref<8x85xf32, #tpu.memory_space<hbm>>
    %dma_start3A_1066 = arith.constant 304 : i32
    %dma_start3A_1067 = arith.constant 0 : i32
    %dma_start3A_1068 = tpu.memref_slice %arg12[%dma_start3A_1066, %dma_start3A_1067] : memref<384x85xf32, #tpu.memory_space<vmem>> -> memref<8x85xf32, #tpu.memory_space<vmem>>
    %dma_start3A_1069 = arith.constant 0 : i32
    %dma_start3A_1070 = arith.constant 0 : i32
    %dma_start3A_1071 = tpu.memref_slice %arg2[%squeeze3A_1058, %dma_start3A_1069, %dma_start3A_1070] : memref<24576x8x85xf32, #tpu.memory_space<hbm>> -> memref<1x8x85xf32, #tpu.memory_space<hbm>>
    %dma_start3A_1072 = tpu.memref_squeeze %dma_start3A_1071 : memref<1x8x85xf32, #tpu.memory_space<hbm>> -> memref<8x85xf32, #tpu.memory_space<hbm>>
    tpu.enqueue_dma source(%dma_start3A_1072 : memref<8x85xf32, #tpu.memory_space<hbm>>) target(%dma_start3A_1068 : memref<8x85xf32, #tpu.memory_space<vmem>>) target_semaphore(%arg19 : memref<!tpu.dma_semaphore, #tpu.memory_space<semaphore_mem>>)
    %slice3A_1073 = vector.extract_strided_slice %shift_right_logical3A_948 {offsets = [7], sizes = [1], strides = [1]} : vector<16xi32> to vector<1xi32>
    %squeeze3A_1074 = vector.extract %slice3A_1073[0] : i32 from vector<1xi32>
    %dma_start3A_1075 = arith.constant 312 : i32
    %dma_start3A_1076 = arith.constant 0 : i32
    %dma_start3A_1077 = tpu.memref_slice %arg12[%dma_start3A_1075, %dma_start3A_1076] : memref<384x85xf32, #tpu.memory_space<vmem>> -> memref<8x85xf32, #tpu.memory_space<vmem>>
    %dma_start3A_1078 = arith.constant 0 : i32
    %dma_start3A_1079 = arith.constant 0 : i32
    %dma_start3A_1080 = tpu.memref_slice %arg2[%squeeze3A_1074, %dma_start3A_1078, %dma_start3A_1079] : memref<24576x8x85xf32, #tpu.memory_space<hbm>> -> memref<1x8x85xf32, #tpu.memory_space<hbm>>
    %dma_start3A_1081 = tpu.memref_squeeze %dma_start3A_1080 : memref<1x8x85xf32, #tpu.memory_space<hbm>> -> memref<8x85xf32, #tpu.memory_space<hbm>>
    %dma_start3A_1082 = arith.constant 312 : i32
    %dma_start3A_1083 = arith.constant 0 : i32
    %dma_start3A_1084 = tpu.memref_slice %arg12[%dma_start3A_1082, %dma_start3A_1083] : memref<384x85xf32, #tpu.memory_space<vmem>> -> memref<8x85xf32, #tpu.memory_space<vmem>>
    %dma_start3A_1085 = arith.constant 0 : i32
    %dma_start3A_1086 = arith.constant 0 : i32
    %dma_start3A_1087 = tpu.memref_slice %arg2[%squeeze3A_1074, %dma_start3A_1085, %dma_start3A_1086] : memref<24576x8x85xf32, #tpu.memory_space<hbm>> -> memref<1x8x85xf32, #tpu.memory_space<hbm>>
    %dma_start3A_1088 = tpu.memref_squeeze %dma_start3A_1087 : memref<1x8x85xf32, #tpu.memory_space<hbm>> -> memref<8x85xf32, #tpu.memory_space<hbm>>
    tpu.enqueue_dma source(%dma_start3A_1088 : memref<8x85xf32, #tpu.memory_space<hbm>>) target(%dma_start3A_1084 : memref<8x85xf32, #tpu.memory_space<vmem>>) target_semaphore(%arg19 : memref<!tpu.dma_semaphore, #tpu.memory_space<semaphore_mem>>)
    %slice3A_1089 = vector.extract_strided_slice %shift_right_logical3A_948 {offsets = [8], sizes = [1], strides = [1]} : vector<16xi32> to vector<1xi32>
    %squeeze3A_1090 = vector.extract %slice3A_1089[0] : i32 from vector<1xi32>
    %dma_start3A_1091 = arith.constant 320 : i32
    %dma_start3A_1092 = arith.constant 0 : i32
    %dma_start3A_1093 = tpu.memref_slice %arg12[%dma_start3A_1091, %dma_start3A_1092] : memref<384x85xf32, #tpu.memory_space<vmem>> -> memref<8x85xf32, #tpu.memory_space<vmem>>
    %dma_start3A_1094 = arith.constant 0 : i32
    %dma_start3A_1095 = arith.constant 0 : i32
    %dma_start3A_1096 = tpu.memref_slice %arg2[%squeeze3A_1090, %dma_start3A_1094, %dma_start3A_1095] : memref<24576x8x85xf32, #tpu.memory_space<hbm>> -> memref<1x8x85xf32, #tpu.memory_space<hbm>>
    %dma_start3A_1097 = tpu.memref_squeeze %dma_start3A_1096 : memref<1x8x85xf32, #tpu.memory_space<hbm>> -> memref<8x85xf32, #tpu.memory_space<hbm>>
    %dma_start3A_1098 = arith.constant 320 : i32
    %dma_start3A_1099 = arith.constant 0 : i32
    %dma_start3A_1100 = tpu.memref_slice %arg12[%dma_start3A_1098, %dma_start3A_1099] : memref<384x85xf32, #tpu.memory_space<vmem>> -> memref<8x85xf32, #tpu.memory_space<vmem>>
    %dma_start3A_1101 = arith.constant 0 : i32
    %dma_start3A_1102 = arith.constant 0 : i32
    %dma_start3A_1103 = tpu.memref_slice %arg2[%squeeze3A_1090, %dma_start3A_1101, %dma_start3A_1102] : memref<24576x8x85xf32, #tpu.memory_space<hbm>> -> memref<1x8x85xf32, #tpu.memory_space<hbm>>
    %dma_start3A_1104 = tpu.memref_squeeze %dma_start3A_1103 : memref<1x8x85xf32, #tpu.memory_space<hbm>> -> memref<8x85xf32, #tpu.memory_space<hbm>>
    tpu.enqueue_dma source(%dma_start3A_1104 : memref<8x85xf32, #tpu.memory_space<hbm>>) target(%dma_start3A_1100 : memref<8x85xf32, #tpu.memory_space<vmem>>) target_semaphore(%arg19 : memref<!tpu.dma_semaphore, #tpu.memory_space<semaphore_mem>>)
    %slice3A_1105 = vector.extract_strided_slice %shift_right_logical3A_948 {offsets = [9], sizes = [1], strides = [1]} : vector<16xi32> to vector<1xi32>
    %squeeze3A_1106 = vector.extract %slice3A_1105[0] : i32 from vector<1xi32>
    %dma_start3A_1107 = arith.constant 328 : i32
    %dma_start3A_1108 = arith.constant 0 : i32
    %dma_start3A_1109 = tpu.memref_slice %arg12[%dma_start3A_1107, %dma_start3A_1108] : memref<384x85xf32, #tpu.memory_space<vmem>> -> memref<8x85xf32, #tpu.memory_space<vmem>>
    %dma_start3A_1110 = arith.constant 0 : i32
    %dma_start3A_1111 = arith.constant 0 : i32
    %dma_start3A_1112 = tpu.memref_slice %arg2[%squeeze3A_1106, %dma_start3A_1110, %dma_start3A_1111] : memref<24576x8x85xf32, #tpu.memory_space<hbm>> -> memref<1x8x85xf32, #tpu.memory_space<hbm>>
    %dma_start3A_1113 = tpu.memref_squeeze %dma_start3A_1112 : memref<1x8x85xf32, #tpu.memory_space<hbm>> -> memref<8x85xf32, #tpu.memory_space<hbm>>
    %dma_start3A_1114 = arith.constant 328 : i32
    %dma_start3A_1115 = arith.constant 0 : i32
    %dma_start3A_1116 = tpu.memref_slice %arg12[%dma_start3A_1114, %dma_start3A_1115] : memref<384x85xf32, #tpu.memory_space<vmem>> -> memref<8x85xf32, #tpu.memory_space<vmem>>
    %dma_start3A_1117 = arith.constant 0 : i32
    %dma_start3A_1118 = arith.constant 0 : i32
    %dma_start3A_1119 = tpu.memref_slice %arg2[%squeeze3A_1106, %dma_start3A_1117, %dma_start3A_1118] : memref<24576x8x85xf32, #tpu.memory_space<hbm>> -> memref<1x8x85xf32, #tpu.memory_space<hbm>>
    %dma_start3A_1120 = tpu.memref_squeeze %dma_start3A_1119 : memref<1x8x85xf32, #tpu.memory_space<hbm>> -> memref<8x85xf32, #tpu.memory_space<hbm>>
    tpu.enqueue_dma source(%dma_start3A_1120 : memref<8x85xf32, #tpu.memory_space<hbm>>) target(%dma_start3A_1116 : memref<8x85xf32, #tpu.memory_space<vmem>>) target_semaphore(%arg19 : memref<!tpu.dma_semaphore, #tpu.memory_space<semaphore_mem>>)
    %slice3A_1121 = vector.extract_strided_slice %shift_right_logical3A_948 {offsets = [10], sizes = [1], strides = [1]} : vector<16xi32> to vector<1xi32>
    %squeeze3A_1122 = vector.extract %slice3A_1121[0] : i32 from vector<1xi32>
    %dma_start3A_1123 = arith.constant 336 : i32
    %dma_start3A_1124 = arith.constant 0 : i32
    %dma_start3A_1125 = tpu.memref_slice %arg12[%dma_start3A_1123, %dma_start3A_1124] : memref<384x85xf32, #tpu.memory_space<vmem>> -> memref<8x85xf32, #tpu.memory_space<vmem>>
    %dma_start3A_1126 = arith.constant 0 : i32
    %dma_start3A_1127 = arith.constant 0 : i32
    %dma_start3A_1128 = tpu.memref_slice %arg2[%squeeze3A_1122, %dma_start3A_1126, %dma_start3A_1127] : memref<24576x8x85xf32, #tpu.memory_space<hbm>> -> memref<1x8x85xf32, #tpu.memory_space<hbm>>
    %dma_start3A_1129 = tpu.memref_squeeze %dma_start3A_1128 : memref<1x8x85xf32, #tpu.memory_space<hbm>> -> memref<8x85xf32, #tpu.memory_space<hbm>>
    %dma_start3A_1130 = arith.constant 336 : i32
    %dma_start3A_1131 = arith.constant 0 : i32
    %dma_start3A_1132 = tpu.memref_slice %arg12[%dma_start3A_1130, %dma_start3A_1131] : memref<384x85xf32, #tpu.memory_space<vmem>> -> memref<8x85xf32, #tpu.memory_space<vmem>>
    %dma_start3A_1133 = arith.constant 0 : i32
    %dma_start3A_1134 = arith.constant 0 : i32
    %dma_start3A_1135 = tpu.memref_slice %arg2[%squeeze3A_1122, %dma_start3A_1133, %dma_start3A_1134] : memref<24576x8x85xf32, #tpu.memory_space<hbm>> -> memref<1x8x85xf32, #tpu.memory_space<hbm>>
    %dma_start3A_1136 = tpu.memref_squeeze %dma_start3A_1135 : memref<1x8x85xf32, #tpu.memory_space<hbm>> -> memref<8x85xf32, #tpu.memory_space<hbm>>
    tpu.enqueue_dma source(%dma_start3A_1136 : memref<8x85xf32, #tpu.memory_space<hbm>>) target(%dma_start3A_1132 : memref<8x85xf32, #tpu.memory_space<vmem>>) target_semaphore(%arg19 : memref<!tpu.dma_semaphore, #tpu.memory_space<semaphore_mem>>)
    %slice3A_1137 = vector.extract_strided_slice %shift_right_logical3A_948 {offsets = [11], sizes = [1], strides = [1]} : vector<16xi32> to vector<1xi32>
    %squeeze3A_1138 = vector.extract %slice3A_1137[0] : i32 from vector<1xi32>
    %dma_start3A_1139 = arith.constant 344 : i32
    %dma_start3A_1140 = arith.constant 0 : i32
    %dma_start3A_1141 = tpu.memref_slice %arg12[%dma_start3A_1139, %dma_start3A_1140] : memref<384x85xf32, #tpu.memory_space<vmem>> -> memref<8x85xf32, #tpu.memory_space<vmem>>
    %dma_start3A_1142 = arith.constant 0 : i32
    %dma_start3A_1143 = arith.constant 0 : i32
    %dma_start3A_1144 = tpu.memref_slice %arg2[%squeeze3A_1138, %dma_start3A_1142, %dma_start3A_1143] : memref<24576x8x85xf32, #tpu.memory_space<hbm>> -> memref<1x8x85xf32, #tpu.memory_space<hbm>>
    %dma_start3A_1145 = tpu.memref_squeeze %dma_start3A_1144 : memref<1x8x85xf32, #tpu.memory_space<hbm>> -> memref<8x85xf32, #tpu.memory_space<hbm>>
    %dma_start3A_1146 = arith.constant 344 : i32
    %dma_start3A_1147 = arith.constant 0 : i32
    %dma_start3A_1148 = tpu.memref_slice %arg12[%dma_start3A_1146, %dma_start3A_1147] : memref<384x85xf32, #tpu.memory_space<vmem>> -> memref<8x85xf32, #tpu.memory_space<vmem>>
    %dma_start3A_1149 = arith.constant 0 : i32
    %dma_start3A_1150 = arith.constant 0 : i32
    %dma_start3A_1151 = tpu.memref_slice %arg2[%squeeze3A_1138, %dma_start3A_1149, %dma_start3A_1150] : memref<24576x8x85xf32, #tpu.memory_space<hbm>> -> memref<1x8x85xf32, #tpu.memory_space<hbm>>
    %dma_start3A_1152 = tpu.memref_squeeze %dma_start3A_1151 : memref<1x8x85xf32, #tpu.memory_space<hbm>> -> memref<8x85xf32, #tpu.memory_space<hbm>>
    tpu.enqueue_dma source(%dma_start3A_1152 : memref<8x85xf32, #tpu.memory_space<hbm>>) target(%dma_start3A_1148 : memref<8x85xf32, #tpu.memory_space<vmem>>) target_semaphore(%arg19 : memref<!tpu.dma_semaphore, #tpu.memory_space<semaphore_mem>>)
    %slice3A_1153 = vector.extract_strided_slice %shift_right_logical3A_948 {offsets = [12], sizes = [1], strides = [1]} : vector<16xi32> to vector<1xi32>
    %squeeze3A_1154 = vector.extract %slice3A_1153[0] : i32 from vector<1xi32>
    %dma_start3A_1155 = arith.constant 352 : i32
    %dma_start3A_1156 = arith.constant 0 : i32
    %dma_start3A_1157 = tpu.memref_slice %arg12[%dma_start3A_1155, %dma_start3A_1156] : memref<384x85xf32, #tpu.memory_space<vmem>> -> memref<8x85xf32, #tpu.memory_space<vmem>>
    %dma_start3A_1158 = arith.constant 0 : i32
    %dma_start3A_1159 = arith.constant 0 : i32
    %dma_start3A_1160 = tpu.memref_slice %arg2[%squeeze3A_1154, %dma_start3A_1158, %dma_start3A_1159] : memref<24576x8x85xf32, #tpu.memory_space<hbm>> -> memref<1x8x85xf32, #tpu.memory_space<hbm>>
    %dma_start3A_1161 = tpu.memref_squeeze %dma_start3A_1160 : memref<1x8x85xf32, #tpu.memory_space<hbm>> -> memref<8x85xf32, #tpu.memory_space<hbm>>
    %dma_start3A_1162 = arith.constant 352 : i32
    %dma_start3A_1163 = arith.constant 0 : i32
    %dma_start3A_1164 = tpu.memref_slice %arg12[%dma_start3A_1162, %dma_start3A_1163] : memref<384x85xf32, #tpu.memory_space<vmem>> -> memref<8x85xf32, #tpu.memory_space<vmem>>
    %dma_start3A_1165 = arith.constant 0 : i32
    %dma_start3A_1166 = arith.constant 0 : i32
    %dma_start3A_1167 = tpu.memref_slice %arg2[%squeeze3A_1154, %dma_start3A_1165, %dma_start3A_1166] : memref<24576x8x85xf32, #tpu.memory_space<hbm>> -> memref<1x8x85xf32, #tpu.memory_space<hbm>>
    %dma_start3A_1168 = tpu.memref_squeeze %dma_start3A_1167 : memref<1x8x85xf32, #tpu.memory_space<hbm>> -> memref<8x85xf32, #tpu.memory_space<hbm>>
    tpu.enqueue_dma source(%dma_start3A_1168 : memref<8x85xf32, #tpu.memory_space<hbm>>) target(%dma_start3A_1164 : memref<8x85xf32, #tpu.memory_space<vmem>>) target_semaphore(%arg19 : memref<!tpu.dma_semaphore, #tpu.memory_space<semaphore_mem>>)
    %slice3A_1169 = vector.extract_strided_slice %shift_right_logical3A_948 {offsets = [13], sizes = [1], strides = [1]} : vector<16xi32> to vector<1xi32>
    %squeeze3A_1170 = vector.extract %slice3A_1169[0] : i32 from vector<1xi32>
    %dma_start3A_1171 = arith.constant 360 : i32
    %dma_start3A_1172 = arith.constant 0 : i32
    %dma_start3A_1173 = tpu.memref_slice %arg12[%dma_start3A_1171, %dma_start3A_1172] : memref<384x85xf32, #tpu.memory_space<vmem>> -> memref<8x85xf32, #tpu.memory_space<vmem>>
    %dma_start3A_1174 = arith.constant 0 : i32
    %dma_start3A_1175 = arith.constant 0 : i32
    %dma_start3A_1176 = tpu.memref_slice %arg2[%squeeze3A_1170, %dma_start3A_1174, %dma_start3A_1175] : memref<24576x8x85xf32, #tpu.memory_space<hbm>> -> memref<1x8x85xf32, #tpu.memory_space<hbm>>
    %dma_start3A_1177 = tpu.memref_squeeze %dma_start3A_1176 : memref<1x8x85xf32, #tpu.memory_space<hbm>> -> memref<8x85xf32, #tpu.memory_space<hbm>>
    %dma_start3A_1178 = arith.constant 360 : i32
    %dma_start3A_1179 = arith.constant 0 : i32
    %dma_start3A_1180 = tpu.memref_slice %arg12[%dma_start3A_1178, %dma_start3A_1179] : memref<384x85xf32, #tpu.memory_space<vmem>> -> memref<8x85xf32, #tpu.memory_space<vmem>>
    %dma_start3A_1181 = arith.constant 0 : i32
    %dma_start3A_1182 = arith.constant 0 : i32
    %dma_start3A_1183 = tpu.memref_slice %arg2[%squeeze3A_1170, %dma_start3A_1181, %dma_start3A_1182] : memref<24576x8x85xf32, #tpu.memory_space<hbm>> -> memref<1x8x85xf32, #tpu.memory_space<hbm>>
    %dma_start3A_1184 = tpu.memref_squeeze %dma_start3A_1183 : memref<1x8x85xf32, #tpu.memory_space<hbm>> -> memref<8x85xf32, #tpu.memory_space<hbm>>
    tpu.enqueue_dma source(%dma_start3A_1184 : memref<8x85xf32, #tpu.memory_space<hbm>>) target(%dma_start3A_1180 : memref<8x85xf32, #tpu.memory_space<vmem>>) target_semaphore(%arg19 : memref<!tpu.dma_semaphore, #tpu.memory_space<semaphore_mem>>)
    %slice3A_1185 = vector.extract_strided_slice %shift_right_logical3A_948 {offsets = [14], sizes = [1], strides = [1]} : vector<16xi32> to vector<1xi32>
    %squeeze3A_1186 = vector.extract %slice3A_1185[0] : i32 from vector<1xi32>
    %dma_start3A_1187 = arith.constant 368 : i32
    %dma_start3A_1188 = arith.constant 0 : i32
    %dma_start3A_1189 = tpu.memref_slice %arg12[%dma_start3A_1187, %dma_start3A_1188] : memref<384x85xf32, #tpu.memory_space<vmem>> -> memref<8x85xf32, #tpu.memory_space<vmem>>
    %dma_start3A_1190 = arith.constant 0 : i32
    %dma_start3A_1191 = arith.constant 0 : i32
    %dma_start3A_1192 = tpu.memref_slice %arg2[%squeeze3A_1186, %dma_start3A_1190, %dma_start3A_1191] : memref<24576x8x85xf32, #tpu.memory_space<hbm>> -> memref<1x8x85xf32, #tpu.memory_space<hbm>>
    %dma_start3A_1193 = tpu.memref_squeeze %dma_start3A_1192 : memref<1x8x85xf32, #tpu.memory_space<hbm>> -> memref<8x85xf32, #tpu.memory_space<hbm>>
    %dma_start3A_1194 = arith.constant 368 : i32
    %dma_start3A_1195 = arith.constant 0 : i32
    %dma_start3A_1196 = tpu.memref_slice %arg12[%dma_start3A_1194, %dma_start3A_1195] : memref<384x85xf32, #tpu.memory_space<vmem>> -> memref<8x85xf32, #tpu.memory_space<vmem>>
    %dma_start3A_1197 = arith.constant 0 : i32
    %dma_start3A_1198 = arith.constant 0 : i32
    %dma_start3A_1199 = tpu.memref_slice %arg2[%squeeze3A_1186, %dma_start3A_1197, %dma_start3A_1198] : memref<24576x8x85xf32, #tpu.memory_space<hbm>> -> memref<1x8x85xf32, #tpu.memory_space<hbm>>
    %dma_start3A_1200 = tpu.memref_squeeze %dma_start3A_1199 : memref<1x8x85xf32, #tpu.memory_space<hbm>> -> memref<8x85xf32, #tpu.memory_space<hbm>>
    tpu.enqueue_dma source(%dma_start3A_1200 : memref<8x85xf32, #tpu.memory_space<hbm>>) target(%dma_start3A_1196 : memref<8x85xf32, #tpu.memory_space<vmem>>) target_semaphore(%arg19 : memref<!tpu.dma_semaphore, #tpu.memory_space<semaphore_mem>>)
    %slice3A_1201 = vector.extract_strided_slice %shift_right_logical3A_948 {offsets = [15], sizes = [1], strides = [1]} : vector<16xi32> to vector<1xi32>
    %squeeze3A_1202 = vector.extract %slice3A_1201[0] : i32 from vector<1xi32>
    %dma_start3A_1203 = arith.constant 376 : i32
    %dma_start3A_1204 = arith.constant 0 : i32
    %dma_start3A_1205 = tpu.memref_slice %arg12[%dma_start3A_1203, %dma_start3A_1204] : memref<384x85xf32, #tpu.memory_space<vmem>> -> memref<8x85xf32, #tpu.memory_space<vmem>>
    %dma_start3A_1206 = arith.constant 0 : i32
    %dma_start3A_1207 = arith.constant 0 : i32
    %dma_start3A_1208 = tpu.memref_slice %arg2[%squeeze3A_1202, %dma_start3A_1206, %dma_start3A_1207] : memref<24576x8x85xf32, #tpu.memory_space<hbm>> -> memref<1x8x85xf32, #tpu.memory_space<hbm>>
    %dma_start3A_1209 = tpu.memref_squeeze %dma_start3A_1208 : memref<1x8x85xf32, #tpu.memory_space<hbm>> -> memref<8x85xf32, #tpu.memory_space<hbm>>
    %dma_start3A_1210 = arith.constant 376 : i32
    %dma_start3A_1211 = arith.constant 0 : i32
    %dma_start3A_1212 = tpu.memref_slice %arg12[%dma_start3A_1210, %dma_start3A_1211] : memref<384x85xf32, #tpu.memory_space<vmem>> -> memref<8x85xf32, #tpu.memory_space<vmem>>
    %dma_start3A_1213 = arith.constant 0 : i32
    %dma_start3A_1214 = arith.constant 0 : i32
    %dma_start3A_1215 = tpu.memref_slice %arg2[%squeeze3A_1202, %dma_start3A_1213, %dma_start3A_1214] : memref<24576x8x85xf32, #tpu.memory_space<hbm>> -> memref<1x8x85xf32, #tpu.memory_space<hbm>>
    %dma_start3A_1216 = tpu.memref_squeeze %dma_start3A_1215 : memref<1x8x85xf32, #tpu.memory_space<hbm>> -> memref<8x85xf32, #tpu.memory_space<hbm>>
    tpu.enqueue_dma source(%dma_start3A_1216 : memref<8x85xf32, #tpu.memory_space<hbm>>) target(%dma_start3A_1212 : memref<8x85xf32, #tpu.memory_space<vmem>>) target_semaphore(%arg19 : memref<!tpu.dma_semaphore, #tpu.memory_space<semaphore_mem>>)
    %add3A_1217 = arith.constant 0 : i32
    %add3A_1218 = vector.broadcast %add3A_1217 : i32 to vector<16xi32>
    %add3A_1219 = arith.addi %iota3A, %add3A_1218 : vector<16xi32>
    %get3A_1220 = arith.constant 0 : index
    %get3A_1221 = tpu.vector_load %arg7[%get3A_1220] {strides = array<i32>} : memref<64xi32, #tpu.memory_space<vmem>>, vector<16xi32>,
    %get3A_1222 = arith.constant 0 : index
    %get3A_1223 = tpu.vector_load %arg9[%get3A_1222] {strides = array<i32>} : memref<64xi32, #tpu.memory_space<vmem>>, vector<16xi32>,
    %ne3A_1224 = arith.constant 0 : i32
    %ne3A_1225 = vector.broadcast %ne3A_1224 : i32 to vector<16xi32>
    %ne3A_1226 = arith.cmpi ne, %get3A_1223, %ne3A_1225 : vector<16xi32>
    %gather3A_1227 = tpu.vector_load_idx %arg6[%get3A_1221] masked %ne3A_1226 : memref<12288xi32, #tpu.memory_space<vmem>>[vector<16xi32>], vector<16xi32>, vector<16xi1>
    %eq3A_1228 = arith.cmpi eq, %gather3A_1227, %add3A_1219 : vector<16xi32>
    %and3A_1229 = arith.andi %eq3A_1228, %ne3A_1226 : vector<16xi1>
    %jit3A_1230 = arith.constant 1.000000e+00 : f32
    %jit3A_1231 = arith.constant 0.000000e+00 : f32
    %broadcast_in_dim3A_1232 = vector.broadcast %jit3A_1230 : f32 to vector<16xf32>
    %broadcast_in_dim3A_1233 = vector.broadcast %jit3A_1231 : f32 to vector<16xf32>
    %select_n3A_1234 = arith.select %and3A_1229, %broadcast_in_dim3A_1232, %broadcast_in_dim3A_1233 : vector<16xi1>, vector<16xf32>
    %swap3A_1235 = arith.constant 0 : index
    %swap3A_1236 = tpu.vector_load %arg11[%swap3A_1235] {strides = array<i32>} : memref<64xf32, #tpu.memory_space<vmem>>, vector<16xf32>,
    tpu.vector_store %arg11[%swap3A_1235], %select_n3A_1234 {strides = array<i32>} : memref<64xf32, #tpu.memory_space<vmem>>, vector<16xf32>,
    %add3A_1237 = arith.constant 16 : i32
    %add3A_1238 = vector.broadcast %add3A_1237 : i32 to vector<16xi32>
    %add3A_1239 = arith.addi %iota3A, %add3A_1238 : vector<16xi32>
    %get3A_1240 = arith.constant 16 : index
    %get3A_1241 = tpu.vector_load %arg7[%get3A_1240] {strides = array<i32>} : memref<64xi32, #tpu.memory_space<vmem>>, vector<16xi32>,
    %get3A_1242 = arith.constant 16 : index
    %get3A_1243 = tpu.vector_load %arg9[%get3A_1242] {strides = array<i32>} : memref<64xi32, #tpu.memory_space<vmem>>, vector<16xi32>,
    %ne3A_1244 = arith.constant 0 : i32
    %ne3A_1245 = vector.broadcast %ne3A_1244 : i32 to vector<16xi32>
    %ne3A_1246 = arith.cmpi ne, %get3A_1243, %ne3A_1245 : vector<16xi32>
    %gather3A_1247 = tpu.vector_load_idx %arg6[%get3A_1241] masked %ne3A_1246 : memref<12288xi32, #tpu.memory_space<vmem>>[vector<16xi32>], vector<16xi32>, vector<16xi1>
    %eq3A_1248 = arith.cmpi eq, %gather3A_1247, %add3A_1239 : vector<16xi32>
    %and3A_1249 = arith.andi %eq3A_1248, %ne3A_1246 : vector<16xi1>
    %jit3A_1250 = arith.constant 1.000000e+00 : f32
    %jit3A_1251 = arith.constant 0.000000e+00 : f32
    %broadcast_in_dim3A_1252 = vector.broadcast %jit3A_1250 : f32 to vector<16xf32>
    %broadcast_in_dim3A_1253 = vector.broadcast %jit3A_1251 : f32 to vector<16xf32>
    %select_n3A_1254 = arith.select %and3A_1249, %broadcast_in_dim3A_1252, %broadcast_in_dim3A_1253 : vector<16xi1>, vector<16xf32>
    %swap3A_1255 = arith.constant 16 : index
    %swap3A_1256 = tpu.vector_load %arg11[%swap3A_1255] {strides = array<i32>} : memref<64xf32, #tpu.memory_space<vmem>>, vector<16xf32>,
    tpu.vector_store %arg11[%swap3A_1255], %select_n3A_1254 {strides = array<i32>} : memref<64xf32, #tpu.memory_space<vmem>>, vector<16xf32>,
    %add3A_1257 = arith.constant 32 : i32
    %add3A_1258 = vector.broadcast %add3A_1257 : i32 to vector<16xi32>
    %add3A_1259 = arith.addi %iota3A, %add3A_1258 : vector<16xi32>
    %get3A_1260 = arith.constant 32 : index
    %get3A_1261 = tpu.vector_load %arg7[%get3A_1260] {strides = array<i32>} : memref<64xi32, #tpu.memory_space<vmem>>, vector<16xi32>,
    %get3A_1262 = arith.constant 32 : index
    %get3A_1263 = tpu.vector_load %arg9[%get3A_1262] {strides = array<i32>} : memref<64xi32, #tpu.memory_space<vmem>>, vector<16xi32>,
    %ne3A_1264 = arith.constant 0 : i32
    %ne3A_1265 = vector.broadcast %ne3A_1264 : i32 to vector<16xi32>
    %ne3A_1266 = arith.cmpi ne, %get3A_1263, %ne3A_1265 : vector<16xi32>
    %gather3A_1267 = tpu.vector_load_idx %arg6[%get3A_1261] masked %ne3A_1266 : memref<12288xi32, #tpu.memory_space<vmem>>[vector<16xi32>], vector<16xi32>, vector<16xi1>
    %eq3A_1268 = arith.cmpi eq, %gather3A_1267, %add3A_1259 : vector<16xi32>
    %and3A_1269 = arith.andi %eq3A_1268, %ne3A_1266 : vector<16xi1>
    %jit3A_1270 = arith.constant 1.000000e+00 : f32
    %jit3A_1271 = arith.constant 0.000000e+00 : f32
    %broadcast_in_dim3A_1272 = vector.broadcast %jit3A_1270 : f32 to vector<16xf32>
    %broadcast_in_dim3A_1273 = vector.broadcast %jit3A_1271 : f32 to vector<16xf32>
    %select_n3A_1274 = arith.select %and3A_1269, %broadcast_in_dim3A_1272, %broadcast_in_dim3A_1273 : vector<16xi1>, vector<16xf32>
    %swap3A_1275 = arith.constant 32 : index
    %swap3A_1276 = tpu.vector_load %arg11[%swap3A_1275] {strides = array<i32>} : memref<64xf32, #tpu.memory_space<vmem>>, vector<16xf32>,
    tpu.vector_store %arg11[%swap3A_1275], %select_n3A_1274 {strides = array<i32>} : memref<64xf32, #tpu.memory_space<vmem>>, vector<16xf32>,
    %add3A_1277 = arith.constant 48 : i32
    %add3A_1278 = vector.broadcast %add3A_1277 : i32 to vector<16xi32>
    %add3A_1279 = arith.addi %iota3A, %add3A_1278 : vector<16xi32>
    %get3A_1280 = arith.constant 48 : index
    %get3A_1281 = tpu.vector_load %arg7[%get3A_1280] {strides = array<i32>} : memref<64xi32, #tpu.memory_space<vmem>>, vector<16xi32>,
    %get3A_1282 = arith.constant 48 : index
    %get3A_1283 = tpu.vector_load %arg9[%get3A_1282] {strides = array<i32>} : memref<64xi32, #tpu.memory_space<vmem>>, vector<16xi32>,
    %ne3A_1284 = arith.constant 0 : i32
    %ne3A_1285 = vector.broadcast %ne3A_1284 : i32 to vector<16xi32>
    %ne3A_1286 = arith.cmpi ne, %get3A_1283, %ne3A_1285 : vector<16xi32>
    %gather3A_1287 = tpu.vector_load_idx %arg6[%get3A_1281] masked %ne3A_1286 : memref<12288xi32, #tpu.memory_space<vmem>>[vector<16xi32>], vector<16xi32>, vector<16xi1>
    %eq3A_1288 = arith.cmpi eq, %gather3A_1287, %add3A_1279 : vector<16xi32>
    %and3A_1289 = arith.andi %eq3A_1288, %ne3A_1286 : vector<16xi1>
    %jit3A_1290 = arith.constant 1.000000e+00 : f32
    %jit3A_1291 = arith.constant 0.000000e+00 : f32
    %broadcast_in_dim3A_1292 = vector.broadcast %jit3A_1290 : f32 to vector<16xf32>
    %broadcast_in_dim3A_1293 = vector.broadcast %jit3A_1291 : f32 to vector<16xf32>
    %select_n3A_1294 = arith.select %and3A_1289, %broadcast_in_dim3A_1292, %broadcast_in_dim3A_1293 : vector<16xi1>, vector<16xf32>
    %swap3A_1295 = arith.constant 48 : index
    %swap3A_1296 = tpu.vector_load %arg11[%swap3A_1295] {strides = array<i32>} : memref<64xf32, #tpu.memory_space<vmem>>, vector<16xf32>,
    tpu.vector_store %arg11[%swap3A_1295], %select_n3A_1294 {strides = array<i32>} : memref<64xf32, #tpu.memory_space<vmem>>, vector<16xf32>,
    %eq3A_1297 = arith.constant 0 : i32
    %eq3A_1298 = arith.cmpi eq, %select_n3A_30, %eq3A_1297 : i32
    %convert_element_type3A_1299 = arith.extui %eq3A_1298 : i1 to i32
    %cond3A = arith.constant 0 : i32
    %cond3A_1300 = arith.cmpi ne, %convert_element_type3A_1299, %cond3A : i32
    scf.if %cond3A_1300 {
      %get3A_2252 = arith.constant 0 : index
      %get3A_2253 = tpu.vector_load %arg11[%get3A_2252] {strides = array<i32>} : memref<64xf32, #tpu.memory_space<vmem>>, vector<16xf32>,
      %get3A_2254 = arith.constant 16 : index
      %get3A_2255 = tpu.vector_load %arg11[%get3A_2254] {strides = array<i32>} : memref<64xf32, #tpu.memory_space<vmem>>, vector<16xf32>,
      %add3A_2256 = arith.addf %get3A_2253, %get3A_2255 : vector<16xf32>
      %get3A_2257 = arith.constant 32 : index
      %get3A_2258 = tpu.vector_load %arg11[%get3A_2257] {strides = array<i32>} : memref<64xf32, #tpu.memory_space<vmem>>, vector<16xf32>,
      %add3A_2259 = arith.addf %add3A_2256, %get3A_2258 : vector<16xf32>
      %get3A_2260 = arith.constant 48 : index
      %get3A_2261 = tpu.vector_load %arg11[%get3A_2260] {strides = array<i32>} : memref<64xf32, #tpu.memory_space<vmem>>, vector<16xf32>,
      %add3A_2262 = arith.addf %add3A_2259, %get3A_2261 : vector<16xf32>
      %swap3A_2263 = arith.constant 0 : index
      %swap3A_2264 = tpu.vector_load %arg14[%swap3A_2263] {strides = array<i32>} : memref<16xf32, #tpu.memory_space<vmem>>, vector<16xf32>,
      tpu.vector_store %arg14[%swap3A_2263], %add3A_2262 {strides = array<i32>} : memref<16xf32, #tpu.memory_space<vmem>>, vector<16xf32>,
      %jit3A_2265 = arith.constant 4 : i32
      %eq3A_2266 = arith.constant 0 : i32
      %eq3A_2267 = arith.cmpi eq, %jit3A_2265, %eq3A_2266 : i32
      %jit3A_2268 = arith.constant 1 : i32
      %select_n3A_2269 = arith.select %eq3A_2267, %jit3A_2268, %jit3A_2265 : i32
      %rem3A_2270 = arith.remsi %add3A, %select_n3A_2269 : i32
      %ne3A_2271 = arith.constant 0 : i32
      %ne3A_2272 = arith.cmpi ne, %rem3A_2270, %ne3A_2271 : i32
      %lt3A_2273 = arith.constant 0 : i32
      %lt3A_2274 = arith.cmpi slt, %rem3A_2270, %lt3A_2273 : i32
      %lt3A_2275 = arith.constant 0 : i32
      %lt3A_2276 = arith.cmpi slt, %select_n3A_2269, %lt3A_2275 : i32
      %ne3A_2277 = arith.xori %lt3A_2274, %lt3A_2276 : i1
      %and3A_2278 = arith.andi %ne3A_2277, %ne3A_2272 : i1
      %add3A_2279 = arith.addi %rem3A_2270, %select_n3A_2269 : i32
      %select_n3A_2280 = arith.select %and3A_2278, %add3A_2279, %rem3A_2270 : i32
      %mul3A_2281 = arith.constant 16 : i32
      %mul3A_2282 = arith.muli %mul3A_2281, %select_n3A_2280 : i32
      "tpu.region"() ({
        %run_scoped3A = tpu.sem_alloc : memref<!tpu.dma_semaphore, #tpu.memory_space<semaphore_mem>>
        %dma_start3A_2283 = tpu.memref_slice %arg16[%mul3A_2282] : memref<64xf32, #tpu.memory_space<vmem_shared>> -> memref<16xf32, #tpu.memory_space<vmem_shared>>
        %dma_start3A_2284 = tpu.memref_slice %arg16[%mul3A_2282] : memref<64xf32, #tpu.memory_space<vmem_shared>> -> memref<16xf32, #tpu.memory_space<vmem_shared>>
        tpu.enqueue_dma source(%arg14 : memref<16xf32, #tpu.memory_space<vmem>>) target(%dma_start3A_2284 : memref<16xf32, #tpu.memory_space<vmem_shared>>) target_semaphore(%run_scoped3A : memref<!tpu.dma_semaphore, #tpu.memory_space<semaphore_mem>>)
        %dma_wait3A_2285 = tpu.memref_slice %arg16[%mul3A_2282] : memref<64xf32, #tpu.memory_space<vmem_shared>> -> memref<16xf32, #tpu.memory_space<vmem_shared>>
        %dma_wait3A_2286 = tpu.memref_slice %arg16[%mul3A_2282] : memref<64xf32, #tpu.memory_space<vmem_shared>> -> memref<16xf32, #tpu.memory_space<vmem_shared>>
        tpu.wait_dma2 semaphore(%run_scoped3A : memref<!tpu.dma_semaphore, #tpu.memory_space<semaphore_mem>>) src(%arg14 : memref<16xf32, #tpu.memory_space<vmem>>) dst(%dma_wait3A_2286 : memref<16xf32, #tpu.memory_space<vmem_shared>>)
        tpu.yield
      }) : () -> ()
    } else {
    }
    %dma_wait3A = arith.constant 0 : i32
    %dma_wait3A_1301 = arith.constant 0 : i32
    %dma_wait3A_1302 = tpu.memref_slice %arg12[%dma_wait3A, %dma_wait3A_1301] : memref<384x85xf32, #tpu.memory_space<vmem>> -> memref<8x85xf32, #tpu.memory_space<vmem>>
    %dma_wait3A_1303 = arith.constant 0 : i32
    %dma_wait3A_1304 = arith.constant 0 : i32
    %dma_wait3A_1305 = tpu.memref_slice %arg2[%squeeze3A, %dma_wait3A_1303, %dma_wait3A_1304] : memref<24576x8x85xf32, #tpu.memory_space<hbm>> -> memref<1x8x85xf32, #tpu.memory_space<hbm>>
    %dma_wait3A_1306 = tpu.memref_squeeze %dma_wait3A_1305 : memref<1x8x85xf32, #tpu.memory_space<hbm>> -> memref<8x85xf32, #tpu.memory_space<hbm>>
    %dma_wait3A_1307 = arith.constant 0 : i32
    %dma_wait3A_1308 = arith.constant 0 : i32
    %dma_wait3A_1309 = tpu.memref_slice %arg12[%dma_wait3A_1307, %dma_wait3A_1308] : memref<384x85xf32, #tpu.memory_space<vmem>> -> memref<8x85xf32, #tpu.memory_space<vmem>>
    %dma_wait3A_1310 = arith.constant 0 : i32
    %dma_wait3A_1311 = arith.constant 0 : i32
    %dma_wait3A_1312 = tpu.memref_slice %arg2[%squeeze3A, %dma_wait3A_1310, %dma_wait3A_1311] : memref<24576x8x85xf32, #tpu.memory_space<hbm>> -> memref<1x8x85xf32, #tpu.memory_space<hbm>>
    %dma_wait3A_1313 = tpu.memref_squeeze %dma_wait3A_1312 : memref<1x8x85xf32, #tpu.memory_space<hbm>> -> memref<8x85xf32, #tpu.memory_space<hbm>>
    tpu.wait_dma2 semaphore(%arg19 : memref<!tpu.dma_semaphore, #tpu.memory_space<semaphore_mem>>) src(%dma_wait3A_1313 : memref<8x85xf32, #tpu.memory_space<hbm>>) dst(%dma_wait3A_1309 : memref<8x85xf32, #tpu.memory_space<vmem>>)
    %dma_wait3A_1314 = arith.constant 8 : i32
    %dma_wait3A_1315 = arith.constant 0 : i32
    %dma_wait3A_1316 = tpu.memref_slice %arg12[%dma_wait3A_1314, %dma_wait3A_1315] : memref<384x85xf32, #tpu.memory_space<vmem>> -> memref<8x85xf32, #tpu.memory_space<vmem>>
    %dma_wait3A_1317 = arith.constant 0 : i32
    %dma_wait3A_1318 = arith.constant 0 : i32
    %dma_wait3A_1319 = tpu.memref_slice %arg2[%squeeze3A_406, %dma_wait3A_1317, %dma_wait3A_1318] : memref<24576x8x85xf32, #tpu.memory_space<hbm>> -> memref<1x8x85xf32, #tpu.memory_space<hbm>>
    %dma_wait3A_1320 = tpu.memref_squeeze %dma_wait3A_1319 : memref<1x8x85xf32, #tpu.memory_space<hbm>> -> memref<8x85xf32, #tpu.memory_space<hbm>>
    %dma_wait3A_1321 = arith.constant 8 : i32
    %dma_wait3A_1322 = arith.constant 0 : i32
    %dma_wait3A_1323 = tpu.memref_slice %arg12[%dma_wait3A_1321, %dma_wait3A_1322] : memref<384x85xf32, #tpu.memory_space<vmem>> -> memref<8x85xf32, #tpu.memory_space<vmem>>
    %dma_wait3A_1324 = arith.constant 0 : i32
    %dma_wait3A_1325 = arith.constant 0 : i32
    %dma_wait3A_1326 = tpu.memref_slice %arg2[%squeeze3A_406, %dma_wait3A_1324, %dma_wait3A_1325] : memref<24576x8x85xf32, #tpu.memory_space<hbm>> -> memref<1x8x85xf32, #tpu.memory_space<hbm>>
    %dma_wait3A_1327 = tpu.memref_squeeze %dma_wait3A_1326 : memref<1x8x85xf32, #tpu.memory_space<hbm>> -> memref<8x85xf32, #tpu.memory_space<hbm>>
    tpu.wait_dma2 semaphore(%arg19 : memref<!tpu.dma_semaphore, #tpu.memory_space<semaphore_mem>>) src(%dma_wait3A_1327 : memref<8x85xf32, #tpu.memory_space<hbm>>) dst(%dma_wait3A_1323 : memref<8x85xf32, #tpu.memory_space<vmem>>)
    %dma_wait3A_1328 = arith.constant 16 : i32
    %dma_wait3A_1329 = arith.constant 0 : i32
    %dma_wait3A_1330 = tpu.memref_slice %arg12[%dma_wait3A_1328, %dma_wait3A_1329] : memref<384x85xf32, #tpu.memory_space<vmem>> -> memref<8x85xf32, #tpu.memory_space<vmem>>
    %dma_wait3A_1331 = arith.constant 0 : i32
    %dma_wait3A_1332 = arith.constant 0 : i32
    %dma_wait3A_1333 = tpu.memref_slice %arg2[%squeeze3A_422, %dma_wait3A_1331, %dma_wait3A_1332] : memref<24576x8x85xf32, #tpu.memory_space<hbm>> -> memref<1x8x85xf32, #tpu.memory_space<hbm>>
    %dma_wait3A_1334 = tpu.memref_squeeze %dma_wait3A_1333 : memref<1x8x85xf32, #tpu.memory_space<hbm>> -> memref<8x85xf32, #tpu.memory_space<hbm>>
    %dma_wait3A_1335 = arith.constant 16 : i32
    %dma_wait3A_1336 = arith.constant 0 : i32
    %dma_wait3A_1337 = tpu.memref_slice %arg12[%dma_wait3A_1335, %dma_wait3A_1336] : memref<384x85xf32, #tpu.memory_space<vmem>> -> memref<8x85xf32, #tpu.memory_space<vmem>>
    %dma_wait3A_1338 = arith.constant 0 : i32
    %dma_wait3A_1339 = arith.constant 0 : i32
    %dma_wait3A_1340 = tpu.memref_slice %arg2[%squeeze3A_422, %dma_wait3A_1338, %dma_wait3A_1339] : memref<24576x8x85xf32, #tpu.memory_space<hbm>> -> memref<1x8x85xf32, #tpu.memory_space<hbm>>
    %dma_wait3A_1341 = tpu.memref_squeeze %dma_wait3A_1340 : memref<1x8x85xf32, #tpu.memory_space<hbm>> -> memref<8x85xf32, #tpu.memory_space<hbm>>
    tpu.wait_dma2 semaphore(%arg19 : memref<!tpu.dma_semaphore, #tpu.memory_space<semaphore_mem>>) src(%dma_wait3A_1341 : memref<8x85xf32, #tpu.memory_space<hbm>>) dst(%dma_wait3A_1337 : memref<8x85xf32, #tpu.memory_space<vmem>>)
    %dma_wait3A_1342 = arith.constant 24 : i32
    %dma_wait3A_1343 = arith.constant 0 : i32
    %dma_wait3A_1344 = tpu.memref_slice %arg12[%dma_wait3A_1342, %dma_wait3A_1343] : memref<384x85xf32, #tpu.memory_space<vmem>> -> memref<8x85xf32, #tpu.memory_space<vmem>>
    %dma_wait3A_1345 = arith.constant 0 : i32
    %dma_wait3A_1346 = arith.constant 0 : i32
    %dma_wait3A_1347 = tpu.memref_slice %arg2[%squeeze3A_438, %dma_wait3A_1345, %dma_wait3A_1346] : memref<24576x8x85xf32, #tpu.memory_space<hbm>> -> memref<1x8x85xf32, #tpu.memory_space<hbm>>
    %dma_wait3A_1348 = tpu.memref_squeeze %dma_wait3A_1347 : memref<1x8x85xf32, #tpu.memory_space<hbm>> -> memref<8x85xf32, #tpu.memory_space<hbm>>
    %dma_wait3A_1349 = arith.constant 24 : i32
    %dma_wait3A_1350 = arith.constant 0 : i32
    %dma_wait3A_1351 = tpu.memref_slice %arg12[%dma_wait3A_1349, %dma_wait3A_1350] : memref<384x85xf32, #tpu.memory_space<vmem>> -> memref<8x85xf32, #tpu.memory_space<vmem>>
    %dma_wait3A_1352 = arith.constant 0 : i32
    %dma_wait3A_1353 = arith.constant 0 : i32
    %dma_wait3A_1354 = tpu.memref_slice %arg2[%squeeze3A_438, %dma_wait3A_1352, %dma_wait3A_1353] : memref<24576x8x85xf32, #tpu.memory_space<hbm>> -> memref<1x8x85xf32, #tpu.memory_space<hbm>>
    %dma_wait3A_1355 = tpu.memref_squeeze %dma_wait3A_1354 : memref<1x8x85xf32, #tpu.memory_space<hbm>> -> memref<8x85xf32, #tpu.memory_space<hbm>>
    tpu.wait_dma2 semaphore(%arg19 : memref<!tpu.dma_semaphore, #tpu.memory_space<semaphore_mem>>) src(%dma_wait3A_1355 : memref<8x85xf32, #tpu.memory_space<hbm>>) dst(%dma_wait3A_1351 : memref<8x85xf32, #tpu.memory_space<vmem>>)
    %dma_wait3A_1356 = arith.constant 32 : i32
    %dma_wait3A_1357 = arith.constant 0 : i32
    %dma_wait3A_1358 = tpu.memref_slice %arg12[%dma_wait3A_1356, %dma_wait3A_1357] : memref<384x85xf32, #tpu.memory_space<vmem>> -> memref<8x85xf32, #tpu.memory_space<vmem>>
    %dma_wait3A_1359 = arith.constant 0 : i32
    %dma_wait3A_1360 = arith.constant 0 : i32
    %dma_wait3A_1361 = tpu.memref_slice %arg2[%squeeze3A_454, %dma_wait3A_1359, %dma_wait3A_1360] : memref<24576x8x85xf32, #tpu.memory_space<hbm>> -> memref<1x8x85xf32, #tpu.memory_space<hbm>>
    %dma_wait3A_1362 = tpu.memref_squeeze %dma_wait3A_1361 : memref<1x8x85xf32, #tpu.memory_space<hbm>> -> memref<8x85xf32, #tpu.memory_space<hbm>>
    %dma_wait3A_1363 = arith.constant 32 : i32
    %dma_wait3A_1364 = arith.constant 0 : i32
    %dma_wait3A_1365 = tpu.memref_slice %arg12[%dma_wait3A_1363, %dma_wait3A_1364] : memref<384x85xf32, #tpu.memory_space<vmem>> -> memref<8x85xf32, #tpu.memory_space<vmem>>
    %dma_wait3A_1366 = arith.constant 0 : i32
    %dma_wait3A_1367 = arith.constant 0 : i32
    %dma_wait3A_1368 = tpu.memref_slice %arg2[%squeeze3A_454, %dma_wait3A_1366, %dma_wait3A_1367] : memref<24576x8x85xf32, #tpu.memory_space<hbm>> -> memref<1x8x85xf32, #tpu.memory_space<hbm>>
    %dma_wait3A_1369 = tpu.memref_squeeze %dma_wait3A_1368 : memref<1x8x85xf32, #tpu.memory_space<hbm>> -> memref<8x85xf32, #tpu.memory_space<hbm>>
    tpu.wait_dma2 semaphore(%arg19 : memref<!tpu.dma_semaphore, #tpu.memory_space<semaphore_mem>>) src(%dma_wait3A_1369 : memref<8x85xf32, #tpu.memory_space<hbm>>) dst(%dma_wait3A_1365 : memref<8x85xf32, #tpu.memory_space<vmem>>)
    %dma_wait3A_1370 = arith.constant 40 : i32
    %dma_wait3A_1371 = arith.constant 0 : i32
    %dma_wait3A_1372 = tpu.memref_slice %arg12[%dma_wait3A_1370, %dma_wait3A_1371] : memref<384x85xf32, #tpu.memory_space<vmem>> -> memref<8x85xf32, #tpu.memory_space<vmem>>
    %dma_wait3A_1373 = arith.constant 0 : i32
    %dma_wait3A_1374 = arith.constant 0 : i32
    %dma_wait3A_1375 = tpu.memref_slice %arg2[%squeeze3A_470, %dma_wait3A_1373, %dma_wait3A_1374] : memref<24576x8x85xf32, #tpu.memory_space<hbm>> -> memref<1x8x85xf32, #tpu.memory_space<hbm>>
    %dma_wait3A_1376 = tpu.memref_squeeze %dma_wait3A_1375 : memref<1x8x85xf32, #tpu.memory_space<hbm>> -> memref<8x85xf32, #tpu.memory_space<hbm>>
    %dma_wait3A_1377 = arith.constant 40 : i32
    %dma_wait3A_1378 = arith.constant 0 : i32
    %dma_wait3A_1379 = tpu.memref_slice %arg12[%dma_wait3A_1377, %dma_wait3A_1378] : memref<384x85xf32, #tpu.memory_space<vmem>> -> memref<8x85xf32, #tpu.memory_space<vmem>>
    %dma_wait3A_1380 = arith.constant 0 : i32
    %dma_wait3A_1381 = arith.constant 0 : i32
    %dma_wait3A_1382 = tpu.memref_slice %arg2[%squeeze3A_470, %dma_wait3A_1380, %dma_wait3A_1381] : memref<24576x8x85xf32, #tpu.memory_space<hbm>> -> memref<1x8x85xf32, #tpu.memory_space<hbm>>
    %dma_wait3A_1383 = tpu.memref_squeeze %dma_wait3A_1382 : memref<1x8x85xf32, #tpu.memory_space<hbm>> -> memref<8x85xf32, #tpu.memory_space<hbm>>
    tpu.wait_dma2 semaphore(%arg19 : memref<!tpu.dma_semaphore, #tpu.memory_space<semaphore_mem>>) src(%dma_wait3A_1383 : memref<8x85xf32, #tpu.memory_space<hbm>>) dst(%dma_wait3A_1379 : memref<8x85xf32, #tpu.memory_space<vmem>>)
    %dma_wait3A_1384 = arith.constant 48 : i32
    %dma_wait3A_1385 = arith.constant 0 : i32
    %dma_wait3A_1386 = tpu.memref_slice %arg12[%dma_wait3A_1384, %dma_wait3A_1385] : memref<384x85xf32, #tpu.memory_space<vmem>> -> memref<8x85xf32, #tpu.memory_space<vmem>>
    %dma_wait3A_1387 = arith.constant 0 : i32
    %dma_wait3A_1388 = arith.constant 0 : i32
    %dma_wait3A_1389 = tpu.memref_slice %arg2[%squeeze3A_486, %dma_wait3A_1387, %dma_wait3A_1388] : memref<24576x8x85xf32, #tpu.memory_space<hbm>> -> memref<1x8x85xf32, #tpu.memory_space<hbm>>
    %dma_wait3A_1390 = tpu.memref_squeeze %dma_wait3A_1389 : memref<1x8x85xf32, #tpu.memory_space<hbm>> -> memref<8x85xf32, #tpu.memory_space<hbm>>
    %dma_wait3A_1391 = arith.constant 48 : i32
    %dma_wait3A_1392 = arith.constant 0 : i32
    %dma_wait3A_1393 = tpu.memref_slice %arg12[%dma_wait3A_1391, %dma_wait3A_1392] : memref<384x85xf32, #tpu.memory_space<vmem>> -> memref<8x85xf32, #tpu.memory_space<vmem>>
    %dma_wait3A_1394 = arith.constant 0 : i32
    %dma_wait3A_1395 = arith.constant 0 : i32
    %dma_wait3A_1396 = tpu.memref_slice %arg2[%squeeze3A_486, %dma_wait3A_1394, %dma_wait3A_1395] : memref<24576x8x85xf32, #tpu.memory_space<hbm>> -> memref<1x8x85xf32, #tpu.memory_space<hbm>>
    %dma_wait3A_1397 = tpu.memref_squeeze %dma_wait3A_1396 : memref<1x8x85xf32, #tpu.memory_space<hbm>> -> memref<8x85xf32, #tpu.memory_space<hbm>>
    tpu.wait_dma2 semaphore(%arg19 : memref<!tpu.dma_semaphore, #tpu.memory_space<semaphore_mem>>) src(%dma_wait3A_1397 : memref<8x85xf32, #tpu.memory_space<hbm>>) dst(%dma_wait3A_1393 : memref<8x85xf32, #tpu.memory_space<vmem>>)
    %dma_wait3A_1398 = arith.constant 56 : i32
    %dma_wait3A_1399 = arith.constant 0 : i32
    %dma_wait3A_1400 = tpu.memref_slice %arg12[%dma_wait3A_1398, %dma_wait3A_1399] : memref<384x85xf32, #tpu.memory_space<vmem>> -> memref<8x85xf32, #tpu.memory_space<vmem>>
    %dma_wait3A_1401 = arith.constant 0 : i32
    %dma_wait3A_1402 = arith.constant 0 : i32
    %dma_wait3A_1403 = tpu.memref_slice %arg2[%squeeze3A_502, %dma_wait3A_1401, %dma_wait3A_1402] : memref<24576x8x85xf32, #tpu.memory_space<hbm>> -> memref<1x8x85xf32, #tpu.memory_space<hbm>>
    %dma_wait3A_1404 = tpu.memref_squeeze %dma_wait3A_1403 : memref<1x8x85xf32, #tpu.memory_space<hbm>> -> memref<8x85xf32, #tpu.memory_space<hbm>>
    %dma_wait3A_1405 = arith.constant 56 : i32
    %dma_wait3A_1406 = arith.constant 0 : i32
    %dma_wait3A_1407 = tpu.memref_slice %arg12[%dma_wait3A_1405, %dma_wait3A_1406] : memref<384x85xf32, #tpu.memory_space<vmem>> -> memref<8x85xf32, #tpu.memory_space<vmem>>
    %dma_wait3A_1408 = arith.constant 0 : i32
    %dma_wait3A_1409 = arith.constant 0 : i32
    %dma_wait3A_1410 = tpu.memref_slice %arg2[%squeeze3A_502, %dma_wait3A_1408, %dma_wait3A_1409] : memref<24576x8x85xf32, #tpu.memory_space<hbm>> -> memref<1x8x85xf32, #tpu.memory_space<hbm>>
    %dma_wait3A_1411 = tpu.memref_squeeze %dma_wait3A_1410 : memref<1x8x85xf32, #tpu.memory_space<hbm>> -> memref<8x85xf32, #tpu.memory_space<hbm>>
    tpu.wait_dma2 semaphore(%arg19 : memref<!tpu.dma_semaphore, #tpu.memory_space<semaphore_mem>>) src(%dma_wait3A_1411 : memref<8x85xf32, #tpu.memory_space<hbm>>) dst(%dma_wait3A_1407 : memref<8x85xf32, #tpu.memory_space<vmem>>)
    %dma_wait3A_1412 = arith.constant 64 : i32
    %dma_wait3A_1413 = arith.constant 0 : i32
    %dma_wait3A_1414 = tpu.memref_slice %arg12[%dma_wait3A_1412, %dma_wait3A_1413] : memref<384x85xf32, #tpu.memory_space<vmem>> -> memref<8x85xf32, #tpu.memory_space<vmem>>
    %dma_wait3A_1415 = arith.constant 0 : i32
    %dma_wait3A_1416 = arith.constant 0 : i32
    %dma_wait3A_1417 = tpu.memref_slice %arg2[%squeeze3A_518, %dma_wait3A_1415, %dma_wait3A_1416] : memref<24576x8x85xf32, #tpu.memory_space<hbm>> -> memref<1x8x85xf32, #tpu.memory_space<hbm>>
    %dma_wait3A_1418 = tpu.memref_squeeze %dma_wait3A_1417 : memref<1x8x85xf32, #tpu.memory_space<hbm>> -> memref<8x85xf32, #tpu.memory_space<hbm>>
    %dma_wait3A_1419 = arith.constant 64 : i32
    %dma_wait3A_1420 = arith.constant 0 : i32
    %dma_wait3A_1421 = tpu.memref_slice %arg12[%dma_wait3A_1419, %dma_wait3A_1420] : memref<384x85xf32, #tpu.memory_space<vmem>> -> memref<8x85xf32, #tpu.memory_space<vmem>>
    %dma_wait3A_1422 = arith.constant 0 : i32
    %dma_wait3A_1423 = arith.constant 0 : i32
    %dma_wait3A_1424 = tpu.memref_slice %arg2[%squeeze3A_518, %dma_wait3A_1422, %dma_wait3A_1423] : memref<24576x8x85xf32, #tpu.memory_space<hbm>> -> memref<1x8x85xf32, #tpu.memory_space<hbm>>
    %dma_wait3A_1425 = tpu.memref_squeeze %dma_wait3A_1424 : memref<1x8x85xf32, #tpu.memory_space<hbm>> -> memref<8x85xf32, #tpu.memory_space<hbm>>
    tpu.wait_dma2 semaphore(%arg19 : memref<!tpu.dma_semaphore, #tpu.memory_space<semaphore_mem>>) src(%dma_wait3A_1425 : memref<8x85xf32, #tpu.memory_space<hbm>>) dst(%dma_wait3A_1421 : memref<8x85xf32, #tpu.memory_space<vmem>>)
    %dma_wait3A_1426 = arith.constant 72 : i32
    %dma_wait3A_1427 = arith.constant 0 : i32
    %dma_wait3A_1428 = tpu.memref_slice %arg12[%dma_wait3A_1426, %dma_wait3A_1427] : memref<384x85xf32, #tpu.memory_space<vmem>> -> memref<8x85xf32, #tpu.memory_space<vmem>>
    %dma_wait3A_1429 = arith.constant 0 : i32
    %dma_wait3A_1430 = arith.constant 0 : i32
    %dma_wait3A_1431 = tpu.memref_slice %arg2[%squeeze3A_534, %dma_wait3A_1429, %dma_wait3A_1430] : memref<24576x8x85xf32, #tpu.memory_space<hbm>> -> memref<1x8x85xf32, #tpu.memory_space<hbm>>
    %dma_wait3A_1432 = tpu.memref_squeeze %dma_wait3A_1431 : memref<1x8x85xf32, #tpu.memory_space<hbm>> -> memref<8x85xf32, #tpu.memory_space<hbm>>
    %dma_wait3A_1433 = arith.constant 72 : i32
    %dma_wait3A_1434 = arith.constant 0 : i32
    %dma_wait3A_1435 = tpu.memref_slice %arg12[%dma_wait3A_1433, %dma_wait3A_1434] : memref<384x85xf32, #tpu.memory_space<vmem>> -> memref<8x85xf32, #tpu.memory_space<vmem>>
    %dma_wait3A_1436 = arith.constant 0 : i32
    %dma_wait3A_1437 = arith.constant 0 : i32
    %dma_wait3A_1438 = tpu.memref_slice %arg2[%squeeze3A_534, %dma_wait3A_1436, %dma_wait3A_1437] : memref<24576x8x85xf32, #tpu.memory_space<hbm>> -> memref<1x8x85xf32, #tpu.memory_space<hbm>>
    %dma_wait3A_1439 = tpu.memref_squeeze %dma_wait3A_1438 : memref<1x8x85xf32, #tpu.memory_space<hbm>> -> memref<8x85xf32, #tpu.memory_space<hbm>>
    tpu.wait_dma2 semaphore(%arg19 : memref<!tpu.dma_semaphore, #tpu.memory_space<semaphore_mem>>) src(%dma_wait3A_1439 : memref<8x85xf32, #tpu.memory_space<hbm>>) dst(%dma_wait3A_1435 : memref<8x85xf32, #tpu.memory_space<vmem>>)
    %dma_wait3A_1440 = arith.constant 80 : i32
    %dma_wait3A_1441 = arith.constant 0 : i32
    %dma_wait3A_1442 = tpu.memref_slice %arg12[%dma_wait3A_1440, %dma_wait3A_1441] : memref<384x85xf32, #tpu.memory_space<vmem>> -> memref<8x85xf32, #tpu.memory_space<vmem>>
    %dma_wait3A_1443 = arith.constant 0 : i32
    %dma_wait3A_1444 = arith.constant 0 : i32
    %dma_wait3A_1445 = tpu.memref_slice %arg2[%squeeze3A_550, %dma_wait3A_1443, %dma_wait3A_1444] : memref<24576x8x85xf32, #tpu.memory_space<hbm>> -> memref<1x8x85xf32, #tpu.memory_space<hbm>>
    %dma_wait3A_1446 = tpu.memref_squeeze %dma_wait3A_1445 : memref<1x8x85xf32, #tpu.memory_space<hbm>> -> memref<8x85xf32, #tpu.memory_space<hbm>>
    %dma_wait3A_1447 = arith.constant 80 : i32
    %dma_wait3A_1448 = arith.constant 0 : i32
    %dma_wait3A_1449 = tpu.memref_slice %arg12[%dma_wait3A_1447, %dma_wait3A_1448] : memref<384x85xf32, #tpu.memory_space<vmem>> -> memref<8x85xf32, #tpu.memory_space<vmem>>
    %dma_wait3A_1450 = arith.constant 0 : i32
    %dma_wait3A_1451 = arith.constant 0 : i32
    %dma_wait3A_1452 = tpu.memref_slice %arg2[%squeeze3A_550, %dma_wait3A_1450, %dma_wait3A_1451] : memref<24576x8x85xf32, #tpu.memory_space<hbm>> -> memref<1x8x85xf32, #tpu.memory_space<hbm>>
    %dma_wait3A_1453 = tpu.memref_squeeze %dma_wait3A_1452 : memref<1x8x85xf32, #tpu.memory_space<hbm>> -> memref<8x85xf32, #tpu.memory_space<hbm>>
    tpu.wait_dma2 semaphore(%arg19 : memref<!tpu.dma_semaphore, #tpu.memory_space<semaphore_mem>>) src(%dma_wait3A_1453 : memref<8x85xf32, #tpu.memory_space<hbm>>) dst(%dma_wait3A_1449 : memref<8x85xf32, #tpu.memory_space<vmem>>)
    %dma_wait3A_1454 = arith.constant 88 : i32
    %dma_wait3A_1455 = arith.constant 0 : i32
    %dma_wait3A_1456 = tpu.memref_slice %arg12[%dma_wait3A_1454, %dma_wait3A_1455] : memref<384x85xf32, #tpu.memory_space<vmem>> -> memref<8x85xf32, #tpu.memory_space<vmem>>
    %dma_wait3A_1457 = arith.constant 0 : i32
    %dma_wait3A_1458 = arith.constant 0 : i32
    %dma_wait3A_1459 = tpu.memref_slice %arg2[%squeeze3A_566, %dma_wait3A_1457, %dma_wait3A_1458] : memref<24576x8x85xf32, #tpu.memory_space<hbm>> -> memref<1x8x85xf32, #tpu.memory_space<hbm>>
    %dma_wait3A_1460 = tpu.memref_squeeze %dma_wait3A_1459 : memref<1x8x85xf32, #tpu.memory_space<hbm>> -> memref<8x85xf32, #tpu.memory_space<hbm>>
    %dma_wait3A_1461 = arith.constant 88 : i32
    %dma_wait3A_1462 = arith.constant 0 : i32
    %dma_wait3A_1463 = tpu.memref_slice %arg12[%dma_wait3A_1461, %dma_wait3A_1462] : memref<384x85xf32, #tpu.memory_space<vmem>> -> memref<8x85xf32, #tpu.memory_space<vmem>>
    %dma_wait3A_1464 = arith.constant 0 : i32
    %dma_wait3A_1465 = arith.constant 0 : i32
    %dma_wait3A_1466 = tpu.memref_slice %arg2[%squeeze3A_566, %dma_wait3A_1464, %dma_wait3A_1465] : memref<24576x8x85xf32, #tpu.memory_space<hbm>> -> memref<1x8x85xf32, #tpu.memory_space<hbm>>
    %dma_wait3A_1467 = tpu.memref_squeeze %dma_wait3A_1466 : memref<1x8x85xf32, #tpu.memory_space<hbm>> -> memref<8x85xf32, #tpu.memory_space<hbm>>
    tpu.wait_dma2 semaphore(%arg19 : memref<!tpu.dma_semaphore, #tpu.memory_space<semaphore_mem>>) src(%dma_wait3A_1467 : memref<8x85xf32, #tpu.memory_space<hbm>>) dst(%dma_wait3A_1463 : memref<8x85xf32, #tpu.memory_space<vmem>>)
    %dma_wait3A_1468 = arith.constant 96 : i32
    %dma_wait3A_1469 = arith.constant 0 : i32
    %dma_wait3A_1470 = tpu.memref_slice %arg12[%dma_wait3A_1468, %dma_wait3A_1469] : memref<384x85xf32, #tpu.memory_space<vmem>> -> memref<8x85xf32, #tpu.memory_space<vmem>>
    %dma_wait3A_1471 = arith.constant 0 : i32
    %dma_wait3A_1472 = arith.constant 0 : i32
    %dma_wait3A_1473 = tpu.memref_slice %arg2[%squeeze3A_582, %dma_wait3A_1471, %dma_wait3A_1472] : memref<24576x8x85xf32, #tpu.memory_space<hbm>> -> memref<1x8x85xf32, #tpu.memory_space<hbm>>
    %dma_wait3A_1474 = tpu.memref_squeeze %dma_wait3A_1473 : memref<1x8x85xf32, #tpu.memory_space<hbm>> -> memref<8x85xf32, #tpu.memory_space<hbm>>
    %dma_wait3A_1475 = arith.constant 96 : i32
    %dma_wait3A_1476 = arith.constant 0 : i32
    %dma_wait3A_1477 = tpu.memref_slice %arg12[%dma_wait3A_1475, %dma_wait3A_1476] : memref<384x85xf32, #tpu.memory_space<vmem>> -> memref<8x85xf32, #tpu.memory_space<vmem>>
    %dma_wait3A_1478 = arith.constant 0 : i32
    %dma_wait3A_1479 = arith.constant 0 : i32
    %dma_wait3A_1480 = tpu.memref_slice %arg2[%squeeze3A_582, %dma_wait3A_1478, %dma_wait3A_1479] : memref<24576x8x85xf32, #tpu.memory_space<hbm>> -> memref<1x8x85xf32, #tpu.memory_space<hbm>>
    %dma_wait3A_1481 = tpu.memref_squeeze %dma_wait3A_1480 : memref<1x8x85xf32, #tpu.memory_space<hbm>> -> memref<8x85xf32, #tpu.memory_space<hbm>>
    tpu.wait_dma2 semaphore(%arg19 : memref<!tpu.dma_semaphore, #tpu.memory_space<semaphore_mem>>) src(%dma_wait3A_1481 : memref<8x85xf32, #tpu.memory_space<hbm>>) dst(%dma_wait3A_1477 : memref<8x85xf32, #tpu.memory_space<vmem>>)
    %dma_wait3A_1482 = arith.constant 104 : i32
    %dma_wait3A_1483 = arith.constant 0 : i32
    %dma_wait3A_1484 = tpu.memref_slice %arg12[%dma_wait3A_1482, %dma_wait3A_1483] : memref<384x85xf32, #tpu.memory_space<vmem>> -> memref<8x85xf32, #tpu.memory_space<vmem>>
    %dma_wait3A_1485 = arith.constant 0 : i32
    %dma_wait3A_1486 = arith.constant 0 : i32
    %dma_wait3A_1487 = tpu.memref_slice %arg2[%squeeze3A_598, %dma_wait3A_1485, %dma_wait3A_1486] : memref<24576x8x85xf32, #tpu.memory_space<hbm>> -> memref<1x8x85xf32, #tpu.memory_space<hbm>>
    %dma_wait3A_1488 = tpu.memref_squeeze %dma_wait3A_1487 : memref<1x8x85xf32, #tpu.memory_space<hbm>> -> memref<8x85xf32, #tpu.memory_space<hbm>>
    %dma_wait3A_1489 = arith.constant 104 : i32
    %dma_wait3A_1490 = arith.constant 0 : i32
    %dma_wait3A_1491 = tpu.memref_slice %arg12[%dma_wait3A_1489, %dma_wait3A_1490] : memref<384x85xf32, #tpu.memory_space<vmem>> -> memref<8x85xf32, #tpu.memory_space<vmem>>
    %dma_wait3A_1492 = arith.constant 0 : i32
    %dma_wait3A_1493 = arith.constant 0 : i32
    %dma_wait3A_1494 = tpu.memref_slice %arg2[%squeeze3A_598, %dma_wait3A_1492, %dma_wait3A_1493] : memref<24576x8x85xf32, #tpu.memory_space<hbm>> -> memref<1x8x85xf32, #tpu.memory_space<hbm>>
    %dma_wait3A_1495 = tpu.memref_squeeze %dma_wait3A_1494 : memref<1x8x85xf32, #tpu.memory_space<hbm>> -> memref<8x85xf32, #tpu.memory_space<hbm>>
    tpu.wait_dma2 semaphore(%arg19 : memref<!tpu.dma_semaphore, #tpu.memory_space<semaphore_mem>>) src(%dma_wait3A_1495 : memref<8x85xf32, #tpu.memory_space<hbm>>) dst(%dma_wait3A_1491 : memref<8x85xf32, #tpu.memory_space<vmem>>)
    %dma_wait3A_1496 = arith.constant 112 : i32
    %dma_wait3A_1497 = arith.constant 0 : i32
    %dma_wait3A_1498 = tpu.memref_slice %arg12[%dma_wait3A_1496, %dma_wait3A_1497] : memref<384x85xf32, #tpu.memory_space<vmem>> -> memref<8x85xf32, #tpu.memory_space<vmem>>
    %dma_wait3A_1499 = arith.constant 0 : i32
    %dma_wait3A_1500 = arith.constant 0 : i32
    %dma_wait3A_1501 = tpu.memref_slice %arg2[%squeeze3A_614, %dma_wait3A_1499, %dma_wait3A_1500] : memref<24576x8x85xf32, #tpu.memory_space<hbm>> -> memref<1x8x85xf32, #tpu.memory_space<hbm>>
    %dma_wait3A_1502 = tpu.memref_squeeze %dma_wait3A_1501 : memref<1x8x85xf32, #tpu.memory_space<hbm>> -> memref<8x85xf32, #tpu.memory_space<hbm>>
    %dma_wait3A_1503 = arith.constant 112 : i32
    %dma_wait3A_1504 = arith.constant 0 : i32
    %dma_wait3A_1505 = tpu.memref_slice %arg12[%dma_wait3A_1503, %dma_wait3A_1504] : memref<384x85xf32, #tpu.memory_space<vmem>> -> memref<8x85xf32, #tpu.memory_space<vmem>>
    %dma_wait3A_1506 = arith.constant 0 : i32
    %dma_wait3A_1507 = arith.constant 0 : i32
    %dma_wait3A_1508 = tpu.memref_slice %arg2[%squeeze3A_614, %dma_wait3A_1506, %dma_wait3A_1507] : memref<24576x8x85xf32, #tpu.memory_space<hbm>> -> memref<1x8x85xf32, #tpu.memory_space<hbm>>
    %dma_wait3A_1509 = tpu.memref_squeeze %dma_wait3A_1508 : memref<1x8x85xf32, #tpu.memory_space<hbm>> -> memref<8x85xf32, #tpu.memory_space<hbm>>
    tpu.wait_dma2 semaphore(%arg19 : memref<!tpu.dma_semaphore, #tpu.memory_space<semaphore_mem>>) src(%dma_wait3A_1509 : memref<8x85xf32, #tpu.memory_space<hbm>>) dst(%dma_wait3A_1505 : memref<8x85xf32, #tpu.memory_space<vmem>>)
    %dma_wait3A_1510 = arith.constant 120 : i32
    %dma_wait3A_1511 = arith.constant 0 : i32
    %dma_wait3A_1512 = tpu.memref_slice %arg12[%dma_wait3A_1510, %dma_wait3A_1511] : memref<384x85xf32, #tpu.memory_space<vmem>> -> memref<8x85xf32, #tpu.memory_space<vmem>>
    %dma_wait3A_1513 = arith.constant 0 : i32
    %dma_wait3A_1514 = arith.constant 0 : i32
    %dma_wait3A_1515 = tpu.memref_slice %arg2[%squeeze3A_630, %dma_wait3A_1513, %dma_wait3A_1514] : memref<24576x8x85xf32, #tpu.memory_space<hbm>> -> memref<1x8x85xf32, #tpu.memory_space<hbm>>
    %dma_wait3A_1516 = tpu.memref_squeeze %dma_wait3A_1515 : memref<1x8x85xf32, #tpu.memory_space<hbm>> -> memref<8x85xf32, #tpu.memory_space<hbm>>
    %dma_wait3A_1517 = arith.constant 120 : i32
    %dma_wait3A_1518 = arith.constant 0 : i32
    %dma_wait3A_1519 = tpu.memref_slice %arg12[%dma_wait3A_1517, %dma_wait3A_1518] : memref<384x85xf32, #tpu.memory_space<vmem>> -> memref<8x85xf32, #tpu.memory_space<vmem>>
    %dma_wait3A_1520 = arith.constant 0 : i32
    %dma_wait3A_1521 = arith.constant 0 : i32
    %dma_wait3A_1522 = tpu.memref_slice %arg2[%squeeze3A_630, %dma_wait3A_1520, %dma_wait3A_1521] : memref<24576x8x85xf32, #tpu.memory_space<hbm>> -> memref<1x8x85xf32, #tpu.memory_space<hbm>>
    %dma_wait3A_1523 = tpu.memref_squeeze %dma_wait3A_1522 : memref<1x8x85xf32, #tpu.memory_space<hbm>> -> memref<8x85xf32, #tpu.memory_space<hbm>>
    tpu.wait_dma2 semaphore(%arg19 : memref<!tpu.dma_semaphore, #tpu.memory_space<semaphore_mem>>) src(%dma_wait3A_1523 : memref<8x85xf32, #tpu.memory_space<hbm>>) dst(%dma_wait3A_1519 : memref<8x85xf32, #tpu.memory_space<vmem>>)
    %dma_wait3A_1524 = arith.constant 128 : i32
    %dma_wait3A_1525 = arith.constant 0 : i32
    %dma_wait3A_1526 = tpu.memref_slice %arg12[%dma_wait3A_1524, %dma_wait3A_1525] : memref<384x85xf32, #tpu.memory_space<vmem>> -> memref<8x85xf32, #tpu.memory_space<vmem>>
    %dma_wait3A_1527 = arith.constant 0 : i32
    %dma_wait3A_1528 = arith.constant 0 : i32
    %dma_wait3A_1529 = tpu.memref_slice %arg2[%squeeze3A_676, %dma_wait3A_1527, %dma_wait3A_1528] : memref<24576x8x85xf32, #tpu.memory_space<hbm>> -> memref<1x8x85xf32, #tpu.memory_space<hbm>>
    %dma_wait3A_1530 = tpu.memref_squeeze %dma_wait3A_1529 : memref<1x8x85xf32, #tpu.memory_space<hbm>> -> memref<8x85xf32, #tpu.memory_space<hbm>>
    %dma_wait3A_1531 = arith.constant 128 : i32
    %dma_wait3A_1532 = arith.constant 0 : i32
    %dma_wait3A_1533 = tpu.memref_slice %arg12[%dma_wait3A_1531, %dma_wait3A_1532] : memref<384x85xf32, #tpu.memory_space<vmem>> -> memref<8x85xf32, #tpu.memory_space<vmem>>
    %dma_wait3A_1534 = arith.constant 0 : i32
    %dma_wait3A_1535 = arith.constant 0 : i32
    %dma_wait3A_1536 = tpu.memref_slice %arg2[%squeeze3A_676, %dma_wait3A_1534, %dma_wait3A_1535] : memref<24576x8x85xf32, #tpu.memory_space<hbm>> -> memref<1x8x85xf32, #tpu.memory_space<hbm>>
    %dma_wait3A_1537 = tpu.memref_squeeze %dma_wait3A_1536 : memref<1x8x85xf32, #tpu.memory_space<hbm>> -> memref<8x85xf32, #tpu.memory_space<hbm>>
    tpu.wait_dma2 semaphore(%arg19 : memref<!tpu.dma_semaphore, #tpu.memory_space<semaphore_mem>>) src(%dma_wait3A_1537 : memref<8x85xf32, #tpu.memory_space<hbm>>) dst(%dma_wait3A_1533 : memref<8x85xf32, #tpu.memory_space<vmem>>)
    %dma_wait3A_1538 = arith.constant 136 : i32
    %dma_wait3A_1539 = arith.constant 0 : i32
    %dma_wait3A_1540 = tpu.memref_slice %arg12[%dma_wait3A_1538, %dma_wait3A_1539] : memref<384x85xf32, #tpu.memory_space<vmem>> -> memref<8x85xf32, #tpu.memory_space<vmem>>
    %dma_wait3A_1541 = arith.constant 0 : i32
    %dma_wait3A_1542 = arith.constant 0 : i32
    %dma_wait3A_1543 = tpu.memref_slice %arg2[%squeeze3A_692, %dma_wait3A_1541, %dma_wait3A_1542] : memref<24576x8x85xf32, #tpu.memory_space<hbm>> -> memref<1x8x85xf32, #tpu.memory_space<hbm>>
    %dma_wait3A_1544 = tpu.memref_squeeze %dma_wait3A_1543 : memref<1x8x85xf32, #tpu.memory_space<hbm>> -> memref<8x85xf32, #tpu.memory_space<hbm>>
    %dma_wait3A_1545 = arith.constant 136 : i32
    %dma_wait3A_1546 = arith.constant 0 : i32
    %dma_wait3A_1547 = tpu.memref_slice %arg12[%dma_wait3A_1545, %dma_wait3A_1546] : memref<384x85xf32, #tpu.memory_space<vmem>> -> memref<8x85xf32, #tpu.memory_space<vmem>>
    %dma_wait3A_1548 = arith.constant 0 : i32
    %dma_wait3A_1549 = arith.constant 0 : i32
    %dma_wait3A_1550 = tpu.memref_slice %arg2[%squeeze3A_692, %dma_wait3A_1548, %dma_wait3A_1549] : memref<24576x8x85xf32, #tpu.memory_space<hbm>> -> memref<1x8x85xf32, #tpu.memory_space<hbm>>
    %dma_wait3A_1551 = tpu.memref_squeeze %dma_wait3A_1550 : memref<1x8x85xf32, #tpu.memory_space<hbm>> -> memref<8x85xf32, #tpu.memory_space<hbm>>
    tpu.wait_dma2 semaphore(%arg19 : memref<!tpu.dma_semaphore, #tpu.memory_space<semaphore_mem>>) src(%dma_wait3A_1551 : memref<8x85xf32, #tpu.memory_space<hbm>>) dst(%dma_wait3A_1547 : memref<8x85xf32, #tpu.memory_space<vmem>>)
    %dma_wait3A_1552 = arith.constant 144 : i32
    %dma_wait3A_1553 = arith.constant 0 : i32
    %dma_wait3A_1554 = tpu.memref_slice %arg12[%dma_wait3A_1552, %dma_wait3A_1553] : memref<384x85xf32, #tpu.memory_space<vmem>> -> memref<8x85xf32, #tpu.memory_space<vmem>>
    %dma_wait3A_1555 = arith.constant 0 : i32
    %dma_wait3A_1556 = arith.constant 0 : i32
    %dma_wait3A_1557 = tpu.memref_slice %arg2[%squeeze3A_708, %dma_wait3A_1555, %dma_wait3A_1556] : memref<24576x8x85xf32, #tpu.memory_space<hbm>> -> memref<1x8x85xf32, #tpu.memory_space<hbm>>
    %dma_wait3A_1558 = tpu.memref_squeeze %dma_wait3A_1557 : memref<1x8x85xf32, #tpu.memory_space<hbm>> -> memref<8x85xf32, #tpu.memory_space<hbm>>
    %dma_wait3A_1559 = arith.constant 144 : i32
    %dma_wait3A_1560 = arith.constant 0 : i32
    %dma_wait3A_1561 = tpu.memref_slice %arg12[%dma_wait3A_1559, %dma_wait3A_1560] : memref<384x85xf32, #tpu.memory_space<vmem>> -> memref<8x85xf32, #tpu.memory_space<vmem>>
    %dma_wait3A_1562 = arith.constant 0 : i32
    %dma_wait3A_1563 = arith.constant 0 : i32
    %dma_wait3A_1564 = tpu.memref_slice %arg2[%squeeze3A_708, %dma_wait3A_1562, %dma_wait3A_1563] : memref<24576x8x85xf32, #tpu.memory_space<hbm>> -> memref<1x8x85xf32, #tpu.memory_space<hbm>>
    %dma_wait3A_1565 = tpu.memref_squeeze %dma_wait3A_1564 : memref<1x8x85xf32, #tpu.memory_space<hbm>> -> memref<8x85xf32, #tpu.memory_space<hbm>>
    tpu.wait_dma2 semaphore(%arg19 : memref<!tpu.dma_semaphore, #tpu.memory_space<semaphore_mem>>) src(%dma_wait3A_1565 : memref<8x85xf32, #tpu.memory_space<hbm>>) dst(%dma_wait3A_1561 : memref<8x85xf32, #tpu.memory_space<vmem>>)
    %dma_wait3A_1566 = arith.constant 152 : i32
    %dma_wait3A_1567 = arith.constant 0 : i32
    %dma_wait3A_1568 = tpu.memref_slice %arg12[%dma_wait3A_1566, %dma_wait3A_1567] : memref<384x85xf32, #tpu.memory_space<vmem>> -> memref<8x85xf32, #tpu.memory_space<vmem>>
    %dma_wait3A_1569 = arith.constant 0 : i32
    %dma_wait3A_1570 = arith.constant 0 : i32
    %dma_wait3A_1571 = tpu.memref_slice %arg2[%squeeze3A_724, %dma_wait3A_1569, %dma_wait3A_1570] : memref<24576x8x85xf32, #tpu.memory_space<hbm>> -> memref<1x8x85xf32, #tpu.memory_space<hbm>>
    %dma_wait3A_1572 = tpu.memref_squeeze %dma_wait3A_1571 : memref<1x8x85xf32, #tpu.memory_space<hbm>> -> memref<8x85xf32, #tpu.memory_space<hbm>>
    %dma_wait3A_1573 = arith.constant 152 : i32
    %dma_wait3A_1574 = arith.constant 0 : i32
    %dma_wait3A_1575 = tpu.memref_slice %arg12[%dma_wait3A_1573, %dma_wait3A_1574] : memref<384x85xf32, #tpu.memory_space<vmem>> -> memref<8x85xf32, #tpu.memory_space<vmem>>
    %dma_wait3A_1576 = arith.constant 0 : i32
    %dma_wait3A_1577 = arith.constant 0 : i32
    %dma_wait3A_1578 = tpu.memref_slice %arg2[%squeeze3A_724, %dma_wait3A_1576, %dma_wait3A_1577] : memref<24576x8x85xf32, #tpu.memory_space<hbm>> -> memref<1x8x85xf32, #tpu.memory_space<hbm>>
    %dma_wait3A_1579 = tpu.memref_squeeze %dma_wait3A_1578 : memref<1x8x85xf32, #tpu.memory_space<hbm>> -> memref<8x85xf32, #tpu.memory_space<hbm>>
    tpu.wait_dma2 semaphore(%arg19 : memref<!tpu.dma_semaphore, #tpu.memory_space<semaphore_mem>>) src(%dma_wait3A_1579 : memref<8x85xf32, #tpu.memory_space<hbm>>) dst(%dma_wait3A_1575 : memref<8x85xf32, #tpu.memory_space<vmem>>)
    %dma_wait3A_1580 = arith.constant 160 : i32
    %dma_wait3A_1581 = arith.constant 0 : i32
    %dma_wait3A_1582 = tpu.memref_slice %arg12[%dma_wait3A_1580, %dma_wait3A_1581] : memref<384x85xf32, #tpu.memory_space<vmem>> -> memref<8x85xf32, #tpu.memory_space<vmem>>
    %dma_wait3A_1583 = arith.constant 0 : i32
    %dma_wait3A_1584 = arith.constant 0 : i32
    %dma_wait3A_1585 = tpu.memref_slice %arg2[%squeeze3A_740, %dma_wait3A_1583, %dma_wait3A_1584] : memref<24576x8x85xf32, #tpu.memory_space<hbm>> -> memref<1x8x85xf32, #tpu.memory_space<hbm>>
    %dma_wait3A_1586 = tpu.memref_squeeze %dma_wait3A_1585 : memref<1x8x85xf32, #tpu.memory_space<hbm>> -> memref<8x85xf32, #tpu.memory_space<hbm>>
    %dma_wait3A_1587 = arith.constant 160 : i32
    %dma_wait3A_1588 = arith.constant 0 : i32
    %dma_wait3A_1589 = tpu.memref_slice %arg12[%dma_wait3A_1587, %dma_wait3A_1588] : memref<384x85xf32, #tpu.memory_space<vmem>> -> memref<8x85xf32, #tpu.memory_space<vmem>>
    %dma_wait3A_1590 = arith.constant 0 : i32
    %dma_wait3A_1591 = arith.constant 0 : i32
    %dma_wait3A_1592 = tpu.memref_slice %arg2[%squeeze3A_740, %dma_wait3A_1590, %dma_wait3A_1591] : memref<24576x8x85xf32, #tpu.memory_space<hbm>> -> memref<1x8x85xf32, #tpu.memory_space<hbm>>
    %dma_wait3A_1593 = tpu.memref_squeeze %dma_wait3A_1592 : memref<1x8x85xf32, #tpu.memory_space<hbm>> -> memref<8x85xf32, #tpu.memory_space<hbm>>
    tpu.wait_dma2 semaphore(%arg19 : memref<!tpu.dma_semaphore, #tpu.memory_space<semaphore_mem>>) src(%dma_wait3A_1593 : memref<8x85xf32, #tpu.memory_space<hbm>>) dst(%dma_wait3A_1589 : memref<8x85xf32, #tpu.memory_space<vmem>>)
    %dma_wait3A_1594 = arith.constant 168 : i32
    %dma_wait3A_1595 = arith.constant 0 : i32
    %dma_wait3A_1596 = tpu.memref_slice %arg12[%dma_wait3A_1594, %dma_wait3A_1595] : memref<384x85xf32, #tpu.memory_space<vmem>> -> memref<8x85xf32, #tpu.memory_space<vmem>>
    %dma_wait3A_1597 = arith.constant 0 : i32
    %dma_wait3A_1598 = arith.constant 0 : i32
    %dma_wait3A_1599 = tpu.memref_slice %arg2[%squeeze3A_756, %dma_wait3A_1597, %dma_wait3A_1598] : memref<24576x8x85xf32, #tpu.memory_space<hbm>> -> memref<1x8x85xf32, #tpu.memory_space<hbm>>
    %dma_wait3A_1600 = tpu.memref_squeeze %dma_wait3A_1599 : memref<1x8x85xf32, #tpu.memory_space<hbm>> -> memref<8x85xf32, #tpu.memory_space<hbm>>
    %dma_wait3A_1601 = arith.constant 168 : i32
    %dma_wait3A_1602 = arith.constant 0 : i32
    %dma_wait3A_1603 = tpu.memref_slice %arg12[%dma_wait3A_1601, %dma_wait3A_1602] : memref<384x85xf32, #tpu.memory_space<vmem>> -> memref<8x85xf32, #tpu.memory_space<vmem>>
    %dma_wait3A_1604 = arith.constant 0 : i32
    %dma_wait3A_1605 = arith.constant 0 : i32
    %dma_wait3A_1606 = tpu.memref_slice %arg2[%squeeze3A_756, %dma_wait3A_1604, %dma_wait3A_1605] : memref<24576x8x85xf32, #tpu.memory_space<hbm>> -> memref<1x8x85xf32, #tpu.memory_space<hbm>>
    %dma_wait3A_1607 = tpu.memref_squeeze %dma_wait3A_1606 : memref<1x8x85xf32, #tpu.memory_space<hbm>> -> memref<8x85xf32, #tpu.memory_space<hbm>>
    tpu.wait_dma2 semaphore(%arg19 : memref<!tpu.dma_semaphore, #tpu.memory_space<semaphore_mem>>) src(%dma_wait3A_1607 : memref<8x85xf32, #tpu.memory_space<hbm>>) dst(%dma_wait3A_1603 : memref<8x85xf32, #tpu.memory_space<vmem>>)
    %dma_wait3A_1608 = arith.constant 176 : i32
    %dma_wait3A_1609 = arith.constant 0 : i32
    %dma_wait3A_1610 = tpu.memref_slice %arg12[%dma_wait3A_1608, %dma_wait3A_1609] : memref<384x85xf32, #tpu.memory_space<vmem>> -> memref<8x85xf32, #tpu.memory_space<vmem>>
    %dma_wait3A_1611 = arith.constant 0 : i32
    %dma_wait3A_1612 = arith.constant 0 : i32
    %dma_wait3A_1613 = tpu.memref_slice %arg2[%squeeze3A_772, %dma_wait3A_1611, %dma_wait3A_1612] : memref<24576x8x85xf32, #tpu.memory_space<hbm>> -> memref<1x8x85xf32, #tpu.memory_space<hbm>>
    %dma_wait3A_1614 = tpu.memref_squeeze %dma_wait3A_1613 : memref<1x8x85xf32, #tpu.memory_space<hbm>> -> memref<8x85xf32, #tpu.memory_space<hbm>>
    %dma_wait3A_1615 = arith.constant 176 : i32
    %dma_wait3A_1616 = arith.constant 0 : i32
    %dma_wait3A_1617 = tpu.memref_slice %arg12[%dma_wait3A_1615, %dma_wait3A_1616] : memref<384x85xf32, #tpu.memory_space<vmem>> -> memref<8x85xf32, #tpu.memory_space<vmem>>
    %dma_wait3A_1618 = arith.constant 0 : i32
    %dma_wait3A_1619 = arith.constant 0 : i32
    %dma_wait3A_1620 = tpu.memref_slice %arg2[%squeeze3A_772, %dma_wait3A_1618, %dma_wait3A_1619] : memref<24576x8x85xf32, #tpu.memory_space<hbm>> -> memref<1x8x85xf32, #tpu.memory_space<hbm>>
    %dma_wait3A_1621 = tpu.memref_squeeze %dma_wait3A_1620 : memref<1x8x85xf32, #tpu.memory_space<hbm>> -> memref<8x85xf32, #tpu.memory_space<hbm>>
    tpu.wait_dma2 semaphore(%arg19 : memref<!tpu.dma_semaphore, #tpu.memory_space<semaphore_mem>>) src(%dma_wait3A_1621 : memref<8x85xf32, #tpu.memory_space<hbm>>) dst(%dma_wait3A_1617 : memref<8x85xf32, #tpu.memory_space<vmem>>)
    %dma_wait3A_1622 = arith.constant 184 : i32
    %dma_wait3A_1623 = arith.constant 0 : i32
    %dma_wait3A_1624 = tpu.memref_slice %arg12[%dma_wait3A_1622, %dma_wait3A_1623] : memref<384x85xf32, #tpu.memory_space<vmem>> -> memref<8x85xf32, #tpu.memory_space<vmem>>
    %dma_wait3A_1625 = arith.constant 0 : i32
    %dma_wait3A_1626 = arith.constant 0 : i32
    %dma_wait3A_1627 = tpu.memref_slice %arg2[%squeeze3A_788, %dma_wait3A_1625, %dma_wait3A_1626] : memref<24576x8x85xf32, #tpu.memory_space<hbm>> -> memref<1x8x85xf32, #tpu.memory_space<hbm>>
    %dma_wait3A_1628 = tpu.memref_squeeze %dma_wait3A_1627 : memref<1x8x85xf32, #tpu.memory_space<hbm>> -> memref<8x85xf32, #tpu.memory_space<hbm>>
    %dma_wait3A_1629 = arith.constant 184 : i32
    %dma_wait3A_1630 = arith.constant 0 : i32
    %dma_wait3A_1631 = tpu.memref_slice %arg12[%dma_wait3A_1629, %dma_wait3A_1630] : memref<384x85xf32, #tpu.memory_space<vmem>> -> memref<8x85xf32, #tpu.memory_space<vmem>>
    %dma_wait3A_1632 = arith.constant 0 : i32
    %dma_wait3A_1633 = arith.constant 0 : i32
    %dma_wait3A_1634 = tpu.memref_slice %arg2[%squeeze3A_788, %dma_wait3A_1632, %dma_wait3A_1633] : memref<24576x8x85xf32, #tpu.memory_space<hbm>> -> memref<1x8x85xf32, #tpu.memory_space<hbm>>
    %dma_wait3A_1635 = tpu.memref_squeeze %dma_wait3A_1634 : memref<1x8x85xf32, #tpu.memory_space<hbm>> -> memref<8x85xf32, #tpu.memory_space<hbm>>
    tpu.wait_dma2 semaphore(%arg19 : memref<!tpu.dma_semaphore, #tpu.memory_space<semaphore_mem>>) src(%dma_wait3A_1635 : memref<8x85xf32, #tpu.memory_space<hbm>>) dst(%dma_wait3A_1631 : memref<8x85xf32, #tpu.memory_space<vmem>>)
    %dma_wait3A_1636 = arith.constant 192 : i32
    %dma_wait3A_1637 = arith.constant 0 : i32
    %dma_wait3A_1638 = tpu.memref_slice %arg12[%dma_wait3A_1636, %dma_wait3A_1637] : memref<384x85xf32, #tpu.memory_space<vmem>> -> memref<8x85xf32, #tpu.memory_space<vmem>>
    %dma_wait3A_1639 = arith.constant 0 : i32
    %dma_wait3A_1640 = arith.constant 0 : i32
    %dma_wait3A_1641 = tpu.memref_slice %arg2[%squeeze3A_804, %dma_wait3A_1639, %dma_wait3A_1640] : memref<24576x8x85xf32, #tpu.memory_space<hbm>> -> memref<1x8x85xf32, #tpu.memory_space<hbm>>
    %dma_wait3A_1642 = tpu.memref_squeeze %dma_wait3A_1641 : memref<1x8x85xf32, #tpu.memory_space<hbm>> -> memref<8x85xf32, #tpu.memory_space<hbm>>
    %dma_wait3A_1643 = arith.constant 192 : i32
    %dma_wait3A_1644 = arith.constant 0 : i32
    %dma_wait3A_1645 = tpu.memref_slice %arg12[%dma_wait3A_1643, %dma_wait3A_1644] : memref<384x85xf32, #tpu.memory_space<vmem>> -> memref<8x85xf32, #tpu.memory_space<vmem>>
    %dma_wait3A_1646 = arith.constant 0 : i32
    %dma_wait3A_1647 = arith.constant 0 : i32
    %dma_wait3A_1648 = tpu.memref_slice %arg2[%squeeze3A_804, %dma_wait3A_1646, %dma_wait3A_1647] : memref<24576x8x85xf32, #tpu.memory_space<hbm>> -> memref<1x8x85xf32, #tpu.memory_space<hbm>>
    %dma_wait3A_1649 = tpu.memref_squeeze %dma_wait3A_1648 : memref<1x8x85xf32, #tpu.memory_space<hbm>> -> memref<8x85xf32, #tpu.memory_space<hbm>>
    tpu.wait_dma2 semaphore(%arg19 : memref<!tpu.dma_semaphore, #tpu.memory_space<semaphore_mem>>) src(%dma_wait3A_1649 : memref<8x85xf32, #tpu.memory_space<hbm>>) dst(%dma_wait3A_1645 : memref<8x85xf32, #tpu.memory_space<vmem>>)
    %dma_wait3A_1650 = arith.constant 200 : i32
    %dma_wait3A_1651 = arith.constant 0 : i32
    %dma_wait3A_1652 = tpu.memref_slice %arg12[%dma_wait3A_1650, %dma_wait3A_1651] : memref<384x85xf32, #tpu.memory_space<vmem>> -> memref<8x85xf32, #tpu.memory_space<vmem>>
    %dma_wait3A_1653 = arith.constant 0 : i32
    %dma_wait3A_1654 = arith.constant 0 : i32
    %dma_wait3A_1655 = tpu.memref_slice %arg2[%squeeze3A_820, %dma_wait3A_1653, %dma_wait3A_1654] : memref<24576x8x85xf32, #tpu.memory_space<hbm>> -> memref<1x8x85xf32, #tpu.memory_space<hbm>>
    %dma_wait3A_1656 = tpu.memref_squeeze %dma_wait3A_1655 : memref<1x8x85xf32, #tpu.memory_space<hbm>> -> memref<8x85xf32, #tpu.memory_space<hbm>>
    %dma_wait3A_1657 = arith.constant 200 : i32
    %dma_wait3A_1658 = arith.constant 0 : i32
    %dma_wait3A_1659 = tpu.memref_slice %arg12[%dma_wait3A_1657, %dma_wait3A_1658] : memref<384x85xf32, #tpu.memory_space<vmem>> -> memref<8x85xf32, #tpu.memory_space<vmem>>
    %dma_wait3A_1660 = arith.constant 0 : i32
    %dma_wait3A_1661 = arith.constant 0 : i32
    %dma_wait3A_1662 = tpu.memref_slice %arg2[%squeeze3A_820, %dma_wait3A_1660, %dma_wait3A_1661] : memref<24576x8x85xf32, #tpu.memory_space<hbm>> -> memref<1x8x85xf32, #tpu.memory_space<hbm>>
    %dma_wait3A_1663 = tpu.memref_squeeze %dma_wait3A_1662 : memref<1x8x85xf32, #tpu.memory_space<hbm>> -> memref<8x85xf32, #tpu.memory_space<hbm>>
    tpu.wait_dma2 semaphore(%arg19 : memref<!tpu.dma_semaphore, #tpu.memory_space<semaphore_mem>>) src(%dma_wait3A_1663 : memref<8x85xf32, #tpu.memory_space<hbm>>) dst(%dma_wait3A_1659 : memref<8x85xf32, #tpu.memory_space<vmem>>)
    %dma_wait3A_1664 = arith.constant 208 : i32
    %dma_wait3A_1665 = arith.constant 0 : i32
    %dma_wait3A_1666 = tpu.memref_slice %arg12[%dma_wait3A_1664, %dma_wait3A_1665] : memref<384x85xf32, #tpu.memory_space<vmem>> -> memref<8x85xf32, #tpu.memory_space<vmem>>
    %dma_wait3A_1667 = arith.constant 0 : i32
    %dma_wait3A_1668 = arith.constant 0 : i32
    %dma_wait3A_1669 = tpu.memref_slice %arg2[%squeeze3A_836, %dma_wait3A_1667, %dma_wait3A_1668] : memref<24576x8x85xf32, #tpu.memory_space<hbm>> -> memref<1x8x85xf32, #tpu.memory_space<hbm>>
    %dma_wait3A_1670 = tpu.memref_squeeze %dma_wait3A_1669 : memref<1x8x85xf32, #tpu.memory_space<hbm>> -> memref<8x85xf32, #tpu.memory_space<hbm>>
    %dma_wait3A_1671 = arith.constant 208 : i32
    %dma_wait3A_1672 = arith.constant 0 : i32
    %dma_wait3A_1673 = tpu.memref_slice %arg12[%dma_wait3A_1671, %dma_wait3A_1672] : memref<384x85xf32, #tpu.memory_space<vmem>> -> memref<8x85xf32, #tpu.memory_space<vmem>>
    %dma_wait3A_1674 = arith.constant 0 : i32
    %dma_wait3A_1675 = arith.constant 0 : i32
    %dma_wait3A_1676 = tpu.memref_slice %arg2[%squeeze3A_836, %dma_wait3A_1674, %dma_wait3A_1675] : memref<24576x8x85xf32, #tpu.memory_space<hbm>> -> memref<1x8x85xf32, #tpu.memory_space<hbm>>
    %dma_wait3A_1677 = tpu.memref_squeeze %dma_wait3A_1676 : memref<1x8x85xf32, #tpu.memory_space<hbm>> -> memref<8x85xf32, #tpu.memory_space<hbm>>
    tpu.wait_dma2 semaphore(%arg19 : memref<!tpu.dma_semaphore, #tpu.memory_space<semaphore_mem>>) src(%dma_wait3A_1677 : memref<8x85xf32, #tpu.memory_space<hbm>>) dst(%dma_wait3A_1673 : memref<8x85xf32, #tpu.memory_space<vmem>>)
    %dma_wait3A_1678 = arith.constant 216 : i32
    %dma_wait3A_1679 = arith.constant 0 : i32
    %dma_wait3A_1680 = tpu.memref_slice %arg12[%dma_wait3A_1678, %dma_wait3A_1679] : memref<384x85xf32, #tpu.memory_space<vmem>> -> memref<8x85xf32, #tpu.memory_space<vmem>>
    %dma_wait3A_1681 = arith.constant 0 : i32
    %dma_wait3A_1682 = arith.constant 0 : i32
    %dma_wait3A_1683 = tpu.memref_slice %arg2[%squeeze3A_852, %dma_wait3A_1681, %dma_wait3A_1682] : memref<24576x8x85xf32, #tpu.memory_space<hbm>> -> memref<1x8x85xf32, #tpu.memory_space<hbm>>
    %dma_wait3A_1684 = tpu.memref_squeeze %dma_wait3A_1683 : memref<1x8x85xf32, #tpu.memory_space<hbm>> -> memref<8x85xf32, #tpu.memory_space<hbm>>
    %dma_wait3A_1685 = arith.constant 216 : i32
    %dma_wait3A_1686 = arith.constant 0 : i32
    %dma_wait3A_1687 = tpu.memref_slice %arg12[%dma_wait3A_1685, %dma_wait3A_1686] : memref<384x85xf32, #tpu.memory_space<vmem>> -> memref<8x85xf32, #tpu.memory_space<vmem>>
    %dma_wait3A_1688 = arith.constant 0 : i32
    %dma_wait3A_1689 = arith.constant 0 : i32
    %dma_wait3A_1690 = tpu.memref_slice %arg2[%squeeze3A_852, %dma_wait3A_1688, %dma_wait3A_1689] : memref<24576x8x85xf32, #tpu.memory_space<hbm>> -> memref<1x8x85xf32, #tpu.memory_space<hbm>>
    %dma_wait3A_1691 = tpu.memref_squeeze %dma_wait3A_1690 : memref<1x8x85xf32, #tpu.memory_space<hbm>> -> memref<8x85xf32, #tpu.memory_space<hbm>>
    tpu.wait_dma2 semaphore(%arg19 : memref<!tpu.dma_semaphore, #tpu.memory_space<semaphore_mem>>) src(%dma_wait3A_1691 : memref<8x85xf32, #tpu.memory_space<hbm>>) dst(%dma_wait3A_1687 : memref<8x85xf32, #tpu.memory_space<vmem>>)
    %dma_wait3A_1692 = arith.constant 224 : i32
    %dma_wait3A_1693 = arith.constant 0 : i32
    %dma_wait3A_1694 = tpu.memref_slice %arg12[%dma_wait3A_1692, %dma_wait3A_1693] : memref<384x85xf32, #tpu.memory_space<vmem>> -> memref<8x85xf32, #tpu.memory_space<vmem>>
    %dma_wait3A_1695 = arith.constant 0 : i32
    %dma_wait3A_1696 = arith.constant 0 : i32
    %dma_wait3A_1697 = tpu.memref_slice %arg2[%squeeze3A_868, %dma_wait3A_1695, %dma_wait3A_1696] : memref<24576x8x85xf32, #tpu.memory_space<hbm>> -> memref<1x8x85xf32, #tpu.memory_space<hbm>>
    %dma_wait3A_1698 = tpu.memref_squeeze %dma_wait3A_1697 : memref<1x8x85xf32, #tpu.memory_space<hbm>> -> memref<8x85xf32, #tpu.memory_space<hbm>>
    %dma_wait3A_1699 = arith.constant 224 : i32
    %dma_wait3A_1700 = arith.constant 0 : i32
    %dma_wait3A_1701 = tpu.memref_slice %arg12[%dma_wait3A_1699, %dma_wait3A_1700] : memref<384x85xf32, #tpu.memory_space<vmem>> -> memref<8x85xf32, #tpu.memory_space<vmem>>
    %dma_wait3A_1702 = arith.constant 0 : i32
    %dma_wait3A_1703 = arith.constant 0 : i32
    %dma_wait3A_1704 = tpu.memref_slice %arg2[%squeeze3A_868, %dma_wait3A_1702, %dma_wait3A_1703] : memref<24576x8x85xf32, #tpu.memory_space<hbm>> -> memref<1x8x85xf32, #tpu.memory_space<hbm>>
    %dma_wait3A_1705 = tpu.memref_squeeze %dma_wait3A_1704 : memref<1x8x85xf32, #tpu.memory_space<hbm>> -> memref<8x85xf32, #tpu.memory_space<hbm>>
    tpu.wait_dma2 semaphore(%arg19 : memref<!tpu.dma_semaphore, #tpu.memory_space<semaphore_mem>>) src(%dma_wait3A_1705 : memref<8x85xf32, #tpu.memory_space<hbm>>) dst(%dma_wait3A_1701 : memref<8x85xf32, #tpu.memory_space<vmem>>)
    %dma_wait3A_1706 = arith.constant 232 : i32
    %dma_wait3A_1707 = arith.constant 0 : i32
    %dma_wait3A_1708 = tpu.memref_slice %arg12[%dma_wait3A_1706, %dma_wait3A_1707] : memref<384x85xf32, #tpu.memory_space<vmem>> -> memref<8x85xf32, #tpu.memory_space<vmem>>
    %dma_wait3A_1709 = arith.constant 0 : i32
    %dma_wait3A_1710 = arith.constant 0 : i32
    %dma_wait3A_1711 = tpu.memref_slice %arg2[%squeeze3A_884, %dma_wait3A_1709, %dma_wait3A_1710] : memref<24576x8x85xf32, #tpu.memory_space<hbm>> -> memref<1x8x85xf32, #tpu.memory_space<hbm>>
    %dma_wait3A_1712 = tpu.memref_squeeze %dma_wait3A_1711 : memref<1x8x85xf32, #tpu.memory_space<hbm>> -> memref<8x85xf32, #tpu.memory_space<hbm>>
    %dma_wait3A_1713 = arith.constant 232 : i32
    %dma_wait3A_1714 = arith.constant 0 : i32
    %dma_wait3A_1715 = tpu.memref_slice %arg12[%dma_wait3A_1713, %dma_wait3A_1714] : memref<384x85xf32, #tpu.memory_space<vmem>> -> memref<8x85xf32, #tpu.memory_space<vmem>>
    %dma_wait3A_1716 = arith.constant 0 : i32
    %dma_wait3A_1717 = arith.constant 0 : i32
    %dma_wait3A_1718 = tpu.memref_slice %arg2[%squeeze3A_884, %dma_wait3A_1716, %dma_wait3A_1717] : memref<24576x8x85xf32, #tpu.memory_space<hbm>> -> memref<1x8x85xf32, #tpu.memory_space<hbm>>
    %dma_wait3A_1719 = tpu.memref_squeeze %dma_wait3A_1718 : memref<1x8x85xf32, #tpu.memory_space<hbm>> -> memref<8x85xf32, #tpu.memory_space<hbm>>
    tpu.wait_dma2 semaphore(%arg19 : memref<!tpu.dma_semaphore, #tpu.memory_space<semaphore_mem>>) src(%dma_wait3A_1719 : memref<8x85xf32, #tpu.memory_space<hbm>>) dst(%dma_wait3A_1715 : memref<8x85xf32, #tpu.memory_space<vmem>>)
    %dma_wait3A_1720 = arith.constant 240 : i32
    %dma_wait3A_1721 = arith.constant 0 : i32
    %dma_wait3A_1722 = tpu.memref_slice %arg12[%dma_wait3A_1720, %dma_wait3A_1721] : memref<384x85xf32, #tpu.memory_space<vmem>> -> memref<8x85xf32, #tpu.memory_space<vmem>>
    %dma_wait3A_1723 = arith.constant 0 : i32
    %dma_wait3A_1724 = arith.constant 0 : i32
    %dma_wait3A_1725 = tpu.memref_slice %arg2[%squeeze3A_900, %dma_wait3A_1723, %dma_wait3A_1724] : memref<24576x8x85xf32, #tpu.memory_space<hbm>> -> memref<1x8x85xf32, #tpu.memory_space<hbm>>
    %dma_wait3A_1726 = tpu.memref_squeeze %dma_wait3A_1725 : memref<1x8x85xf32, #tpu.memory_space<hbm>> -> memref<8x85xf32, #tpu.memory_space<hbm>>
    %dma_wait3A_1727 = arith.constant 240 : i32
    %dma_wait3A_1728 = arith.constant 0 : i32
    %dma_wait3A_1729 = tpu.memref_slice %arg12[%dma_wait3A_1727, %dma_wait3A_1728] : memref<384x85xf32, #tpu.memory_space<vmem>> -> memref<8x85xf32, #tpu.memory_space<vmem>>
    %dma_wait3A_1730 = arith.constant 0 : i32
    %dma_wait3A_1731 = arith.constant 0 : i32
    %dma_wait3A_1732 = tpu.memref_slice %arg2[%squeeze3A_900, %dma_wait3A_1730, %dma_wait3A_1731] : memref<24576x8x85xf32, #tpu.memory_space<hbm>> -> memref<1x8x85xf32, #tpu.memory_space<hbm>>
    %dma_wait3A_1733 = tpu.memref_squeeze %dma_wait3A_1732 : memref<1x8x85xf32, #tpu.memory_space<hbm>> -> memref<8x85xf32, #tpu.memory_space<hbm>>
    tpu.wait_dma2 semaphore(%arg19 : memref<!tpu.dma_semaphore, #tpu.memory_space<semaphore_mem>>) src(%dma_wait3A_1733 : memref<8x85xf32, #tpu.memory_space<hbm>>) dst(%dma_wait3A_1729 : memref<8x85xf32, #tpu.memory_space<vmem>>)
    %dma_wait3A_1734 = arith.constant 248 : i32
    %dma_wait3A_1735 = arith.constant 0 : i32
    %dma_wait3A_1736 = tpu.memref_slice %arg12[%dma_wait3A_1734, %dma_wait3A_1735] : memref<384x85xf32, #tpu.memory_space<vmem>> -> memref<8x85xf32, #tpu.memory_space<vmem>>
    %dma_wait3A_1737 = arith.constant 0 : i32
    %dma_wait3A_1738 = arith.constant 0 : i32
    %dma_wait3A_1739 = tpu.memref_slice %arg2[%squeeze3A_916, %dma_wait3A_1737, %dma_wait3A_1738] : memref<24576x8x85xf32, #tpu.memory_space<hbm>> -> memref<1x8x85xf32, #tpu.memory_space<hbm>>
    %dma_wait3A_1740 = tpu.memref_squeeze %dma_wait3A_1739 : memref<1x8x85xf32, #tpu.memory_space<hbm>> -> memref<8x85xf32, #tpu.memory_space<hbm>>
    %dma_wait3A_1741 = arith.constant 248 : i32
    %dma_wait3A_1742 = arith.constant 0 : i32
    %dma_wait3A_1743 = tpu.memref_slice %arg12[%dma_wait3A_1741, %dma_wait3A_1742] : memref<384x85xf32, #tpu.memory_space<vmem>> -> memref<8x85xf32, #tpu.memory_space<vmem>>
    %dma_wait3A_1744 = arith.constant 0 : i32
    %dma_wait3A_1745 = arith.constant 0 : i32
    %dma_wait3A_1746 = tpu.memref_slice %arg2[%squeeze3A_916, %dma_wait3A_1744, %dma_wait3A_1745] : memref<24576x8x85xf32, #tpu.memory_space<hbm>> -> memref<1x8x85xf32, #tpu.memory_space<hbm>>
    %dma_wait3A_1747 = tpu.memref_squeeze %dma_wait3A_1746 : memref<1x8x85xf32, #tpu.memory_space<hbm>> -> memref<8x85xf32, #tpu.memory_space<hbm>>
    tpu.wait_dma2 semaphore(%arg19 : memref<!tpu.dma_semaphore, #tpu.memory_space<semaphore_mem>>) src(%dma_wait3A_1747 : memref<8x85xf32, #tpu.memory_space<hbm>>) dst(%dma_wait3A_1743 : memref<8x85xf32, #tpu.memory_space<vmem>>)
    %dma_wait3A_1748 = arith.constant 256 : i32
    %dma_wait3A_1749 = arith.constant 0 : i32
    %dma_wait3A_1750 = tpu.memref_slice %arg12[%dma_wait3A_1748, %dma_wait3A_1749] : memref<384x85xf32, #tpu.memory_space<vmem>> -> memref<8x85xf32, #tpu.memory_space<vmem>>
    %dma_wait3A_1751 = arith.constant 0 : i32
    %dma_wait3A_1752 = arith.constant 0 : i32
    %dma_wait3A_1753 = tpu.memref_slice %arg2[%squeeze3A_962, %dma_wait3A_1751, %dma_wait3A_1752] : memref<24576x8x85xf32, #tpu.memory_space<hbm>> -> memref<1x8x85xf32, #tpu.memory_space<hbm>>
    %dma_wait3A_1754 = tpu.memref_squeeze %dma_wait3A_1753 : memref<1x8x85xf32, #tpu.memory_space<hbm>> -> memref<8x85xf32, #tpu.memory_space<hbm>>
    %dma_wait3A_1755 = arith.constant 256 : i32
    %dma_wait3A_1756 = arith.constant 0 : i32
    %dma_wait3A_1757 = tpu.memref_slice %arg12[%dma_wait3A_1755, %dma_wait3A_1756] : memref<384x85xf32, #tpu.memory_space<vmem>> -> memref<8x85xf32, #tpu.memory_space<vmem>>
    %dma_wait3A_1758 = arith.constant 0 : i32
    %dma_wait3A_1759 = arith.constant 0 : i32
    %dma_wait3A_1760 = tpu.memref_slice %arg2[%squeeze3A_962, %dma_wait3A_1758, %dma_wait3A_1759] : memref<24576x8x85xf32, #tpu.memory_space<hbm>> -> memref<1x8x85xf32, #tpu.memory_space<hbm>>
    %dma_wait3A_1761 = tpu.memref_squeeze %dma_wait3A_1760 : memref<1x8x85xf32, #tpu.memory_space<hbm>> -> memref<8x85xf32, #tpu.memory_space<hbm>>
    tpu.wait_dma2 semaphore(%arg19 : memref<!tpu.dma_semaphore, #tpu.memory_space<semaphore_mem>>) src(%dma_wait3A_1761 : memref<8x85xf32, #tpu.memory_space<hbm>>) dst(%dma_wait3A_1757 : memref<8x85xf32, #tpu.memory_space<vmem>>)
    %dma_wait3A_1762 = arith.constant 264 : i32
    %dma_wait3A_1763 = arith.constant 0 : i32
    %dma_wait3A_1764 = tpu.memref_slice %arg12[%dma_wait3A_1762, %dma_wait3A_1763] : memref<384x85xf32, #tpu.memory_space<vmem>> -> memref<8x85xf32, #tpu.memory_space<vmem>>
    %dma_wait3A_1765 = arith.constant 0 : i32
    %dma_wait3A_1766 = arith.constant 0 : i32
    %dma_wait3A_1767 = tpu.memref_slice %arg2[%squeeze3A_978, %dma_wait3A_1765, %dma_wait3A_1766] : memref<24576x8x85xf32, #tpu.memory_space<hbm>> -> memref<1x8x85xf32, #tpu.memory_space<hbm>>
    %dma_wait3A_1768 = tpu.memref_squeeze %dma_wait3A_1767 : memref<1x8x85xf32, #tpu.memory_space<hbm>> -> memref<8x85xf32, #tpu.memory_space<hbm>>
    %dma_wait3A_1769 = arith.constant 264 : i32
    %dma_wait3A_1770 = arith.constant 0 : i32
    %dma_wait3A_1771 = tpu.memref_slice %arg12[%dma_wait3A_1769, %dma_wait3A_1770] : memref<384x85xf32, #tpu.memory_space<vmem>> -> memref<8x85xf32, #tpu.memory_space<vmem>>
    %dma_wait3A_1772 = arith.constant 0 : i32
    %dma_wait3A_1773 = arith.constant 0 : i32
    %dma_wait3A_1774 = tpu.memref_slice %arg2[%squeeze3A_978, %dma_wait3A_1772, %dma_wait3A_1773] : memref<24576x8x85xf32, #tpu.memory_space<hbm>> -> memref<1x8x85xf32, #tpu.memory_space<hbm>>
    %dma_wait3A_1775 = tpu.memref_squeeze %dma_wait3A_1774 : memref<1x8x85xf32, #tpu.memory_space<hbm>> -> memref<8x85xf32, #tpu.memory_space<hbm>>
    tpu.wait_dma2 semaphore(%arg19 : memref<!tpu.dma_semaphore, #tpu.memory_space<semaphore_mem>>) src(%dma_wait3A_1775 : memref<8x85xf32, #tpu.memory_space<hbm>>) dst(%dma_wait3A_1771 : memref<8x85xf32, #tpu.memory_space<vmem>>)
    %dma_wait3A_1776 = arith.constant 272 : i32
    %dma_wait3A_1777 = arith.constant 0 : i32
    %dma_wait3A_1778 = tpu.memref_slice %arg12[%dma_wait3A_1776, %dma_wait3A_1777] : memref<384x85xf32, #tpu.memory_space<vmem>> -> memref<8x85xf32, #tpu.memory_space<vmem>>
    %dma_wait3A_1779 = arith.constant 0 : i32
    %dma_wait3A_1780 = arith.constant 0 : i32
    %dma_wait3A_1781 = tpu.memref_slice %arg2[%squeeze3A_994, %dma_wait3A_1779, %dma_wait3A_1780] : memref<24576x8x85xf32, #tpu.memory_space<hbm>> -> memref<1x8x85xf32, #tpu.memory_space<hbm>>
    %dma_wait3A_1782 = tpu.memref_squeeze %dma_wait3A_1781 : memref<1x8x85xf32, #tpu.memory_space<hbm>> -> memref<8x85xf32, #tpu.memory_space<hbm>>
    %dma_wait3A_1783 = arith.constant 272 : i32
    %dma_wait3A_1784 = arith.constant 0 : i32
    %dma_wait3A_1785 = tpu.memref_slice %arg12[%dma_wait3A_1783, %dma_wait3A_1784] : memref<384x85xf32, #tpu.memory_space<vmem>> -> memref<8x85xf32, #tpu.memory_space<vmem>>
    %dma_wait3A_1786 = arith.constant 0 : i32
    %dma_wait3A_1787 = arith.constant 0 : i32
    %dma_wait3A_1788 = tpu.memref_slice %arg2[%squeeze3A_994, %dma_wait3A_1786, %dma_wait3A_1787] : memref<24576x8x85xf32, #tpu.memory_space<hbm>> -> memref<1x8x85xf32, #tpu.memory_space<hbm>>
    %dma_wait3A_1789 = tpu.memref_squeeze %dma_wait3A_1788 : memref<1x8x85xf32, #tpu.memory_space<hbm>> -> memref<8x85xf32, #tpu.memory_space<hbm>>
    tpu.wait_dma2 semaphore(%arg19 : memref<!tpu.dma_semaphore, #tpu.memory_space<semaphore_mem>>) src(%dma_wait3A_1789 : memref<8x85xf32, #tpu.memory_space<hbm>>) dst(%dma_wait3A_1785 : memref<8x85xf32, #tpu.memory_space<vmem>>)
    %dma_wait3A_1790 = arith.constant 280 : i32
    %dma_wait3A_1791 = arith.constant 0 : i32
    %dma_wait3A_1792 = tpu.memref_slice %arg12[%dma_wait3A_1790, %dma_wait3A_1791] : memref<384x85xf32, #tpu.memory_space<vmem>> -> memref<8x85xf32, #tpu.memory_space<vmem>>
    %dma_wait3A_1793 = arith.constant 0 : i32
    %dma_wait3A_1794 = arith.constant 0 : i32
    %dma_wait3A_1795 = tpu.memref_slice %arg2[%squeeze3A_1010, %dma_wait3A_1793, %dma_wait3A_1794] : memref<24576x8x85xf32, #tpu.memory_space<hbm>> -> memref<1x8x85xf32, #tpu.memory_space<hbm>>
    %dma_wait3A_1796 = tpu.memref_squeeze %dma_wait3A_1795 : memref<1x8x85xf32, #tpu.memory_space<hbm>> -> memref<8x85xf32, #tpu.memory_space<hbm>>
    %dma_wait3A_1797 = arith.constant 280 : i32
    %dma_wait3A_1798 = arith.constant 0 : i32
    %dma_wait3A_1799 = tpu.memref_slice %arg12[%dma_wait3A_1797, %dma_wait3A_1798] : memref<384x85xf32, #tpu.memory_space<vmem>> -> memref<8x85xf32, #tpu.memory_space<vmem>>
    %dma_wait3A_1800 = arith.constant 0 : i32
    %dma_wait3A_1801 = arith.constant 0 : i32
    %dma_wait3A_1802 = tpu.memref_slice %arg2[%squeeze3A_1010, %dma_wait3A_1800, %dma_wait3A_1801] : memref<24576x8x85xf32, #tpu.memory_space<hbm>> -> memref<1x8x85xf32, #tpu.memory_space<hbm>>
    %dma_wait3A_1803 = tpu.memref_squeeze %dma_wait3A_1802 : memref<1x8x85xf32, #tpu.memory_space<hbm>> -> memref<8x85xf32, #tpu.memory_space<hbm>>
    tpu.wait_dma2 semaphore(%arg19 : memref<!tpu.dma_semaphore, #tpu.memory_space<semaphore_mem>>) src(%dma_wait3A_1803 : memref<8x85xf32, #tpu.memory_space<hbm>>) dst(%dma_wait3A_1799 : memref<8x85xf32, #tpu.memory_space<vmem>>)
    %dma_wait3A_1804 = arith.constant 288 : i32
    %dma_wait3A_1805 = arith.constant 0 : i32
    %dma_wait3A_1806 = tpu.memref_slice %arg12[%dma_wait3A_1804, %dma_wait3A_1805] : memref<384x85xf32, #tpu.memory_space<vmem>> -> memref<8x85xf32, #tpu.memory_space<vmem>>
    %dma_wait3A_1807 = arith.constant 0 : i32
    %dma_wait3A_1808 = arith.constant 0 : i32
    %dma_wait3A_1809 = tpu.memref_slice %arg2[%squeeze3A_1026, %dma_wait3A_1807, %dma_wait3A_1808] : memref<24576x8x85xf32, #tpu.memory_space<hbm>> -> memref<1x8x85xf32, #tpu.memory_space<hbm>>
    %dma_wait3A_1810 = tpu.memref_squeeze %dma_wait3A_1809 : memref<1x8x85xf32, #tpu.memory_space<hbm>> -> memref<8x85xf32, #tpu.memory_space<hbm>>
    %dma_wait3A_1811 = arith.constant 288 : i32
    %dma_wait3A_1812 = arith.constant 0 : i32
    %dma_wait3A_1813 = tpu.memref_slice %arg12[%dma_wait3A_1811, %dma_wait3A_1812] : memref<384x85xf32, #tpu.memory_space<vmem>> -> memref<8x85xf32, #tpu.memory_space<vmem>>
    %dma_wait3A_1814 = arith.constant 0 : i32
    %dma_wait3A_1815 = arith.constant 0 : i32
    %dma_wait3A_1816 = tpu.memref_slice %arg2[%squeeze3A_1026, %dma_wait3A_1814, %dma_wait3A_1815] : memref<24576x8x85xf32, #tpu.memory_space<hbm>> -> memref<1x8x85xf32, #tpu.memory_space<hbm>>
    %dma_wait3A_1817 = tpu.memref_squeeze %dma_wait3A_1816 : memref<1x8x85xf32, #tpu.memory_space<hbm>> -> memref<8x85xf32, #tpu.memory_space<hbm>>
    tpu.wait_dma2 semaphore(%arg19 : memref<!tpu.dma_semaphore, #tpu.memory_space<semaphore_mem>>) src(%dma_wait3A_1817 : memref<8x85xf32, #tpu.memory_space<hbm>>) dst(%dma_wait3A_1813 : memref<8x85xf32, #tpu.memory_space<vmem>>)
    %dma_wait3A_1818 = arith.constant 296 : i32
    %dma_wait3A_1819 = arith.constant 0 : i32
    %dma_wait3A_1820 = tpu.memref_slice %arg12[%dma_wait3A_1818, %dma_wait3A_1819] : memref<384x85xf32, #tpu.memory_space<vmem>> -> memref<8x85xf32, #tpu.memory_space<vmem>>
    %dma_wait3A_1821 = arith.constant 0 : i32
    %dma_wait3A_1822 = arith.constant 0 : i32
    %dma_wait3A_1823 = tpu.memref_slice %arg2[%squeeze3A_1042, %dma_wait3A_1821, %dma_wait3A_1822] : memref<24576x8x85xf32, #tpu.memory_space<hbm>> -> memref<1x8x85xf32, #tpu.memory_space<hbm>>
    %dma_wait3A_1824 = tpu.memref_squeeze %dma_wait3A_1823 : memref<1x8x85xf32, #tpu.memory_space<hbm>> -> memref<8x85xf32, #tpu.memory_space<hbm>>
    %dma_wait3A_1825 = arith.constant 296 : i32
    %dma_wait3A_1826 = arith.constant 0 : i32
    %dma_wait3A_1827 = tpu.memref_slice %arg12[%dma_wait3A_1825, %dma_wait3A_1826] : memref<384x85xf32, #tpu.memory_space<vmem>> -> memref<8x85xf32, #tpu.memory_space<vmem>>
    %dma_wait3A_1828 = arith.constant 0 : i32
    %dma_wait3A_1829 = arith.constant 0 : i32
    %dma_wait3A_1830 = tpu.memref_slice %arg2[%squeeze3A_1042, %dma_wait3A_1828, %dma_wait3A_1829] : memref<24576x8x85xf32, #tpu.memory_space<hbm>> -> memref<1x8x85xf32, #tpu.memory_space<hbm>>
    %dma_wait3A_1831 = tpu.memref_squeeze %dma_wait3A_1830 : memref<1x8x85xf32, #tpu.memory_space<hbm>> -> memref<8x85xf32, #tpu.memory_space<hbm>>
    tpu.wait_dma2 semaphore(%arg19 : memref<!tpu.dma_semaphore, #tpu.memory_space<semaphore_mem>>) src(%dma_wait3A_1831 : memref<8x85xf32, #tpu.memory_space<hbm>>) dst(%dma_wait3A_1827 : memref<8x85xf32, #tpu.memory_space<vmem>>)
    %dma_wait3A_1832 = arith.constant 304 : i32
    %dma_wait3A_1833 = arith.constant 0 : i32
    %dma_wait3A_1834 = tpu.memref_slice %arg12[%dma_wait3A_1832, %dma_wait3A_1833] : memref<384x85xf32, #tpu.memory_space<vmem>> -> memref<8x85xf32, #tpu.memory_space<vmem>>
    %dma_wait3A_1835 = arith.constant 0 : i32
    %dma_wait3A_1836 = arith.constant 0 : i32
    %dma_wait3A_1837 = tpu.memref_slice %arg2[%squeeze3A_1058, %dma_wait3A_1835, %dma_wait3A_1836] : memref<24576x8x85xf32, #tpu.memory_space<hbm>> -> memref<1x8x85xf32, #tpu.memory_space<hbm>>
    %dma_wait3A_1838 = tpu.memref_squeeze %dma_wait3A_1837 : memref<1x8x85xf32, #tpu.memory_space<hbm>> -> memref<8x85xf32, #tpu.memory_space<hbm>>
    %dma_wait3A_1839 = arith.constant 304 : i32
    %dma_wait3A_1840 = arith.constant 0 : i32
    %dma_wait3A_1841 = tpu.memref_slice %arg12[%dma_wait3A_1839, %dma_wait3A_1840] : memref<384x85xf32, #tpu.memory_space<vmem>> -> memref<8x85xf32, #tpu.memory_space<vmem>>
    %dma_wait3A_1842 = arith.constant 0 : i32
    %dma_wait3A_1843 = arith.constant 0 : i32
    %dma_wait3A_1844 = tpu.memref_slice %arg2[%squeeze3A_1058, %dma_wait3A_1842, %dma_wait3A_1843] : memref<24576x8x85xf32, #tpu.memory_space<hbm>> -> memref<1x8x85xf32, #tpu.memory_space<hbm>>
    %dma_wait3A_1845 = tpu.memref_squeeze %dma_wait3A_1844 : memref<1x8x85xf32, #tpu.memory_space<hbm>> -> memref<8x85xf32, #tpu.memory_space<hbm>>
    tpu.wait_dma2 semaphore(%arg19 : memref<!tpu.dma_semaphore, #tpu.memory_space<semaphore_mem>>) src(%dma_wait3A_1845 : memref<8x85xf32, #tpu.memory_space<hbm>>) dst(%dma_wait3A_1841 : memref<8x85xf32, #tpu.memory_space<vmem>>)
    %dma_wait3A_1846 = arith.constant 312 : i32
    %dma_wait3A_1847 = arith.constant 0 : i32
    %dma_wait3A_1848 = tpu.memref_slice %arg12[%dma_wait3A_1846, %dma_wait3A_1847] : memref<384x85xf32, #tpu.memory_space<vmem>> -> memref<8x85xf32, #tpu.memory_space<vmem>>
    %dma_wait3A_1849 = arith.constant 0 : i32
    %dma_wait3A_1850 = arith.constant 0 : i32
    %dma_wait3A_1851 = tpu.memref_slice %arg2[%squeeze3A_1074, %dma_wait3A_1849, %dma_wait3A_1850] : memref<24576x8x85xf32, #tpu.memory_space<hbm>> -> memref<1x8x85xf32, #tpu.memory_space<hbm>>
    %dma_wait3A_1852 = tpu.memref_squeeze %dma_wait3A_1851 : memref<1x8x85xf32, #tpu.memory_space<hbm>> -> memref<8x85xf32, #tpu.memory_space<hbm>>
    %dma_wait3A_1853 = arith.constant 312 : i32
    %dma_wait3A_1854 = arith.constant 0 : i32
    %dma_wait3A_1855 = tpu.memref_slice %arg12[%dma_wait3A_1853, %dma_wait3A_1854] : memref<384x85xf32, #tpu.memory_space<vmem>> -> memref<8x85xf32, #tpu.memory_space<vmem>>
    %dma_wait3A_1856 = arith.constant 0 : i32
    %dma_wait3A_1857 = arith.constant 0 : i32
    %dma_wait3A_1858 = tpu.memref_slice %arg2[%squeeze3A_1074, %dma_wait3A_1856, %dma_wait3A_1857] : memref<24576x8x85xf32, #tpu.memory_space<hbm>> -> memref<1x8x85xf32, #tpu.memory_space<hbm>>
    %dma_wait3A_1859 = tpu.memref_squeeze %dma_wait3A_1858 : memref<1x8x85xf32, #tpu.memory_space<hbm>> -> memref<8x85xf32, #tpu.memory_space<hbm>>
    tpu.wait_dma2 semaphore(%arg19 : memref<!tpu.dma_semaphore, #tpu.memory_space<semaphore_mem>>) src(%dma_wait3A_1859 : memref<8x85xf32, #tpu.memory_space<hbm>>) dst(%dma_wait3A_1855 : memref<8x85xf32, #tpu.memory_space<vmem>>)
    %dma_wait3A_1860 = arith.constant 320 : i32
    %dma_wait3A_1861 = arith.constant 0 : i32
    %dma_wait3A_1862 = tpu.memref_slice %arg12[%dma_wait3A_1860, %dma_wait3A_1861] : memref<384x85xf32, #tpu.memory_space<vmem>> -> memref<8x85xf32, #tpu.memory_space<vmem>>
    %dma_wait3A_1863 = arith.constant 0 : i32
    %dma_wait3A_1864 = arith.constant 0 : i32
    %dma_wait3A_1865 = tpu.memref_slice %arg2[%squeeze3A_1090, %dma_wait3A_1863, %dma_wait3A_1864] : memref<24576x8x85xf32, #tpu.memory_space<hbm>> -> memref<1x8x85xf32, #tpu.memory_space<hbm>>
    %dma_wait3A_1866 = tpu.memref_squeeze %dma_wait3A_1865 : memref<1x8x85xf32, #tpu.memory_space<hbm>> -> memref<8x85xf32, #tpu.memory_space<hbm>>
    %dma_wait3A_1867 = arith.constant 320 : i32
    %dma_wait3A_1868 = arith.constant 0 : i32
    %dma_wait3A_1869 = tpu.memref_slice %arg12[%dma_wait3A_1867, %dma_wait3A_1868] : memref<384x85xf32, #tpu.memory_space<vmem>> -> memref<8x85xf32, #tpu.memory_space<vmem>>
    %dma_wait3A_1870 = arith.constant 0 : i32
    %dma_wait3A_1871 = arith.constant 0 : i32
    %dma_wait3A_1872 = tpu.memref_slice %arg2[%squeeze3A_1090, %dma_wait3A_1870, %dma_wait3A_1871] : memref<24576x8x85xf32, #tpu.memory_space<hbm>> -> memref<1x8x85xf32, #tpu.memory_space<hbm>>
    %dma_wait3A_1873 = tpu.memref_squeeze %dma_wait3A_1872 : memref<1x8x85xf32, #tpu.memory_space<hbm>> -> memref<8x85xf32, #tpu.memory_space<hbm>>
    tpu.wait_dma2 semaphore(%arg19 : memref<!tpu.dma_semaphore, #tpu.memory_space<semaphore_mem>>) src(%dma_wait3A_1873 : memref<8x85xf32, #tpu.memory_space<hbm>>) dst(%dma_wait3A_1869 : memref<8x85xf32, #tpu.memory_space<vmem>>)
    %dma_wait3A_1874 = arith.constant 328 : i32
    %dma_wait3A_1875 = arith.constant 0 : i32
    %dma_wait3A_1876 = tpu.memref_slice %arg12[%dma_wait3A_1874, %dma_wait3A_1875] : memref<384x85xf32, #tpu.memory_space<vmem>> -> memref<8x85xf32, #tpu.memory_space<vmem>>
    %dma_wait3A_1877 = arith.constant 0 : i32
    %dma_wait3A_1878 = arith.constant 0 : i32
    %dma_wait3A_1879 = tpu.memref_slice %arg2[%squeeze3A_1106, %dma_wait3A_1877, %dma_wait3A_1878] : memref<24576x8x85xf32, #tpu.memory_space<hbm>> -> memref<1x8x85xf32, #tpu.memory_space<hbm>>
    %dma_wait3A_1880 = tpu.memref_squeeze %dma_wait3A_1879 : memref<1x8x85xf32, #tpu.memory_space<hbm>> -> memref<8x85xf32, #tpu.memory_space<hbm>>
    %dma_wait3A_1881 = arith.constant 328 : i32
    %dma_wait3A_1882 = arith.constant 0 : i32
    %dma_wait3A_1883 = tpu.memref_slice %arg12[%dma_wait3A_1881, %dma_wait3A_1882] : memref<384x85xf32, #tpu.memory_space<vmem>> -> memref<8x85xf32, #tpu.memory_space<vmem>>
    %dma_wait3A_1884 = arith.constant 0 : i32
    %dma_wait3A_1885 = arith.constant 0 : i32
    %dma_wait3A_1886 = tpu.memref_slice %arg2[%squeeze3A_1106, %dma_wait3A_1884, %dma_wait3A_1885] : memref<24576x8x85xf32, #tpu.memory_space<hbm>> -> memref<1x8x85xf32, #tpu.memory_space<hbm>>
    %dma_wait3A_1887 = tpu.memref_squeeze %dma_wait3A_1886 : memref<1x8x85xf32, #tpu.memory_space<hbm>> -> memref<8x85xf32, #tpu.memory_space<hbm>>
    tpu.wait_dma2 semaphore(%arg19 : memref<!tpu.dma_semaphore, #tpu.memory_space<semaphore_mem>>) src(%dma_wait3A_1887 : memref<8x85xf32, #tpu.memory_space<hbm>>) dst(%dma_wait3A_1883 : memref<8x85xf32, #tpu.memory_space<vmem>>)
    %dma_wait3A_1888 = arith.constant 336 : i32
    %dma_wait3A_1889 = arith.constant 0 : i32
    %dma_wait3A_1890 = tpu.memref_slice %arg12[%dma_wait3A_1888, %dma_wait3A_1889] : memref<384x85xf32, #tpu.memory_space<vmem>> -> memref<8x85xf32, #tpu.memory_space<vmem>>
    %dma_wait3A_1891 = arith.constant 0 : i32
    %dma_wait3A_1892 = arith.constant 0 : i32
    %dma_wait3A_1893 = tpu.memref_slice %arg2[%squeeze3A_1122, %dma_wait3A_1891, %dma_wait3A_1892] : memref<24576x8x85xf32, #tpu.memory_space<hbm>> -> memref<1x8x85xf32, #tpu.memory_space<hbm>>
    %dma_wait3A_1894 = tpu.memref_squeeze %dma_wait3A_1893 : memref<1x8x85xf32, #tpu.memory_space<hbm>> -> memref<8x85xf32, #tpu.memory_space<hbm>>
    %dma_wait3A_1895 = arith.constant 336 : i32
    %dma_wait3A_1896 = arith.constant 0 : i32
    %dma_wait3A_1897 = tpu.memref_slice %arg12[%dma_wait3A_1895, %dma_wait3A_1896] : memref<384x85xf32, #tpu.memory_space<vmem>> -> memref<8x85xf32, #tpu.memory_space<vmem>>
    %dma_wait3A_1898 = arith.constant 0 : i32
    %dma_wait3A_1899 = arith.constant 0 : i32
    %dma_wait3A_1900 = tpu.memref_slice %arg2[%squeeze3A_1122, %dma_wait3A_1898, %dma_wait3A_1899] : memref<24576x8x85xf32, #tpu.memory_space<hbm>> -> memref<1x8x85xf32, #tpu.memory_space<hbm>>
    %dma_wait3A_1901 = tpu.memref_squeeze %dma_wait3A_1900 : memref<1x8x85xf32, #tpu.memory_space<hbm>> -> memref<8x85xf32, #tpu.memory_space<hbm>>
    tpu.wait_dma2 semaphore(%arg19 : memref<!tpu.dma_semaphore, #tpu.memory_space<semaphore_mem>>) src(%dma_wait3A_1901 : memref<8x85xf32, #tpu.memory_space<hbm>>) dst(%dma_wait3A_1897 : memref<8x85xf32, #tpu.memory_space<vmem>>)
    %dma_wait3A_1902 = arith.constant 344 : i32
    %dma_wait3A_1903 = arith.constant 0 : i32
    %dma_wait3A_1904 = tpu.memref_slice %arg12[%dma_wait3A_1902, %dma_wait3A_1903] : memref<384x85xf32, #tpu.memory_space<vmem>> -> memref<8x85xf32, #tpu.memory_space<vmem>>
    %dma_wait3A_1905 = arith.constant 0 : i32
    %dma_wait3A_1906 = arith.constant 0 : i32
    %dma_wait3A_1907 = tpu.memref_slice %arg2[%squeeze3A_1138, %dma_wait3A_1905, %dma_wait3A_1906] : memref<24576x8x85xf32, #tpu.memory_space<hbm>> -> memref<1x8x85xf32, #tpu.memory_space<hbm>>
    %dma_wait3A_1908 = tpu.memref_squeeze %dma_wait3A_1907 : memref<1x8x85xf32, #tpu.memory_space<hbm>> -> memref<8x85xf32, #tpu.memory_space<hbm>>
    %dma_wait3A_1909 = arith.constant 344 : i32
    %dma_wait3A_1910 = arith.constant 0 : i32
    %dma_wait3A_1911 = tpu.memref_slice %arg12[%dma_wait3A_1909, %dma_wait3A_1910] : memref<384x85xf32, #tpu.memory_space<vmem>> -> memref<8x85xf32, #tpu.memory_space<vmem>>
    %dma_wait3A_1912 = arith.constant 0 : i32
    %dma_wait3A_1913 = arith.constant 0 : i32
    %dma_wait3A_1914 = tpu.memref_slice %arg2[%squeeze3A_1138, %dma_wait3A_1912, %dma_wait3A_1913] : memref<24576x8x85xf32, #tpu.memory_space<hbm>> -> memref<1x8x85xf32, #tpu.memory_space<hbm>>
    %dma_wait3A_1915 = tpu.memref_squeeze %dma_wait3A_1914 : memref<1x8x85xf32, #tpu.memory_space<hbm>> -> memref<8x85xf32, #tpu.memory_space<hbm>>
    tpu.wait_dma2 semaphore(%arg19 : memref<!tpu.dma_semaphore, #tpu.memory_space<semaphore_mem>>) src(%dma_wait3A_1915 : memref<8x85xf32, #tpu.memory_space<hbm>>) dst(%dma_wait3A_1911 : memref<8x85xf32, #tpu.memory_space<vmem>>)
    %dma_wait3A_1916 = arith.constant 352 : i32
    %dma_wait3A_1917 = arith.constant 0 : i32
    %dma_wait3A_1918 = tpu.memref_slice %arg12[%dma_wait3A_1916, %dma_wait3A_1917] : memref<384x85xf32, #tpu.memory_space<vmem>> -> memref<8x85xf32, #tpu.memory_space<vmem>>
    %dma_wait3A_1919 = arith.constant 0 : i32
    %dma_wait3A_1920 = arith.constant 0 : i32
    %dma_wait3A_1921 = tpu.memref_slice %arg2[%squeeze3A_1154, %dma_wait3A_1919, %dma_wait3A_1920] : memref<24576x8x85xf32, #tpu.memory_space<hbm>> -> memref<1x8x85xf32, #tpu.memory_space<hbm>>
    %dma_wait3A_1922 = tpu.memref_squeeze %dma_wait3A_1921 : memref<1x8x85xf32, #tpu.memory_space<hbm>> -> memref<8x85xf32, #tpu.memory_space<hbm>>
    %dma_wait3A_1923 = arith.constant 352 : i32
    %dma_wait3A_1924 = arith.constant 0 : i32
    %dma_wait3A_1925 = tpu.memref_slice %arg12[%dma_wait3A_1923, %dma_wait3A_1924] : memref<384x85xf32, #tpu.memory_space<vmem>> -> memref<8x85xf32, #tpu.memory_space<vmem>>
    %dma_wait3A_1926 = arith.constant 0 : i32
    %dma_wait3A_1927 = arith.constant 0 : i32
    %dma_wait3A_1928 = tpu.memref_slice %arg2[%squeeze3A_1154, %dma_wait3A_1926, %dma_wait3A_1927] : memref<24576x8x85xf32, #tpu.memory_space<hbm>> -> memref<1x8x85xf32, #tpu.memory_space<hbm>>
    %dma_wait3A_1929 = tpu.memref_squeeze %dma_wait3A_1928 : memref<1x8x85xf32, #tpu.memory_space<hbm>> -> memref<8x85xf32, #tpu.memory_space<hbm>>
    tpu.wait_dma2 semaphore(%arg19 : memref<!tpu.dma_semaphore, #tpu.memory_space<semaphore_mem>>) src(%dma_wait3A_1929 : memref<8x85xf32, #tpu.memory_space<hbm>>) dst(%dma_wait3A_1925 : memref<8x85xf32, #tpu.memory_space<vmem>>)
    %dma_wait3A_1930 = arith.constant 360 : i32
    %dma_wait3A_1931 = arith.constant 0 : i32
    %dma_wait3A_1932 = tpu.memref_slice %arg12[%dma_wait3A_1930, %dma_wait3A_1931] : memref<384x85xf32, #tpu.memory_space<vmem>> -> memref<8x85xf32, #tpu.memory_space<vmem>>
    %dma_wait3A_1933 = arith.constant 0 : i32
    %dma_wait3A_1934 = arith.constant 0 : i32
    %dma_wait3A_1935 = tpu.memref_slice %arg2[%squeeze3A_1170, %dma_wait3A_1933, %dma_wait3A_1934] : memref<24576x8x85xf32, #tpu.memory_space<hbm>> -> memref<1x8x85xf32, #tpu.memory_space<hbm>>
    %dma_wait3A_1936 = tpu.memref_squeeze %dma_wait3A_1935 : memref<1x8x85xf32, #tpu.memory_space<hbm>> -> memref<8x85xf32, #tpu.memory_space<hbm>>
    %dma_wait3A_1937 = arith.constant 360 : i32
    %dma_wait3A_1938 = arith.constant 0 : i32
    %dma_wait3A_1939 = tpu.memref_slice %arg12[%dma_wait3A_1937, %dma_wait3A_1938] : memref<384x85xf32, #tpu.memory_space<vmem>> -> memref<8x85xf32, #tpu.memory_space<vmem>>
    %dma_wait3A_1940 = arith.constant 0 : i32
    %dma_wait3A_1941 = arith.constant 0 : i32
    %dma_wait3A_1942 = tpu.memref_slice %arg2[%squeeze3A_1170, %dma_wait3A_1940, %dma_wait3A_1941] : memref<24576x8x85xf32, #tpu.memory_space<hbm>> -> memref<1x8x85xf32, #tpu.memory_space<hbm>>
    %dma_wait3A_1943 = tpu.memref_squeeze %dma_wait3A_1942 : memref<1x8x85xf32, #tpu.memory_space<hbm>> -> memref<8x85xf32, #tpu.memory_space<hbm>>
    tpu.wait_dma2 semaphore(%arg19 : memref<!tpu.dma_semaphore, #tpu.memory_space<semaphore_mem>>) src(%dma_wait3A_1943 : memref<8x85xf32, #tpu.memory_space<hbm>>) dst(%dma_wait3A_1939 : memref<8x85xf32, #tpu.memory_space<vmem>>)
    %dma_wait3A_1944 = arith.constant 368 : i32
    %dma_wait3A_1945 = arith.constant 0 : i32
    %dma_wait3A_1946 = tpu.memref_slice %arg12[%dma_wait3A_1944, %dma_wait3A_1945] : memref<384x85xf32, #tpu.memory_space<vmem>> -> memref<8x85xf32, #tpu.memory_space<vmem>>
    %dma_wait3A_1947 = arith.constant 0 : i32
    %dma_wait3A_1948 = arith.constant 0 : i32
    %dma_wait3A_1949 = tpu.memref_slice %arg2[%squeeze3A_1186, %dma_wait3A_1947, %dma_wait3A_1948] : memref<24576x8x85xf32, #tpu.memory_space<hbm>> -> memref<1x8x85xf32, #tpu.memory_space<hbm>>
    %dma_wait3A_1950 = tpu.memref_squeeze %dma_wait3A_1949 : memref<1x8x85xf32, #tpu.memory_space<hbm>> -> memref<8x85xf32, #tpu.memory_space<hbm>>
    %dma_wait3A_1951 = arith.constant 368 : i32
    %dma_wait3A_1952 = arith.constant 0 : i32
    %dma_wait3A_1953 = tpu.memref_slice %arg12[%dma_wait3A_1951, %dma_wait3A_1952] : memref<384x85xf32, #tpu.memory_space<vmem>> -> memref<8x85xf32, #tpu.memory_space<vmem>>
    %dma_wait3A_1954 = arith.constant 0 : i32
    %dma_wait3A_1955 = arith.constant 0 : i32
    %dma_wait3A_1956 = tpu.memref_slice %arg2[%squeeze3A_1186, %dma_wait3A_1954, %dma_wait3A_1955] : memref<24576x8x85xf32, #tpu.memory_space<hbm>> -> memref<1x8x85xf32, #tpu.memory_space<hbm>>
    %dma_wait3A_1957 = tpu.memref_squeeze %dma_wait3A_1956 : memref<1x8x85xf32, #tpu.memory_space<hbm>> -> memref<8x85xf32, #tpu.memory_space<hbm>>
    tpu.wait_dma2 semaphore(%arg19 : memref<!tpu.dma_semaphore, #tpu.memory_space<semaphore_mem>>) src(%dma_wait3A_1957 : memref<8x85xf32, #tpu.memory_space<hbm>>) dst(%dma_wait3A_1953 : memref<8x85xf32, #tpu.memory_space<vmem>>)
    %dma_wait3A_1958 = arith.constant 376 : i32
    %dma_wait3A_1959 = arith.constant 0 : i32
    %dma_wait3A_1960 = tpu.memref_slice %arg12[%dma_wait3A_1958, %dma_wait3A_1959] : memref<384x85xf32, #tpu.memory_space<vmem>> -> memref<8x85xf32, #tpu.memory_space<vmem>>
    %dma_wait3A_1961 = arith.constant 0 : i32
    %dma_wait3A_1962 = arith.constant 0 : i32
    %dma_wait3A_1963 = tpu.memref_slice %arg2[%squeeze3A_1202, %dma_wait3A_1961, %dma_wait3A_1962] : memref<24576x8x85xf32, #tpu.memory_space<hbm>> -> memref<1x8x85xf32, #tpu.memory_space<hbm>>
    %dma_wait3A_1964 = tpu.memref_squeeze %dma_wait3A_1963 : memref<1x8x85xf32, #tpu.memory_space<hbm>> -> memref<8x85xf32, #tpu.memory_space<hbm>>
    %dma_wait3A_1965 = arith.constant 376 : i32
    %dma_wait3A_1966 = arith.constant 0 : i32
    %dma_wait3A_1967 = tpu.memref_slice %arg12[%dma_wait3A_1965, %dma_wait3A_1966] : memref<384x85xf32, #tpu.memory_space<vmem>> -> memref<8x85xf32, #tpu.memory_space<vmem>>
    %dma_wait3A_1968 = arith.constant 0 : i32
    %dma_wait3A_1969 = arith.constant 0 : i32
    %dma_wait3A_1970 = tpu.memref_slice %arg2[%squeeze3A_1202, %dma_wait3A_1968, %dma_wait3A_1969] : memref<24576x8x85xf32, #tpu.memory_space<hbm>> -> memref<1x8x85xf32, #tpu.memory_space<hbm>>
    %dma_wait3A_1971 = tpu.memref_squeeze %dma_wait3A_1970 : memref<1x8x85xf32, #tpu.memory_space<hbm>> -> memref<8x85xf32, #tpu.memory_space<hbm>>
    tpu.wait_dma2 semaphore(%arg19 : memref<!tpu.dma_semaphore, #tpu.memory_space<semaphore_mem>>) src(%dma_wait3A_1971 : memref<8x85xf32, #tpu.memory_space<hbm>>) dst(%dma_wait3A_1967 : memref<8x85xf32, #tpu.memory_space<vmem>>)
    %broadcast_in_dim3A_1972 = arith.constant 0.000000e+00 : f32
    %broadcast_in_dim3A_1973 = vector.broadcast %broadcast_in_dim3A_1972 : f32 to vector<16xf32>
    %broadcast_in_dim3A_1974 = arith.constant 5 : i32
    %broadcast_in_dim3A_1975 = vector.broadcast %broadcast_in_dim3A_1974 : i32 to vector<16xi32>
    %mul3A_1976 = arith.constant 3 : i32
    %mul3A_1977 = arith.muli %mul3A_1976, %select_n3A_30 : i32
    %add3A_1978 = arith.constant 0 : i32
    %add3A_1979 = arith.addi %mul3A_1977, %add3A_1978 : i32
    %and3A_1980 = arith.constant 3 : i32
    %and3A_1981 = arith.andi %add3A_1979, %and3A_1980 : i32
    %mul3A_1982 = arith.constant 16 : i32
    %mul3A_1983 = arith.muli %mul3A_1982, %and3A_1981 : i32
    %get3A_1984 = arith.index_cast %mul3A_1983 : i32 to index
    %get3A_1985 = tpu.vector_load %arg11[%get3A_1984] {strides = array<i32>} : memref<64xf32, #tpu.memory_space<vmem>>, vector<16xf32>,
    %mul3A_1986 = arith.constant 16 : i32
    %mul3A_1987 = arith.muli %mul3A_1986, %and3A_1981 : i32
    %get3A_1988 = arith.index_cast %mul3A_1987 : i32 to index
    %get3A_1989 = tpu.vector_load %arg10[%get3A_1988] {strides = array<i32>} : memref<64xi32, #tpu.memory_space<vmem>>, vector<16xi32>,
    %get3A_1990 = arith.constant 0 : index
    %get3A_1991 = tpu.vector_load %arg8[%get3A_1990] {strides = array<i32>} : memref<64xi32, #tpu.memory_space<vmem>>, vector<16xi32>,
    %broadcast_in_dim3A_1992 = arith.constant 0.000000e+00 : f32
    %broadcast_in_dim3A_1993 = vector.broadcast %broadcast_in_dim3A_1992 : f32 to vector<16xf32>
    %scan3A = arith.constant 0 : i32
    %scan3A_1994 = arith.constant 10 : i32
    %scan3A_1995 = arith.addi %scan3A, %scan3A_1994 : i32
    %scan3A_1996 = arith.constant 1 : i32
    %scan3A_1997:4 = scf.for %scan3A_2252 = %scan3A to %scan3A_1995 step %scan3A_1996 iter_args(%scan3A_2253 = %broadcast_in_dim3A_1993, %scan3A_2254 = %broadcast_in_dim3A_1993, %scan3A_2255 = %broadcast_in_dim3A_1993, %scan3A_2256 = %broadcast_in_dim3A_1993) -> (vector<16xf32>, vector<16xf32>, vector<16xf32>, vector<16xf32>)  : i32 {
      %mul3A_2257 = arith.constant 8 : i32
      %mul3A_2258 = arith.muli %scan3A_2252, %mul3A_2257 : i32
      %add3A_2259 = vector.broadcast %mul3A_2258 : i32 to vector<16xi32>
      %add3A_2260 = arith.addi %broadcast_in_dim3A_1975, %add3A_2259 : vector<16xi32>
      %gather3A_2261 = tpu.vector_load_idx %arg12[%get3A_1991, %add3A_2260] : memref<384x85xf32, #tpu.memory_space<vmem>>[vector<16xi32>, vector<16xi32>], vector<16xf32>,
      %add3A_2262 = arith.constant 1 : i32
      %add3A_2263 = vector.broadcast %add3A_2262 : i32 to vector<16xi32>
      %add3A_2264 = arith.addi %add3A_2260, %add3A_2263 : vector<16xi32>
      %gather3A_2265 = tpu.vector_load_idx %arg12[%get3A_1991, %add3A_2264] : memref<384x85xf32, #tpu.memory_space<vmem>>[vector<16xi32>, vector<16xi32>], vector<16xf32>,
      %add3A_2266 = arith.constant 2 : i32
      %add3A_2267 = vector.broadcast %add3A_2266 : i32 to vector<16xi32>
      %add3A_2268 = arith.addi %add3A_2260, %add3A_2267 : vector<16xi32>
      %gather3A_2269 = tpu.vector_load_idx %arg12[%get3A_1991, %add3A_2268] : memref<384x85xf32, #tpu.memory_space<vmem>>[vector<16xi32>, vector<16xi32>], vector<16xf32>,
      %add3A_2270 = arith.constant 3 : i32
      %add3A_2271 = vector.broadcast %add3A_2270 : i32 to vector<16xi32>
      %add3A_2272 = arith.addi %add3A_2260, %add3A_2271 : vector<16xi32>
      %gather3A_2273 = tpu.vector_load_idx %arg12[%get3A_1991, %add3A_2272] : memref<384x85xf32, #tpu.memory_space<vmem>>[vector<16xi32>, vector<16xi32>], vector<16xf32>,
      %add3A_2274 = arith.constant 4 : i32
      %add3A_2275 = vector.broadcast %add3A_2274 : i32 to vector<16xi32>
      %add3A_2276 = arith.addi %add3A_2260, %add3A_2275 : vector<16xi32>
      %gather3A_2277 = tpu.vector_load_idx %arg12[%get3A_1991, %add3A_2276] : memref<384x85xf32, #tpu.memory_space<vmem>>[vector<16xi32>, vector<16xi32>], vector<16xf32>,
      %add3A_2278 = arith.constant 5 : i32
      %add3A_2279 = vector.broadcast %add3A_2278 : i32 to vector<16xi32>
      %add3A_2280 = arith.addi %add3A_2260, %add3A_2279 : vector<16xi32>
      %gather3A_2281 = tpu.vector_load_idx %arg12[%get3A_1991, %add3A_2280] : memref<384x85xf32, #tpu.memory_space<vmem>>[vector<16xi32>, vector<16xi32>], vector<16xf32>,
      %add3A_2282 = arith.constant 6 : i32
      %add3A_2283 = vector.broadcast %add3A_2282 : i32 to vector<16xi32>
      %add3A_2284 = arith.addi %add3A_2260, %add3A_2283 : vector<16xi32>
      %gather3A_2285 = tpu.vector_load_idx %arg12[%get3A_1991, %add3A_2284] : memref<384x85xf32, #tpu.memory_space<vmem>>[vector<16xi32>, vector<16xi32>], vector<16xf32>,
      %add3A_2286 = arith.constant 7 : i32
      %add3A_2287 = vector.broadcast %add3A_2286 : i32 to vector<16xi32>
      %add3A_2288 = arith.addi %add3A_2260, %add3A_2287 : vector<16xi32>
      %gather3A_2289 = tpu.vector_load_idx %arg12[%get3A_1991, %add3A_2288] : memref<384x85xf32, #tpu.memory_space<vmem>>[vector<16xi32>, vector<16xi32>], vector<16xf32>,
      %exp3A_2290 = math.exp %gather3A_2261 : vector<16xf32>
      %add3A_2291 = arith.addf %scan3A_2253, %exp3A_2290 : vector<16xf32>
      %exp3A_2292 = math.exp %gather3A_2277 : vector<16xf32>
      %add3A_2293 = arith.addf %add3A_2291, %exp3A_2292 : vector<16xf32>
      %exp3A_2294 = math.exp %gather3A_2265 : vector<16xf32>
      %add3A_2295 = arith.addf %scan3A_2254, %exp3A_2294 : vector<16xf32>
      %exp3A_2296 = math.exp %gather3A_2281 : vector<16xf32>
      %add3A_2297 = arith.addf %add3A_2295, %exp3A_2296 : vector<16xf32>
      %exp3A_2298 = math.exp %gather3A_2269 : vector<16xf32>
      %add3A_2299 = arith.addf %scan3A_2255, %exp3A_2298 : vector<16xf32>
      %exp3A_2300 = math.exp %gather3A_2285 : vector<16xf32>
      %add3A_2301 = arith.addf %add3A_2299, %exp3A_2300 : vector<16xf32>
      %exp3A_2302 = math.exp %gather3A_2273 : vector<16xf32>
      %add3A_2303 = arith.addf %scan3A_2256, %exp3A_2302 : vector<16xf32>
      %exp3A_2304 = math.exp %gather3A_2289 : vector<16xf32>
      %add3A_2305 = arith.addf %add3A_2303, %exp3A_2304 : vector<16xf32>
      scf.yield %add3A_2293, %add3A_2297, %add3A_2301, %add3A_2305 : vector<16xf32>, vector<16xf32>, vector<16xf32>, vector<16xf32>
    }
    %scan3A_1998 = arith.constant 10 : i32
    %add3A_1999 = arith.addf %scan3A_1997#0, %scan3A_1997#1 : vector<16xf32>
    %add3A_2000 = arith.addf %scan3A_1997#2, %scan3A_1997#3 : vector<16xf32>
    %add3A_2001 = arith.addf %add3A_1999, %add3A_2000 : vector<16xf32>
    %add3A_2002 = arith.addi %broadcast_in_dim3A_1975, %get3A_1989 : vector<16xi32>
    %gather3A_2003 = tpu.vector_load_idx %arg12[%get3A_1991, %add3A_2002] : memref<384x85xf32, #tpu.memory_space<vmem>>[vector<16xi32>, vector<16xi32>], vector<16xf32>,
    %bitcast_convert_type3A = tpu.bitcast %add3A_2001 : vector<16xf32> -> vector<16xi32>
    %shift_right_arithmetic3A = arith.constant 23 : i32
    %shift_right_arithmetic3A_2004 = vector.broadcast %shift_right_arithmetic3A : i32 to vector<16xi32>
    %shift_right_arithmetic3A_2005 = arith.shrsi %bitcast_convert_type3A, %shift_right_arithmetic3A_2004 : vector<16xi32>
    %and3A_2006 = arith.constant 255 : i32
    %and3A_2007 = vector.broadcast %and3A_2006 : i32 to vector<16xi32>
    %and3A_2008 = arith.andi %shift_right_arithmetic3A_2005, %and3A_2007 : vector<16xi32>
    %sub3A_2009 = arith.constant 127 : i32
    %sub3A_2010 = vector.broadcast %sub3A_2009 : i32 to vector<16xi32>
    %sub3A_2011 = arith.subi %and3A_2008, %sub3A_2010 : vector<16xi32>
    %and3A_2012 = arith.constant 8388607 : i32
    %and3A_2013 = vector.broadcast %and3A_2012 : i32 to vector<16xi32>
    %and3A_2014 = arith.andi %bitcast_convert_type3A, %and3A_2013 : vector<16xi32>
    %or3A_2015 = arith.constant 1065353216 : i32
    %or3A_2016 = vector.broadcast %or3A_2015 : i32 to vector<16xi32>
    %or3A_2017 = arith.ori %and3A_2014, %or3A_2016 : vector<16xi32>
    %bitcast_convert_type3A_2018 = tpu.bitcast %or3A_2017 : vector<16xi32> -> vector<16xf32>
    %sub3A_2019 = arith.constant 1.000000e+00 : f32
    %sub3A_2020 = vector.broadcast %sub3A_2019 : f32 to vector<16xf32>
    %sub3A_2021 = arith.subf %bitcast_convert_type3A_2018, %sub3A_2020 : vector<16xf32>
    %convert_element_type3A_2022 = arith.sitofp %sub3A_2011 : vector<16xi32> to vector<16xf32>
    %mul3A_2023 = arith.constant 0.693147182 : f32
    %mul3A_2024 = vector.broadcast %mul3A_2023 : f32 to vector<16xf32>
    %mul3A_2025 = arith.mulf %convert_element_type3A_2022, %mul3A_2024 : vector<16xf32>
    %mul3A_2026 = arith.constant 0.333333343 : f32
    %mul3A_2027 = vector.broadcast %mul3A_2026 : f32 to vector<16xf32>
    %mul3A_2028 = arith.mulf %sub3A_2021, %mul3A_2027 : vector<16xf32>
    %sub3A_2029 = arith.constant 5.000000e-01 : f32
    %sub3A_2030 = vector.broadcast %sub3A_2029 : f32 to vector<16xf32>
    %sub3A_2031 = arith.subf %sub3A_2030, %mul3A_2028 : vector<16xf32>
    %mul3A_2032 = arith.mulf %sub3A_2021, %sub3A_2031 : vector<16xf32>
    %sub3A_2033 = arith.constant 1.000000e+00 : f32
    %sub3A_2034 = vector.broadcast %sub3A_2033 : f32 to vector<16xf32>
    %sub3A_2035 = arith.subf %sub3A_2034, %mul3A_2032 : vector<16xf32>
    %mul3A_2036 = arith.mulf %sub3A_2021, %sub3A_2035 : vector<16xf32>
    %add3A_2037 = arith.addf %mul3A_2025, %mul3A_2036 : vector<16xf32>
    %sub3A_2038 = arith.constant 1.000000e+00 : f32
    %sub3A_2039 = vector.broadcast %sub3A_2038 : f32 to vector<16xf32>
    %sub3A_2040 = arith.subf %add3A_2037, %sub3A_2039 : vector<16xf32>
    %neg3A = arith.constant 0.000000e+00 : f32
    %neg3A_2041 = vector.broadcast %neg3A : f32 to vector<16xf32>
    %neg3A_2042 = arith.subf %neg3A_2041, %add3A_2037 : vector<16xf32>
    %exp3A = math.exp %neg3A_2042 : vector<16xf32>
    %mul3A_2043 = arith.mulf %add3A_2001, %exp3A : vector<16xf32>
    %add3A_2044 = arith.addf %sub3A_2040, %mul3A_2043 : vector<16xf32>
    %sub3A_2045 = arith.constant 1.000000e+00 : f32
    %sub3A_2046 = vector.broadcast %sub3A_2045 : f32 to vector<16xf32>
    %sub3A_2047 = arith.subf %add3A_2044, %sub3A_2046 : vector<16xf32>
    %neg3A_2048 = arith.constant 0.000000e+00 : f32
    %neg3A_2049 = vector.broadcast %neg3A_2048 : f32 to vector<16xf32>
    %neg3A_2050 = arith.subf %neg3A_2049, %add3A_2044 : vector<16xf32>
    %exp3A_2051 = math.exp %neg3A_2050 : vector<16xf32>
    %mul3A_2052 = arith.mulf %add3A_2001, %exp3A_2051 : vector<16xf32>
    %add3A_2053 = arith.addf %sub3A_2047, %mul3A_2052 : vector<16xf32>
    %gt3A = arith.constant 0.000000e+00 : f32
    %gt3A_2054 = vector.broadcast %gt3A : f32 to vector<16xf32>
    %gt3A_2055 = arith.cmpf ogt, %get3A_1985, %gt3A_2054 : vector<16xf32>
    %sub3A_2056 = arith.subf %add3A_2053, %gather3A_2003 : vector<16xf32>
    %jit3A_2057 = arith.constant 0.000000e+00 : f32
    %broadcast_in_dim3A_2058 = vector.broadcast %jit3A_2057 : f32 to vector<16xf32>
    %select_n3A_2059 = arith.select %gt3A_2055, %sub3A_2056, %broadcast_in_dim3A_2058 : vector<16xi1>, vector<16xf32>
    %add3A_2060 = arith.addf %broadcast_in_dim3A_1973, %select_n3A_2059 : vector<16xf32>
    %mul3A_2061 = arith.constant 3 : i32
    %mul3A_2062 = arith.muli %mul3A_2061, %select_n3A_30 : i32
    %add3A_2063 = arith.constant 1 : i32
    %add3A_2064 = arith.addi %mul3A_2062, %add3A_2063 : i32
    %and3A_2065 = arith.constant 3 : i32
    %and3A_2066 = arith.andi %add3A_2064, %and3A_2065 : i32
    %mul3A_2067 = arith.constant 16 : i32
    %mul3A_2068 = arith.muli %mul3A_2067, %and3A_2066 : i32
    %get3A_2069 = arith.index_cast %mul3A_2068 : i32 to index
    %get3A_2070 = tpu.vector_load %arg11[%get3A_2069] {strides = array<i32>} : memref<64xf32, #tpu.memory_space<vmem>>, vector<16xf32>,
    %mul3A_2071 = arith.constant 16 : i32
    %mul3A_2072 = arith.muli %mul3A_2071, %and3A_2066 : i32
    %get3A_2073 = arith.index_cast %mul3A_2072 : i32 to index
    %get3A_2074 = tpu.vector_load %arg10[%get3A_2073] {strides = array<i32>} : memref<64xi32, #tpu.memory_space<vmem>>, vector<16xi32>,
    %get3A_2075 = arith.constant 16 : index
    %get3A_2076 = tpu.vector_load %arg8[%get3A_2075] {strides = array<i32>} : memref<64xi32, #tpu.memory_space<vmem>>, vector<16xi32>,
    %broadcast_in_dim3A_2077 = arith.constant 0.000000e+00 : f32
    %broadcast_in_dim3A_2078 = vector.broadcast %broadcast_in_dim3A_2077 : f32 to vector<16xf32>
    %scan3A_2079 = arith.constant 0 : i32
    %scan3A_2080 = arith.constant 10 : i32
    %scan3A_2081 = arith.addi %scan3A_2079, %scan3A_2080 : i32
    %scan3A_2082 = arith.constant 1 : i32
    %scan3A_2083:4 = scf.for %scan3A_2252 = %scan3A_2079 to %scan3A_2081 step %scan3A_2082 iter_args(%scan3A_2253 = %broadcast_in_dim3A_2078, %scan3A_2254 = %broadcast_in_dim3A_2078, %scan3A_2255 = %broadcast_in_dim3A_2078, %scan3A_2256 = %broadcast_in_dim3A_2078) -> (vector<16xf32>, vector<16xf32>, vector<16xf32>, vector<16xf32>)  : i32 {
      %mul3A_2257 = arith.constant 8 : i32
      %mul3A_2258 = arith.muli %scan3A_2252, %mul3A_2257 : i32
      %add3A_2259 = vector.broadcast %mul3A_2258 : i32 to vector<16xi32>
      %add3A_2260 = arith.addi %broadcast_in_dim3A_1975, %add3A_2259 : vector<16xi32>
      %gather3A_2261 = tpu.vector_load_idx %arg12[%get3A_2076, %add3A_2260] : memref<384x85xf32, #tpu.memory_space<vmem>>[vector<16xi32>, vector<16xi32>], vector<16xf32>,
      %add3A_2262 = arith.constant 1 : i32
      %add3A_2263 = vector.broadcast %add3A_2262 : i32 to vector<16xi32>
      %add3A_2264 = arith.addi %add3A_2260, %add3A_2263 : vector<16xi32>
      %gather3A_2265 = tpu.vector_load_idx %arg12[%get3A_2076, %add3A_2264] : memref<384x85xf32, #tpu.memory_space<vmem>>[vector<16xi32>, vector<16xi32>], vector<16xf32>,
      %add3A_2266 = arith.constant 2 : i32
      %add3A_2267 = vector.broadcast %add3A_2266 : i32 to vector<16xi32>
      %add3A_2268 = arith.addi %add3A_2260, %add3A_2267 : vector<16xi32>
      %gather3A_2269 = tpu.vector_load_idx %arg12[%get3A_2076, %add3A_2268] : memref<384x85xf32, #tpu.memory_space<vmem>>[vector<16xi32>, vector<16xi32>], vector<16xf32>,
      %add3A_2270 = arith.constant 3 : i32
      %add3A_2271 = vector.broadcast %add3A_2270 : i32 to vector<16xi32>
      %add3A_2272 = arith.addi %add3A_2260, %add3A_2271 : vector<16xi32>
      %gather3A_2273 = tpu.vector_load_idx %arg12[%get3A_2076, %add3A_2272] : memref<384x85xf32, #tpu.memory_space<vmem>>[vector<16xi32>, vector<16xi32>], vector<16xf32>,
      %add3A_2274 = arith.constant 4 : i32
      %add3A_2275 = vector.broadcast %add3A_2274 : i32 to vector<16xi32>
      %add3A_2276 = arith.addi %add3A_2260, %add3A_2275 : vector<16xi32>
      %gather3A_2277 = tpu.vector_load_idx %arg12[%get3A_2076, %add3A_2276] : memref<384x85xf32, #tpu.memory_space<vmem>>[vector<16xi32>, vector<16xi32>], vector<16xf32>,
      %add3A_2278 = arith.constant 5 : i32
      %add3A_2279 = vector.broadcast %add3A_2278 : i32 to vector<16xi32>
      %add3A_2280 = arith.addi %add3A_2260, %add3A_2279 : vector<16xi32>
      %gather3A_2281 = tpu.vector_load_idx %arg12[%get3A_2076, %add3A_2280] : memref<384x85xf32, #tpu.memory_space<vmem>>[vector<16xi32>, vector<16xi32>], vector<16xf32>,
      %add3A_2282 = arith.constant 6 : i32
      %add3A_2283 = vector.broadcast %add3A_2282 : i32 to vector<16xi32>
      %add3A_2284 = arith.addi %add3A_2260, %add3A_2283 : vector<16xi32>
      %gather3A_2285 = tpu.vector_load_idx %arg12[%get3A_2076, %add3A_2284] : memref<384x85xf32, #tpu.memory_space<vmem>>[vector<16xi32>, vector<16xi32>], vector<16xf32>,
      %add3A_2286 = arith.constant 7 : i32
      %add3A_2287 = vector.broadcast %add3A_2286 : i32 to vector<16xi32>
      %add3A_2288 = arith.addi %add3A_2260, %add3A_2287 : vector<16xi32>
      %gather3A_2289 = tpu.vector_load_idx %arg12[%get3A_2076, %add3A_2288] : memref<384x85xf32, #tpu.memory_space<vmem>>[vector<16xi32>, vector<16xi32>], vector<16xf32>,
      %exp3A_2290 = math.exp %gather3A_2261 : vector<16xf32>
      %add3A_2291 = arith.addf %scan3A_2253, %exp3A_2290 : vector<16xf32>
      %exp3A_2292 = math.exp %gather3A_2277 : vector<16xf32>
      %add3A_2293 = arith.addf %add3A_2291, %exp3A_2292 : vector<16xf32>
      %exp3A_2294 = math.exp %gather3A_2265 : vector<16xf32>
      %add3A_2295 = arith.addf %scan3A_2254, %exp3A_2294 : vector<16xf32>
      %exp3A_2296 = math.exp %gather3A_2281 : vector<16xf32>
      %add3A_2297 = arith.addf %add3A_2295, %exp3A_2296 : vector<16xf32>
      %exp3A_2298 = math.exp %gather3A_2269 : vector<16xf32>
      %add3A_2299 = arith.addf %scan3A_2255, %exp3A_2298 : vector<16xf32>
      %exp3A_2300 = math.exp %gather3A_2285 : vector<16xf32>
      %add3A_2301 = arith.addf %add3A_2299, %exp3A_2300 : vector<16xf32>
      %exp3A_2302 = math.exp %gather3A_2273 : vector<16xf32>
      %add3A_2303 = arith.addf %scan3A_2256, %exp3A_2302 : vector<16xf32>
      %exp3A_2304 = math.exp %gather3A_2289 : vector<16xf32>
      %add3A_2305 = arith.addf %add3A_2303, %exp3A_2304 : vector<16xf32>
      scf.yield %add3A_2293, %add3A_2297, %add3A_2301, %add3A_2305 : vector<16xf32>, vector<16xf32>, vector<16xf32>, vector<16xf32>
    }
    %scan3A_2084 = arith.constant 10 : i32
    %add3A_2085 = arith.addf %scan3A_2083#0, %scan3A_2083#1 : vector<16xf32>
    %add3A_2086 = arith.addf %scan3A_2083#2, %scan3A_2083#3 : vector<16xf32>
    %add3A_2087 = arith.addf %add3A_2085, %add3A_2086 : vector<16xf32>
    %add3A_2088 = arith.addi %broadcast_in_dim3A_1975, %get3A_2074 : vector<16xi32>
    %gather3A_2089 = tpu.vector_load_idx %arg12[%get3A_2076, %add3A_2088] : memref<384x85xf32, #tpu.memory_space<vmem>>[vector<16xi32>, vector<16xi32>], vector<16xf32>,
    %bitcast_convert_type3A_2090 = tpu.bitcast %add3A_2087 : vector<16xf32> -> vector<16xi32>
    %shift_right_arithmetic3A_2091 = arith.constant 23 : i32
    %shift_right_arithmetic3A_2092 = vector.broadcast %shift_right_arithmetic3A_2091 : i32 to vector<16xi32>
    %shift_right_arithmetic3A_2093 = arith.shrsi %bitcast_convert_type3A_2090, %shift_right_arithmetic3A_2092 : vector<16xi32>
    %and3A_2094 = arith.constant 255 : i32
    %and3A_2095 = vector.broadcast %and3A_2094 : i32 to vector<16xi32>
    %and3A_2096 = arith.andi %shift_right_arithmetic3A_2093, %and3A_2095 : vector<16xi32>
    %sub3A_2097 = arith.constant 127 : i32
    %sub3A_2098 = vector.broadcast %sub3A_2097 : i32 to vector<16xi32>
    %sub3A_2099 = arith.subi %and3A_2096, %sub3A_2098 : vector<16xi32>
    %and3A_2100 = arith.constant 8388607 : i32
    %and3A_2101 = vector.broadcast %and3A_2100 : i32 to vector<16xi32>
    %and3A_2102 = arith.andi %bitcast_convert_type3A_2090, %and3A_2101 : vector<16xi32>
    %or3A_2103 = arith.constant 1065353216 : i32
    %or3A_2104 = vector.broadcast %or3A_2103 : i32 to vector<16xi32>
    %or3A_2105 = arith.ori %and3A_2102, %or3A_2104 : vector<16xi32>
    %bitcast_convert_type3A_2106 = tpu.bitcast %or3A_2105 : vector<16xi32> -> vector<16xf32>
    %sub3A_2107 = arith.constant 1.000000e+00 : f32
    %sub3A_2108 = vector.broadcast %sub3A_2107 : f32 to vector<16xf32>
    %sub3A_2109 = arith.subf %bitcast_convert_type3A_2106, %sub3A_2108 : vector<16xf32>
    %convert_element_type3A_2110 = arith.sitofp %sub3A_2099 : vector<16xi32> to vector<16xf32>
    %mul3A_2111 = arith.constant 0.693147182 : f32
    %mul3A_2112 = vector.broadcast %mul3A_2111 : f32 to vector<16xf32>
    %mul3A_2113 = arith.mulf %convert_element_type3A_2110, %mul3A_2112 : vector<16xf32>
    %mul3A_2114 = arith.constant 0.333333343 : f32
    %mul3A_2115 = vector.broadcast %mul3A_2114 : f32 to vector<16xf32>
    %mul3A_2116 = arith.mulf %sub3A_2109, %mul3A_2115 : vector<16xf32>
    %sub3A_2117 = arith.constant 5.000000e-01 : f32
    %sub3A_2118 = vector.broadcast %sub3A_2117 : f32 to vector<16xf32>
    %sub3A_2119 = arith.subf %sub3A_2118, %mul3A_2116 : vector<16xf32>
    %mul3A_2120 = arith.mulf %sub3A_2109, %sub3A_2119 : vector<16xf32>
    %sub3A_2121 = arith.constant 1.000000e+00 : f32
    %sub3A_2122 = vector.broadcast %sub3A_2121 : f32 to vector<16xf32>
    %sub3A_2123 = arith.subf %sub3A_2122, %mul3A_2120 : vector<16xf32>
    %mul3A_2124 = arith.mulf %sub3A_2109, %sub3A_2123 : vector<16xf32>
    %add3A_2125 = arith.addf %mul3A_2113, %mul3A_2124 : vector<16xf32>
    %sub3A_2126 = arith.constant 1.000000e+00 : f32
    %sub3A_2127 = vector.broadcast %sub3A_2126 : f32 to vector<16xf32>
    %sub3A_2128 = arith.subf %add3A_2125, %sub3A_2127 : vector<16xf32>
    %neg3A_2129 = arith.constant 0.000000e+00 : f32
    %neg3A_2130 = vector.broadcast %neg3A_2129 : f32 to vector<16xf32>
    %neg3A_2131 = arith.subf %neg3A_2130, %add3A_2125 : vector<16xf32>
    %exp3A_2132 = math.exp %neg3A_2131 : vector<16xf32>
    %mul3A_2133 = arith.mulf %add3A_2087, %exp3A_2132 : vector<16xf32>
    %add3A_2134 = arith.addf %sub3A_2128, %mul3A_2133 : vector<16xf32>
    %sub3A_2135 = arith.constant 1.000000e+00 : f32
    %sub3A_2136 = vector.broadcast %sub3A_2135 : f32 to vector<16xf32>
    %sub3A_2137 = arith.subf %add3A_2134, %sub3A_2136 : vector<16xf32>
    %neg3A_2138 = arith.constant 0.000000e+00 : f32
    %neg3A_2139 = vector.broadcast %neg3A_2138 : f32 to vector<16xf32>
    %neg3A_2140 = arith.subf %neg3A_2139, %add3A_2134 : vector<16xf32>
    %exp3A_2141 = math.exp %neg3A_2140 : vector<16xf32>
    %mul3A_2142 = arith.mulf %add3A_2087, %exp3A_2141 : vector<16xf32>
    %add3A_2143 = arith.addf %sub3A_2137, %mul3A_2142 : vector<16xf32>
    %gt3A_2144 = arith.constant 0.000000e+00 : f32
    %gt3A_2145 = vector.broadcast %gt3A_2144 : f32 to vector<16xf32>
    %gt3A_2146 = arith.cmpf ogt, %get3A_2070, %gt3A_2145 : vector<16xf32>
    %sub3A_2147 = arith.subf %add3A_2143, %gather3A_2089 : vector<16xf32>
    %jit3A_2148 = arith.constant 0.000000e+00 : f32
    %broadcast_in_dim3A_2149 = vector.broadcast %jit3A_2148 : f32 to vector<16xf32>
    %select_n3A_2150 = arith.select %gt3A_2146, %sub3A_2147, %broadcast_in_dim3A_2149 : vector<16xi1>, vector<16xf32>
    %add3A_2151 = arith.addf %add3A_2060, %select_n3A_2150 : vector<16xf32>
    %mul3A_2152 = arith.constant 3 : i32
    %mul3A_2153 = arith.muli %mul3A_2152, %select_n3A_30 : i32
    %add3A_2154 = arith.constant 2 : i32
    %add3A_2155 = arith.addi %mul3A_2153, %add3A_2154 : i32
    %and3A_2156 = arith.constant 3 : i32
    %and3A_2157 = arith.andi %add3A_2155, %and3A_2156 : i32
    %mul3A_2158 = arith.constant 16 : i32
    %mul3A_2159 = arith.muli %mul3A_2158, %and3A_2157 : i32
    %get3A_2160 = arith.index_cast %mul3A_2159 : i32 to index
    %get3A_2161 = tpu.vector_load %arg11[%get3A_2160] {strides = array<i32>} : memref<64xf32, #tpu.memory_space<vmem>>, vector<16xf32>,
    %mul3A_2162 = arith.constant 16 : i32
    %mul3A_2163 = arith.muli %mul3A_2162, %and3A_2157 : i32
    %get3A_2164 = arith.index_cast %mul3A_2163 : i32 to index
    %get3A_2165 = tpu.vector_load %arg10[%get3A_2164] {strides = array<i32>} : memref<64xi32, #tpu.memory_space<vmem>>, vector<16xi32>,
    %get3A_2166 = arith.constant 32 : index
    %get3A_2167 = tpu.vector_load %arg8[%get3A_2166] {strides = array<i32>} : memref<64xi32, #tpu.memory_space<vmem>>, vector<16xi32>,
    %broadcast_in_dim3A_2168 = arith.constant 0.000000e+00 : f32
    %broadcast_in_dim3A_2169 = vector.broadcast %broadcast_in_dim3A_2168 : f32 to vector<16xf32>
    %scan3A_2170 = arith.constant 0 : i32
    %scan3A_2171 = arith.constant 10 : i32
    %scan3A_2172 = arith.addi %scan3A_2170, %scan3A_2171 : i32
    %scan3A_2173 = arith.constant 1 : i32
    %scan3A_2174:4 = scf.for %scan3A_2252 = %scan3A_2170 to %scan3A_2172 step %scan3A_2173 iter_args(%scan3A_2253 = %broadcast_in_dim3A_2169, %scan3A_2254 = %broadcast_in_dim3A_2169, %scan3A_2255 = %broadcast_in_dim3A_2169, %scan3A_2256 = %broadcast_in_dim3A_2169) -> (vector<16xf32>, vector<16xf32>, vector<16xf32>, vector<16xf32>)  : i32 {
      %mul3A_2257 = arith.constant 8 : i32
      %mul3A_2258 = arith.muli %scan3A_2252, %mul3A_2257 : i32
      %add3A_2259 = vector.broadcast %mul3A_2258 : i32 to vector<16xi32>
      %add3A_2260 = arith.addi %broadcast_in_dim3A_1975, %add3A_2259 : vector<16xi32>
      %gather3A_2261 = tpu.vector_load_idx %arg12[%get3A_2167, %add3A_2260] : memref<384x85xf32, #tpu.memory_space<vmem>>[vector<16xi32>, vector<16xi32>], vector<16xf32>,
      %add3A_2262 = arith.constant 1 : i32
      %add3A_2263 = vector.broadcast %add3A_2262 : i32 to vector<16xi32>
      %add3A_2264 = arith.addi %add3A_2260, %add3A_2263 : vector<16xi32>
      %gather3A_2265 = tpu.vector_load_idx %arg12[%get3A_2167, %add3A_2264] : memref<384x85xf32, #tpu.memory_space<vmem>>[vector<16xi32>, vector<16xi32>], vector<16xf32>,
      %add3A_2266 = arith.constant 2 : i32
      %add3A_2267 = vector.broadcast %add3A_2266 : i32 to vector<16xi32>
      %add3A_2268 = arith.addi %add3A_2260, %add3A_2267 : vector<16xi32>
      %gather3A_2269 = tpu.vector_load_idx %arg12[%get3A_2167, %add3A_2268] : memref<384x85xf32, #tpu.memory_space<vmem>>[vector<16xi32>, vector<16xi32>], vector<16xf32>,
      %add3A_2270 = arith.constant 3 : i32
      %add3A_2271 = vector.broadcast %add3A_2270 : i32 to vector<16xi32>
      %add3A_2272 = arith.addi %add3A_2260, %add3A_2271 : vector<16xi32>
      %gather3A_2273 = tpu.vector_load_idx %arg12[%get3A_2167, %add3A_2272] : memref<384x85xf32, #tpu.memory_space<vmem>>[vector<16xi32>, vector<16xi32>], vector<16xf32>,
      %add3A_2274 = arith.constant 4 : i32
      %add3A_2275 = vector.broadcast %add3A_2274 : i32 to vector<16xi32>
      %add3A_2276 = arith.addi %add3A_2260, %add3A_2275 : vector<16xi32>
      %gather3A_2277 = tpu.vector_load_idx %arg12[%get3A_2167, %add3A_2276] : memref<384x85xf32, #tpu.memory_space<vmem>>[vector<16xi32>, vector<16xi32>], vector<16xf32>,
      %add3A_2278 = arith.constant 5 : i32
      %add3A_2279 = vector.broadcast %add3A_2278 : i32 to vector<16xi32>
      %add3A_2280 = arith.addi %add3A_2260, %add3A_2279 : vector<16xi32>
      %gather3A_2281 = tpu.vector_load_idx %arg12[%get3A_2167, %add3A_2280] : memref<384x85xf32, #tpu.memory_space<vmem>>[vector<16xi32>, vector<16xi32>], vector<16xf32>,
      %add3A_2282 = arith.constant 6 : i32
      %add3A_2283 = vector.broadcast %add3A_2282 : i32 to vector<16xi32>
      %add3A_2284 = arith.addi %add3A_2260, %add3A_2283 : vector<16xi32>
      %gather3A_2285 = tpu.vector_load_idx %arg12[%get3A_2167, %add3A_2284] : memref<384x85xf32, #tpu.memory_space<vmem>>[vector<16xi32>, vector<16xi32>], vector<16xf32>,
      %add3A_2286 = arith.constant 7 : i32
      %add3A_2287 = vector.broadcast %add3A_2286 : i32 to vector<16xi32>
      %add3A_2288 = arith.addi %add3A_2260, %add3A_2287 : vector<16xi32>
      %gather3A_2289 = tpu.vector_load_idx %arg12[%get3A_2167, %add3A_2288] : memref<384x85xf32, #tpu.memory_space<vmem>>[vector<16xi32>, vector<16xi32>], vector<16xf32>,
      %exp3A_2290 = math.exp %gather3A_2261 : vector<16xf32>
      %add3A_2291 = arith.addf %scan3A_2253, %exp3A_2290 : vector<16xf32>
      %exp3A_2292 = math.exp %gather3A_2277 : vector<16xf32>
      %add3A_2293 = arith.addf %add3A_2291, %exp3A_2292 : vector<16xf32>
      %exp3A_2294 = math.exp %gather3A_2265 : vector<16xf32>
      %add3A_2295 = arith.addf %scan3A_2254, %exp3A_2294 : vector<16xf32>
      %exp3A_2296 = math.exp %gather3A_2281 : vector<16xf32>
      %add3A_2297 = arith.addf %add3A_2295, %exp3A_2296 : vector<16xf32>
      %exp3A_2298 = math.exp %gather3A_2269 : vector<16xf32>
      %add3A_2299 = arith.addf %scan3A_2255, %exp3A_2298 : vector<16xf32>
      %exp3A_2300 = math.exp %gather3A_2285 : vector<16xf32>
      %add3A_2301 = arith.addf %add3A_2299, %exp3A_2300 : vector<16xf32>
      %exp3A_2302 = math.exp %gather3A_2273 : vector<16xf32>
      %add3A_2303 = arith.addf %scan3A_2256, %exp3A_2302 : vector<16xf32>
      %exp3A_2304 = math.exp %gather3A_2289 : vector<16xf32>
      %add3A_2305 = arith.addf %add3A_2303, %exp3A_2304 : vector<16xf32>
      scf.yield %add3A_2293, %add3A_2297, %add3A_2301, %add3A_2305 : vector<16xf32>, vector<16xf32>, vector<16xf32>, vector<16xf32>
    }
    %scan3A_2175 = arith.constant 10 : i32
    %add3A_2176 = arith.addf %scan3A_2174#0, %scan3A_2174#1 : vector<16xf32>
    %add3A_2177 = arith.addf %scan3A_2174#2, %scan3A_2174#3 : vector<16xf32>
    %add3A_2178 = arith.addf %add3A_2176, %add3A_2177 : vector<16xf32>
    %add3A_2179 = arith.addi %broadcast_in_dim3A_1975, %get3A_2165 : vector<16xi32>
    %gather3A_2180 = tpu.vector_load_idx %arg12[%get3A_2167, %add3A_2179] : memref<384x85xf32, #tpu.memory_space<vmem>>[vector<16xi32>, vector<16xi32>], vector<16xf32>,
    %bitcast_convert_type3A_2181 = tpu.bitcast %add3A_2178 : vector<16xf32> -> vector<16xi32>
    %shift_right_arithmetic3A_2182 = arith.constant 23 : i32
    %shift_right_arithmetic3A_2183 = vector.broadcast %shift_right_arithmetic3A_2182 : i32 to vector<16xi32>
    %shift_right_arithmetic3A_2184 = arith.shrsi %bitcast_convert_type3A_2181, %shift_right_arithmetic3A_2183 : vector<16xi32>
    %and3A_2185 = arith.constant 255 : i32
    %and3A_2186 = vector.broadcast %and3A_2185 : i32 to vector<16xi32>
    %and3A_2187 = arith.andi %shift_right_arithmetic3A_2184, %and3A_2186 : vector<16xi32>
    %sub3A_2188 = arith.constant 127 : i32
    %sub3A_2189 = vector.broadcast %sub3A_2188 : i32 to vector<16xi32>
    %sub3A_2190 = arith.subi %and3A_2187, %sub3A_2189 : vector<16xi32>
    %and3A_2191 = arith.constant 8388607 : i32
    %and3A_2192 = vector.broadcast %and3A_2191 : i32 to vector<16xi32>
    %and3A_2193 = arith.andi %bitcast_convert_type3A_2181, %and3A_2192 : vector<16xi32>
    %or3A_2194 = arith.constant 1065353216 : i32
    %or3A_2195 = vector.broadcast %or3A_2194 : i32 to vector<16xi32>
    %or3A_2196 = arith.ori %and3A_2193, %or3A_2195 : vector<16xi32>
    %bitcast_convert_type3A_2197 = tpu.bitcast %or3A_2196 : vector<16xi32> -> vector<16xf32>
    %sub3A_2198 = arith.constant 1.000000e+00 : f32
    %sub3A_2199 = vector.broadcast %sub3A_2198 : f32 to vector<16xf32>
    %sub3A_2200 = arith.subf %bitcast_convert_type3A_2197, %sub3A_2199 : vector<16xf32>
    %convert_element_type3A_2201 = arith.sitofp %sub3A_2190 : vector<16xi32> to vector<16xf32>
    %mul3A_2202 = arith.constant 0.693147182 : f32
    %mul3A_2203 = vector.broadcast %mul3A_2202 : f32 to vector<16xf32>
    %mul3A_2204 = arith.mulf %convert_element_type3A_2201, %mul3A_2203 : vector<16xf32>
    %mul3A_2205 = arith.constant 0.333333343 : f32
    %mul3A_2206 = vector.broadcast %mul3A_2205 : f32 to vector<16xf32>
    %mul3A_2207 = arith.mulf %sub3A_2200, %mul3A_2206 : vector<16xf32>
    %sub3A_2208 = arith.constant 5.000000e-01 : f32
    %sub3A_2209 = vector.broadcast %sub3A_2208 : f32 to vector<16xf32>
    %sub3A_2210 = arith.subf %sub3A_2209, %mul3A_2207 : vector<16xf32>
    %mul3A_2211 = arith.mulf %sub3A_2200, %sub3A_2210 : vector<16xf32>
    %sub3A_2212 = arith.constant 1.000000e+00 : f32
    %sub3A_2213 = vector.broadcast %sub3A_2212 : f32 to vector<16xf32>
    %sub3A_2214 = arith.subf %sub3A_2213, %mul3A_2211 : vector<16xf32>
    %mul3A_2215 = arith.mulf %sub3A_2200, %sub3A_2214 : vector<16xf32>
    %add3A_2216 = arith.addf %mul3A_2204, %mul3A_2215 : vector<16xf32>
    %sub3A_2217 = arith.constant 1.000000e+00 : f32
    %sub3A_2218 = vector.broadcast %sub3A_2217 : f32 to vector<16xf32>
    %sub3A_2219 = arith.subf %add3A_2216, %sub3A_2218 : vector<16xf32>
    %neg3A_2220 = arith.constant 0.000000e+00 : f32
    %neg3A_2221 = vector.broadcast %neg3A_2220 : f32 to vector<16xf32>
    %neg3A_2222 = arith.subf %neg3A_2221, %add3A_2216 : vector<16xf32>
    %exp3A_2223 = math.exp %neg3A_2222 : vector<16xf32>
    %mul3A_2224 = arith.mulf %add3A_2178, %exp3A_2223 : vector<16xf32>
    %add3A_2225 = arith.addf %sub3A_2219, %mul3A_2224 : vector<16xf32>
    %sub3A_2226 = arith.constant 1.000000e+00 : f32
    %sub3A_2227 = vector.broadcast %sub3A_2226 : f32 to vector<16xf32>
    %sub3A_2228 = arith.subf %add3A_2225, %sub3A_2227 : vector<16xf32>
    %neg3A_2229 = arith.constant 0.000000e+00 : f32
    %neg3A_2230 = vector.broadcast %neg3A_2229 : f32 to vector<16xf32>
    %neg3A_2231 = arith.subf %neg3A_2230, %add3A_2225 : vector<16xf32>
    %exp3A_2232 = math.exp %neg3A_2231 : vector<16xf32>
    %mul3A_2233 = arith.mulf %add3A_2178, %exp3A_2232 : vector<16xf32>
    %add3A_2234 = arith.addf %sub3A_2228, %mul3A_2233 : vector<16xf32>
    %gt3A_2235 = arith.constant 0.000000e+00 : f32
    %gt3A_2236 = vector.broadcast %gt3A_2235 : f32 to vector<16xf32>
    %gt3A_2237 = arith.cmpf ogt, %get3A_2161, %gt3A_2236 : vector<16xf32>
    %sub3A_2238 = arith.subf %add3A_2234, %gather3A_2180 : vector<16xf32>
    %jit3A_2239 = arith.constant 0.000000e+00 : f32
    %broadcast_in_dim3A_2240 = vector.broadcast %jit3A_2239 : f32 to vector<16xf32>
    %select_n3A_2241 = arith.select %gt3A_2237, %sub3A_2238, %broadcast_in_dim3A_2240 : vector<16xi1>, vector<16xf32>
    %add3A_2242 = arith.addf %add3A_2151, %select_n3A_2241 : vector<16xf32>
    %swap3A_2243 = arith.constant 0 : index
    %swap3A_2244 = tpu.vector_load %arg13[%swap3A_2243] {strides = array<i32>} : memref<16xf32, #tpu.memory_space<vmem>>, vector<16xf32>,
    tpu.vector_store %arg13[%swap3A_2243], %add3A_2242 {strides = array<i32>} : memref<16xf32, #tpu.memory_space<vmem>>, vector<16xf32>,
    %mul3A_2245 = arith.constant 16 : i32
    %mul3A_2246 = arith.muli %mul3A_2245, %arg1 : i32
    "tpu.region"() ({
      %run_scoped3A = tpu.sem_alloc : memref<!tpu.dma_semaphore, #tpu.memory_space<semaphore_mem>>
      %dma_start3A_2252 = tpu.memref_slice %arg15[%mul3A_2246] : memref<256xf32, #tpu.memory_space<vmem_shared>> -> memref<16xf32, #tpu.memory_space<vmem_shared>>
      %dma_start3A_2253 = tpu.memref_slice %arg15[%mul3A_2246] : memref<256xf32, #tpu.memory_space<vmem_shared>> -> memref<16xf32, #tpu.memory_space<vmem_shared>>
      tpu.enqueue_dma source(%arg13 : memref<16xf32, #tpu.memory_space<vmem>>) target(%dma_start3A_2253 : memref<16xf32, #tpu.memory_space<vmem_shared>>) target_semaphore(%run_scoped3A : memref<!tpu.dma_semaphore, #tpu.memory_space<semaphore_mem>>)
      %dma_wait3A_2254 = tpu.memref_slice %arg15[%mul3A_2246] : memref<256xf32, #tpu.memory_space<vmem_shared>> -> memref<16xf32, #tpu.memory_space<vmem_shared>>
      %dma_wait3A_2255 = tpu.memref_slice %arg15[%mul3A_2246] : memref<256xf32, #tpu.memory_space<vmem_shared>> -> memref<16xf32, #tpu.memory_space<vmem_shared>>
      tpu.wait_dma2 semaphore(%run_scoped3A : memref<!tpu.dma_semaphore, #tpu.memory_space<semaphore_mem>>) src(%arg13 : memref<16xf32, #tpu.memory_space<vmem>>) dst(%dma_wait3A_2255 : memref<16xf32, #tpu.memory_space<vmem_shared>>)
      tpu.yield
    }) : () -> ()
    %barrier3A = arith.constant 0 : index
    tpu.barrier barrier_id(%barrier3A)
    %eq3A_2247 = arith.constant 0 : i32
    %eq3A_2248 = arith.cmpi eq, %arg1, %eq3A_2247 : i32
    %convert_element_type3A_2249 = arith.extui %eq3A_2248 : i1 to i32
    %cond3A_2250 = arith.constant 0 : i32
    %cond3A_2251 = arith.cmpi ne, %convert_element_type3A_2249, %cond3A_2250 : i32
    scf.if %cond3A_2251 {
      "tpu.region"() ({
        %run_scoped3A = tpu.sem_alloc : memref<!tpu.dma_semaphore, #tpu.memory_space<semaphore_mem>>
        tpu.enqueue_dma source(%arg15 : memref<256xf32, #tpu.memory_space<vmem_shared>>) target(%arg17 : memref<256xf32, #tpu.memory_space<vmem>>) target_semaphore(%run_scoped3A : memref<!tpu.dma_semaphore, #tpu.memory_space<semaphore_mem>>)
        tpu.wait_dma2 semaphore(%run_scoped3A : memref<!tpu.dma_semaphore, #tpu.memory_space<semaphore_mem>>) src(%arg15 : memref<256xf32, #tpu.memory_space<vmem_shared>>) dst(%arg17 : memref<256xf32, #tpu.memory_space<vmem>>)
        tpu.yield
      }) : () -> ()
      "tpu.region"() ({
        %run_scoped3A = tpu.sem_alloc : memref<!tpu.dma_semaphore, #tpu.memory_space<semaphore_mem>>
        tpu.enqueue_dma source(%arg16 : memref<64xf32, #tpu.memory_space<vmem_shared>>) target(%arg18 : memref<64xf32, #tpu.memory_space<vmem>>) target_semaphore(%run_scoped3A : memref<!tpu.dma_semaphore, #tpu.memory_space<semaphore_mem>>)
        tpu.wait_dma2 semaphore(%run_scoped3A : memref<!tpu.dma_semaphore, #tpu.memory_space<semaphore_mem>>) src(%arg16 : memref<64xf32, #tpu.memory_space<vmem_shared>>) dst(%arg18 : memref<64xf32, #tpu.memory_space<vmem>>)
        tpu.yield
      }) : () -> ()
      %broadcast_in_dim3A_2252 = arith.constant 0.000000e+00 : f32
      %broadcast_in_dim3A_2253 = vector.broadcast %broadcast_in_dim3A_2252 : f32 to vector<16xf32>
      %broadcast_in_dim3A_2254 = arith.constant 1.000000e+00 : f32
      %broadcast_in_dim3A_2255 = vector.broadcast %broadcast_in_dim3A_2254 : f32 to vector<16xf32>
      %get3A_2256 = arith.constant 0 : index
      %get3A_2257 = tpu.vector_load %arg17[%get3A_2256] {strides = array<i32>} : memref<256xf32, #tpu.memory_space<vmem>>, vector<16xf32>,
      %get3A_2258 = arith.constant 16 : index
      %get3A_2259 = tpu.vector_load %arg17[%get3A_2258] {strides = array<i32>} : memref<256xf32, #tpu.memory_space<vmem>>, vector<16xf32>,
      %add3A_2260 = arith.addf %get3A_2257, %get3A_2259 : vector<16xf32>
      %get3A_2261 = arith.constant 32 : index
      %get3A_2262 = tpu.vector_load %arg17[%get3A_2261] {strides = array<i32>} : memref<256xf32, #tpu.memory_space<vmem>>, vector<16xf32>,
      %add3A_2263 = arith.addf %add3A_2260, %get3A_2262 : vector<16xf32>
      %get3A_2264 = arith.constant 48 : index
      %get3A_2265 = tpu.vector_load %arg17[%get3A_2264] {strides = array<i32>} : memref<256xf32, #tpu.memory_space<vmem>>, vector<16xf32>,
      %add3A_2266 = arith.addf %add3A_2263, %get3A_2265 : vector<16xf32>
      %get3A_2267 = arith.constant 0 : index
      %get3A_2268 = tpu.vector_load %arg18[%get3A_2267] {strides = array<i32>} : memref<64xf32, #tpu.memory_space<vmem>>, vector<16xf32>,
      %reduce_sum3A = arith.constant true
      %reduce_sum3A_2269 = vector.broadcast %reduce_sum3A : i1 to vector<16xi1>
      %reduce_sum3A_2270 = tpu.scan <sum>, %get3A_2268 masked %reduce_sum3A_2269 : vector<16xf32>, vector<16xi1> -> vector<16xf32>
      %reduce_sum3A_2271 = vector.extract %reduce_sum3A_2270[15] : f32 from vector<16xf32>
      %mul3A_2272 = arith.constant 3.000000e+00 : f32
      %mul3A_2273 = arith.mulf %mul3A_2272, %reduce_sum3A_2271 : f32
      %mul3A_2274 = vector.broadcast %mul3A_2273 : f32 to vector<16xf32>
      %mul3A_2275 = arith.mulf %broadcast_in_dim3A_2255, %mul3A_2274 : vector<16xf32>
      %max3A_2276 = arith.constant 1.000000e+00 : f32
      %max3A_2277 = vector.broadcast %max3A_2276 : f32 to vector<16xf32>
      %max3A_2278 = arith.maximumf %mul3A_2275, %max3A_2277 : vector<16xf32>
      %div3A_2279 = arith.divf %add3A_2266, %max3A_2278 : vector<16xf32>
      %add3A_2280 = arith.addf %broadcast_in_dim3A_2253, %div3A_2279 : vector<16xf32>
      %get3A_2281 = arith.constant 64 : index
      %get3A_2282 = tpu.vector_load %arg17[%get3A_2281] {strides = array<i32>} : memref<256xf32, #tpu.memory_space<vmem>>, vector<16xf32>,
      %get3A_2283 = arith.constant 80 : index
      %get3A_2284 = tpu.vector_load %arg17[%get3A_2283] {strides = array<i32>} : memref<256xf32, #tpu.memory_space<vmem>>, vector<16xf32>,
      %add3A_2285 = arith.addf %get3A_2282, %get3A_2284 : vector<16xf32>
      %get3A_2286 = arith.constant 96 : index
      %get3A_2287 = tpu.vector_load %arg17[%get3A_2286] {strides = array<i32>} : memref<256xf32, #tpu.memory_space<vmem>>, vector<16xf32>,
      %add3A_2288 = arith.addf %add3A_2285, %get3A_2287 : vector<16xf32>
      %get3A_2289 = arith.constant 112 : index
      %get3A_2290 = tpu.vector_load %arg17[%get3A_2289] {strides = array<i32>} : memref<256xf32, #tpu.memory_space<vmem>>, vector<16xf32>,
      %add3A_2291 = arith.addf %add3A_2288, %get3A_2290 : vector<16xf32>
      %get3A_2292 = arith.constant 16 : index
      %get3A_2293 = tpu.vector_load %arg18[%get3A_2292] {strides = array<i32>} : memref<64xf32, #tpu.memory_space<vmem>>, vector<16xf32>,
      %reduce_sum3A_2294 = arith.constant true
      %reduce_sum3A_2295 = vector.broadcast %reduce_sum3A_2294 : i1 to vector<16xi1>
      %reduce_sum3A_2296 = tpu.scan <sum>, %get3A_2293 masked %reduce_sum3A_2295 : vector<16xf32>, vector<16xi1> -> vector<16xf32>
      %reduce_sum3A_2297 = vector.extract %reduce_sum3A_2296[15] : f32 from vector<16xf32>
      %mul3A_2298 = arith.constant 3.000000e+00 : f32
      %mul3A_2299 = arith.mulf %mul3A_2298, %reduce_sum3A_2297 : f32
      %mul3A_2300 = vector.broadcast %mul3A_2299 : f32 to vector<16xf32>
      %mul3A_2301 = arith.mulf %broadcast_in_dim3A_2255, %mul3A_2300 : vector<16xf32>
      %max3A_2302 = arith.constant 1.000000e+00 : f32
      %max3A_2303 = vector.broadcast %max3A_2302 : f32 to vector<16xf32>
      %max3A_2304 = arith.maximumf %mul3A_2301, %max3A_2303 : vector<16xf32>
      %div3A_2305 = arith.divf %add3A_2291, %max3A_2304 : vector<16xf32>
      %add3A_2306 = arith.addf %add3A_2280, %div3A_2305 : vector<16xf32>
      %get3A_2307 = arith.constant 128 : index
      %get3A_2308 = tpu.vector_load %arg17[%get3A_2307] {strides = array<i32>} : memref<256xf32, #tpu.memory_space<vmem>>, vector<16xf32>,
      %get3A_2309 = arith.constant 144 : index
      %get3A_2310 = tpu.vector_load %arg17[%get3A_2309] {strides = array<i32>} : memref<256xf32, #tpu.memory_space<vmem>>, vector<16xf32>,
      %add3A_2311 = arith.addf %get3A_2308, %get3A_2310 : vector<16xf32>
      %get3A_2312 = arith.constant 160 : index
      %get3A_2313 = tpu.vector_load %arg17[%get3A_2312] {strides = array<i32>} : memref<256xf32, #tpu.memory_space<vmem>>, vector<16xf32>,
      %add3A_2314 = arith.addf %add3A_2311, %get3A_2313 : vector<16xf32>
      %get3A_2315 = arith.constant 176 : index
      %get3A_2316 = tpu.vector_load %arg17[%get3A_2315] {strides = array<i32>} : memref<256xf32, #tpu.memory_space<vmem>>, vector<16xf32>,
      %add3A_2317 = arith.addf %add3A_2314, %get3A_2316 : vector<16xf32>
      %get3A_2318 = arith.constant 32 : index
      %get3A_2319 = tpu.vector_load %arg18[%get3A_2318] {strides = array<i32>} : memref<64xf32, #tpu.memory_space<vmem>>, vector<16xf32>,
      %reduce_sum3A_2320 = arith.constant true
      %reduce_sum3A_2321 = vector.broadcast %reduce_sum3A_2320 : i1 to vector<16xi1>
      %reduce_sum3A_2322 = tpu.scan <sum>, %get3A_2319 masked %reduce_sum3A_2321 : vector<16xf32>, vector<16xi1> -> vector<16xf32>
      %reduce_sum3A_2323 = vector.extract %reduce_sum3A_2322[15] : f32 from vector<16xf32>
      %mul3A_2324 = arith.constant 3.000000e+00 : f32
      %mul3A_2325 = arith.mulf %mul3A_2324, %reduce_sum3A_2323 : f32
      %mul3A_2326 = vector.broadcast %mul3A_2325 : f32 to vector<16xf32>
      %mul3A_2327 = arith.mulf %broadcast_in_dim3A_2255, %mul3A_2326 : vector<16xf32>
      %max3A_2328 = arith.constant 1.000000e+00 : f32
      %max3A_2329 = vector.broadcast %max3A_2328 : f32 to vector<16xf32>
      %max3A_2330 = arith.maximumf %mul3A_2327, %max3A_2329 : vector<16xf32>
      %div3A_2331 = arith.divf %add3A_2317, %max3A_2330 : vector<16xf32>
      %add3A_2332 = arith.addf %add3A_2306, %div3A_2331 : vector<16xf32>
      %get3A_2333 = arith.constant 192 : index
      %get3A_2334 = tpu.vector_load %arg17[%get3A_2333] {strides = array<i32>} : memref<256xf32, #tpu.memory_space<vmem>>, vector<16xf32>,
      %get3A_2335 = arith.constant 208 : index
      %get3A_2336 = tpu.vector_load %arg17[%get3A_2335] {strides = array<i32>} : memref<256xf32, #tpu.memory_space<vmem>>, vector<16xf32>,
      %add3A_2337 = arith.addf %get3A_2334, %get3A_2336 : vector<16xf32>
      %get3A_2338 = arith.constant 224 : index
      %get3A_2339 = tpu.vector_load %arg17[%get3A_2338] {strides = array<i32>} : memref<256xf32, #tpu.memory_space<vmem>>, vector<16xf32>,
      %add3A_2340 = arith.addf %add3A_2337, %get3A_2339 : vector<16xf32>
      %get3A_2341 = arith.constant 240 : index
      %get3A_2342 = tpu.vector_load %arg17[%get3A_2341] {strides = array<i32>} : memref<256xf32, #tpu.memory_space<vmem>>, vector<16xf32>,
      %add3A_2343 = arith.addf %add3A_2340, %get3A_2342 : vector<16xf32>
      %get3A_2344 = arith.constant 48 : index
      %get3A_2345 = tpu.vector_load %arg18[%get3A_2344] {strides = array<i32>} : memref<64xf32, #tpu.memory_space<vmem>>, vector<16xf32>,
      %reduce_sum3A_2346 = arith.constant true
      %reduce_sum3A_2347 = vector.broadcast %reduce_sum3A_2346 : i1 to vector<16xi1>
      %reduce_sum3A_2348 = tpu.scan <sum>, %get3A_2345 masked %reduce_sum3A_2347 : vector<16xf32>, vector<16xi1> -> vector<16xf32>
      %reduce_sum3A_2349 = vector.extract %reduce_sum3A_2348[15] : f32 from vector<16xf32>
      %mul3A_2350 = arith.constant 3.000000e+00 : f32
      %mul3A_2351 = arith.mulf %mul3A_2350, %reduce_sum3A_2349 : f32
      %mul3A_2352 = vector.broadcast %mul3A_2351 : f32 to vector<16xf32>
      %mul3A_2353 = arith.mulf %broadcast_in_dim3A_2255, %mul3A_2352 : vector<16xf32>
      %max3A_2354 = arith.constant 1.000000e+00 : f32
      %max3A_2355 = vector.broadcast %max3A_2354 : f32 to vector<16xf32>
      %max3A_2356 = arith.maximumf %mul3A_2353, %max3A_2355 : vector<16xf32>
      %div3A_2357 = arith.divf %add3A_2343, %max3A_2356 : vector<16xf32>
      %add3A_2358 = arith.addf %add3A_2332, %div3A_2357 : vector<16xf32>
      %swap3A_2359 = arith.constant 0 : index
      %swap3A_2360 = tpu.vector_load %arg13[%swap3A_2359] {strides = array<i32>} : memref<16xf32, #tpu.memory_space<vmem>>, vector<16xf32>,
      tpu.vector_store %arg13[%swap3A_2359], %add3A_2358 {strides = array<i32>} : memref<16xf32, #tpu.memory_space<vmem>>, vector<16xf32>,
      "tpu.region"() ({
        %run_scoped3A = tpu.sem_alloc : memref<!tpu.dma_semaphore, #tpu.memory_space<semaphore_mem>>
        %dma_start3A_2361 = arith.constant 0 : i32
        %dma_start3A_2362 = tpu.memref_slice %arg4[%arg0, %dma_start3A_2361] : memref<2x16xf32, #tpu.memory_space<hbm>> -> memref<1x16xf32, #tpu.memory_space<hbm>>
        %dma_start3A_2363 = tpu.memref_squeeze %dma_start3A_2362 : memref<1x16xf32, #tpu.memory_space<hbm>> -> memref<16xf32, #tpu.memory_space<hbm>>
        %dma_start3A_2364 = arith.constant 0 : i32
        %dma_start3A_2365 = tpu.memref_slice %arg4[%arg0, %dma_start3A_2364] : memref<2x16xf32, #tpu.memory_space<hbm>> -> memref<1x16xf32, #tpu.memory_space<hbm>>
        %dma_start3A_2366 = tpu.memref_squeeze %dma_start3A_2365 : memref<1x16xf32, #tpu.memory_space<hbm>> -> memref<16xf32, #tpu.memory_space<hbm>>
        tpu.enqueue_dma source(%arg13 : memref<16xf32, #tpu.memory_space<vmem>>) target(%dma_start3A_2366 : memref<16xf32, #tpu.memory_space<hbm>>) target_semaphore(%run_scoped3A : memref<!tpu.dma_semaphore, #tpu.memory_space<semaphore_mem>>)
        %dma_wait3A_2367 = arith.constant 0 : i32
        %dma_wait3A_2368 = tpu.memref_slice %arg4[%arg0, %dma_wait3A_2367] : memref<2x16xf32, #tpu.memory_space<hbm>> -> memref<1x16xf32, #tpu.memory_space<hbm>>
        %dma_wait3A_2369 = tpu.memref_squeeze %dma_wait3A_2368 : memref<1x16xf32, #tpu.memory_space<hbm>> -> memref<16xf32, #tpu.memory_space<hbm>>
        %dma_wait3A_2370 = arith.constant 0 : i32
        %dma_wait3A_2371 = tpu.memref_slice %arg4[%arg0, %dma_wait3A_2370] : memref<2x16xf32, #tpu.memory_space<hbm>> -> memref<1x16xf32, #tpu.memory_space<hbm>>
        %dma_wait3A_2372 = tpu.memref_squeeze %dma_wait3A_2371 : memref<1x16xf32, #tpu.memory_space<hbm>> -> memref<16xf32, #tpu.memory_space<hbm>>
        tpu.wait_dma2 semaphore(%run_scoped3A : memref<!tpu.dma_semaphore, #tpu.memory_space<semaphore_mem>>) src(%arg13 : memref<16xf32, #tpu.memory_space<vmem>>) dst(%dma_wait3A_2372 : memref<16xf32, #tpu.memory_space<hbm>>)
        tpu.yield
      }) : () -> ()
    } else {
    }
    return
  }
}

</mosaic_0001>

<sc_bundles>
// kernel: class_loss_sc.3.cloned.1.call-start
scs
__scs_entry_jumppad:
0x0: {  	(pc) =	sbr.rel $0x88, $3  }
0x1: {  	(tag) =	ssettag $0x0;
	lr =	simm.s32 $0x1  }
0x2: {  	[smem:$0x3F9F] =	sst lr;
	_ =	strace $0xD0000000  }
0x3: {  	_ = 	snop  }
0x4: {  	_ = 	snop  }
0x5: {  	_ = 	snop  }
0x6: {  	_ = 	snop  }
0x7: {  	_ = 	snop  }
__scs_overlays_trampoline_lowered:
0x8: {  	[smem:$0x3FAE] =	sst s0  }
0x9: {  	[smem:$0x3FAF] =	sst s1  }
0xa: {  	[smem:$0x3FB0] =	sst s2  }
0xb: {  	[smem:$0x3FB1] =	sst s3  }
0xc: {  	[smem:$0x3FB2] =	sst s4  }
0xd: {  	[smem:$0x3FB3] =	sst s5  }
0xe: {  	[smem:$0x3FB4] =	sst s6  }
0xf: {  	[smem:$0x3FB5] =	sst s7  }
0x10: {  	[smem:$0x3FB6] =	sst s8  }
0x11: {  	[smem:$0x3FB7] =	sst s9;
	s0 =	simm.s32 @!p0 $0x0  }
0x12: {  	s1 =	sld [smem:$0x3F9D];
	s0 =	simm.s32 @p0 $0x1  }
0x13: {  	[smem:$0x3FB8] =	sst s0;
	s0 =	simm.s32 @!p1 $0x0  }
0x14: {  	s2 =	sld [smem:$0x3F9C];
	s0 =	simm.s32 @p1 $0x1  }
0x15: {  	[smem:$0x3FB9] =	sst s0;
	s0 =	simm.s32 @!p2 $0x0  }
0x16: {  	s3 =	sld [smem:$0x3FDB];
	s0 =	simm.s32 @p2 $0x1  }
0x17: {  	s4 =	simm.s32 $0x1BF5;
	[smem:$0x3FBB] =	sst s0  }
0x18: {  	s0 =	sld [smem:$0x3F9E];
	_ =	swait.ge [sflag:s4], $0x0  }
0x19: {  	s7 =	sld [smem:$0x3F9F]  }
0x1a: {  	s8 =	sadd.s32 $0xFFFFE003, lr  }
0x1b: {  	s9 =	sadd.s32 $0xFFFFFEF7, lr;
	s5 =	simm.s32 $0xFFFFFFFF;
	p2 =	slt.u32 s8, $0xFFFFF086  }
0x1c: {  	p1 =	slt.u32 s9, $0xF7A;
	s5 =	simm.s32 @!p2 $0x0  }
0x1d: {  	s5 =	simm.s32 @p1 $0x1;
	p0 =	seq.s32 s7, s2  }
0x1e: {  	s7 =	smul.u32 @!p0 $0xF7A, s2;
	p2 =	seq.s32 @!p0 s5, $0x0  }
0x1f: {  	s9 =	smul.u32 $0xF7A, s1;
	s8 =	simm.s32 @!p0 $0x1BF5;
	p2 =	por !p2, p0  }
0x20: {  	[sflag:s8] =	ssyncset.s32 @!p0 $0xFFFFF086;
	s6 =	sadd.s32 @!p0 s3, s7;
	s7 =	simm.s32 @!p0 $0x108  }
0x21: {  	s3 =	sadd.s32 s3, s9;
	s6 =	sadd.s32 @!p0 $0x88, s6;
	s7 =	simm.s32 @p2 $0x1082  }
0x22: {  	[simem:s7], [sflag:s8] =	dma.local @!p0 [hbm:s6], $0xF7A  }
0x23: {  	s9 =	sor.u32 $0xD0000000, s2;
	s6 =	simm.s32 $0x108;
	_ =	swait.ge @!p0 [sflag:s8], $0x0  }
0x24: {  	s3 =	sadd.s32 $0x88, s3;
	s6 =	simm.s32 @!p1 $0x1082;
	[sflag:s4] =	ssyncset.s32 $0xFFFFF086  }
0x25: {  	[simem:s6], [sflag:s4] =	dma.local [hbm:s3], $0xF7A  }
0x26: {  	[smem:$0x3F9F] =	sst s1;
	(tag) =	ssettag s2;
	_ =	strace s9  }
0x27: {  	s1 =	sld [smem:$0x3FAF]  }
0x28: {  	s2 =	sld [smem:$0x3FB0]  }
0x29: {  	s4 =	sld [smem:$0x3FB2]  }
0x2a: {  	p0 =	seq.s32 s5, $0x0;
	s5 =	sld [smem:$0x3FB3]  }
0x2b: {  	s6 =	sld [smem:$0x3FB4]  }
0x2c: {  	s7 =	sld [smem:$0x3FB5]  }
0x2d: {  	s3 =	simm.s32 $0x108;
	s8 =	sld [smem:$0x3FB6]  }
0x2e: {  	s3 =	simm.s32 @!p0 $0x1082;
	s9 =	sld [smem:$0x3FB7]  }
0x2f: {  	lr =	sadd.s32 s0, s3;
	s0 =	sld [smem:$0x3FAE]  }
0x30: {  	s3 =	sld [smem:$0x3FB1]  }
0x31: {  	[smem:$0x3FBA] =	sst s10  }
0x32: {  	s10 =	sld [smem:$0x3FB8];
	_ =	sdelay $0x3  }
0x33: {  	p0 =	seq.s32 s10, $0x1;
	s10 =	sld [smem:$0x3FBA];
	_ =	sdelay $0x3  }
0x34: {  	[smem:$0x3FBA] =	sst s10  }
0x35: {  	s10 =	sld [smem:$0x3FB9];
	_ =	sdelay $0x3  }
0x36: {  	p1 =	seq.s32 s10, $0x1;
	s10 =	sld [smem:$0x3FBA];
	_ =	sdelay $0x3  }
0x37: {  	[smem:$0x3FBA] =	sst s10  }
0x38: {  	s10 =	sld [smem:$0x3FBB]  }
0x39: {  	_ = 	snop;
	(pc) =	sbr.ind lr, $3  }
0x3a: {  	_ = 	snop  }
0x3b: {  	_ = 	snop  }
0x3c: {  	p2 =	seq.s32 s10, $0x1;
	s10 =	sld [smem:$0x3FBA]  }
0x3d: {  	_ =	shalt  }
0x3e: {  	_ =	shalt  }
0x3f: {  	_ =	shalt  }
0x40: {  	_ =	shalt  }
0x41: {  	_ =	shalt  }
0x42: {  	_ =	shalt  }
0x43: {  	_ =	shalt  }
0x44: {  	_ =	shalt  }
0x45: {  	_ =	shalt  }
0x46: {  	_ =	shalt  }
0x47: {  	_ =	shalt  }
0x48: {  	_ =	shalt  }
0x49: {  	_ =	shalt  }
0x4a: {  	_ =	shalt  }
0x4b: {  	_ =	shalt  }
0x4c: {  	_ =	shalt  }
0x4d: {  	_ =	shalt  }
0x4e: {  	_ =	shalt  }
0x4f: {  	_ =	shalt  }
0x50: {  	_ =	shalt  }
0x51: {  	_ =	shalt  }
0x52: {  	_ =	shalt  }
0x53: {  	_ =	shalt  }
0x54: {  	_ =	shalt  }
0x55: {  	_ =	shalt  }
0x56: {  	_ =	shalt  }
0x57: {  	_ =	shalt  }
0x58: {  	_ =	shalt  }
0x59: {  	_ =	shalt  }
0x5a: {  	_ =	shalt  }
0x5b: {  	_ =	shalt  }
0x5c: {  	_ =	shalt  }
0x5d: {  	_ =	shalt  }
0x5e: {  	_ =	shalt  }
0x5f: {  	_ =	shalt  }
0x60: {  	_ =	shalt  }
0x61: {  	_ =	shalt  }
0x62: {  	_ =	shalt  }
0x63: {  	_ =	shalt  }
0x64: {  	_ =	shalt  }
0x65: {  	_ =	shalt  }
0x66: {  	_ =	shalt  }
0x67: {  	_ =	shalt  }
0x68: {  	_ =	shalt  }
0x69: {  	_ =	shalt  }
0x6a: {  	_ =	shalt  }
0x6b: {  	_ =	shalt  }
0x6c: {  	_ =	shalt  }
0x6d: {  	_ =	shalt  }
0x6e: {  	_ =	shalt  }
0x6f: {  	_ =	shalt  }
0x70: {  	_ =	shalt  }
0x71: {  	_ =	shalt  }
0x72: {  	_ =	shalt  }
0x73: {  	_ =	shalt  }
0x74: {  	_ =	shalt  }
0x75: {  	_ =	shalt  }
0x76: {  	_ =	shalt  }
0x77: {  	_ =	shalt  }
0x78: {  	_ =	shalt  }
0x79: {  	_ =	shalt  }
0x7a: {  	_ =	shalt  }
0x7b: {  	_ =	shalt  }
0x7c: {  	_ =	shalt  }
0x7d: {  	_ =	shalt  }
0x7e: {  	_ =	shalt  }
0x7f: {  	_ =	shalt  }
0x80: {  	_ =	shalt  }
0x81: {  	_ =	shalt  }
0x82: {  	_ =	shalt  }
0x83: {  	_ =	shalt  }
0x84: {  	_ =	shalt  }
0x85: {  	_ =	shalt  }
0x86: {  	_ =	shalt  }
0x87: {  	_ =	shalt  }
.Lfunc_end0:
.L_simem_size_0:
called_computation_lowered:
.L_overlay_start_0:
0x88: {  	s2 =	sld [smem:$0x3FD9]  }
0x89: {  	s3 =	sld [smem:$0x3FFE];
	_ =	sdelay $0x1  }
0x8a: {  	s1 =	srdreg.scid  }
0x8b: {  	s0 =	sand.u32 $0x1, s1  }
0x8c: {  	s17 =	sshll.u32 s0, $0xA;
	s2 =	sadd.s32 s3, s2  }
0x8d: {  	s2 =	sadd.s32 s2, s17  }
0x8e: {  	[smem:$0x3FC6] =	sst s2  }
0x8f: {  	_ = 	snop  }
0x90: {  	s2 =	sld [smem:$0x3FC9];
	(tm) =	ssettm $0x1  }
0x91: {  	s18 =	sld [smem:$0x3FFB];
	_ =	sdelay $0x3  }
0x92: {  	_ =	strace s18  }
0x93: {  	s3 =	sld [smem:$0x3FFC];
	_ =	sdelay $0x3  }
0x94: {  	_ =	strace s3  }
0x95: {  	s3 =	sld [smem:$0x3FFD];
	_ =	sdelay $0x3  }
0x96: {  	_ =	strace s3  }
0x97: {  	_ =	strace $0x8FFFFFFF  }
0x98: {  	s19 =	sld [smem:$0x3FDB];
	_ =	sdelay $0x1  }
0x99: {  	s4 =	simm.s32 $_scs_section_size  }
0x9a: {  	s5 =	simm.s32 $_size__tile_overlayer_lowered;
	s6 =	simm.s32 $_tile_overlayer_lowered  }
0x9b: {  	s22 =	simm.s32 $0x1BFF;
	s21 =	sshll.u32 s6, $0x1;
	s3 =	sadd.s32 s4, s19  }
0x9c: {  	s7 =	simm.s32 $0x0;
	s20 =	sshll.u32 s5, $0x1;
	s5 =	sadd.s32 s21, s3  }
0x9d: {  	[timem:s7], [sflag:s22] =	dma.local [hbm:s5], s20  }
0x9e: {  	_ =	swait.ge [sflag:s22], s20  }
0x9f: {  	s4 =	ssub.s32 $0x0, s20;
	[sflag:s22] =	ssyncset.done $0x0  }
0xa0: {  	[sflag:s22] =	ssyncadd.s32 s4;
	_ =	sdelay $0x1  }
0xa1: {  	s23 =	simm.s32 $0x1B8B  }
0xa2: {  	_ =	swait.ge [sflag:s23], $0x1  }
0xa3: {  	[sflag:s23] =	ssyncset.done $0x0  }
0xa4: {  	s25 =	simm.s32 $0x1B8E;
	s24 =	sld [smem:$0x3FFE];
	[sflag:s23] =	ssyncadd.s32 $0xFFFFFFFF  }
0xa5: {  	s26 =	simm.s32 $execute0_lowered;
	[smem:$0x3FD2] =	sst s25  }
0xa6: {  	s5 =	sshll.u32 s26, $0x1;
	_ =	strace $0x80000046;
	[dreg:$0x1] =	wrdreg $0xFFFFFFFF  }
0xa7: {  	s28 =	simm.s32 $_size_execute0_lowered;
	s3 =	sadd.s32 s3, s5;
	[dreg:$0x0] =	wrdreg $0x0  }
0xa8: {  	s5 =	sshll.u32 s28, $0x1;
	[dreg:$0x2] =	wrdreg s3  }
0xa9: {  	[dreg:$0x3] =	wrdreg s5  }
0xaa: {  	[dreg:$0x4] =	wrdreg $0xC0  }
0xab: {  	_ =	task [dreg:s7], $0x5FFFF  }
0xac: {  	[dreg:$0x1] =	wrdreg $0xFFFFFFFF  }
0xad: {  	[dreg:$0x0] =	wrdreg $0x60  }
0xae: {  	[dreg:$0x2] =	wrdreg s2  }
0xaf: {  	[dreg:$0x3] =	wrdreg s24  }
0xb0: {  	[dreg:$0x4] =	wrdreg $0xF5100  }
0xb1: {  	[dreg:$0x5] =	wrdreg $0xF5000  }
0xb2: {  	[dreg:$0x6] =	wrdreg $0x9  }
0xb3: {  	_ =	task.clear_ibuf [dreg:s7], $0x7FFFF;
	_ =	strace $0x90000046  }
0xb4: {  	s29 =	simm.s32 $0x9;
	_ =	strace $0x80000048  }
0xb5: {  	_ =	swait.ge [sflag:s29], $0x1  }
0xb6: {  	[sflag:s29] =	ssyncadd.s32 $0xFFFFFFFF  }
0xb7: {  	_ =	strace $0x90000048  }
0xb8: {  	_ =	sfence  }
0xb9: {  	s30 =	sld [smem:$0x0];
	_ =	sdelay $0x2  }
0xba: {  	s31 =	sshll.u32 s1, $0xD;
	s1 =	sshrl.u32 s1, $0x2  }
0xbb: {  	s3 =	sand.u32 $0x4000, s31;
	s1 =	sadd.s32 s1, s30  }
0xbc: {  	s0 =	sor.u32 s3, s0;
	s1 =	sshll.u32 s1, $0x11  }
0xbd: {  	s0 =	sor.u32 s1, s0  }
0xbe: {  	s0 =	sadd.s32 $0x8F2B, s0  }
0xbf: {  	[sflag:s0] =	ssyncadd.remote.s32 $0x1  }
0xc0: {  	_ =	sfence.sel $0xFFFF  }
0xc1: {  	[dreg:$0x0] =	wrdreg $0xFFFFFFFF;
	(pc) =	sbr.abs _section_cstart, $3  }
0xc2: {  	[dreg:$0x1] =	wrdreg $0xFFFFFFFF  }
0xc3: {  	_ =	task.clear_ibuf [dreg:s7], $0x2FFFF;
	_ =	strace $0x9FFFFFFF  }
0xc4: {  	(tm) =	ssettm $0x7FFFFFFF  }
0xc5: {  	_ =	shalt  }
tec
execute0_lowered:
.L_overlay_start_1:
0x0: {  	(tag) =	ssettag $0x1  }
0x1: {  	v0 =	vlaneseq.u32  }
0x2: {  	v17 =	vimm.s32 $0xFFFAF5F0;
	vm0 =	vcmask $0xF00;
	v21 =	vimm.s32 $0xFBF6F1  }
0x3: {  	vm1 =	vcmask $0x1714;
	vm7 =	vcmask $0xB00;
	vm4 =	vcmask $0x1B18  }
0x4: {  	vm8 =	vcmask $0xF0C;
	vm5 =	vcmask $0x1F1C;
	vm6 =	vcmask $0x2320  }
0x5: {  	vm2 =	vcmask $0x2724;
	vm3 =	vcmask $0x2B28;
	v24 =	vimm.s32 $0xFCF7F2  }
0x6: {  	v26 =	vimm.s32 $0xFDF8F3;
	v27 =	vimm.s32 $0xFEF9F4;
	v1 =	vmul.u32 $0x5, v0  }
0x7: {  	v14 =	vor.u32 $0x10, v0;
	v20 =	vunpack.c.0.s8.s32 v17;
	v21 =	vunpack.c.0.s8.s32 v21  }
0x8: {  	v24 =	vunpack.c.0.s8.s32 v24;
	v26 =	vunpack.c.0.s8.s32 v26;
	v27 =	vunpack.c.0.s8.s32 v27  }
0x9: {  	v6 =	vadd.s32 $0x2, v1;
	v7 =	vadd.s32 $0x3, v1;
	v8 =	vadd.s32 $0x4, v1  }
0xa: {  	v9 =	vadd.s32 $0x50, v1;
	v10 =	vadd.s32 $0x51, v1;
	v11 =	vadd.s32 $0x52, v1  }
0xb: {  	s0 =	srdreg.scid;
	s24 =	rddreg [dreg:$0x1];
	v12 =	vadd.s32 $0x53, v1;
	v13 =	vadd.s32 $0x54, v1;
	v15 =	vadd.s32 $0xA0, v1  }
0xc: {  	s1 =	stileid.u32;
	s14 =	rddreg [dreg:$0x2];
	v16 =	vadd.s32 $0xA1, v1;
	v17 =	vadd.s32 $0xA2, v1;
	v18 =	vadd.s32 $0xA3, v1  }
0xd: {  	s15 =	rddreg [dreg:$0x3];
	s31 =	simm.s32 $0xBC00;
	s16 =	simm.s32 $0xD000;
	v19 =	vadd.s32 $0xA4, v1;
	v20 =	vand.u32 $0xFF, v20;
	v21 =	vand.u32 $0xFF, v21  }
0xe: {  	s17 =	simm.s32 $0xD400;
	s18 =	simm.s32 $0xD800;
	s19 =	simm.s32 $0xDC00;
	v28 =	vand.u32 $0xFF, v24;
	v26 =	vand.u32 $0xFF, v26;
	v27 =	vand.u32 $0xFF, v27  }
0xf: {  	s28 =	simm.s32 $0x0;
	s5 =	sand.u32 $0x1, s0;
	s2 =	sand.u32 $0x3, s1;
	v22 =	vnsel vm0, $0x127, v20;
	vm0 =	vcmask $0x1310;
	v20 =	vor.u32 $0x20, v0  }
0x10: {  	s3 =	sshrl.u32 s1, $0x2;
	s29 =	sshll.u32 s1, $0x4;
	s0 =	sshll.u32 s5, $0x2;
	v21 =	vnsel vm7, $0x128, v21;
	v26 =	vnsel vm7, $0x12A, v26;
	v22 =	vsel vm0, $0x104, v22  }
0x11: {  	p1 =	sne.s32 s1, $0x0;
	s4 =	smul.u32 $0x3, s2;
	s6 =	sor.u32 s3, s0;
	v27 =	vnsel vm7, $0x12B, v27;
	v21 =	vsel vm8, $0x100, v21;
	v22 =	vsel vm1, $0x109, v22  }
0x12: {  	s1 =	simm.s32 $0xC400;
	s25 =	ssub.s32 $0x2, s5;
	s0 =	smul.u32 $0x3000, s6;
	v26 =	vsel vm8, $0x102, v26;
	v27 =	vsel vm8, $0x103, v27;
	v22 =	vsel vm4, $0x10E, v22  }
0x13: {  	s5 =	sshll.u32 s5, $0x4;
	s12 =	smul.u32 $0x30, s2;
	s8 =	sshrl.u32 s4, $0x2;
	v21 =	vsel vm0, $0x105, v21;
	v26 =	vsel vm0, $0x107, v26;
	v22 =	vsel vm5, $0x113, v22  }
0x14: {  	p0 =	sne.s32 s2, $0x0;
	s7 =	sadd.s32 $0x1, s4;
	s20 =	sor.u32 s8, s0;
	v27 =	vsel vm0, $0x108, v27;
	v21 =	vsel vm1, $0x10A, v21;
	v22 =	vsel vm6, $0x118, v22  }
0x15: {  	s2 =	simm.s32 $0xC000;
	s10 =	sadd.s32 $0x2, s4;
	s9 =	sshrl.u32 s7, $0x2;
	v2 =	vmov s20;
	v23 =	vsel vm2, $0x11D, v22;
	v22 =	vsel vm4, $0x10F, v21  }
0x16: {  	s11 =	sshrl.u32 s25, $0x1;
	s22 =	sshrl.u32 s10, $0x2;
	s21 =	sor.u32 s0, s9;
	v26 =	vsel vm1, $0x10C, v26;
	v27 =	vsel vm1, $0x10D, v27;
	v22 =	vsel vm5, $0x114, v22  }
0x17: {  	s13 =	sadd.s32 s5, s24;
	s3 =	sshll.u32 s3, $0x4;
	s23 =	sor.u32 s0, s22;
	[tilespmem:$0x1FFC0] =	vst v2;
	v2 =	vmov s21;
	v26 =	vsel vm4, $0x111, v26;
	v25 =	vsel vm6, $0x119, v22  }
0x18: {  	s4 =	simm.s32 $0x0;
	s6 =	smul.u32 $0x30, s6;
	s11 =	ssub.s32 s25, s11;
	v27 =	vsel vm4, $0x112, v27;
	[tilespmem:$0x1FFD0] =	vst v2;
	v2 =	vmov s23;
	v25 =	vsel vm2, $0x11E, v25  }
0x19: {  	s30 =	sadd.s32 $0x200, s13;
	s13 =	simm.s32 $0x2;
	s25 =	simm.s32 $0x1;
	v26 =	vsel vm5, $0x116, v26;
	v24 =	vsel vm3, $0x123, v25;
	v25 =	vnsel vm7, $0x129, v28  }
0x1a: {  	[smem:$0x7FF] =	sst s4;
	s7 =	sshll.u32 s7, $0x4;
	s26 =	sshll.u32 s10, $0x4;
	v27 =	vsel vm5, $0x117, v27;
	[tilespmem:$0x1FFE0] =	vst v2;
	v2 =	vadd.s32 $0x1, v1;
	v25 =	vsel vm8, $0x101, v25  }
0x1b: {  	s10 =	sadd.s32 s29, s15;
	s15 =	simm.s32 $0x3400;
	s0 =	rddreg [dreg:$0x0];
	v21 =	vimm.f32 $0.0e+00;
	v26 =	vsel vm6, $0x11B, v26;
	v25 =	vsel vm0, $0x106, v25  }
0x1c: {  	s5 =	sadd.s32 s24, s6;
	s6 =	sand.u32 $0x30, s12;
	s7 =	sand.u32 $0x30, s7;
	v27 =	vsel vm6, $0x11C, v27;
	v23 =	vsel vm3, $0x122, v23;
	v25 =	vsel vm1, $0x10B, v25  }
.Ltmp0:
0x1d: {  	s8 =	sand.u32 $0x30, s26;
	s9 =	sadd.s32 s3, s14;
	v29 =	vsel vm2, $0x121, v27;
	v22 =	vimm.s32 $0x0;
	v25 =	vsel vm4, $0x110, v25;
	(pc) =	sbr.rel .LBB2_1-.Ltmp0, $4  }
0x1e: {  	s12 =	smax.u32 s11, $0x1;
	s14 =	simm.s32 $0x180;
	s3 =	simm.s32 $0xC800;
	v28 =	vsel vm2, $0x120, v26;
	v26 =	vmul.u32 $0x8, v0;
	v25 =	vsel vm5, $0x115, v25  }
0x1f: {  	s11 =	simm.s32 $0xCC00;
	s22 =	simm.s32 $0xE800;
	s24 =	simm.s32 $0xF000;
	v27 =	vsel vm3, $0x125, v28;
	v28 =	vsel vm3, $0x126, v29;
	v25 =	vsel vm6, $0x11A, v25  }
0x20: {  	s26 =	simm.s32 $0xF400;
	s20 =	simm.s32 $0xE000;
	s21 =	simm.s32 $0xE400;
	[tilespmem:$0x1FFF0] =	vst v2;
	v29 =	vor.u32 $0x30, v0;
	vm0 =	vmmov $0xfff;
	v25 =	vsel vm2, $0x11F, v25  }
0x21: {  	s23 =	simm.s32 $0xEC00;
	_ =	strace $0x80000047;
	[dreg:$0x5] =	wrdreg s30;
	v30 =	vor.u32 $0x80, v26;
	v31 =	vor.u32 $0x100, v26;
	v25 =	vsel vm3, $0x124, v25  }
.LBB2_9:
0x22: {  	s28 =	sadd.s32 $0x1, s28  }
0x23: {  	p2 =	sne.s32 s28, s12  }
.Ltmp1:
0x24: {  	_ = 	snop;
	(pc) =	sbr.rel @!p2 .LBB2_10-.Ltmp1, $1  }
0x25: {  	_ =	sdelay $0x3  }
.LBB2_1:
0x26: {  	[tilespmem:s4], [sflag:$0x2] =	stream.linear.gather [hbm4b:s5+s4], $0x180, $0x38;
	[tilespmem:$0xF698] =	vst v63  }
0x27: {  	_ =	swait.ge [sflag:s13], $0x180  }
0x28: {  	v2 =	vld [tilespmem:$0x1FFF0];
	_ =	sdelay $0x2  }
0x29: {  	[sflag:s13] =	ssyncset.done $0x0  }
0x2a: {  	[sflag:s13] =	ssyncadd.s32 $0xFFFFFE80  }
0x2b: {  	v32 =	vld.idx.msk [tilespmem:v1+s4+$0x0], $0xffff  }
0x2c: {  	v34 =	vld.idx.msk [tilespmem:v6+s4+$0x0], $0xffff  }
0x2d: {  	v35 =	vld.idx.msk [tilespmem:v7+s4+$0x0], $0xffff  }
0x2e: {  	v33 =	vld.idx.msk [tilespmem:v2+s4+$0x0], $0xffff;
	_ =	sdelay $0x3  }
0x2f: {  	v37 =	vld.idx.msk [tilespmem:v8+s4+$0x0], $0xffff;
	vm1 =	vlt.f32 v32, $0.0e+00;
	vm2 =	vgt.f32 v32, $0.0e+00;
	v36 =	vmul.f32 $6.400000000e+01, v34  }
0x30: {  	vm13 =	vgt.f32 v35, $0.0e+00;
	vm3 =	vlt.f32 v33, $0.0e+00;
	vm4 =	vgt.f32 v33, $0.0e+00  }
0x31: {  	vm1 =	vmor vm2, vm1;
	v33 =	vmul.f32 $6.400000000e+01, v33;
	vm2 =	vmor vm4, vm3  }
0x32: {  	v58 =	vtrunc.f32 v36;
	vm3 =	vgt.f32 v34, $0.0e+00;
	vm1 =	vmor vm1, vm2  }
0x33: {  	vm2 =	vlt.f32 v34, $0.0e+00;
	v34 =	vcvt.f32.s32 v58;
	v33 =	vtrunc.f32 v33  }
0x34: {  	vm14 =	vgt.f32 v37, $0.0e+00;
	vm2 =	vmor vm3, vm2;
	v33 =	vcvt.f32.s32 v33  }
0x35: {  	vm3 =	vlt.f32 v35, $0.0e+00;
	vm1 =	vmor vm1, vm2;
	v34 =	vshll.u32 v34, $0x6  }
0x36: {  	vm2 =	vmor vm13, vm3;
	vm3 =	vlt.f32 v37, $0.0e+00;
	v33 =	vadd.s32 v33, v34  }
0x37: {  	vm1 =	vmor vm1, vm2;
	vm2 =	vmor vm14, vm3;
	v33 =	vmul.u32 $0x3, v33  }
0x38: {  	vm1 =	vmor vm1, vm2  }
0x39: {  	v33 =	vnsel vm1, $0x0, v33  }
0x3a: {  	v32 =	vtrunc.f32 v32  }
0x3b: {  	v32 =	vcvt.f32.s32 v32;
	_ =	sdelay $0x1  }
0x3c: {  	vm2 =	vgt.s32 v32, $0x0  }
0x3d: {  	v32 =	vnsel vm2, $0x0, v32;
	[tilespmem:v33+s14+$0x0] =	vst.idx.msk vm1, v0  }
0x3e: {  	v59 =	vsel vm1, $0x1, v22;
	v32 =	vmin.u32 v32, $0x4F;
	[tilespmem:$0x3180] =	vst v33  }
0x3f: {  	v32 =	vnsel vm1, $0x0, v32;
	[tilespmem:$0x3280] =	vst v59  }
0x40: {  	[tilespmem:$0x3300] =	vst v32  }
0x41: {  	v32 =	vld.idx.msk [tilespmem:v9+s4+$0x0], $0xffff  }
0x42: {  	v33 =	vld.idx.msk [tilespmem:v10+s4+$0x0], $0xffff  }
0x43: {  	v60 =	vld.idx.msk [tilespmem:v11+s4+$0x0], $0xffff  }
0x44: {  	v61 =	vld.idx.msk [tilespmem:v12+s4+$0x0], $0xffff;
	_ =	sdelay $0x2  }
0x45: {  	v63 =	vld.idx.msk [tilespmem:v13+s4+$0x0], $0xffff;
	vm1 =	vlt.f32 v32, $0.0e+00;
	vm2 =	vgt.f32 v32, $0.0e+00;
	vm3 =	vlt.f32 v33, $0.0e+00  }
0x46: {  	vm15 =	vgt.f32 v33, $0.0e+00;
	v62 =	vmul.f32 $6.400000000e+01, v60;
	v33 =	vmul.f32 $6.400000000e+01, v33  }
0x47: {  	vm8 =	vgt.f32 v61, $0.0e+00;
	vm1 =	vmor vm2, vm1;
	vm2 =	vmor vm15, vm3  }
0x48: {  	vm3 =	vgt.f32 v60, $0.0e+00;
	vm1 =	vmor vm1, vm2;
	v40 =	vtrunc.f32 v62  }
0x49: {  	vm2 =	vlt.f32 v60, $0.0e+00;
	v33 =	vtrunc.f32 v33;
	v34 =	vcvt.f32.s32 v40  }
0x4a: {  	vm9 =	vgt.f32 v63, $0.0e+00;
	vm2 =	vmor vm3, vm2;
	v33 =	vcvt.f32.s32 v33  }
0x4b: {  	vm3 =	vlt.f32 v61, $0.0e+00;
	vm1 =	vmor vm1, vm2;
	v34 =	vshll.u32 v34, $0x6  }
0x4c: {  	vm2 =	vmor vm8, vm3;
	vm3 =	vlt.f32 v63, $0.0e+00;
	v33 =	vadd.s32 v33, v34  }
0x4d: {  	vm1 =	vmor vm1, vm2;
	vm2 =	vmor vm9, vm3;
	v33 =	vmul.u32 $0x3, v33  }
0x4e: {  	vm1 =	vmor vm1, vm2  }
0x4f: {  	v33 =	vnsel vm1, $0x0, v33  }
0x50: {  	v32 =	vtrunc.f32 v32  }
0x51: {  	v32 =	vcvt.f32.s32 v32;
	_ =	sdelay $0x1  }
0x52: {  	vm2 =	vgt.s32 v32, $0x0  }
0x53: {  	v32 =	vnsel vm2, $0x0, v32;
	[tilespmem:v33+s14+$0x0] =	vst.idx.msk vm1, v14  }
0x54: {  	v41 =	vsel vm1, $0x1, v22;
	v32 =	vmin.u32 v32, $0x4F;
	[tilespmem:$0x3190] =	vst v33  }
0x55: {  	v32 =	vnsel vm1, $0x0, v32;
	[tilespmem:$0x3290] =	vst v41  }
0x56: {  	[tilespmem:$0x3310] =	vst v32  }
0x57: {  	v32 =	vld.idx.msk [tilespmem:v15+s4+$0x0], $0xffff  }
0x58: {  	v33 =	vld.idx.msk [tilespmem:v16+s4+$0x0], $0xffff  }
0x59: {  	v42 =	vld.idx.msk [tilespmem:v17+s4+$0x0], $0xffff  }
0x5a: {  	v43 =	vld.idx.msk [tilespmem:v18+s4+$0x0], $0xffff;
	_ =	sdelay $0x2  }
0x5b: {  	v45 =	vld.idx.msk [tilespmem:v19+s4+$0x0], $0xffff;
	vm1 =	vlt.f32 v32, $0.0e+00;
	vm2 =	vgt.f32 v32, $0.0e+00;
	vm3 =	vlt.f32 v33, $0.0e+00  }
0x5c: {  	vm10 =	vgt.f32 v33, $0.0e+00;
	v44 =	vmul.f32 $6.400000000e+01, v42;
	v33 =	vmul.f32 $6.400000000e+01, v33  }
0x5d: {  	vm11 =	vgt.f32 v43, $0.0e+00;
	vm1 =	vmor vm2, vm1;
	vm2 =	vmor vm10, vm3  }
0x5e: {  	vm3 =	vgt.f32 v42, $0.0e+00;
	vm1 =	vmor vm1, vm2;
	v46 =	vtrunc.f32 v44  }
0x5f: {  	vm2 =	vlt.f32 v42, $0.0e+00;
	v33 =	vtrunc.f32 v33;
	v34 =	vcvt.f32.s32 v46  }
0x60: {  	vm12 =	vgt.f32 v45, $0.0e+00;
	vm2 =	vmor vm3, vm2;
	v33 =	vcvt.f32.s32 v33  }
0x61: {  	vm3 =	vlt.f32 v43, $0.0e+00;
	vm1 =	vmor vm1, vm2;
	v34 =	vshll.u32 v34, $0x6  }
0x62: {  	vm2 =	vmor vm11, vm3;
	vm3 =	vlt.f32 v45, $0.0e+00;
	v33 =	vadd.s32 v33, v34  }
0x63: {  	vm1 =	vmor vm1, vm2;
	vm2 =	vmor vm12, vm3;
	v33 =	vmul.u32 $0x3, v33  }
0x64: {  	vm1 =	vmor vm1, vm2  }
0x65: {  	v33 =	vnsel vm1, $0x0, v33  }
0x66: {  	v32 =	vtrunc.f32 v32  }
0x67: {  	v32 =	vcvt.f32.s32 v32;
	_ =	sdelay $0x1  }
0x68: {  	vm2 =	vgt.s32 v32, $0x0  }
0x69: {  	v32 =	vnsel vm2, $0x0, v32;
	[tilespmem:v33+s14+$0x0] =	vst.idx.msk vm1, v20  }
0x6a: {  	v47 =	vsel vm1, $0x1, v22;
	v32 =	vmin.u32 v32, $0x4F;
	[tilespmem:$0x31A0] =	vst v33  }
0x6b: {  	v32 =	vnsel vm1, $0x0, v32;
	[tilespmem:$0x32A0] =	vst v47  }
0x6c: {  	[tilespmem:$0x3320] =	vst v32  }
0x6d: {  	v32 =	vld.idx.msk [tilespmem:v23+s4+$0x0], $0xffff  }
0x6e: {  	v33 =	vld.idx.msk [tilespmem:v24+s4+$0x0], $0xffff  }
0x6f: {  	v48 =	vld.idx.msk [tilespmem:v25+s4+$0x0], $0xffff  }
0x70: {  	v49 =	vld.idx.msk [tilespmem:v27+s4+$0x0], $0xffff  }
0x71: {  	v50 =	vld.idx.msk [tilespmem:v28+s4+$0x0], $0xffff;
	_ =	sdelay $0x2  }
0x72: {  	vm1 =	vlt.f32 v32, $0.0e+00;
	vm2 =	vgt.f32 v32, $0.0e+00  }
0x73: {  	vm3 =	vlt.f32 v33, $0.0e+00;
	vm13 =	vgt.f32 v33, $0.0e+00;
	v51 =	vmul.f32 $6.400000000e+01, v48  }
0x74: {  	v33 =	vmul.f32 $6.400000000e+01, v33;
	vm14 =	vgt.f32 v49, $0.0e+00;
	vm15 =	vgt.f32 v50, $0.0e+00  }
0x75: {  	vm1 =	vmor vm2, vm1;
	vm2 =	vmor vm13, vm3;
	vm3 =	vgt.f32 v48, $0.0e+00  }
0x76: {  	vm1 =	vmor vm1, vm2;
	vm2 =	vlt.f32 v48, $0.0e+00;
	v52 =	vtrunc.f32 v51  }
0x77: {  	v33 =	vtrunc.f32 v33;
	vm2 =	vmor vm3, vm2;
	v34 =	vcvt.f32.s32 v52  }
0x78: {  	vm3 =	vlt.f32 v49, $0.0e+00;
	v33 =	vcvt.f32.s32 v33;
	vm1 =	vmor vm1, vm2  }
0x79: {  	vm2 =	vmor vm14, vm3;
	vm3 =	vlt.f32 v50, $0.0e+00;
	v34 =	vshll.u32 v34, $0x6  }
0x7a: {  	vm1 =	vmor vm1, vm2;
	vm2 =	vmor vm15, vm3;
	v33 =	vadd.s32 v33, v34  }
0x7b: {  	vm1 =	vmor vm1, vm2;
	v33 =	vmul.u32 $0x3, v33  }
0x7c: {  	vm1 =	vmand vm1, vm0  }
0x7d: {  	v33 =	vnsel vm1, $0x0, v33  }
0x7e: {  	v32 =	vtrunc.f32 v32  }
0x7f: {  	v32 =	vcvt.f32.s32 v32;
	_ =	sdelay $0x1  }
0x80: {  	vm2 =	vgt.s32 v32, $0x0  }
0x81: {  	v32 =	vnsel vm2, $0x0, v32;
	[tilespmem:v33+s14+$0x0] =	vst.idx.msk vm1, v29  }
0x82: {  	v32 =	vmin.u32 v32, $0x4F;
	v53 =	vsel vm1, $0x1, v22;
	[tilespmem:$0x31B0] =	vst v33  }
0x83: {  	v32 =	vnsel vm1, $0x0, v32;
	[tilespmem:$0x32B0] =	vst v53  }
0x84: {  	v2 =	vld [tilespmem:$0x1FFC0];
	[tilespmem:$0x3330] =	vst v32  }
0x85: {  	v32 =	vld [tilespmem:s6+$0x3180];
	_ =	sdelay $0x4  }
0x86: {  	v32 =	vadd.s32 v2, v32  }
0x87: {  	v54 =	vshrl.u32 v32, $0x3  }
0x88: {  	v33 =	vshll.u32 v54, $0x7  }
0x89: {  	(v2sf) =	vpush v33, $0x0;
	_ =	sdelay $0x3  }
0x8a: {  	(v2sf) =	vpush v33, $0x1;
	_ =	sdelay $0x3  }
0x8b: {  	(v2sf) =	vpush v33, $0x2;
	_ =	sdelay $0x3  }
0x8c: {  	(v2sf) =	vpush v33, $0x3;
	_ =	sdelay $0x2  }
0x8d: {  	v32 =	vand.u32 $0x7, v32;
	s29 =	spop (v2sf)  }
0x8e: {  	v32 =	vor.u32 v26, v32;
	(v2sf) =	vpush v33, $0x4;
	s29 =	sand.u32 $0x1FFFFF80, s29  }
0x8f: {  	[tilespmem:$0x3200] =	vst v32;
	s29 =	sadd.s32 s0, s29  }
0x90: {  	[tilespmem:s15], [sflag:$0x1] =	stream.linear.gather [hbm4b:s29+s4], $0x400, $0x38;
	[tilespmem:$0xF698] =	vst v63  }
0x91: {  	s29 =	spop (v2sf)  }
0x92: {  	(v2sf) =	vpush v33, $0x5;
	s29 =	sand.u32 $0x1FFFFF80, s29  }
0x93: {  	s30 =	simm.s32 $0x3800;
	s29 =	sadd.s32 s0, s29  }
0x94: {  	[tilespmem:s30], [sflag:$0x1] =	stream.linear.gather [hbm4b:s29+s4], $0x400, $0x38;
	[tilespmem:$0xF698] =	vst v63  }
0x95: {  	s29 =	spop (v2sf)  }
0x96: {  	(v2sf) =	vpush v33, $0x6;
	s29 =	sand.u32 $0x1FFFFF80, s29  }
0x97: {  	s30 =	simm.s32 $0x3C00;
	s29 =	sadd.s32 s0, s29  }
0x98: {  	[tilespmem:s30], [sflag:$0x1] =	stream.linear.gather [hbm4b:s29+s4], $0x400, $0x38;
	[tilespmem:$0xF698] =	vst v63  }
0x99: {  	s29 =	spop (v2sf)  }
0x9a: {  	(v2sf) =	vpush v33, $0x7;
	s29 =	sand.u32 $0x1FFFFF80, s29  }
0x9b: {  	s30 =	simm.s32 $0x4000;
	s29 =	sadd.s32 s0, s29  }
0x9c: {  	[tilespmem:s30], [sflag:$0x1] =	stream.linear.gather [hbm4b:s29+s4], $0x400, $0x38;
	[tilespmem:$0xF698] =	vst v63  }
0x9d: {  	s29 =	spop (v2sf)  }
0x9e: {  	(v2sf) =	vpush v33, $0x8;
	s29 =	sand.u32 $0x1FFFFF80, s29  }
0x9f: {  	s30 =	simm.s32 $0x4400;
	s29 =	sadd.s32 s0, s29  }
0xa0: {  	[tilespmem:s30], [sflag:$0x1] =	stream.linear.gather [hbm4b:s29+s4], $0x400, $0x38;
	[tilespmem:$0xF698] =	vst v63  }
0xa1: {  	s29 =	spop (v2sf)  }
0xa2: {  	(v2sf) =	vpush v33, $0x9;
	s29 =	sand.u32 $0x1FFFFF80, s29  }
0xa3: {  	s30 =	simm.s32 $0x4800;
	s29 =	sadd.s32 s0, s29  }
0xa4: {  	[tilespmem:s30], [sflag:$0x1] =	stream.linear.gather [hbm4b:s29+s4], $0x400, $0x38;
	[tilespmem:$0xF698] =	vst v63  }
0xa5: {  	s29 =	spop (v2sf)  }
0xa6: {  	(v2sf) =	vpush v33, $0xA;
	s29 =	sand.u32 $0x1FFFFF80, s29  }
0xa7: {  	s30 =	simm.s32 $0x4C00;
	s29 =	sadd.s32 s0, s29  }
0xa8: {  	[tilespmem:s30], [sflag:$0x1] =	stream.linear.gather [hbm4b:s29+s4], $0x400, $0x38;
	[tilespmem:$0xF698] =	vst v63  }
0xa9: {  	s29 =	spop (v2sf)  }
0xaa: {  	(v2sf) =	vpush v33, $0xB;
	s29 =	sand.u32 $0x1FFFFF80, s29  }
0xab: {  	s30 =	simm.s32 $0x5000;
	s29 =	sadd.s32 s0, s29  }
0xac: {  	[tilespmem:s30], [sflag:$0x1] =	stream.linear.gather [hbm4b:s29+s4], $0x400, $0x38;
	[tilespmem:$0xF698] =	vst v63  }
0xad: {  	s29 =	spop (v2sf)  }
0xae: {  	(v2sf) =	vpush v33, $0xC;
	s29 =	sand.u32 $0x1FFFFF80, s29  }
0xaf: {  	s30 =	simm.s32 $0x5400;
	s29 =	sadd.s32 s0, s29  }
0xb0: {  	[tilespmem:s30], [sflag:$0x1] =	stream.linear.gather [hbm4b:s29+s4], $0x400, $0x38;
	[tilespmem:$0xF698] =	vst v63  }
0xb1: {  	s29 =	spop (v2sf)  }
0xb2: {  	(v2sf) =	vpush v33, $0xD;
	s29 =	sand.u32 $0x1FFFFF80, s29  }
0xb3: {  	s30 =	simm.s32 $0x5800;
	s29 =	sadd.s32 s0, s29  }
0xb4: {  	[tilespmem:s30], [sflag:$0x1] =	stream.linear.gather [hbm4b:s29+s4], $0x400, $0x38;
	[tilespmem:$0xF698] =	vst v63  }
0xb5: {  	s29 =	spop (v2sf)  }
0xb6: {  	(v2sf) =	vpush v33, $0xE;
	s29 =	sand.u32 $0x1FFFFF80, s29  }
0xb7: {  	s30 =	simm.s32 $0x5C00;
	s29 =	sadd.s32 s0, s29  }
0xb8: {  	[tilespmem:s30], [sflag:$0x1] =	stream.linear.gather [hbm4b:s29+s4], $0x400, $0x38;
	[tilespmem:$0xF698] =	vst v63  }
0xb9: {  	s29 =	spop (v2sf)  }
0xba: {  	(v2sf) =	vpush v33, $0xF;
	s29 =	sand.u32 $0x1FFFFF80, s29  }
0xbb: {  	s30 =	simm.s32 $0x6000;
	s29 =	sadd.s32 s0, s29  }
0xbc: {  	[tilespmem:s30], [sflag:$0x1] =	stream.linear.gather [hbm4b:s29+s4], $0x400, $0x38;
	[tilespmem:$0xF698] =	vst v63  }
0xbd: {  	s29 =	spop (v2sf)  }
0xbe: {  	s29 =	sand.u32 $0x1FFFFF80, s29  }
0xbf: {  	s30 =	simm.s32 $0x6400;
	s29 =	sadd.s32 s0, s29  }
0xc0: {  	[tilespmem:s30], [sflag:$0x1] =	stream.linear.gather [hbm4b:s29+s4], $0x400, $0x38;
	[tilespmem:$0xF698] =	vst v63  }
0xc1: {  	s29 =	spop (v2sf)  }
0xc2: {  	s29 =	sand.u32 $0x1FFFFF80, s29  }
0xc3: {  	s30 =	simm.s32 $0x6800;
	s29 =	sadd.s32 s0, s29  }
0xc4: {  	[tilespmem:s30], [sflag:$0x1] =	stream.linear.gather [hbm4b:s29+s4], $0x400, $0x38;
	[tilespmem:$0xF698] =	vst v63  }
0xc5: {  	s29 =	spop (v2sf)  }
0xc6: {  	s29 =	sand.u32 $0x1FFFFF80, s29  }
0xc7: {  	s30 =	simm.s32 $0x6C00;
	s29 =	sadd.s32 s0, s29  }
0xc8: {  	[tilespmem:s30], [sflag:$0x1] =	stream.linear.gather [hbm4b:s29+s4], $0x400, $0x38;
	[tilespmem:$0xF698] =	vst v63  }
0xc9: {  	s29 =	spop (v2sf)  }
0xca: {  	s29 =	sand.u32 $0x1FFFFF80, s29  }
0xcb: {  	s30 =	simm.s32 $0x7000;
	s29 =	sadd.s32 s0, s29  }
0xcc: {  	v2 =	vld [tilespmem:$0x1FFD0];
	[tilespmem:s30], [sflag:$0x1] =	stream.linear.gather [hbm4b:s29+s4], $0x400, $0x38  }
0xcd: {  	v32 =	vld [tilespmem:s7+$0x3180];
	_ =	sdelay $0x4  }
0xce: {  	v32 =	vadd.s32 v2, v32  }
0xcf: {  	v55 =	vshrl.u32 v32, $0x3  }
0xd0: {  	v33 =	vshll.u32 v55, $0x7  }
0xd1: {  	(v2sf) =	vpush v33, $0x0;
	_ =	sdelay $0x3  }
0xd2: {  	(v2sf) =	vpush v33, $0x1;
	_ =	sdelay $0x3  }
0xd3: {  	(v2sf) =	vpush v33, $0x2;
	_ =	sdelay $0x3  }
0xd4: {  	(v2sf) =	vpush v33, $0x3;
	_ =	sdelay $0x2  }
0xd5: {  	v32 =	vand.u32 $0x7, v32;
	s29 =	spop (v2sf)  }
0xd6: {  	v32 =	vor.u32 v30, v32;
	(v2sf) =	vpush v33, $0x4;
	s29 =	sand.u32 $0x1FFFFF80, s29  }
0xd7: {  	s30 =	simm.s32 $0x7400;
	[tilespmem:$0x3210] =	vst v32;
	s29 =	sadd.s32 s0, s29  }
0xd8: {  	[tilespmem:s30], [sflag:$0x1] =	stream.linear.gather [hbm4b:s29+s4], $0x400, $0x38;
	[tilespmem:$0xF698] =	vst v63  }
0xd9: {  	s29 =	spop (v2sf)  }
0xda: {  	(v2sf) =	vpush v33, $0x5;
	s29 =	sand.u32 $0x1FFFFF80, s29  }
0xdb: {  	s30 =	simm.s32 $0x7800;
	s29 =	sadd.s32 s0, s29  }
0xdc: {  	[tilespmem:s30], [sflag:$0x1] =	stream.linear.gather [hbm4b:s29+s4], $0x400, $0x38;
	[tilespmem:$0xF698] =	vst v63  }
0xdd: {  	s29 =	spop (v2sf)  }
0xde: {  	(v2sf) =	vpush v33, $0x6;
	s29 =	sand.u32 $0x1FFFFF80, s29  }
0xdf: {  	s30 =	simm.s32 $0x7C00;
	s29 =	sadd.s32 s0, s29  }
0xe0: {  	[tilespmem:s30], [sflag:$0x1] =	stream.linear.gather [hbm4b:s29+s4], $0x400, $0x38;
	[tilespmem:$0xF698] =	vst v63  }
0xe1: {  	s29 =	spop (v2sf)  }
0xe2: {  	(v2sf) =	vpush v33, $0x7;
	s29 =	sand.u32 $0x1FFFFF80, s29  }
0xe3: {  	s30 =	simm.s32 $0x8000;
	s29 =	sadd.s32 s0, s29  }
0xe4: {  	[tilespmem:s30], [sflag:$0x1] =	stream.linear.gather [hbm4b:s29+s4], $0x400, $0x38;
	[tilespmem:$0xF698] =	vst v63  }
0xe5: {  	s29 =	spop (v2sf)  }
0xe6: {  	(v2sf) =	vpush v33, $0x8;
	s29 =	sand.u32 $0x1FFFFF80, s29  }
0xe7: {  	s30 =	simm.s32 $0x8400;
	s29 =	sadd.s32 s0, s29  }
0xe8: {  	[tilespmem:s30], [sflag:$0x1] =	stream.linear.gather [hbm4b:s29+s4], $0x400, $0x38;
	[tilespmem:$0xF698] =	vst v63  }
0xe9: {  	s29 =	spop (v2sf)  }
0xea: {  	(v2sf) =	vpush v33, $0x9;
	s29 =	sand.u32 $0x1FFFFF80, s29  }
0xeb: {  	s30 =	simm.s32 $0x8800;
	s29 =	sadd.s32 s0, s29  }
0xec: {  	[tilespmem:s30], [sflag:$0x1] =	stream.linear.gather [hbm4b:s29+s4], $0x400, $0x38;
	[tilespmem:$0xF698] =	vst v63  }
0xed: {  	s29 =	spop (v2sf)  }
0xee: {  	(v2sf) =	vpush v33, $0xA;
	s29 =	sand.u32 $0x1FFFFF80, s29  }
0xef: {  	s30 =	simm.s32 $0x8C00;
	s29 =	sadd.s32 s0, s29  }
0xf0: {  	[tilespmem:s30], [sflag:$0x1] =	stream.linear.gather [hbm4b:s29+s4], $0x400, $0x38;
	[tilespmem:$0xF698] =	vst v63  }
0xf1: {  	s29 =	spop (v2sf)  }
0xf2: {  	(v2sf) =	vpush v33, $0xB;
	s29 =	sand.u32 $0x1FFFFF80, s29  }
0xf3: {  	s30 =	simm.s32 $0x9000;
	s29 =	sadd.s32 s0, s29  }
0xf4: {  	[tilespmem:s30], [sflag:$0x1] =	stream.linear.gather [hbm4b:s29+s4], $0x400, $0x38;
	[tilespmem:$0xF698] =	vst v63  }
0xf5: {  	s29 =	spop (v2sf)  }
0xf6: {  	(v2sf) =	vpush v33, $0xC;
	s29 =	sand.u32 $0x1FFFFF80, s29  }
0xf7: {  	s30 =	simm.s32 $0x9400;
	s29 =	sadd.s32 s0, s29  }
0xf8: {  	[tilespmem:s30], [sflag:$0x1] =	stream.linear.gather [hbm4b:s29+s4], $0x400, $0x38;
	[tilespmem:$0xF698] =	vst v63  }
0xf9: {  	s29 =	spop (v2sf)  }
0xfa: {  	(v2sf) =	vpush v33, $0xD;
	s29 =	sand.u32 $0x1FFFFF80, s29  }
0xfb: {  	s30 =	simm.s32 $0x9800;
	s29 =	sadd.s32 s0, s29  }
0xfc: {  	[tilespmem:s30], [sflag:$0x1] =	stream.linear.gather [hbm4b:s29+s4], $0x400, $0x38;
	[tilespmem:$0xF698] =	vst v63  }
0xfd: {  	s29 =	spop (v2sf)  }
0xfe: {  	(v2sf) =	vpush v33, $0xE;
	s29 =	sand.u32 $0x1FFFFF80, s29  }
0xff: {  	s30 =	simm.s32 $0x9C00;
	s29 =	sadd.s32 s0, s29  }
0x100: {  	[tilespmem:s30], [sflag:$0x1] =	stream.linear.gather [hbm4b:s29+s4], $0x400, $0x38;
	[tilespmem:$0xF698] =	vst v63  }
0x101: {  	s29 =	spop (v2sf)  }
0x102: {  	(v2sf) =	vpush v33, $0xF;
	s29 =	sand.u32 $0x1FFFFF80, s29  }
0x103: {  	s30 =	simm.s32 $0xA000;
	s29 =	sadd.s32 s0, s29  }
0x104: {  	[tilespmem:s30], [sflag:$0x1] =	stream.linear.gather [hbm4b:s29+s4], $0x400, $0x38;
	[tilespmem:$0xF698] =	vst v63  }
0x105: {  	s29 =	spop (v2sf)  }
0x106: {  	s29 =	sand.u32 $0x1FFFFF80, s29  }
0x107: {  	s30 =	simm.s32 $0xA400;
	s29 =	sadd.s32 s0, s29  }
0x108: {  	[tilespmem:s30], [sflag:$0x1] =	stream.linear.gather [hbm4b:s29+s4], $0x400, $0x38;
	[tilespmem:$0xF698] =	vst v63  }
0x109: {  	s29 =	spop (v2sf)  }
0x10a: {  	s29 =	sand.u32 $0x1FFFFF80, s29  }
0x10b: {  	s30 =	simm.s32 $0xA800;
	s29 =	sadd.s32 s0, s29  }
0x10c: {  	[tilespmem:s30], [sflag:$0x1] =	stream.linear.gather [hbm4b:s29+s4], $0x400, $0x38;
	[tilespmem:$0xF698] =	vst v63  }
0x10d: {  	s29 =	spop (v2sf)  }
0x10e: {  	s29 =	sand.u32 $0x1FFFFF80, s29  }
0x10f: {  	s30 =	simm.s32 $0xAC00;
	s29 =	sadd.s32 s0, s29  }
0x110: {  	[tilespmem:s30], [sflag:$0x1] =	stream.linear.gather [hbm4b:s29+s4], $0x400, $0x38;
	[tilespmem:$0xF698] =	vst v63  }
0x111: {  	s29 =	spop (v2sf)  }
0x112: {  	s29 =	sand.u32 $0x1FFFFF80, s29  }
0x113: {  	s30 =	simm.s32 $0xB000;
	s29 =	sadd.s32 s0, s29  }
0x114: {  	v2 =	vld [tilespmem:$0x1FFE0];
	[tilespmem:s30], [sflag:$0x1] =	stream.linear.gather [hbm4b:s29+s4], $0x400, $0x38  }
0x115: {  	v32 =	vld [tilespmem:s8+$0x3180];
	_ =	sdelay $0x4  }
0x116: {  	v32 =	vadd.s32 v2, v32  }
0x117: {  	v56 =	vshrl.u32 v32, $0x3  }
0x118: {  	v33 =	vshll.u32 v56, $0x7  }
0x119: {  	(v2sf) =	vpush v33, $0x0;
	_ =	sdelay $0x3  }
0x11a: {  	(v2sf) =	vpush v33, $0x1;
	_ =	sdelay $0x3  }
0x11b: {  	(v2sf) =	vpush v33, $0x2;
	_ =	sdelay $0x3  }
0x11c: {  	(v2sf) =	vpush v33, $0x3;
	_ =	sdelay $0x2  }
0x11d: {  	v32 =	vand.u32 $0x7, v32;
	s29 =	spop (v2sf)  }
0x11e: {  	v32 =	vor.u32 v31, v32;
	(v2sf) =	vpush v33, $0x4;
	s29 =	sand.u32 $0x1FFFFF80, s29  }
0x11f: {  	s30 =	simm.s32 $0xB400;
	[tilespmem:$0x3220] =	vst v32;
	s29 =	sadd.s32 s0, s29  }
0x120: {  	[tilespmem:s30], [sflag:$0x1] =	stream.linear.gather [hbm4b:s29+s4], $0x400, $0x38;
	[tilespmem:$0xF698] =	vst v63  }
0x121: {  	s29 =	spop (v2sf)  }
0x122: {  	(v2sf) =	vpush v33, $0x5;
	s29 =	sand.u32 $0x1FFFFF80, s29  }
0x123: {  	s30 =	simm.s32 $0xB800;
	s29 =	sadd.s32 s0, s29  }
0x124: {  	[tilespmem:s30], [sflag:$0x1] =	stream.linear.gather [hbm4b:s29+s4], $0x400, $0x38;
	[tilespmem:$0xF698] =	vst v63  }
0x125: {  	s29 =	spop (v2sf)  }
0x126: {  	(v2sf) =	vpush v33, $0x6;
	s29 =	sand.u32 $0x1FFFFF80, s29  }
0x127: {  	s29 =	sadd.s32 s0, s29  }
0x128: {  	[tilespmem:s31], [sflag:$0x1] =	stream.linear.gather [hbm4b:s29+s4], $0x400, $0x38;
	[tilespmem:$0xF698] =	vst v63  }
0x129: {  	s29 =	spop (v2sf)  }
0x12a: {  	(v2sf) =	vpush v33, $0x7;
	s29 =	sand.u32 $0x1FFFFF80, s29  }
0x12b: {  	s29 =	sadd.s32 s0, s29  }
0x12c: {  	[tilespmem:s2], [sflag:$0x1] =	stream.linear.gather [hbm4b:s29+s4], $0x400, $0x38;
	[tilespmem:$0xF698] =	vst v63  }
0x12d: {  	s29 =	spop (v2sf)  }
0x12e: {  	(v2sf) =	vpush v33, $0x8;
	s29 =	sand.u32 $0x1FFFFF80, s29  }
0x12f: {  	s29 =	sadd.s32 s0, s29  }
0x130: {  	[tilespmem:s1], [sflag:$0x1] =	stream.linear.gather [hbm4b:s29+s4], $0x400, $0x38;
	[tilespmem:$0xF698] =	vst v63  }
0x131: {  	s29 =	spop (v2sf)  }
0x132: {  	(v2sf) =	vpush v33, $0x9;
	s29 =	sand.u32 $0x1FFFFF80, s29  }
0x133: {  	s29 =	sadd.s32 s0, s29  }
0x134: {  	[tilespmem:s3], [sflag:$0x1] =	stream.linear.gather [hbm4b:s29+s4], $0x400, $0x38;
	[tilespmem:$0xF698] =	vst v63  }
0x135: {  	s29 =	spop (v2sf)  }
0x136: {  	(v2sf) =	vpush v33, $0xA;
	s29 =	sand.u32 $0x1FFFFF80, s29  }
0x137: {  	s29 =	sadd.s32 s0, s29  }
0x138: {  	[tilespmem:s11], [sflag:$0x1] =	stream.linear.gather [hbm4b:s29+s4], $0x400, $0x38;
	[tilespmem:$0xF698] =	vst v63  }
0x139: {  	s29 =	spop (v2sf)  }
0x13a: {  	(v2sf) =	vpush v33, $0xB;
	s29 =	sand.u32 $0x1FFFFF80, s29  }
0x13b: {  	s29 =	sadd.s32 s0, s29  }
0x13c: {  	[tilespmem:s16], [sflag:$0x1] =	stream.linear.gather [hbm4b:s29+s4], $0x400, $0x38;
	[tilespmem:$0xF698] =	vst v63  }
0x13d: {  	s29 =	spop (v2sf)  }
0x13e: {  	(v2sf) =	vpush v33, $0xC;
	s29 =	sand.u32 $0x1FFFFF80, s29  }
0x13f: {  	s29 =	sadd.s32 s0, s29  }
0x140: {  	[tilespmem:s17], [sflag:$0x1] =	stream.linear.gather [hbm4b:s29+s4], $0x400, $0x38;
	[tilespmem:$0xF698] =	vst v63  }
0x141: {  	s29 =	spop (v2sf)  }
0x142: {  	(v2sf) =	vpush v33, $0xD;
	s29 =	sand.u32 $0x1FFFFF80, s29  }
0x143: {  	s29 =	sadd.s32 s0, s29  }
0x144: {  	[tilespmem:s18], [sflag:$0x1] =	stream.linear.gather [hbm4b:s29+s4], $0x400, $0x38;
	[tilespmem:$0xF698] =	vst v63  }
0x145: {  	s29 =	spop (v2sf)  }
0x146: {  	(v2sf) =	vpush v33, $0xE;
	s29 =	sand.u32 $0x1FFFFF80, s29  }
0x147: {  	s29 =	sadd.s32 s0, s29  }
0x148: {  	[tilespmem:s19], [sflag:$0x1] =	stream.linear.gather [hbm4b:s29+s4], $0x400, $0x38;
	[tilespmem:$0xF698] =	vst v63  }
0x149: {  	s29 =	spop (v2sf)  }
0x14a: {  	(v2sf) =	vpush v33, $0xF;
	s29 =	sand.u32 $0x1FFFFF80, s29  }
0x14b: {  	s29 =	sadd.s32 s0, s29  }
0x14c: {  	[tilespmem:s20], [sflag:$0x1] =	stream.linear.gather [hbm4b:s29+s4], $0x400, $0x38;
	[tilespmem:$0xF698] =	vst v63  }
0x14d: {  	s29 =	spop (v2sf)  }
0x14e: {  	s29 =	sand.u32 $0x1FFFFF80, s29  }
0x14f: {  	s29 =	sadd.s32 s0, s29  }
0x150: {  	[tilespmem:s21], [sflag:$0x1] =	stream.linear.gather [hbm4b:s29+s4], $0x400, $0x38;
	[tilespmem:$0xF698] =	vst v63  }
0x151: {  	s29 =	spop (v2sf)  }
0x152: {  	s29 =	sand.u32 $0x1FFFFF80, s29  }
0x153: {  	s29 =	sadd.s32 s0, s29  }
0x154: {  	[tilespmem:s22], [sflag:$0x1] =	stream.linear.gather [hbm4b:s29+s4], $0x400, $0x38;
	[tilespmem:$0xF698] =	vst v63  }
0x155: {  	s29 =	spop (v2sf)  }
0x156: {  	s29 =	sand.u32 $0x1FFFFF80, s29  }
0x157: {  	s29 =	sadd.s32 s0, s29  }
0x158: {  	[tilespmem:s23], [sflag:$0x1] =	stream.linear.gather [hbm4b:s29+s4], $0x400, $0x38;
	[tilespmem:$0xF698] =	vst v63  }
0x159: {  	s29 =	spop (v2sf)  }
0x15a: {  	s29 =	sand.u32 $0x1FFFFF80, s29  }
0x15b: {  	s29 =	sadd.s32 s0, s29  }
0x15c: {  	[tilespmem:s24], [sflag:$0x1] =	stream.linear.gather [hbm4b:s29+s4], $0x400, $0x38;
	[tilespmem:$0xF698] =	vst v63  }
0x15d: {  	v57 =	vld [tilespmem:$0x3280];
	_ =	sdelay $0x2  }
0x15e: {  	v58 =	vld [tilespmem:$0x3180];
	_ =	sdelay $0x1  }
0x15f: {  	vm1 =	vne.s32 v57, $0x0;
	_ =	sdelay $0x3  }
0x160: {  	v59 =	vld [tilespmem:$0x3290];
	_ =	sdelay $0x1  }
0x161: {  	v33 =	vld.idx.msk [tilespmem:v58+s14+$0x0], vm1  }
0x162: {  	v60 =	vld [tilespmem:$0x3190];
	_ =	sdelay $0x1  }
0x163: {  	vm2 =	vne.s32 v59, $0x0;
	_ =	sdelay $0x1  }
0x164: {  	vm3 =	veq.s32 v33, v0  }
0x165: {  	vm1 =	vmand vm1, vm3  }
0x166: {  	v61 =	vld [tilespmem:$0x32A0];
	v32 =	vsel vm1, $0x3F800000, v21  }
0x167: {  	[tilespmem:$0x3380] =	vst v32  }
0x168: {  	v34 =	vld.idx.msk [tilespmem:v60+s14+$0x0], vm2  }
0x169: {  	v62 =	vld [tilespmem:$0x31A0];
	_ =	sdelay $0x1  }
0x16a: {  	vm1 =	vne.s32 v61, $0x0;
	_ =	sdelay $0x1  }
0x16b: {  	vm3 =	veq.s32 v34, v14  }
0x16c: {  	vm2 =	vmand vm2, vm3  }
0x16d: {  	v63 =	vld [tilespmem:$0x32B0];
	v33 =	vsel vm2, $0x3F800000, v21  }
0x16e: {  	[tilespmem:$0x3390] =	vst v33  }
0x16f: {  	v35 =	vld.idx.msk [tilespmem:v62+s14+$0x0], vm1  }
0x170: {  	v40 =	vld [tilespmem:$0x31B0];
	_ =	sdelay $0x1  }
0x171: {  	vm2 =	vne.s32 v63, $0x0;
	_ =	sdelay $0x1  }
0x172: {  	vm3 =	veq.s32 v35, v20  }
0x173: {  	vm1 =	vmand vm1, vm3  }
0x174: {  	v34 =	vsel vm1, $0x3F800000, v21  }
0x175: {  	[tilespmem:$0x33A0] =	vst v34  }
0x176: {  	v41 =	vld.idx.msk [tilespmem:v40+s14+$0x0], vm2;
	_ =	sdelay $0x3  }
0x177: {  	v32 =	vadd.f32 @!p0 v33, v32  }
0x178: {  	vm1 =	veq.s32 v41, v29  }
0x179: {  	v32 =	vadd.f32 @!p0 v34, v32;
	vm1 =	vmand vm2, vm1  }
0x17a: {  	v33 =	vsel vm1, $0x3F800000, v21  }
0x17b: {  	v32 =	vadd.f32 @!p0 v33, v32  }
0x17c: {  	[tilespmem:$0x33B0] =	vst v33  }
0x17d: {  	s29 =	simm.s32 @!p0 $0xF480;
	[tilespmem:$0xF480] =	vst @!p0 v32  }
0x17e: {  	[spmem:s9] =	stream.linear.scatter @!p0 [tilespmem:s29], [sflag:$0x2], $0x10, $0x38;
	[tilespmem:$0xF698] =	vst v63  }
0x17f: {  	s29 =	simm.s32 @!p0 $0x2  }
0x180: {  	_ =	swait.ge @!p0 [sflag:s29], $0x10  }
0x181: {  	[sflag:s29] =	ssyncset.done @!p0 $0x0  }
0x182: {  	[sflag:s29] =	ssyncadd.s32 @!p0 $0xFFFFFFF0  }
0x183: {  	_ =	swait.ge [sflag:s25], $0x400  }
0x184: {  	[sflag:s25] =	ssyncset.done $0x0  }
0x185: {  	[sflag:s25] =	ssyncadd.s32 $0xFFFFFC00  }
0x186: {  	_ =	swait.ge [sflag:s25], $0x400  }
0x187: {  	[sflag:s25] =	ssyncset.done $0x0  }
0x188: {  	[sflag:s25] =	ssyncadd.s32 $0xFFFFFC00  }
0x189: {  	_ =	swait.ge [sflag:s25], $0x400  }
0x18a: {  	[sflag:s25] =	ssyncset.done $0x0  }
0x18b: {  	[sflag:s25] =	ssyncadd.s32 $0xFFFFFC00  }
0x18c: {  	_ =	swait.ge [sflag:s25], $0x400  }
0x18d: {  	[sflag:s25] =	ssyncset.done $0x0  }
0x18e: {  	[sflag:s25] =	ssyncadd.s32 $0xFFFFFC00  }
0x18f: {  	_ =	swait.ge [sflag:s25], $0x400  }
0x190: {  	[sflag:s25] =	ssyncset.done $0x0  }
0x191: {  	[sflag:s25] =	ssyncadd.s32 $0xFFFFFC00  }
0x192: {  	_ =	swait.ge [sflag:s25], $0x400  }
0x193: {  	[sflag:s25] =	ssyncset.done $0x0  }
0x194: {  	[sflag:s25] =	ssyncadd.s32 $0xFFFFFC00  }
0x195: {  	_ =	swait.ge [sflag:s25], $0x400  }
0x196: {  	[sflag:s25] =	ssyncset.done $0x0  }
0x197: {  	[sflag:s25] =	ssyncadd.s32 $0xFFFFFC00  }
0x198: {  	_ =	swait.ge [sflag:s25], $0x400  }
0x199: {  	[sflag:s25] =	ssyncset.done $0x0  }
0x19a: {  	[sflag:s25] =	ssyncadd.s32 $0xFFFFFC00  }
0x19b: {  	_ =	swait.ge [sflag:s25], $0x400  }
0x19c: {  	[sflag:s25] =	ssyncset.done $0x0  }
0x19d: {  	[sflag:s25] =	ssyncadd.s32 $0xFFFFFC00  }
0x19e: {  	_ =	swait.ge [sflag:s25], $0x400  }
0x19f: {  	[sflag:s25] =	ssyncset.done $0x0  }
0x1a0: {  	[sflag:s25] =	ssyncadd.s32 $0xFFFFFC00  }
0x1a1: {  	_ =	swait.ge [sflag:s25], $0x400  }
0x1a2: {  	[sflag:s25] =	ssyncset.done $0x0  }
0x1a3: {  	[sflag:s25] =	ssyncadd.s32 $0xFFFFFC00  }
0x1a4: {  	_ =	swait.ge [sflag:s25], $0x400  }
0x1a5: {  	[sflag:s25] =	ssyncset.done $0x0  }
0x1a6: {  	[sflag:s25] =	ssyncadd.s32 $0xFFFFFC00  }
0x1a7: {  	_ =	swait.ge [sflag:s25], $0x400  }
0x1a8: {  	[sflag:s25] =	ssyncset.done $0x0  }
0x1a9: {  	[sflag:s25] =	ssyncadd.s32 $0xFFFFFC00  }
0x1aa: {  	_ =	swait.ge [sflag:s25], $0x400  }
0x1ab: {  	[sflag:s25] =	ssyncset.done $0x0  }
0x1ac: {  	[sflag:s25] =	ssyncadd.s32 $0xFFFFFC00  }
0x1ad: {  	_ =	swait.ge [sflag:s25], $0x400  }
0x1ae: {  	[sflag:s25] =	ssyncset.done $0x0  }
0x1af: {  	[sflag:s25] =	ssyncadd.s32 $0xFFFFFC00  }
0x1b0: {  	_ =	swait.ge [sflag:s25], $0x400  }
0x1b1: {  	[sflag:s25] =	ssyncset.done $0x0  }
0x1b2: {  	[sflag:s25] =	ssyncadd.s32 $0xFFFFFC00  }
0x1b3: {  	_ =	swait.ge [sflag:s25], $0x400  }
0x1b4: {  	[sflag:s25] =	ssyncset.done $0x0  }
0x1b5: {  	[sflag:s25] =	ssyncadd.s32 $0xFFFFFC00  }
0x1b6: {  	_ =	swait.ge [sflag:s25], $0x400  }
0x1b7: {  	[sflag:s25] =	ssyncset.done $0x0  }
0x1b8: {  	[sflag:s25] =	ssyncadd.s32 $0xFFFFFC00  }
0x1b9: {  	_ =	swait.ge [sflag:s25], $0x400  }
0x1ba: {  	[sflag:s25] =	ssyncset.done $0x0  }
0x1bb: {  	[sflag:s25] =	ssyncadd.s32 $0xFFFFFC00  }
0x1bc: {  	_ =	swait.ge [sflag:s25], $0x400  }
0x1bd: {  	[sflag:s25] =	ssyncset.done $0x0  }
0x1be: {  	[sflag:s25] =	ssyncadd.s32 $0xFFFFFC00  }
0x1bf: {  	_ =	swait.ge [sflag:s25], $0x400  }
0x1c0: {  	[sflag:s25] =	ssyncset.done $0x0  }
0x1c1: {  	[sflag:s25] =	ssyncadd.s32 $0xFFFFFC00  }
0x1c2: {  	_ =	swait.ge [sflag:s25], $0x400  }
0x1c3: {  	[sflag:s25] =	ssyncset.done $0x0  }
0x1c4: {  	[sflag:s25] =	ssyncadd.s32 $0xFFFFFC00  }
0x1c5: {  	_ =	swait.ge [sflag:s25], $0x400  }
0x1c6: {  	[sflag:s25] =	ssyncset.done $0x0  }
0x1c7: {  	[sflag:s25] =	ssyncadd.s32 $0xFFFFFC00  }
0x1c8: {  	_ =	swait.ge [sflag:s25], $0x400  }
0x1c9: {  	[sflag:s25] =	ssyncset.done $0x0  }
0x1ca: {  	[sflag:s25] =	ssyncadd.s32 $0xFFFFFC00  }
0x1cb: {  	_ =	swait.ge [sflag:s25], $0x400  }
0x1cc: {  	[sflag:s25] =	ssyncset.done $0x0  }
0x1cd: {  	[sflag:s25] =	ssyncadd.s32 $0xFFFFFC00  }
0x1ce: {  	_ =	swait.ge [sflag:s25], $0x400  }
0x1cf: {  	[sflag:s25] =	ssyncset.done $0x0  }
0x1d0: {  	[sflag:s25] =	ssyncadd.s32 $0xFFFFFC00  }
0x1d1: {  	_ =	swait.ge [sflag:s25], $0x400  }
0x1d2: {  	[sflag:s25] =	ssyncset.done $0x0  }
0x1d3: {  	[sflag:s25] =	ssyncadd.s32 $0xFFFFFC00  }
0x1d4: {  	_ =	swait.ge [sflag:s25], $0x400  }
0x1d5: {  	[sflag:s25] =	ssyncset.done $0x0  }
0x1d6: {  	[sflag:s25] =	ssyncadd.s32 $0xFFFFFC00  }
0x1d7: {  	_ =	swait.ge [sflag:s25], $0x400  }
0x1d8: {  	[sflag:s25] =	ssyncset.done $0x0  }
0x1d9: {  	[sflag:s25] =	ssyncadd.s32 $0xFFFFFC00  }
0x1da: {  	_ =	swait.ge [sflag:s25], $0x400  }
0x1db: {  	[sflag:s25] =	ssyncset.done $0x0  }
0x1dc: {  	[sflag:s25] =	ssyncadd.s32 $0xFFFFFC00  }
0x1dd: {  	_ =	swait.ge [sflag:s25], $0x400  }
0x1de: {  	[sflag:s25] =	ssyncset.done $0x0  }
0x1df: {  	[sflag:s25] =	ssyncadd.s32 $0xFFFFFC00  }
0x1e0: {  	_ =	swait.ge [sflag:s25], $0x400  }
0x1e1: {  	[sflag:s25] =	ssyncset.done $0x0  }
0x1e2: {  	[sflag:s25] =	ssyncadd.s32 $0xFFFFFC00  }
0x1e3: {  	_ =	swait.ge [sflag:s25], $0x400  }
0x1e4: {  	[sflag:s25] =	ssyncset.done $0x0  }
0x1e5: {  	[sflag:s25] =	ssyncadd.s32 $0xFFFFFC00  }
0x1e6: {  	_ =	swait.ge [sflag:s25], $0x400  }
0x1e7: {  	[sflag:s25] =	ssyncset.done $0x0  }
0x1e8: {  	[sflag:s25] =	ssyncadd.s32 $0xFFFFFC00  }
0x1e9: {  	_ =	swait.ge [sflag:s25], $0x400  }
0x1ea: {  	[sflag:s25] =	ssyncset.done $0x0  }
0x1eb: {  	[sflag:s25] =	ssyncadd.s32 $0xFFFFFC00  }
0x1ec: {  	_ =	swait.ge [sflag:s25], $0x400  }
0x1ed: {  	[sflag:s25] =	ssyncset.done $0x0  }
0x1ee: {  	[sflag:s25] =	ssyncadd.s32 $0xFFFFFC00  }
0x1ef: {  	_ =	swait.ge [sflag:s25], $0x400  }
0x1f0: {  	[sflag:s25] =	ssyncset.done $0x0  }
0x1f1: {  	[sflag:s25] =	ssyncadd.s32 $0xFFFFFC00  }
0x1f2: {  	_ =	swait.ge [sflag:s25], $0x400  }
0x1f3: {  	[sflag:s25] =	ssyncset.done $0x0  }
0x1f4: {  	[sflag:s25] =	ssyncadd.s32 $0xFFFFFC00  }
0x1f5: {  	_ =	swait.ge [sflag:s25], $0x400  }
0x1f6: {  	[sflag:s25] =	ssyncset.done $0x0  }
0x1f7: {  	[sflag:s25] =	ssyncadd.s32 $0xFFFFFC00  }
0x1f8: {  	_ =	swait.ge [sflag:s25], $0x400  }
0x1f9: {  	[sflag:s25] =	ssyncset.done $0x0  }
0x1fa: {  	[sflag:s25] =	ssyncadd.s32 $0xFFFFFC00  }
0x1fb: {  	_ =	swait.ge [sflag:s25], $0x400  }
0x1fc: {  	[sflag:s25] =	ssyncset.done $0x0  }
0x1fd: {  	[sflag:s25] =	ssyncadd.s32 $0xFFFFFC00  }
0x1fe: {  	_ =	swait.ge [sflag:s25], $0x400  }
0x1ff: {  	[sflag:s25] =	ssyncset.done $0x0  }
0x200: {  	[sflag:s25] =	ssyncadd.s32 $0xFFFFFC00  }
0x201: {  	_ =	swait.ge [sflag:s25], $0x400  }
0x202: {  	[sflag:s25] =	ssyncset.done $0x0  }
0x203: {  	[sflag:s25] =	ssyncadd.s32 $0xFFFFFC00  }
0x204: {  	_ =	swait.ge [sflag:s25], $0x400  }
0x205: {  	[sflag:s25] =	ssyncset.done $0x0  }
0x206: {  	[sflag:s25] =	ssyncadd.s32 $0xFFFFFC00  }
0x207: {  	_ =	swait.ge [sflag:s25], $0x400  }
0x208: {  	[sflag:s25] =	ssyncset.done $0x0  }
0x209: {  	[sflag:s25] =	ssyncadd.s32 $0xFFFFFC00  }
0x20a: {  	_ =	swait.ge [sflag:s25], $0x400  }
0x20b: {  	[sflag:s25] =	ssyncset.done $0x0  }
0x20c: {  	[sflag:s25] =	ssyncadd.s32 $0xFFFFFC00  }
0x20d: {  	_ =	swait.ge [sflag:s25], $0x400  }
0x20e: {  	[sflag:s25] =	ssyncset.done $0x0  }
0x20f: {  	[sflag:s25] =	ssyncadd.s32 $0xFFFFFC00  }
0x210: {  	_ =	swait.ge [sflag:s25], $0x400  }
0x211: {  	[sflag:s25] =	ssyncset.done $0x0  }
0x212: {  	[sflag:s25] =	ssyncadd.s32 $0xFFFFFC00  }
0x213: {  	v43 =	vmov s4;
	v42 =	vld [tilespmem:$0x3200]  }
0x214: {  	v33 =	vadd.s32 $0x5, v43  }
0x215: {  	v44 =	vbroadcast v33, $0x0;
	_ =	sdelay $0x1  }
0x216: {  	v46 =	vadd.s32 $0x3, v44  }
0x217: {  	v48 =	vand.u32 $0x7FFFFF80, v46;
	v33 =	vshll.u32 v42, $0x7  }
0x218: {  	v45 =	vadd.s32 $0x1, v44;
	v32 =	vand.u32 $0x78, v46;
	v37 =	vadd.s32 v33, v48  }
0x219: {  	v47 =	vand.u32 $0x7FFFFF80, v45;
	v32 =	vor.u32 v32, v37  }
0x21a: {  	v35 =	vand.u32 $0x7E, v45;
	v36 =	vadd.s32 v33, v47  }
0x21b: {  	v36 =	vor.u32 v35, v36  }
0x21c: {  	v38 =	vadd.s32 $0x5, v44;
	v39 =	vadd.s32 $0x7, v44  }
0x21d: {  	v40 =	vadd.s32 $0x4, v44;
	v41 =	vadd.s32 $0x6, v44;
	v49 =	vand.u32 $0x7FFFFF80, v38;
	s29 =	simm.s32 $0x8  }
0x21e: {  	v50 =	vand.u32 $0x7A, v38;
	v43 =	vand.u32 $0x7FFFFF80, v40;
	v52 =	vmov s29;
	v32 =	vld.idx.msk [tilespmem:v32+s15+$0x0], $0xffff  }
0x21f: {  	v40 =	vand.u32 $0x79, v40;
	v53 =	vadd.s32 $0x5, v52;
	v37 =	vadd.s32 v33, v49  }
0x220: {  	v42 =	vand.u32 $0x7FFFFF80, v39;
	v35 =	vor.u32 $0x2, v33;
	v37 =	vor.u32 v50, v37;
	v36 =	vld.idx.msk [tilespmem:v36+s15+$0x0], $0xffff  }
0x221: {  	v39 =	vand.u32 $0x7C, v39;
	v42 =	vadd.s32 v33, v42;
	v34 =	vor.u32 v35, v44  }
0x222: {  	v51 =	vor.u32 v33, v44;
	v43 =	vadd.s32 v33, v43;
	v39 =	vor.u32 v39, v42  }
0x223: {  	v44 =	vand.u32 $0x7FFFFF80, v41;
	v41 =	vand.u32 $0x7B, v41;
	v32 =	vmul.f32 $1.442695020e+00, v32  }
0x224: {  	v50 =	vor.u32 v40, v43;
	v40 =	vbroadcast v53, $0x0;
	v44 =	vadd.s32 v33, v44  }
0x225: {  	v41 =	vor.u32 v41, v44;
	v37 =	vld.idx.msk [tilespmem:v37+s15+$0x0], $0xffff;
	v36 =	vmul.f32 $1.442695020e+00, v36;
	(erf) = vpow2.f32 v32  }
0x226: {  	v54 =	vadd.s32 $0x1, v40;
	v55 =	vadd.s32 $0x3, v40;
	v60 =	vadd.s32 $0x5, v40;
	v34 =	vld.idx.msk [tilespmem:v34+s15+$0x0], $0xffff  }
0x227: {  	v45 =	vadd.s32 $0x7, v40;
	v38 =	vld.idx.msk [tilespmem:v51+s15+$0x0], $0xffff;
	v56 =	vand.u32 $0x7FFFFF80, v54;
	(erf) = vpow2.f32 v36  }
0x228: {  	v57 =	vand.u32 $0x7FFFFF80, v55;
	v58 =	vand.u32 $0x78, v55;
	v61 =	vand.u32 $0x7FFFFF80, v60  }
0x229: {  	v62 =	vand.u32 $0x7A, v60;
	v48 =	vand.u32 $0x7FFFFF80, v45;
	v59 =	vadd.s32 v33, v57;
	v44 =	vld.idx.msk [tilespmem:v39+s15+$0x0], $0xffff  }
0x22a: {  	v63 =	vadd.s32 v33, v61;
	v39 =	vimm.f32 $0.0e+00;
	v50 =	vld.idx.msk [tilespmem:v50+s15+$0x0], $0xffff;
	v42 =	vmul.f32 $1.442695020e+00, v37  }
0x22b: {  	v43 =	vld.idx.msk [tilespmem:v41+s15+$0x0], $0xffff;
	v46 =	vmul.f32 $1.442695020e+00, v34;
	v37 =	vand.u32 $0x7E, v54;
	v36 =	vadd.s32 v33, v56  }
0x22c: {  	v49 =	vor.u32 v58, v59;
	v38 =	vmul.f32 $1.442695020e+00, v38;
	v47 =	vor.u32 v37, v36  }
0x22d: {  	v34 =	vld [tilespmem:s6+$0x3300];
	(erf) = vpow2.f32 v46;
	v46 =	vor.u32 v62, v63;
	v37 =	vimm.f32 $0.0e+00  }
0x22e: {  	s29 =	simm.s32 $0x10;
	v32 =	vld [tilespmem:s6+$0x3380];
	v36 =	vimm.f32 $0.0e+00;
	(erf) = vpow2.f32 v38;
	v38 =	vimm.f32 $0.0e+00;
	v41 =	vpop (erf)  }
.LBB2_2:
0x22f: {  	p2 =	sne.s32 s29, $0x48;
	v51 =	vor.u32 v33, v40;
	v52 =	vadd.s32 $0x4, v40;
	(erf) = vpow2.f32 v42;
	s30 =	smov.u32 s29;
	s29 =	sadd.s32 $0x8, s29  }
0x230: {  	v50 =	vmul.f32 $1.442695020e+00, v50;
	v43 =	vmul.f32 $1.442695020e+00, v43;
	v42 =	vand.u32 $0x7FFFFF80, v52;
	v53 =	vpop (erf)  }
0x231: {  	v54 =	vadd.s32 $0x6, v40;
	v44 =	vmul.f32 $1.442695020e+00, v44;
	v49 =	vld.idx.msk [tilespmem:v49+s15+$0x0], $0xffff;
	v42 =	vadd.s32 v33, v42  }
0x232: {  	v40 =	vor.u32 v35, v40;
	v55 =	vand.u32 $0x7FFFFF80, v54;
	v47 =	vld.idx.msk [tilespmem:v47+s15+$0x0], $0xffff;
	(erf) = vpow2.f32 v43  }
0x233: {  	v43 =	vand.u32 $0x7B, v54;
	v54 =	vadd.s32 v33, v55;
	v46 =	vld.idx.msk [tilespmem:v46+s15+$0x0], $0xffff;
	(erf) = vpow2.f32 v44  }
0x234: {  	v43 =	vor.u32 v43, v54;
	v44 =	vld.idx.msk [tilespmem:v51+s15+$0x0], $0xffff;
	v51 =	vand.u32 $0x79, v52;
	(erf) = vpow2.f32 v50  }
0x235: {  	v50 =	vor.u32 v51, v42;
	v42 =	vand.u32 $0x7C, v45;
	v45 =	vadd.s32 v33, v48  }
0x236: {  	v39 =	vadd.f32 v41, v39;
	v45 =	vor.u32 v42, v45;
	v41 =	vpop (erf)  }
0x237: {  	v37 =	vadd.f32 v53, v37;
	v42 =	vmov s30;
	v49 =	vmul.f32 $1.442695020e+00, v49;
	v48 =	vld.idx.msk [tilespmem:v40+s15+$0x0], $0xffff;
	v40 =	vpop (erf)  }
0x238: {  	v42 =	vadd.s32 $0x5, v42;
	v47 =	vmul.f32 $1.442695020e+00, v47;
	v38 =	vadd.f32 v40, v38;
	v51 =	vpop (erf)  }
0x239: {  	v40 =	vbroadcast v42, $0x0;
	v43 =	vld.idx.msk [tilespmem:v43+s15+$0x0], $0xffff;
	(erf) = vpow2.f32 v49;
	v37 =	vadd.f32 v51, v37  }
0x23a: {  	v36 =	vadd.f32 v41, v36;
	v42 =	vmul.f32 $1.442695020e+00, v46;
	v51 =	vmul.f32 $1.442695020e+00, v44  }
0x23b: {  	v41 =	vadd.s32 $0x1, v40;
	v46 =	vadd.s32 $0x3, v40;
	v44 =	vld.idx.msk [tilespmem:v45+s15+$0x0], $0xffff;
	(erf) = vpow2.f32 v47;
	v45 =	vpop (erf)  }
0x23c: {  	v47 =	vand.u32 $0x7FFFFF80, v41;
	v49 =	vand.u32 $0x7FFFFF80, v46;
	v36 =	vadd.f32 v45, v36;
	v45 =	vpop (erf)  }
0x23d: {  	v46 =	vand.u32 $0x78, v46;
	v47 =	vadd.s32 v33, v47;
	v48 =	vmul.f32 $1.442695020e+00, v48;
	v52 =	vpop (erf)  }
.Ltmp2:
0x23e: {  	v41 =	vand.u32 $0x7E, v41;
	v49 =	vadd.s32 v33, v49;
	v50 =	vld.idx.msk [tilespmem:v50+s15+$0x0], $0xffff;
	v38 =	vadd.f32 v52, v38;
	(pc) =	sbr.rel @p2 .LBB2_2-.Ltmp2, $4  }
0x23f: {  	v49 =	vor.u32 v46, v49;
	v46 =	vadd.s32 $0x5, v40;
	v39 =	vadd.f32 v45, v39  }
0x240: {  	v47 =	vor.u32 v41, v47;
	v45 =	vadd.s32 $0x7, v40;
	v3 =	vand.u32 $0x7FFFFF80, v46  }
0x241: {  	v46 =	vand.u32 $0x7A, v46;
	v2 =	vadd.s32 v33, v3;
	(erf) = vpow2.f32 v48  }
0x242: {  	v46 =	vor.u32 v46, v2;
	v48 =	vand.u32 $0x7FFFFF80, v45;
	(erf) = vpow2.f32 v51;
	v41 =	vpop (erf)  }
0x243: {  	_ = 	snop  }
0x244: {  	v51 =	vadd.s32 $0x6, v40;
	v35 =	vor.u32 v35, v40  }
0x245: {  	v52 =	vor.u32 v33, v40;
	v61 =	vadd.s32 $0x4, v40;
	v53 =	vand.u32 $0x7FFFFF80, v51  }
0x246: {  	v45 =	vand.u32 $0x7C, v45;
	v51 =	vand.u32 $0x7B, v51;
	v53 =	vadd.s32 v33, v53  }
0x247: {  	v49 =	vld.idx.msk [tilespmem:v49+s15+$0x0], $0xffff;
	v48 =	vadd.s32 v33, v48;
	v54 =	vand.u32 $0x7FFFFF80, v61;
	v51 =	vor.u32 v51, v53  }
0x248: {  	v47 =	vld.idx.msk [tilespmem:v47+s15+$0x0], $0xffff;
	v40 =	vand.u32 $0x79, v61;
	v45 =	vor.u32 v45, v48;
	v62 =	vadd.s32 v33, v54  }
0x249: {  	v43 =	vmul.f32 $1.442695020e+00, v43;
	v40 =	vor.u32 v40, v62;
	v35 =	vld.idx.msk [tilespmem:v35+s15+$0x0], $0xffff  }
0x24a: {  	(erf) = vpow2.f32 v42;
	v63 =	vmul.f32 $1.442695020e+00, v44;
	v52 =	vld.idx.msk [tilespmem:v52+s15+$0x0], $0xffff  }
0x24b: {  	(erf) = vpow2.f32 v43;
	v54 =	vld.idx.msk [tilespmem:v46+s15+$0x0], $0xffff;
	v53 =	vmul.f32 $1.442695020e+00, v50  }
0x24c: {  	(erf) = vpow2.f32 v63;
	v55 =	vmul.f32 $1.442695020e+00, v49;
	v56 =	vld.idx.msk [tilespmem:v51+s15+$0x0], $0xffff  }
0x24d: {  	(erf) = vpow2.f32 v53;
	v47 =	vmul.f32 $1.442695020e+00, v47;
	v45 =	vld.idx.msk [tilespmem:v45+s15+$0x0], $0xffff  }
0x24e: {  	(erf) = vpow2.f32 v55;
	v40 =	vld.idx.msk [tilespmem:v40+s15+$0x0], $0xffff;
	v35 =	vmul.f32 $1.442695020e+00, v35  }
0x24f: {  	(erf) = vpow2.f32 v47;
	v57 =	vmul.f32 $1.442695020e+00, v52  }
0x250: {  	v58 =	vpop (erf);
	v43 =	vmul.f32 $1.442695020e+00, v54;
	(erf) = vpow2.f32 v35  }
0x251: {  	v59 =	vpop (erf);
	(erf) = vpow2.f32 v57;
	v60 =	vmul.f32 $1.442695020e+00, v56  }
0x252: {  	v61 =	vpop (erf);
	v62 =	vmul.f32 $1.442695020e+00, v45;
	(erf) = vpow2.f32 v43  }
0x253: {  	v63 =	vpop (erf);
	v40 =	vmul.f32 $1.442695020e+00, v40;
	(erf) = vpow2.f32 v60  }
0x254: {  	v52 =	vpop (erf);
	(erf) = vpow2.f32 v62  }
0x255: {  	s29 =	simm.s32 $0x0;
	v53 =	vpop (erf);
	(erf) = vpow2.f32 v40  }
0x256: {  	v38 =	vadd.f32 v61, v38;
	v61 =	vmov s29;
	v54 =	vpop (erf)  }
0x257: {  	v44 =	vadd.s32 $0x5, v61;
	v55 =	vpop (erf)  }
0x258: {  	v39 =	vadd.f32 v41, v39;
	v37 =	vadd.f32 v58, v37;
	v44 =	vbroadcast v44, $0x0;
	v56 =	vpop (erf)  }
0x259: {  	v35 =	vadd.f32 v59, v36;
	v60 =	vld [tilespmem:$0x3210];
	v57 =	vpop (erf)  }
0x25a: {  	v37 =	vadd.f32 v63, v37;
	v39 =	vadd.f32 v53, v39;
	v47 =	vadd.s32 $0x3, v44;
	v58 =	vpop (erf)  }
0x25b: {  	v49 =	vadd.s32 $0x1, v44;
	v35 =	vadd.f32 v52, v35;
	v38 =	vadd.f32 v54, v38;
	v59 =	vpop (erf)  }
0x25c: {  	v48 =	vand.u32 $0x7FFFFF80, v47;
	v50 =	vand.u32 $0x78, v47;
	v37 =	vadd.f32 v56, v37;
	v62 =	vpop (erf)  }
0x25d: {  	v51 =	vand.u32 $0x7FFFFF80, v49;
	v39 =	vadd.f32 v55, v39;
	v38 =	vadd.f32 v58, v38;
	v63 =	vpop (erf)  }
0x25e: {  	v40 =	vshll.u32 v60, $0x7;
	v36 =	vadd.f32 v57, v35;
	v35 =	vadd.f32 v59, v37;
	v46 =	vpop (erf)  }
0x25f: {  	v37 =	vadd.f32 v46, v38;
	v38 =	vadd.f32 v63, v39;
	v39 =	vadd.s32 v40, v48  }
0x260: {  	v41 =	vand.u32 $0x7E, v49;
	v54 =	vadd.s32 $0x5, v44;
	v52 =	vor.u32 v50, v39  }
0x261: {  	v56 =	vand.u32 $0x7FFFFF80, v54;
	v53 =	vadd.s32 v40, v51;
	v57 =	vor.u32 v40, v44  }
0x262: {  	v42 =	vand.u32 $0x7A, v54;
	v41 =	vor.u32 v41, v53;
	v39 =	vadd.s32 v40, v56  }
0x263: {  	v34 =	vadd.s32 $0x5, v34;
	v59 =	vor.u32 v42, v39;
	v42 =	vor.u32 $0x2, v40  }
0x264: {  	v61 =	vadd.s32 $0x4, v44;
	v36 =	vadd.f32 v62, v36;
	v62 =	vor.u32 v42, v44  }
0x265: {  	v45 =	vadd.s32 $0x7, v44;
	v47 =	vand.u32 $0x79, v61;
	v55 =	vand.u32 $0xFFFFFF80, v34;
	v60 =	vld.idx.msk [tilespmem:v52+s15+$0x0], $0xffff  }
0x266: {  	v34 =	vand.u32 $0x7F, v34;
	v58 =	vadd.s32 v55, v33;
	v55 =	vand.u32 $0x7FFFFF80, v61;
	v57 =	vld.idx.msk [tilespmem:v57+s15+$0x0], $0xffff  }
0x267: {  	v33 =	vor.u32 v34, v58;
	v63 =	vand.u32 $0x7FFFFF80, v45;
	v41 =	vld.idx.msk [tilespmem:v41+s15+$0x0], $0xffff;
	v45 =	vand.u32 $0x7C, v45  }
0x268: {  	v50 =	vadd.s32 v40, v55;
	v49 =	vadd.s32 v40, v63;
	v39 =	vimm.f32 $0.0e+00;
	v43 =	vld.idx.msk [tilespmem:v59+s15+$0x0], $0xffff  }
0x269: {  	v47 =	vor.u32 v47, v50;
	v45 =	vor.u32 v45, v49;
	v44 =	vadd.s32 $0x6, v44;
	v61 =	vld.idx.msk [tilespmem:v62+s15+$0x0], $0xffff  }
0x26a: {  	s29 =	simm.s32 $0x8;
	v56 =	vand.u32 $0x7FFFFF80, v44;
	v44 =	vand.u32 $0x7B, v44;
	v34 =	vmul.f32 $1.442695020e+00, v60  }
0x26b: {  	v58 =	vadd.s32 v40, v56;
	v56 =	vmul.f32 $1.442695020e+00, v57;
	v59 =	vmov s29  }
0x26c: {  	v62 =	vmul.f32 $1.442695020e+00, v41;
	v60 =	vadd.s32 $0x5, v59;
	(erf) = vpow2.f32 v34  }
0x26d: {  	v44 =	vor.u32 v44, v58;
	v46 =	vbroadcast v60, $0x0;
	v48 =	vmul.f32 $1.442695020e+00, v43  }
0x26e: {  	v50 =	vld.idx.msk [tilespmem:v45+s15+$0x0], $0xffff;
	v45 =	vimm.f32 $0.0e+00;
	v58 =	vmul.f32 $1.442695020e+00, v61;
	(erf) = vpow2.f32 v62  }
0x26f: {  	v63 =	vadd.s32 $0x1, v46;
	v54 =	vadd.s32 $0x3, v46;
	v61 =	vadd.s32 $0x5, v46  }
0x270: {  	v55 =	vand.u32 $0x7FFFFF80, v63;
	v57 =	vand.u32 $0x7FFFFF80, v54;
	(erf) = vpow2.f32 v58  }
0x271: {  	v60 =	vand.u32 $0x7E, v63;
	v49 =	vadd.s32 v40, v55;
	(erf) = vpow2.f32 v56;
	v56 =	vld.idx.msk [tilespmem:v47+s15+$0x0], $0xffff  }
0x272: {  	v43 =	vand.u32 $0x78, v54;
	v59 =	vadd.s32 v40, v57;
	v52 =	vor.u32 v60, v49;
	v49 =	vld.idx.msk [tilespmem:v44+s15+$0x0], $0xffff  }
0x273: {  	v33 =	vld.idx.msk [tilespmem:v33+s15+$0x0], $0xffff;
	v51 =	vadd.s32 $0x7, v46;
	v62 =	vand.u32 $0x7FFFFF80, v61;
	v54 =	vor.u32 v43, v59  }
0x274: {  	v41 =	vld [tilespmem:s7+$0x3300];
	v63 =	vadd.s32 v40, v62;
	v55 =	vand.u32 $0x7FFFFF80, v51;
	v43 =	vand.u32 $0x7A, v61  }
0x275: {  	s29 =	simm.s32 $0x10;
	v34 =	vld [tilespmem:s7+$0x3380];
	v44 =	vimm.f32 $0.0e+00;
	v53 =	vor.u32 v43, v63;
	v43 =	vimm.f32 $0.0e+00;
	v47 =	vpop (erf)  }
.LBB2_4:
0x276: {  	p2 =	sne.s32 s29, $0x48;
	v57 =	vor.u32 v40, v46;
	v58 =	vadd.s32 $0x4, v46;
	(erf) = vpow2.f32 v48;
	s30 =	smov.u32 s29;
	s29 =	sadd.s32 $0x8, s29  }
0x277: {  	v56 =	vmul.f32 $1.442695020e+00, v56;
	v49 =	vmul.f32 $1.442695020e+00, v49;
	v48 =	vand.u32 $0x7FFFFF80, v58;
	v59 =	vpop (erf)  }
0x278: {  	v60 =	vadd.s32 $0x6, v46;
	v50 =	vmul.f32 $1.442695020e+00, v50;
	v54 =	vld.idx.msk [tilespmem:v54+s15+$0x0], $0xffff;
	v48 =	vadd.s32 v40, v48  }
0x279: {  	v46 =	vor.u32 v42, v46;
	v61 =	vand.u32 $0x7FFFFF80, v60;
	v52 =	vld.idx.msk [tilespmem:v52+s15+$0x0], $0xffff;
	(erf) = vpow2.f32 v49  }
0x27a: {  	v49 =	vand.u32 $0x7B, v60;
	v60 =	vadd.s32 v40, v61;
	v53 =	vld.idx.msk [tilespmem:v53+s15+$0x0], $0xffff;
	(erf) = vpow2.f32 v50  }
0x27b: {  	v49 =	vor.u32 v49, v60;
	v50 =	vld.idx.msk [tilespmem:v57+s15+$0x0], $0xffff;
	v57 =	vand.u32 $0x79, v58;
	(erf) = vpow2.f32 v56  }
0x27c: {  	v56 =	vor.u32 v57, v48;
	v48 =	vand.u32 $0x7C, v51;
	v51 =	vadd.s32 v40, v55  }
0x27d: {  	v39 =	vadd.f32 v47, v39;
	v51 =	vor.u32 v48, v51;
	v47 =	vpop (erf)  }
0x27e: {  	v44 =	vadd.f32 v59, v44;
	v48 =	vmov s30;
	v54 =	vmul.f32 $1.442695020e+00, v54;
	v55 =	vld.idx.msk [tilespmem:v46+s15+$0x0], $0xffff;
	v46 =	vpop (erf)  }
0x27f: {  	v48 =	vadd.s32 $0x5, v48;
	v52 =	vmul.f32 $1.442695020e+00, v52;
	v45 =	vadd.f32 v46, v45;
	v57 =	vpop (erf)  }
0x280: {  	v46 =	vbroadcast v48, $0x0;
	v49 =	vld.idx.msk [tilespmem:v49+s15+$0x0], $0xffff;
	(erf) = vpow2.f32 v54;
	v44 =	vadd.f32 v57, v44  }
0x281: {  	v43 =	vadd.f32 v47, v43;
	v48 =	vmul.f32 $1.442695020e+00, v53;
	v57 =	vmul.f32 $1.442695020e+00, v50  }
0x282: {  	v47 =	vadd.s32 $0x1, v46;
	v53 =	vadd.s32 $0x3, v46;
	v50 =	vld.idx.msk [tilespmem:v51+s15+$0x0], $0xffff;
	(erf) = vpow2.f32 v52;
	v51 =	vpop (erf)  }
0x283: {  	v52 =	vand.u32 $0x7FFFFF80, v47;
	v54 =	vand.u32 $0x7FFFFF80, v53;
	v43 =	vadd.f32 v51, v43;
	v51 =	vpop (erf)  }
0x284: {  	v53 =	vand.u32 $0x78, v53;
	v52 =	vadd.s32 v40, v52;
	v55 =	vmul.f32 $1.442695020e+00, v55;
	v58 =	vpop (erf)  }
.Ltmp3:
0x285: {  	v47 =	vand.u32 $0x7E, v47;
	v54 =	vadd.s32 v40, v54;
	v56 =	vld.idx.msk [tilespmem:v56+s15+$0x0], $0xffff;
	v45 =	vadd.f32 v58, v45;
	(pc) =	sbr.rel @p2 .LBB2_4-.Ltmp3, $4  }
0x286: {  	v54 =	vor.u32 v53, v54;
	v53 =	vadd.s32 $0x5, v46;
	v39 =	vadd.f32 v51, v39  }
0x287: {  	v52 =	vor.u32 v47, v52;
	v51 =	vadd.s32 $0x7, v46;
	v3 =	vand.u32 $0x7FFFFF80, v53  }
0x288: {  	v53 =	vand.u32 $0x7A, v53;
	v2 =	vadd.s32 v40, v3;
	(erf) = vpow2.f32 v55  }
0x289: {  	v53 =	vor.u32 v53, v2;
	v55 =	vand.u32 $0x7FFFFF80, v51;
	(erf) = vpow2.f32 v57;
	v47 =	vpop (erf)  }
0x28a: {  	_ = 	snop  }
0x28b: {  	v42 =	vor.u32 v42, v46  }
0x28c: {  	v57 =	vadd.s32 $0x6, v46  }
0x28d: {  	v58 =	vor.u32 v40, v46;
	v59 =	vand.u32 $0x7FFFFF80, v57  }
0x28e: {  	v54 =	vld.idx.msk [tilespmem:v54+s15+$0x0], $0xffff;
	v57 =	vand.u32 $0x7B, v57;
	v59 =	vadd.s32 v40, v59  }
0x28f: {  	v51 =	vand.u32 $0x7C, v51;
	v55 =	vadd.s32 v40, v55;
	v52 =	vld.idx.msk [tilespmem:v52+s15+$0x0], $0xffff;
	v57 =	vor.u32 v57, v59  }
0x290: {  	v46 =	vadd.s32 $0x4, v46;
	v49 =	vmul.f32 $1.442695020e+00, v49;
	v51 =	vor.u32 v51, v55;
	v42 =	vld.idx.msk [tilespmem:v42+s15+$0x0], $0xffff  }
0x291: {  	(erf) = vpow2.f32 v48;
	v60 =	vand.u32 $0x7FFFFF80, v46;
	v59 =	vmul.f32 $1.442695020e+00, v50  }
0x292: {  	v63 =	vadd.s32 v40, v60;
	(erf) = vpow2.f32 v49;
	v60 =	vld.idx.msk [tilespmem:v58+s15+$0x0], $0xffff  }
0x293: {  	v61 =	vmul.f32 $1.442695020e+00, v56;
	v62 =	vld.idx.msk [tilespmem:v53+s15+$0x0], $0xffff;
	v46 =	vand.u32 $0x79, v46;
	(erf) = vpow2.f32 v59  }
0x294: {  	v46 =	vor.u32 v46, v63;
	v63 =	vmul.f32 $1.442695020e+00, v54;
	v52 =	vmul.f32 $1.442695020e+00, v52;
	v56 =	vld.idx.msk [tilespmem:v57+s15+$0x0], $0xffff  }
0x295: {  	(erf) = vpow2.f32 v61;
	v51 =	vld.idx.msk [tilespmem:v51+s15+$0x0], $0xffff;
	v42 =	vmul.f32 $1.442695020e+00, v42  }
0x296: {  	(erf) = vpow2.f32 v63  }
0x297: {  	(erf) = vpow2.f32 v52;
	v57 =	vmul.f32 $1.442695020e+00, v60  }
0x298: {  	v50 =	vpop (erf);
	v49 =	vmul.f32 $1.442695020e+00, v62;
	(erf) = vpow2.f32 v42  }
0x299: {  	v58 =	vmul.f32 $1.442695020e+00, v56;
	v42 =	vpop (erf);
	(erf) = vpow2.f32 v57  }
0x29a: {  	v46 =	vld.idx.msk [tilespmem:v46+s15+$0x0], $0xffff;
	v60 =	vmul.f32 $1.442695020e+00, v51;
	v59 =	vpop (erf);
	(erf) = vpow2.f32 v49  }
0x29b: {  	v61 =	vpop (erf);
	(erf) = vpow2.f32 v58  }
0x29c: {  	v62 =	vpop (erf);
	(erf) = vpow2.f32 v60  }
0x29d: {  	v49 =	vpop (erf)  }
0x29e: {  	v42 =	vadd.f32 v42, v43;
	v63 =	vpop (erf)  }
0x29f: {  	v39 =	vadd.f32 v47, v39;
	s29 =	simm.s32 $0x0;
	v44 =	vadd.f32 v50, v44;
	v46 =	vmul.f32 $1.442695020e+00, v46;
	v53 =	vpop (erf)  }
0x2a0: {  	v45 =	vadd.f32 v59, v45;
	v42 =	vadd.f32 v62, v42;
	v62 =	vmov s29;
	v57 =	vpop (erf)  }
0x2a1: {  	v44 =	vadd.f32 v61, v44;
	v61 =	vld [tilespmem:$0x3220];
	v39 =	vadd.f32 v49, v39;
	v50 =	vadd.s32 $0x5, v62;
	v58 =	vpop (erf)  }
0x2a2: {  	v41 =	vadd.s32 $0x5, v41;
	v50 =	vbroadcast v50, $0x0;
	v59 =	vpop (erf)  }
0x2a3: {  	(erf) = vpow2.f32 v46;
	v45 =	vadd.f32 v63, v45;
	v39 =	vadd.f32 v53, v39;
	v60 =	vpop (erf)  }
0x2a4: {  	v44 =	vadd.f32 v57, v44;
	v54 =	vadd.s32 $0x3, v50;
	v56 =	vadd.s32 $0x1, v50;
	v63 =	vpop (erf)  }
0x2a5: {  	v42 =	vadd.f32 v58, v42;
	v55 =	vand.u32 $0x7FFFFF80, v54;
	v57 =	vand.u32 $0x7FFFFF80, v56;
	v52 =	vpop (erf)  }
0x2a6: {  	v43 =	vadd.f32 v60, v44;
	v46 =	vadd.f32 v52, v39;
	v39 =	vshll.u32 v61, $0x7  }
0x2a7: {  	v44 =	vadd.f32 v63, v42;
	v42 =	vand.u32 $0x78, v54;
	v47 =	vadd.s32 v39, v55  }
0x2a8: {  	v48 =	vand.u32 $0x7E, v56;
	v45 =	vadd.f32 v59, v45;
	v42 =	vor.u32 v42, v47  }
0x2a9: {  	v59 =	vadd.s32 $0x5, v50;
	v60 =	vand.u32 $0xFFFFFF80, v41;
	v58 =	vadd.s32 v39, v57  }
0x2aa: {  	v49 =	vand.u32 $0x7A, v59;
	v41 =	vand.u32 $0x7F, v41;
	v48 =	vor.u32 v48, v58  }
0x2ab: {  	v62 =	vadd.s32 v60, v40;
	v63 =	vadd.s32 $0x4, v50;
	v61 =	vand.u32 $0x7FFFFF80, v59  }
0x2ac: {  	s29 =	simm.s32 $0x8;
	v40 =	vor.u32 v41, v62;
	v52 =	vor.u32 v39, v50;
	v47 =	vadd.s32 v39, v61  }
0x2ad: {  	v53 =	vpop (erf);
	v59 =	vmov s29;
	v51 =	vor.u32 v49, v47;
	v49 =	vor.u32 $0x2, v39;
	v41 =	vld.idx.msk [tilespmem:v42+s15+$0x0], $0xffff  }
0x2ae: {  	v45 =	vadd.f32 v53, v45;
	v53 =	vadd.s32 $0x5, v59;
	v54 =	vor.u32 v49, v50  }
0x2af: {  	v61 =	vand.u32 $0x7FFFFF80, v63;
	v63 =	vand.u32 $0x79, v63;
	v53 =	vbroadcast v53, $0x0;
	v48 =	vld.idx.msk [tilespmem:v48+s15+$0x0], $0xffff  }
0x2b0: {  	v47 =	vimm.f32 $0.0e+00;
	v56 =	vadd.s32 v39, v61;
	v42 =	vadd.s32 $0x7, v50  }
0x2b1: {  	v61 =	vadd.s32 $0x3, v53;
	v52 =	vld.idx.msk [tilespmem:v52+s15+$0x0], $0xffff;
	v50 =	vadd.s32 $0x6, v50;
	v60 =	vand.u32 $0x7FFFFF80, v42  }
0x2b2: {  	v62 =	vand.u32 $0x7FFFFF80, v50;
	v50 =	vand.u32 $0x7B, v50;
	v51 =	vld.idx.msk [tilespmem:v51+s15+$0x0], $0xffff;
	v41 =	vmul.f32 $1.442695020e+00, v41  }
0x2b3: {  	v42 =	vand.u32 $0x7C, v42;
	v57 =	vadd.s32 v39, v62;
	v55 =	vadd.s32 v39, v60;
	v54 =	vld.idx.msk [tilespmem:v54+s15+$0x0], $0xffff  }
0x2b4: {  	v62 =	vor.u32 v63, v56;
	v60 =	vmul.f32 $1.442695020e+00, v48;
	(erf) = vpow2.f32 v41  }
0x2b5: {  	v50 =	vor.u32 v50, v57;
	v57 =	vor.u32 v42, v55;
	v42 =	vadd.s32 $0x1, v53  }
0x2b6: {  	v63 =	vand.u32 $0x7FFFFF80, v42;
	v56 =	vand.u32 $0x7E, v42;
	(erf) = vpow2.f32 v60  }
0x2b7: {  	v48 =	vmul.f32 $1.442695020e+00, v52;
	v52 =	vadd.s32 v39, v63;
	v55 =	vmul.f32 $1.442695020e+00, v51  }
0x2b8: {  	v42 =	vld [tilespmem:s8+$0x3300];
	v51 =	vand.u32 $0x78, v61;
	v58 =	vmul.f32 $1.442695020e+00, v54;
	v60 =	vand.u32 $0x7FFFFF80, v61  }
0x2b9: {  	v54 =	vadd.s32 $0x7, v53;
	v62 =	vld.idx.msk [tilespmem:v62+s15+$0x0], $0xffff;
	v61 =	vadd.s32 v39, v60;
	v60 =	vor.u32 v56, v52  }
0x2ba: {  	v56 =	vld.idx.msk [tilespmem:v50+s15+$0x0], $0xffff;
	(erf) = vpow2.f32 v58;
	v61 =	vor.u32 v51, v61;
	v51 =	vadd.s32 $0x5, v53  }
0x2bb: {  	v57 =	vld.idx.msk [tilespmem:v57+s15+$0x0], $0xffff;
	v59 =	vand.u32 $0x7FFFFF80, v54;
	(erf) = vpow2.f32 v48;
	v63 =	vand.u32 $0x7FFFFF80, v51  }
0x2bc: {  	v41 =	vld.idx.msk [tilespmem:v40+s15+$0x0], $0xffff;
	v48 =	vimm.f32 $0.0e+00;
	v50 =	vand.u32 $0x7A, v51;
	v63 =	vadd.s32 v39, v63  }
0x2bd: {  	s29 =	simm.s32 $0x10;
	v40 =	vld [tilespmem:s8+$0x3380];
	v51 =	vimm.f32 $0.0e+00;
	v58 =	vor.u32 v50, v63;
	v50 =	vimm.f32 $0.0e+00;
	v52 =	vpop (erf)  }
.LBB2_6:
0x2be: {  	p2 =	sne.s32 s29, $0x48;
	v63 =	vor.u32 v39, v53;
	v2 =	vadd.s32 $0x4, v53;
	(erf) = vpow2.f32 v55;
	s30 =	smov.u32 s29;
	s29 =	sadd.s32 $0x8, s29  }
0x2bf: {  	v62 =	vmul.f32 $1.442695020e+00, v62;
	v56 =	vmul.f32 $1.442695020e+00, v56;
	v55 =	vand.u32 $0x7FFFFF80, v2;
	v3 =	vpop (erf)  }
0x2c0: {  	v4 =	vadd.s32 $0x6, v53;
	v57 =	vmul.f32 $1.442695020e+00, v57;
	v61 =	vld.idx.msk [tilespmem:v61+s15+$0x0], $0xffff;
	v55 =	vadd.s32 v39, v55  }
0x2c1: {  	v53 =	vor.u32 v49, v53;
	v5 =	vand.u32 $0x7FFFFF80, v4;
	v60 =	vld.idx.msk [tilespmem:v60+s15+$0x0], $0xffff;
	(erf) = vpow2.f32 v56  }
0x2c2: {  	v4 =	vand.u32 $0x7B, v4;
	v5 =	vadd.s32 v39, v5;
	v58 =	vld.idx.msk [tilespmem:v58+s15+$0x0], $0xffff;
	(erf) = vpow2.f32 v57  }
0x2c3: {  	v2 =	vand.u32 $0x79, v2;
	v4 =	vor.u32 v4, v5;
	v57 =	vld.idx.msk [tilespmem:v63+s15+$0x0], $0xffff;
	(erf) = vpow2.f32 v62  }
0x2c4: {  	v2 =	vor.u32 v2, v55;
	v5 =	vand.u32 $0x7C, v54;
	v54 =	vadd.s32 v39, v59  }
0x2c5: {  	v47 =	vadd.f32 v52, v47;
	v5 =	vor.u32 v5, v54;
	v52 =	vpop (erf)  }
0x2c6: {  	v3 =	vadd.f32 v3, v50;
	v54 =	vmov s30;
	v55 =	vmul.f32 $1.442695020e+00, v61;
	v59 =	vld.idx.msk [tilespmem:v53+s15+$0x0], $0xffff;
	v50 =	vpop (erf)  }
0x2c7: {  	v53 =	vadd.s32 $0x5, v54;
	v54 =	vmul.f32 $1.442695020e+00, v60;
	v51 =	vadd.f32 v50, v51;
	v50 =	vpop (erf)  }
0x2c8: {  	v53 =	vbroadcast v53, $0x0;
	v56 =	vld.idx.msk [tilespmem:v4+s15+$0x0], $0xffff;
	(erf) = vpow2.f32 v55;
	v50 =	vadd.f32 v50, v3  }
0x2c9: {  	v61 =	vadd.f32 v52, v48;
	v3 =	vmul.f32 $1.442695020e+00, v57;
	v55 =	vmul.f32 $1.442695020e+00, v58  }
0x2ca: {  	v52 =	vadd.s32 $0x1, v53;
	v58 =	vadd.s32 $0x3, v53;
	v57 =	vld.idx.msk [tilespmem:v5+s15+$0x0], $0xffff;
	(erf) = vpow2.f32 v54;
	v5 =	vpop (erf)  }
0x2cb: {  	v54 =	vand.u32 $0x7FFFFF80, v52;
	v60 =	vand.u32 $0x7FFFFF80, v58;
	v48 =	vadd.f32 v5, v61;
	v4 =	vpop (erf)  }
0x2cc: {  	v5 =	vadd.s32 v39, v54;
	v54 =	vand.u32 $0x78, v58;
	v58 =	vmul.f32 $1.442695020e+00, v59;
	v59 =	vpop (erf)  }
.Ltmp4:
0x2cd: {  	v52 =	vand.u32 $0x7E, v52;
	v60 =	vadd.s32 v39, v60;
	v62 =	vld.idx.msk [tilespmem:v2+s15+$0x0], $0xffff;
	v51 =	vadd.f32 v59, v51;
	(pc) =	sbr.rel @p2 .LBB2_6-.Ltmp4, $4  }
0x2ce: {  	v61 =	vor.u32 v54, v60;
	v47 =	vadd.f32 v4, v47;
	v2 =	vadd.s32 $0x5, v53  }
0x2cf: {  	v60 =	vor.u32 v52, v5;
	v54 =	vadd.s32 $0x7, v53;
	v4 =	vand.u32 $0x7FFFFF80, v2  }
0x2d0: {  	v2 =	vand.u32 $0x7A, v2;
	v4 =	vadd.s32 v39, v4;
	(erf) = vpow2.f32 v58  }
0x2d1: {  	v59 =	vand.u32 $0x7FFFFF80, v54;
	v58 =	vor.u32 v2, v4;
	(erf) = vpow2.f32 v3;
	v52 =	vpop (erf)  }
0x2d2: {  	v2 =	vadd.f32 v35, v37;
	v3 =	vadd.f32 v38, v36;
	_ =	sdelay $0x1  }
0x2d3: {  	v35 =	vadd.f32 v3, v2  }
0x2d4: {  	(erf) = vpow2.f32 v55  }
0x2d5: {  	v36 =	vmul.f32 $1.442695020e+00, v56;
	v37 =	vor.u32 v49, v53;
	v5 =	vand.u32 $0x7FFFFF, v35  }
0x2d6: {  	v38 =	vmul.f32 $1.442695020e+00, v62;
	v62 =	vadd.s32 $0x6, v53;
	v5 =	vor.u32 $0x3F800000, v5  }
0x2d7: {  	v63 =	vmul.f32 $1.442695020e+00, v57;
	v57 =	vand.u32 $0x7FFFFF80, v62;
	v5 =	vadd.f32 $-1.000000000e+00, v5  }
0x2d8: {  	v49 =	vand.u32 $0x7B, v62;
	v2 =	vor.u32 v39, v53;
	v3 =	vadd.s32 $0x4, v53  }
0x2d9: {  	(erf) = vpow2.f32 v36;
	v55 =	vadd.s32 v39, v57;
	v62 =	vmul.f32 $3.333333430e-01, v5  }
0x2da: {  	v57 =	vld.idx.msk [tilespmem:v60+s15+$0x0], $0xffff;
	v60 =	vadd.s32 v39, v59;
	v4 =	vand.u32 $0x7FFFFF80, v3;
	v49 =	vor.u32 v49, v55  }
0x2db: {  	v36 =	vld.idx.msk [tilespmem:v61+s15+$0x0], $0xffff;
	v3 =	vand.u32 $0x79, v3;
	v4 =	vadd.s32 v39, v4;
	v61 =	vsub.f32 $5.000000000e-01, v62  }
0x2dc: {  	(erf) = vpow2.f32 v63;
	v63 =	vand.u32 $0x7C, v54;
	v3 =	vor.u32 v3, v4  }
0x2dd: {  	v53 =	vor.u32 v63, v60;
	v2 =	vld.idx.msk [tilespmem:v2+s15+$0x0], $0xffff;
	v63 =	vmul.f32 v61, v5  }
0x2de: {  	v37 =	vld.idx.msk [tilespmem:v37+s15+$0x0], $0xffff;
	v62 =	vshrl.u32 v35, $0x17  }
0x2df: {  	(erf) = vpow2.f32 v38;
	v49 =	vld.idx.msk [tilespmem:v49+s15+$0x0], $0xffff;
	v4 =	vand.u32 $0xFF, v62;
	v54 =	vsub.f32 $1.000000000e+00, v63  }
0x2e0: {  	v59 =	vld.idx.msk [tilespmem:v58+s15+$0x0], $0xffff;
	v36 =	vmul.f32 $1.442695020e+00, v36;
	v60 =	vmul.f32 $1.442695020e+00, v57;
	v4 =	vadd.s32 $0xFFFFFF81, v4  }
0x2e1: {  	v3 =	vld.idx.msk [tilespmem:v3+s15+$0x0], $0xffff;
	v4 =	vcvt.s32.f32 v4;
	v5 =	vmul.f32 v54, v5  }
0x2e2: {  	(erf) = vpow2.f32 v36;
	v62 =	vld.idx.msk [tilespmem:v53+s15+$0x0], $0xffff;
	v2 =	vmul.f32 $1.442695020e+00, v2  }
0x2e3: {  	v61 =	vmul.f32 $1.442695020e+00, v37;
	v4 =	vmul.f32 $6.931471820e-01, v4  }
0x2e4: {  	v43 =	vadd.f32 v43, v45;
	(erf) = vpow2.f32 v60;
	v53 =	vmul.f32 $1.442695020e+00, v49  }
0x2e5: {  	v63 =	vmul.f32 $1.442695020e+00, v59;
	(erf) = vpow2.f32 v61;
	v4 =	vadd.f32 v5, v4;
	v5 =	vpop (erf)  }
0x2e6: {  	v44 =	vadd.f32 v46, v44;
	v3 =	vmul.f32 $1.442695020e+00, v3;
	(erf) = vpow2.f32 v2;
	v2 =	vpop (erf)  }
0x2e7: {  	v37 =	vmul.f32 $1.442695020e+00, v62;
	v54 =	vsub.f32 $0.0e+00, v4;
	(erf) = vpow2.f32 v63;
	v55 =	vpop (erf)  }
0x2e8: {  	v38 =	vadd.f32 v44, v43;
	(erf) = vpow2.f32 v53;
	v56 =	vpop (erf)  }
0x2e9: {  	v58 =	vmul.f32 $1.442695020e+00, v54;
	(erf) = vpow2.f32 v37;
	v57 =	vpop (erf)  }
0x2ea: {  	v60 =	vand.u32 $0x7FFFFF, v38;
	(erf) = vpow2.f32 v3;
	v59 =	vpop (erf)  }
0x2eb: {  	v37 =	vor.u32 $0x3F800000, v60;
	(erf) = vpow2.f32 v58;
	v3 =	vpop (erf)  }
0x2ec: {  	v37 =	vadd.f32 $-1.000000000e+00, v37;
	v61 =	vpop (erf)  }
0x2ed: {  	v47 =	vadd.f32 v52, v47;
	v5 =	vadd.f32 v5, v50;
	v62 =	vpop (erf)  }
0x2ee: {  	v2 =	vadd.f32 v2, v48;
	v53 =	vadd.f32 v55, v51;
	v55 =	vmul.f32 $3.333333430e-01, v37;
	v63 =	vpop (erf)  }
0x2ef: {  	v5 =	vadd.f32 v56, v5;
	v56 =	vadd.f32 v59, v47;
	v54 =	vpop (erf)  }
0x2f0: {  	v2 =	vadd.f32 v57, v2;
	v59 =	vsub.f32 $5.000000000e-01, v55;
	v57 =	vpop (erf)  }
0x2f1: {  	v4 =	vadd.f32 $-1.000000000e+00, v4;
	v36 =	vadd.f32 v61, v56;
	v61 =	vshrl.u32 v38, $0x17;
	v58 =	vpop (erf)  }
0x2f2: {  	v3 =	vadd.f32 v3, v53;
	v46 =	vand.u32 $0xFF, v61;
	v48 =	vmul.f32 v59, v37;
	v60 =	vpop (erf)  }
0x2f3: {  	v5 =	vadd.f32 v62, v5;
	v2 =	vadd.f32 v63, v2;
	v46 =	vadd.s32 $0xFFFFFF81, v46;
	v62 =	vpop (erf)  }
0x2f4: {  	v3 =	vadd.f32 v54, v3;
	v46 =	vcvt.s32.f32 v46;
	v48 =	vsub.f32 $1.000000000e+00, v48;
	v63 =	vpop (erf)  }
0x2f5: {  	v5 =	vadd.f32 v57, v5;
	v2 =	vadd.f32 v58, v2;
	v49 =	vmul.f32 v63, v35  }
0x2f6: {  	v52 =	vmul.f32 $6.931471820e-01, v46;
	v37 =	vmul.f32 v48, v37;
	v36 =	vadd.f32 v60, v36  }
0x2f7: {  	v3 =	vadd.f32 v62, v3;
	v4 =	vadd.f32 v49, v4  }
0x2f8: {  	v37 =	vadd.f32 v37, v52;
	v2 =	vadd.f32 v36, v2  }
0x2f9: {  	v3 =	vadd.f32 v5, v3;
	v53 =	vsub.f32 $0.0e+00, v4  }
0x2fa: {  	v5 =	vsub.f32 $0.0e+00, v37  }
0x2fb: {  	v2 =	vadd.f32 v2, v3;
	v54 =	vmul.f32 $1.442695020e+00, v53  }
0x2fc: {  	v3 =	vmul.f32 $1.442695020e+00, v5  }
0x2fd: {  	v5 =	vand.u32 $0x7FFFFF, v2;
	(erf) = vpow2.f32 v54  }
0x2fe: {  	(erf) = vpow2.f32 v3;
	v3 =	vor.u32 $0x3F800000, v5  }
0x2ff: {  	v3 =	vadd.f32 $-1.000000000e+00, v3;
	_ =	sdelay $0x1  }
0x300: {  	v5 =	vmul.f32 $3.333333430e-01, v3;
	_ =	sdelay $0x1  }
0x301: {  	v5 =	vsub.f32 $5.000000000e-01, v5  }
0x302: {  	v55 =	vshrl.u32 v2, $0x17  }
0x303: {  	v36 =	vand.u32 $0xFF, v55;
	v5 =	vmul.f32 v5, v3  }
0x304: {  	v36 =	vadd.s32 $0xFFFFFF81, v36;
	v56 =	vpop (erf)  }
0x305: {  	v36 =	vcvt.s32.f32 v36;
	v57 =	vpop (erf);
	v5 =	vsub.f32 $1.000000000e+00, v5  }
0x306: {  	v37 =	vadd.f32 $-1.000000000e+00, v37;
	v44 =	vmul.f32 v57, v38  }
0x307: {  	v36 =	vmul.f32 $6.931471820e-01, v36;
	v3 =	vmul.f32 v5, v3  }
0x308: {  	v5 =	vadd.f32 v44, v37  }
0x309: {  	v3 =	vadd.f32 v3, v36  }
0x30a: {  	v58 =	vsub.f32 $0.0e+00, v5  }
0x30b: {  	v59 =	vsub.f32 $0.0e+00, v3  }
0x30c: {  	v36 =	vmul.f32 $1.442695020e+00, v58  }
0x30d: {  	v37 =	vmul.f32 $1.442695020e+00, v59  }
0x30e: {  	(erf) = vpow2.f32 v36  }
0x30f: {  	(erf) = vpow2.f32 v37;
	_ =	sdelay $0x7  }
0x310: {  	v36 =	vpop (erf)  }
0x311: {  	v37 =	vpop (erf)  }
0x312: {  	v3 =	vadd.f32 $-1.000000000e+00, v3;
	v37 =	vmul.f32 v37, v2;
	_ =	sdelay $0x1  }
0x313: {  	v3 =	vadd.f32 v37, v3;
	_ =	sdelay $0x1  }
0x314: {  	v37 =	vsub.f32 $0.0e+00, v3;
	_ =	sdelay $0x1  }
0x315: {  	v37 =	vmul.f32 $1.442695020e+00, v37;
	_ =	sdelay $0x1  }
0x316: {  	(erf) = vpow2.f32 v37  }
0x317: {  	v60 =	vadd.s32 $0x5, v42  }
0x318: {  	v42 =	vand.u32 $0xFFFFFF80, v60  }
0x319: {  	v61 =	vadd.s32 v42, v39;
	v37 =	vand.u32 $0x7F, v60  }
0x31a: {  	v37 =	vor.u32 v37, v61;
	_ =	sdelay $0x2  }
0x31b: {  	v4 =	vadd.f32 $-1.000000000e+00, v4;
	v35 =	vmul.f32 v56, v35  }
0x31c: {  	v5 =	vadd.f32 $-1.000000000e+00, v5;
	v36 =	vmul.f32 v36, v38  }
0x31d: {  	v4 =	vadd.f32 v35, v4;
	v62 =	vld.idx.msk [tilespmem:v37+s15+$0x0], $0xffff;
	v63 =	vpop (erf)  }
0x31e: {  	v5 =	vadd.f32 v36, v5;
	v3 =	vadd.f32 $-1.000000000e+00, v3;
	v2 =	vmul.f32 v63, v2  }
0x31f: {  	v4 =	vsub.f32 v4, v33  }
0x320: {  	v5 =	vsub.f32 v5, v41;
	v2 =	vadd.f32 v2, v3  }
0x321: {  	vm1 =	vgt.f32 v32, $0.0e+00;
	vm2 =	vgt.f32 v34, $0.0e+00  }
0x322: {  	v3 =	vnsel vm1, $0x0, v4;
	v4 =	vnsel vm2, $0x0, v5;
	v2 =	vsub.f32 v2, v62  }
0x323: {  	vm1 =	vgt.f32 v40, $0.0e+00;
	v3 =	vadd.f32 v4, v3  }
0x324: {  	v2 =	vnsel vm1, $0x0, v2  }
0x325: {  	v2 =	vadd.f32 v2, v3;
	_ =	sdelay $0x1  }
0x326: {  	[tilespmem:$0xF400] =	vst v2  }
0x327: {  	[spmem:s10] =	stream.linear.scatter [tilespmem:s26], [sflag:$0x2], $0x10, $0x38;
	[tilespmem:$0xF698] =	vst v63  }
.Ltmp5:
0x328: {  	_ =	swait.ge [sflag:s13], $0x10;
	(pc) =	sbr.rel @p1 .LBB2_9-.Ltmp5, $3  }
0x329: {  	[sflag:s13] =	ssyncset.done $0x0  }
0x32a: {  	[sflag:s13] =	ssyncadd.s32 $0xFFFFFFF0  }
0x32b: {  	[bflag:$0x0] =	sbarrier.arrive $0xFFFF;
	_ =	sdelay $0x1  }
0x32c: {  	s29 =	rddreg [dreg:$0x3];
	s30 =	simm.s32 $0xF518  }
0x32d: {  	[tilespmem:s30], [sflag:$0x2] =	stream.linear.gather [spmem:s29], $0x100, $0x38;
	[tilespmem:$0xF698] =	vst v63  }
0x32e: {  	_ =	swait.ge [sflag:s13], $0x100  }
0x32f: {  	[sflag:s13] =	ssyncset.done $0x0  }
0x330: {  	[sflag:s13] =	ssyncadd.s32 $0xFFFFFF00  }
0x331: {  	s30 =	simm.s32 $0xF618;
	s29 =	rddreg [dreg:$0x2]  }
0x332: {  	[tilespmem:s30], [sflag:$0x2] =	stream.linear.gather [spmem:s29], $0x80, $0x38;
	[tilespmem:$0xF698] =	vst v63  }
0x333: {  	_ =	swait.ge [sflag:s13], $0x80  }
0x334: {  	[sflag:s13] =	ssyncset.done $0x0  }
0x335: {  	[sflag:s13] =	ssyncadd.s32 $0xFFFFFF80  }
0x336: {  	v2 =	vld [tilespmem:$0xF618];
	_ =	sdelay $0x1  }
0x337: {  	v3 =	vld [tilespmem:$0xF628];
	_ =	sdelay $0x1  }
0x338: {  	v4 =	vld [tilespmem:$0xF638]  }
0x339: {  	(xrf2) =	vadd.scan.msk.f32 $0xffff, v2  }
0x33a: {  	v2 =	vld [tilespmem:$0xF648]  }
0x33b: {  	(xrf2) =	vadd.scan.msk.f32 $0xffff, v3;
	_ =	sdelay $0x1  }
0x33c: {  	(xrf2) =	vadd.scan.msk.f32 $0xffff, v4;
	_ =	sdelay $0x1  }
0x33d: {  	(xrf2) =	vadd.scan.msk.f32 $0xffff, v2;
	_ =	sdelay $0x3  }
0x33e: {  	v2, _, _ =	vpop (xrf2)  }
0x33f: {  	(v2sf) =	vpush v2, $0xF  }
0x340: {  	v2, _, _ =	vpop (xrf2)  }
0x341: {  	(v2sf) =	vpush v2, $0xF  }
0x342: {  	v2, _, _ =	vpop (xrf2)  }
0x343: {  	(v2sf) =	vpush v2, $0xF  }
0x344: {  	v2, _, _ =	vpop (xrf2)  }
0x345: {  	(v2sf) =	vpush v2, $0xF;
	_ =	sdelay $0x8  }
0x346: {  	v5 =	vld [tilespmem:$0xF548];
	s30 =	spop (v2sf)  }
0x347: {  	v33 =	vld [tilespmem:$0xF558];
	s29 =	smul.f32 $3.000000000e+00, s30  }
0x348: {  	v34 =	vld [tilespmem:$0xF568];
	s30 =	spop (v2sf)  }
0x349: {  	v36 =	vld [tilespmem:$0xF578];
	v32 =	vmov s29;
	s29 =	smul.f32 $3.000000000e+00, s30  }
0x34a: {  	v55 =	vld [tilespmem:$0xF588];
	s30 =	spop (v2sf);
	v32 =	vmax.f32 v32, $1.000000000e+00  }
0x34b: {  	v3 =	vld [tilespmem:$0xF528];
	v32 =	vbroadcast v32, $0x0;
	v35 =	vmov s29;
	s29 =	smul.f32 $3.000000000e+00, s30  }
0x34c: {  	v2 =	vld [tilespmem:$0xF518];
	s30 =	spop (v2sf);
	v35 =	vmax.f32 v35, $1.000000000e+00  }
0x34d: {  	v38 =	vld [tilespmem:$0xF598];
	s30 =	smul.f32 $3.000000000e+00, s30;
	v37 =	vmov s29;
	(erf) = vrcp.f32 v32;
	v35 =	vbroadcast v35, $0x0  }
0x34e: {  	v4 =	vld [tilespmem:$0xF538];
	v37 =	vmax.f32 v37, $1.000000000e+00  }
0x34f: {  	v56 =	vld [tilespmem:$0xF5A8];
	v39 =	vmov s30;
	(erf) = vrcp.f32 v35;
	v37 =	vbroadcast v37, $0x0  }
0x350: {  	v40 =	vld [tilespmem:$0xF5B8];
	v39 =	vmax.f32 v39, $1.000000000e+00  }
0x351: {  	v58 =	vld [tilespmem:$0xF5E8];
	v2 =	vadd.f32 v3, v2;
	v57 =	vbroadcast v39, $0x0;
	(erf) = vrcp.f32 v37  }
0x352: {  	v3 =	vld [tilespmem:$0xF5D8]  }
0x353: {  	v59 =	vld [tilespmem:$0xF5C8];
	v2 =	vadd.f32 v4, v2;
	v4 =	vadd.f32 v34, v33;
	(erf) = vrcp.f32 v57  }
0x354: {  	v61 =	vld [tilespmem:$0xF5F8];
	v60 =	vadd.f32 v56, v38  }
0x355: {  	v2 =	vadd.f32 v5, v2;
	v4 =	vadd.f32 v36, v4  }
0x356: {  	v62 =	vld [tilespmem:$0xF608];
	v34 =	vadd.f32 v40, v60;
	v5 =	vpop (erf)  }
0x357: {  	v3 =	vadd.f32 v58, v3;
	v4 =	vadd.f32 v55, v4;
	v2 =	vmul.f32 v5, v2  }
0x358: {  	v63 =	vadd.f32 v59, v34;
	v5 =	vpop (erf)  }
0x359: {  	v3 =	vadd.f32 v61, v3;
	v4 =	vmul.f32 v5, v4;
	v2 =	vadd.f32 $0.0e+00, v2  }
0x35a: {  	v5 =	vpop (erf)  }
0x35b: {  	v3 =	vadd.f32 v62, v3;
	v2 =	vadd.f32 v4, v2;
	v4 =	vmul.f32 v5, v63  }
0x35c: {  	v5 =	vpop (erf)  }
0x35d: {  	v3 =	vmul.f32 v5, v3;
	v2 =	vadd.f32 v4, v2;
	_ =	sdelay $0x1  }
0x35e: {  	v2 =	vadd.f32 v3, v2;
	_ =	sdelay $0x1  }
.Ltmp6:
0x35f: {  	s30 =	rddreg [dreg:$0x5];
	[tilespmem:$0xF400] =	vst v2;
	(pc) =	sbr.rel .LBB2_9-.Ltmp6, $4  }
0x360: {  	[hbm4b:s30+s4] =	stream.linear.scatter [tilespmem:s26], [sflag:$0x2], $0x80, $0x38;
	[tilespmem:$0xF698] =	vst v63  }
0x361: {  	_ =	swait.ge [sflag:s13], $0x80  }
0x362: {  	[sflag:s13] =	ssyncset.done $0x0  }
0x363: {  	[sflag:s13] =	ssyncadd.s32 $0xFFFFFF80  }
.LBB2_10:
0x364: {  	_ =	sfence.sel $0x180000  }
0x365: {  	[bflag:$0x0] =	sbarrier.arrive $0xFFFF  }
0x366: {  	_ =	strace $0x90000047  }
0x367: {  	[bflag:$0x2] =	sbarrier.arrive $0xFFFF  }
0x368: {  	s0 =	rddreg [dreg:$0x4]  }
0x369: {  	s0 =	sadd.s32 @!p1 $0x100000, s0  }
0x36a: {  	[sflag:s0] =	ssyncadd.tile.s32 @!p1 $0x1;
	_ =	shalt  }
.Lfunc_end2:
_tile_overlayer_lowered:
.L_overlay_start_2:
0x36b: {  	(tag) =	ssettag $0x2  }
0x36c: {  	s0 =	rddreg [dreg:$0x0];
	s2 =	stileid.u32  }
0x36d: {  	s1 =	rddreg [dreg:$0x1];
	p0 =	sne.s32 s2, $0x0  }
0x36e: {  	s3 =	rddreg [dreg:$0x2];
	[bflag:$0x3] =	sbarrier.arrive $0xFFFF;
	s2 =	simm.s32 @!p0 $0x1C02  }
0x36f: {  	[timem:s3], [sflag:s2] =	dma.local @!p0 [hbm:s0], s1  }
0x370: {  	s0 =	simm.s32 @!p0 $0x2  }
0x371: {  	_ =	swait.ge @!p0 [sflag:s0], s1  }
0x372: {  	s1 =	ssub.s32 @!p0 $0x0, s1;
	[sflag:s0] =	ssyncset.done @!p0 $0x0  }
0x373: {  	[sflag:s0] =	ssyncadd.s32 @!p0 s1  }
0x374: {  	[bflag:$0x3] =	sbarrier.arrive $0xFFFF  }
0x375: {  	_ =	shalt  }

</sc_bundles>
